<compile_context>
chip_gen: v7x
topology: tpu7x:2x2x1
jax: 0.10.2.dev20260603
libtpu: 0.0.44.dev20260713+nightly
codegen_flags: <defaults>
</compile_context>

<pallas_src>
import dataclasses
import functools

import jax
import jax.numpy as jnp
from jax.experimental import pallas as pl
from jax.experimental.pallas import tpu as pltpu
from jax.experimental.pallas import tpu_sc as plsc

N = 10000
E = 320000
C = 128
BD = 16
CUTOFF = 5.0
EPS = 1e-8

BN = 1000
BE = 4000
NW = 32
EPW = E // NW
BEK = 40
ZR = 40


def _silu(x):
    return x * jax.nn.sigmoid(x)



def _node_mlp_body(q_ref, w1_ref, b1_ref, w2_ref, b2_ref, x_ref):
    h = _silu(jnp.dot(q_ref[...], w1_ref[...], preferred_element_type=jnp.float32)
              + b1_ref[...])
    x_ref[...] = (jnp.dot(h, w2_ref[...], preferred_element_type=jnp.float32)
                  + b2_ref[...])


def _node_mlp(q, W1, b1, W2, b2):
    return pl.pallas_call(
        _node_mlp_body,
        grid=(N // BN,),
        in_specs=[
            pl.BlockSpec((BN, C), lambda i: (i, 0)),
            pl.BlockSpec((C, C), lambda i: (0, 0)),
            pl.BlockSpec((1, C), lambda i: (0, 0)),
            pl.BlockSpec((C, 3 * C), lambda i: (0, 0)),
            pl.BlockSpec((1, 3 * C), lambda i: (0, 0)),
        ],
        out_specs=pl.BlockSpec((BN, 3 * C), lambda i: (i, 0)),
        out_shape=jax.ShapeDtypeStruct((N, 3 * C), jnp.float32),
    )(q, W1, b1.reshape(1, C), W2, b2.reshape(1, 3 * C))



def _edge_filter_body(ea_ref, ew_ref, wf_ref, bf_ref, wij_ref):
    w = (jnp.dot(ea_ref[...], wf_ref[...], preferred_element_type=jnp.float32)
         + bf_ref[...])
    ew = ew_ref[...]
    fcut = 0.5 * (jnp.cos(jnp.pi * ew / CUTOFF) + 1.0)
    fcut = fcut * (ew < CUTOFF).astype(jnp.float32)
    wij_ref[...] = w * fcut


def _edge_filter(edge_attrs, edge_weights, Wf, bf):
    return pl.pallas_call(
        _edge_filter_body,
        grid=(E // BE,),
        in_specs=[
            pl.BlockSpec((BE, BD), lambda i: (i, 0)),
            pl.BlockSpec((BE, 1), lambda i: (i, 0)),
            pl.BlockSpec((BD, 3 * C), lambda i: (0, 0)),
            pl.BlockSpec((1, 3 * C), lambda i: (0, 0)),
        ],
        out_specs=pl.BlockSpec((BE, 3 * C), lambda i: (i, 0)),
        out_shape=jax.ShapeDtypeStruct((E, 3 * C), jnp.float32),
    )(edge_attrs, edge_weights.reshape(E, 1), Wf, bf.reshape(1, 3 * C))



def _sc_body(x, wij, mu0, mu1, mu2, ii, jj, v0, v1, v2,
             dqp, dmup, m12h,
             acc, jv0, iv0, jv1, iv1, msg, mA, mud, v_vmem,
             semA, semB, semC, semD, semI, semO):
    cid = jax.lax.axis_index("c")
    sid = jax.lax.axis_index("s")
    wid = cid * 16 + sid
    ebase = wid * EPW
    mus = [mu0, mu1, mu2]
    vs = [v0, v1, v2]

    def zero_acc():
        @pl.loop(0, ZR)
        def _(r):
            for cc in range(0, C, 16):
                msg[r, pl.ds(cc, 16)] = jnp.zeros((16,), jnp.float32)

        @pl.loop(0, (N // ZR + 15) // 16)
        def _(k):
            idx = k * 16 + sid

            @pl.when(idx < N // ZR)
            def _():
                pltpu.sync_copy(msg, acc.at[pl.ds(idx * ZR, ZR)])
        plsc.subcore_barrier()

    def flush(dst):
        plsc.subcore_barrier()

        @pl.when(sid == 0)
        def _():
            pltpu.sync_copy(acc, dst)
        plsc.subcore_barrier()

    def fetch_idx(base, jdst, idst):
        cj = pltpu.async_copy(jj.at[pl.ds(base, BEK)], jdst, semI)
        ci = pltpu.async_copy(ii.at[pl.ds(base, BEK)], idst, semI)
        return cj, ci

    zero_acc()

    def phase0(xg, wb):
        p0 = fetch_idx(ebase, jv0, iv0)
        p0[0].wait()
        p0[1].wait()

        @pl.loop(0, EPW, step=2 * BEK)
        def _(eo):
            def block(base, nxt_base, jvk, ivk, jvn, ivn):
                c3 = pltpu.async_copy(x.at[jvk], xg, semA)
                c4 = pltpu.async_copy(wij.at[pl.ds(base, BEK)], wb, semB)
                pn = fetch_idx(nxt_base, jvn, ivn)
                c3.wait()
                c4.wait()

                @pl.loop(0, BEK)
                def _(b):
                    for cc in range(0, C, 16):
                        s0 = (b, pl.ds(cc, 16))
                        s1 = (b, pl.ds(C + cc, 16))
                        s2 = (b, pl.ds(2 * C + cc, 16))
                        msg[s0] = wb[s0] * xg[s0]
                        xg[s1] = wb[s1] * xg[s1]
                        xg[s2] = wb[s2] * xg[s2]

                c5 = pltpu.async_copy(
                    xg.at[pl.ds(0, BEK), pl.ds(C, C)],
                    m12h.at[pl.ds(base, BEK), pl.ds(0, C)], semO)
                c6 = pltpu.async_copy(
                    xg.at[pl.ds(0, BEK), pl.ds(2 * C, C)],
                    m12h.at[pl.ds(base, BEK), pl.ds(C, C)], semO)
                pltpu.sync_copy(msg, acc.at[ivk], add=True)
                pn[0].wait()
                pn[1].wait()
                return c5, c6

            baseA = ebase + eo
            baseB = baseA + BEK
            nxtA = jnp.minimum(baseA + 2 * BEK, ebase + EPW - BEK)
            wA = block(baseA, baseB, jv0, iv0, jv1, iv1)
            wA[0].wait()
            wA[1].wait()
            wB = block(baseB, nxtA, jv1, iv1, jv0, iv0)
            wB[0].wait()
            wB[1].wait()

    pl.run_scoped(phase0,
                  pltpu.VMEM((BEK, 3 * C), jnp.float32),
                  pltpu.VMEM((BEK, 3 * C), jnp.float32))
    flush(dqp.at[cid])

    def dir_phases(msgq, mAq, mudq, v_vmemq):
        sets = [(jv0, iv0, mud, mA, msg, v_vmem, semA, semB),
                (jv1, iv1, mudq, mAq, msgq, v_vmemq, semC, semD)]

        def fire_inputs(d, base, st):
            jvk, _, mudk, mAk, msgk, vvk, sX, sY = st
            cg = pltpu.async_copy(mus[d].at[jvk], mudk, sX)
            c1 = pltpu.async_copy(m12h.at[pl.ds(base, BEK), pl.ds(0, C)],
                                  mAk, sY)
            c2 = pltpu.async_copy(m12h.at[pl.ds(base, BEK), pl.ds(C, C)],
                                  msgk, sY)
            c3 = pltpu.async_copy(vs[d].at[pl.ds(base, BEK)], vvk, sY)
            return cg, c1, c2, c3

        def drain_inputs(d, st):
            _, _, mudk, mAk, msgk, vvk, sX, sY = st
            pltpu.make_async_copy(mus[d].at[pl.ds(0, BEK)], mudk, sX).wait()
            pltpu.make_async_copy(m12h.at[pl.ds(0, BEK), pl.ds(0, C)],
                                  mAk, sY).wait()
            pltpu.make_async_copy(m12h.at[pl.ds(0, BEK), pl.ds(C, C)],
                                  msgk, sY).wait()
            pltpu.make_async_copy(vs[d].at[pl.ds(0, BEK)], vvk, sY).wait()

        def drain_idx(jdst, idst):
            pltpu.make_async_copy(jj.at[pl.ds(0, BEK)], jdst, semI).wait()
            pltpu.make_async_copy(ii.at[pl.ds(0, BEK)], idst, semI).wait()

        def compute_scatter(st):
            _, ivk, mudk, mAk, msgk, vvk, _, _ = st

            @pl.loop(0, BEK)
            def _(b):
                b16 = jax.lax.broadcast(b, (16,))
                vv = plsc.load_gather(vvk, [b16])
                for cc in range(0, C, 16):
                    sl = (b, pl.ds(cc, 16))
                    msgk[sl] = mAk[sl] * vv + msgk[sl] * mudk[sl]

            pltpu.sync_copy(msgk, acc.at[ivk], add=True)

        for d in range(3):
            zero_acc()
            pltpu.sync_copy(jj.at[pl.ds(ebase, BEK)], jv0)
            pltpu.sync_copy(ii.at[pl.ds(ebase, BEK)], iv0)
            fire_inputs(d, ebase, sets[0])
            pltpu.sync_copy(jj.at[pl.ds(ebase + BEK, BEK)], jv1)
            pltpu.sync_copy(ii.at[pl.ds(ebase + BEK, BEK)], iv1)

            @pl.loop(0, EPW, step=2 * BEK)
            def _(eo):
                baseA = ebase + eo
                baseB = baseA + BEK

                @pl.when(eo > 0)
                def _():
                    drain_idx(jv1, iv1)
                fire_inputs(d, baseB, sets[1])
                drain_inputs(d, sets[0])
                compute_scatter(sets[0])

                @pl.when(eo < EPW - 2 * BEK)
                def _():
                    fetch_idx(baseA + 2 * BEK, jv0, iv0)

                @pl.when(eo < EPW - 2 * BEK)
                def _():
                    drain_idx(jv0, iv0)
                    fire_inputs(d, baseA + 2 * BEK, sets[0])
                drain_inputs(d, sets[1])
                compute_scatter(sets[1])

                @pl.when(eo < EPW - 3 * BEK)
                def _():
                    fetch_idx(baseA + 3 * BEK, jv1, iv1)

            flush(dmup.at[d, cid])

    pl.run_scoped(dir_phases,
                  pltpu.VMEM((BEK, C), jnp.float32),
                  pltpu.VMEM((BEK, C), jnp.float32),
                  pltpu.VMEM((BEK, C), jnp.float32),
                  pltpu.VMEM((BEK,), jnp.float32))


def _sc_edge(x, wij, mu0, mu1, mu2, ii, jj, v0, v1, v2):
    mesh = plsc.VectorSubcoreMesh(core_axis_name="c", subcore_axis_name="s")
    f32 = jnp.float32
    cp = pltpu.CompilerParams()
    if "needs_layout_passes" in pltpu.CompilerParams.__dataclass_fields__:
        cp = dataclasses.replace(cp, needs_layout_passes=False)
    run = pl.kernel(
        _sc_body,
        mesh=mesh,
        compiler_params=cp,
        out_type=[
            jax.ShapeDtypeStruct((2, N, C), f32),
            jax.ShapeDtypeStruct((3, 2, N, C), f32),
            jax.ShapeDtypeStruct((E, 2 * C), f32),
        ],
        scratch_types=[
            pltpu.VMEM_SHARED((N, C), f32),
            pltpu.VMEM((BEK,), jnp.int32),
            pltpu.VMEM((BEK,), jnp.int32),
            pltpu.VMEM((BEK,), jnp.int32),
            pltpu.VMEM((BEK,), jnp.int32),
            pltpu.VMEM((BEK, C), f32),
            pltpu.VMEM((BEK, C), f32),
            pltpu.VMEM((BEK, C), f32),
            pltpu.VMEM((BEK,), f32),
            pltpu.SemaphoreType.DMA,
            pltpu.SemaphoreType.DMA,
            pltpu.SemaphoreType.DMA,
            pltpu.SemaphoreType.DMA,
            pltpu.SemaphoreType.DMA,
            pltpu.SemaphoreType.DMA,
        ],
    )
    return run(x, wij, mu0, mu1, mu2, ii, jj, v0, v1, v2)



def _mixing_body(q_ref, mu0_ref, mu1_ref, mu2_ref,
                 dq0_ref, dq1_ref,
                 dm00_ref, dm01_ref, dm10_ref, dm11_ref, dm20_ref, dm21_ref,
                 wmix_ref, wm1_ref, bm1_ref, wm2_ref, bm2_ref,
                 qo_ref, mo0_ref, mo1_ref, mo2_ref):
    qq = q_ref[...] + dq0_ref[...] + dq1_ref[...]
    mu2 = [mu0_ref[...] + dm00_ref[...] + dm01_ref[...],
           mu1_ref[...] + dm10_ref[...] + dm11_ref[...],
           mu2_ref[...] + dm20_ref[...] + dm21_ref[...]]
    wmix = wmix_ref[...]
    mix = [jnp.dot(m, wmix, preferred_element_type=jnp.float32) for m in mu2]
    muV = [m[:, :C] for m in mix]
    muW = [m[:, C:] for m in mix]
    muVn = jnp.sqrt(muV[0] * muV[0] + muV[1] * muV[1] + muV[2] * muV[2] + EPS)
    ctx = jnp.concatenate([qq, muVn], axis=1)
    h = _silu(jnp.dot(ctx, wm1_ref[...], preferred_element_type=jnp.float32)
              + bm1_ref[...])
    y = (jnp.dot(h, wm2_ref[...], preferred_element_type=jnp.float32)
         + bm2_ref[...])
    dq_i = y[:, :C]
    dmu_i = y[:, C:2 * C]
    dqmu_i = y[:, 2 * C:]
    s = muV[0] * muW[0] + muV[1] * muW[1] + muV[2] * muW[2]
    qo_ref[...] = qq + dq_i + dqmu_i * s
    mo0_ref[...] = mu2[0] + dmu_i * muW[0]
    mo1_ref[...] = mu2[1] + dmu_i * muW[1]
    mo2_ref[...] = mu2[2] + dmu_i * muW[2]


def _mixing(q, mu0, mu1, mu2, dq0, dq1, dm00, dm01, dm10, dm11, dm20, dm21,
            Wmix, Wm1, bm1, Wm2, bm2):
    node_spec = pl.BlockSpec((BN, C), lambda i: (i, 0))
    return pl.pallas_call(
        _mixing_body,
        grid=(N // BN,),
        in_specs=[node_spec] * 12 + [
            pl.BlockSpec((C, 2 * C), lambda i: (0, 0)),
            pl.BlockSpec((2 * C, C), lambda i: (0, 0)),
            pl.BlockSpec((1, C), lambda i: (0, 0)),
            pl.BlockSpec((C, 3 * C), lambda i: (0, 0)),
            pl.BlockSpec((1, 3 * C), lambda i: (0, 0)),
        ],
        out_specs=[node_spec, node_spec, node_spec, node_spec],
        out_shape=[jax.ShapeDtypeStruct((N, C), jnp.float32)] * 4,
    )(q, mu0, mu1, mu2, dq0, dq1, dm00, dm01, dm10, dm11, dm20, dm21,
      Wmix, Wm1, bm1.reshape(1, C), Wm2, bm2.reshape(1, 3 * C))



def kernel(q, mu, receivers, edge_indices, edge_weights, edge_versors, edge_attrs,
           W1, b1, W2, b2, Wf, bf, Wmix, Wm1, bm1, Wm2, bm2):
    del receivers
    x = _node_mlp(q, W1, b1, W2, b2)
    wij = _edge_filter(edge_attrs, edge_weights, Wf, bf)

    idx_i = edge_indices[0]
    idx_j = edge_indices[1]
    mu_d = [mu[:, d, :] for d in range(3)]
    v_d = [edge_versors[:, d] for d in range(3)]

    dqp, dmup, _m12 = _sc_edge(x, wij, mu_d[0], mu_d[1], mu_d[2],
                               idx_i, idx_j, v_d[0], v_d[1], v_d[2])

    qo, mo0, mo1, mo2 = _mixing(
        q, mu_d[0], mu_d[1], mu_d[2],
        dqp[0], dqp[1],
        dmup[0, 0], dmup[0, 1], dmup[1, 0], dmup[1, 1], dmup[2, 0], dmup[2, 1],
        Wmix, Wm1, bm1, Wm2, bm2)
    return qo, jnp.stack([mo0, mo1, mo2], axis=1)

# --- scband reference (transcript-rebuilt; emitter-appended) ---
"""Pipeline reference for scband-pai-nnblock-54400055771905 (READ-ONLY COPY).

The authoritative reference and input builder live on the scoring server;
editing this copy changes nothing except your own understanding.
"""

import jax, jax.numpy as jnp
import numpy as np

N = 10000
E = 320000
C = 128
BD = 16
CUTOFF = 5.0
EPS = 1e-8


def _silu(x):
    return x * jax.nn.sigmoid(x)


def setup_inputs(seed: int = 0):
    key = jax.random.key(seed)
    ks = jax.random.split(key, 16)
    q = jax.random.normal(ks[0], (N, C), dtype=jnp.float32)
    mu = jax.random.normal(ks[1], (N, 3, C), dtype=jnp.float32)
    receivers = jax.random.normal(ks[2], (N, C), dtype=jnp.float32)
    edge_indices = jax.random.randint(ks[3], (2, E), 0, N)
    edge_weights = jax.random.uniform(ks[4], (E,), dtype=jnp.float32) * CUTOFF
    ev = jax.random.normal(ks[5], (E, 3), dtype=jnp.float32)
    edge_versors = ev / (jnp.linalg.norm(ev, axis=-1, keepdims=True) + 1e-9)
    edge_attrs = jax.random.normal(ks[6], (E, BD), dtype=jnp.float32)
    s = 1.0 / np.sqrt(C)
    W1 = jax.random.normal(ks[7], (C, C), dtype=jnp.float32) * s
    b1 = jnp.zeros((C,), dtype=jnp.float32)
    W2 = jax.random.normal(ks[8], (C, 3 * C), dtype=jnp.float32) * s
    b2 = jnp.zeros((3 * C,), dtype=jnp.float32)
    Wf = jax.random.normal(ks[9], (BD, 3 * C), dtype=jnp.float32) * (1.0 / np.sqrt(BD))
    bf = jnp.zeros((3 * C,), dtype=jnp.float32)
    Wmix = jax.random.normal(ks[10], (C, 2 * C), dtype=jnp.float32) * s
    Wm1 = jax.random.normal(ks[11], (2 * C, C), dtype=jnp.float32) * (1.0 / np.sqrt(2 * C))
    bm1 = jnp.zeros((C,), dtype=jnp.float32)
    Wm2 = jax.random.normal(ks[12], (C, 3 * C), dtype=jnp.float32) * s
    bm2 = jnp.zeros((3 * C,), dtype=jnp.float32)
    return {"q": q, "mu": mu, "receivers": receivers, "edge_indices": edge_indices,
            "edge_weights": edge_weights, "edge_versors": edge_versors, "edge_attrs": edge_attrs,
            "W1": W1, "b1": b1, "W2": W2, "b2": b2, "Wf": Wf, "bf": bf,
            "Wmix": Wmix, "Wm1": Wm1, "bm1": bm1, "Wm2": Wm2, "bm2": bm2}


def reference(q, mu, receivers, edge_indices, edge_weights, edge_versors, edge_attrs,
              W1, b1, W2, b2, Wf, bf, Wmix, Wm1, bm1, Wm2, bm2):
    del receivers  # unused by the original forward
    qq = q[:, None, :]                                     # [N,1,C]
    # --- PaiNNInteraction ---
    x = _silu(qq @ W1 + b1) @ W2 + b2                      # [N,1,3C]
    Wij = edge_attrs[:, None, :] @ Wf + bf                 # [E,1,3C] filter from radial basis
    fcut = 0.5 * (jnp.cos(jnp.pi * edge_weights / CUTOFF) + 1.0) * (edge_weights < CUTOFF).astype(jnp.float32)
    Wij = Wij * fcut[:, None, None]
    idx_i = edge_indices[0]
    idx_j = edge_indices[1]
    xj = jnp.take(x, idx_j, axis=0)                        # gather [E,1,3C]
    muj = jnp.take(mu, idx_j, axis=0)                      # gather [E,3,C]
    xm = Wij * xj
    dq, dmuR, dmumu = jnp.split(xm, 3, axis=-1)            # [E,1,C] each
    dq_agg = jax.ops.segment_sum(dq, idx_i, num_segments=N)
    dmu = dmuR * edge_versors[:, :, None] + dmumu * muj    # [E,3,C]
    dmu_agg = jax.ops.segment_sum(dmu, idx_i, num_segments=N)
    qq = qq + dq_agg
    mu2 = mu + dmu_agg
    # --- PaiNNMixing ---
    mu_mix = mu2 @ Wmix                                    # [N,3,2C]
    mu_V, mu_W = jnp.split(mu_mix, 2, axis=-1)
    mu_Vn = jnp.sqrt(jnp.sum(mu_V * mu_V, axis=-2, keepdims=True) + EPS)  # [N,1,C]
    ctx = jnp.concatenate([qq, mu_Vn], axis=-1)            # [N,1,2C]
    y = _silu(ctx @ Wm1 + bm1) @ Wm2 + bm2                 # [N,1,3C]
    dq_i, dmu_i, dqmu_i = jnp.split(y, 3, axis=-1)
    dmu_i = dmu_i * mu_W
    dqmu_i = dqmu_i * jnp.sum(mu_V * mu_W, axis=1, keepdims=True)
    q_out = (qq + dq_i + dqmu_i)[:, 0, :]                  # squeeze(1) -> [N,C]
    mu_out = mu2 + dmu_i                                   # [N,3,C]
    return (q_out, mu_out)

if __name__ == "__main__":
    import jax
    _d = setup_inputs()
    print(jax.jit(kernel)(*tuple(_d.values())))

</pallas_src>

<mosaic_0001>
#map = affine_map<(d0, d1) -> (0, 0)>
#map1 = affine_map<(d0, d1) -> (0)>
#map2 = affine_map<(d0, d1) -> (0, 0, 0)>
#map3 = affine_map<(d0, d1) -> (0, 0, 0, 0)>
module attributes {stable_mosaic.version = 14 : i64} {
  func.func @_sc_body(%arg0: i32, %arg1: i32, %arg2: memref<10000x384xf32, #tpu.memory_space<hbm>>, %arg3: memref<320000x384xf32, #tpu.memory_space<hbm>>, %arg4: memref<10000x128xf32, #tpu.memory_space<hbm>>, %arg5: memref<10000x128xf32, #tpu.memory_space<hbm>>, %arg6: memref<10000x128xf32, #tpu.memory_space<hbm>>, %arg7: memref<320000xi32, #tpu.memory_space<hbm>>, %arg8: memref<320000xi32, #tpu.memory_space<hbm>>, %arg9: memref<320000xf32, #tpu.memory_space<hbm>>, %arg10: memref<320000xf32, #tpu.memory_space<hbm>>, %arg11: memref<320000xf32, #tpu.memory_space<hbm>>, %arg12: memref<2x10000x128xf32, #tpu.memory_space<hbm>>, %arg13: memref<3x2x10000x128xf32, #tpu.memory_space<hbm>>, %arg14: memref<320000x256xf32, #tpu.memory_space<hbm>>, %arg15: memref<10000x128xf32, #tpu.memory_space<vmem_shared>>, %arg16: memref<40xi32, #tpu.memory_space<vmem>>, %arg17: memref<40xi32, #tpu.memory_space<vmem>>, %arg18: memref<40xi32, #tpu.memory_space<vmem>>, %arg19: memref<40xi32, #tpu.memory_space<vmem>>, %arg20: memref<40x128xf32, #tpu.memory_space<vmem>>, %arg21: memref<40x128xf32, #tpu.memory_space<vmem>>, %arg22: memref<40x128xf32, #tpu.memory_space<vmem>>, %arg23: memref<40xf32, #tpu.memory_space<vmem>>, %arg24: memref<!tpu.dma_semaphore, #tpu.memory_space<semaphore_mem>>, %arg25: memref<!tpu.dma_semaphore, #tpu.memory_space<semaphore_mem>>, %arg26: memref<!tpu.dma_semaphore, #tpu.memory_space<semaphore_mem>>, %arg27: memref<!tpu.dma_semaphore, #tpu.memory_space<semaphore_mem>>, %arg28: memref<!tpu.dma_semaphore, #tpu.memory_space<semaphore_mem>>, %arg29: memref<!tpu.dma_semaphore, #tpu.memory_space<semaphore_mem>>) attributes {dimension_semantics = [#tpu.dimension_semantics<core_parallel>, #tpu.dimension_semantics<subcore_parallel>], iteration_bounds = array<i64: 2, 16>, scalar_prefetch = 0 : i64, scratch_operands = 15 : i64, tpu.core_type = #tpu.core_type<sc_vector_subcore>, window_params = [{transform_indices = #map}, {transform_indices = #map}, {transform_indices = #map}, {transform_indices = #map}, {transform_indices = #map}, {transform_indices = #map1}, {transform_indices = #map1}, {transform_indices = #map1}, {transform_indices = #map1}, {transform_indices = #map1}, {transform_indices = #map2}, {transform_indices = #map3}, {transform_indices = #map}]} {
    %mul3A = arith.constant 16 : i32
    %mul3A_0 = arith.muli %arg0, %mul3A : i32
    %add3A = arith.addi %mul3A_0, %arg1 : i32
    %mul3A_1 = arith.constant 10000 : i32
    %mul3A_2 = arith.muli %add3A, %mul3A_1 : i32
    %scan3A = arith.constant 0 : i32
    %scan3A_3 = arith.constant 40 : i32
    %scan3A_4 = arith.addi %scan3A, %scan3A_3 : i32
    %scan3A_5 = arith.constant 1 : i32
    scf.for %scan3A_16 = %scan3A to %scan3A_4 step %scan3A_5  : i32 {
      %mul3A_17 = arith.constant 1 : i32
      %mul3A_18 = arith.muli %scan3A_16, %mul3A_17 : i32
      %add3A_19 = arith.constant 0 : i32
      %add3A_20 = arith.addi %add3A_19, %mul3A_18 : i32
      %broadcast_in_dim3A = arith.constant 0.000000e+00 : f32
      %broadcast_in_dim3A_21 = vector.broadcast %broadcast_in_dim3A : f32 to vector<16xf32>
      %swap3A = arith.index_cast %add3A_20 : i32 to index
      %swap3A_22 = arith.constant 0 : index
      %swap3A_23 = tpu.vector_load %arg20[%swap3A, %swap3A_22] {strides = array<i32>} : memref<40x128xf32, #tpu.memory_space<vmem>>, vector<16xf32>,
      tpu.vector_store %arg20[%swap3A, %swap3A_22], %broadcast_in_dim3A_21 {strides = array<i32>} : memref<40x128xf32, #tpu.memory_space<vmem>>, vector<16xf32>,
      %broadcast_in_dim3A_24 = arith.constant 0.000000e+00 : f32
      %broadcast_in_dim3A_25 = vector.broadcast %broadcast_in_dim3A_24 : f32 to vector<16xf32>
      %swap3A_26 = arith.index_cast %add3A_20 : i32 to index
      %swap3A_27 = arith.constant 16 : index
      %swap3A_28 = tpu.vector_load %arg20[%swap3A_26, %swap3A_27] {strides = array<i32>} : memref<40x128xf32, #tpu.memory_space<vmem>>, vector<16xf32>,
      tpu.vector_store %arg20[%swap3A_26, %swap3A_27], %broadcast_in_dim3A_25 {strides = array<i32>} : memref<40x128xf32, #tpu.memory_space<vmem>>, vector<16xf32>,
      %broadcast_in_dim3A_29 = arith.constant 0.000000e+00 : f32
      %broadcast_in_dim3A_30 = vector.broadcast %broadcast_in_dim3A_29 : f32 to vector<16xf32>
      %swap3A_31 = arith.index_cast %add3A_20 : i32 to index
      %swap3A_32 = arith.constant 32 : index
      %swap3A_33 = tpu.vector_load %arg20[%swap3A_31, %swap3A_32] {strides = array<i32>} : memref<40x128xf32, #tpu.memory_space<vmem>>, vector<16xf32>,
      tpu.vector_store %arg20[%swap3A_31, %swap3A_32], %broadcast_in_dim3A_30 {strides = array<i32>} : memref<40x128xf32, #tpu.memory_space<vmem>>, vector<16xf32>,
      %broadcast_in_dim3A_34 = arith.constant 0.000000e+00 : f32
      %broadcast_in_dim3A_35 = vector.broadcast %broadcast_in_dim3A_34 : f32 to vector<16xf32>
      %swap3A_36 = arith.index_cast %add3A_20 : i32 to index
      %swap3A_37 = arith.constant 48 : index
      %swap3A_38 = tpu.vector_load %arg20[%swap3A_36, %swap3A_37] {strides = array<i32>} : memref<40x128xf32, #tpu.memory_space<vmem>>, vector<16xf32>,
      tpu.vector_store %arg20[%swap3A_36, %swap3A_37], %broadcast_in_dim3A_35 {strides = array<i32>} : memref<40x128xf32, #tpu.memory_space<vmem>>, vector<16xf32>,
      %broadcast_in_dim3A_39 = arith.constant 0.000000e+00 : f32
      %broadcast_in_dim3A_40 = vector.broadcast %broadcast_in_dim3A_39 : f32 to vector<16xf32>
      %swap3A_41 = arith.index_cast %add3A_20 : i32 to index
      %swap3A_42 = arith.constant 64 : index
      %swap3A_43 = tpu.vector_load %arg20[%swap3A_41, %swap3A_42] {strides = array<i32>} : memref<40x128xf32, #tpu.memory_space<vmem>>, vector<16xf32>,
      tpu.vector_store %arg20[%swap3A_41, %swap3A_42], %broadcast_in_dim3A_40 {strides = array<i32>} : memref<40x128xf32, #tpu.memory_space<vmem>>, vector<16xf32>,
      %broadcast_in_dim3A_44 = arith.constant 0.000000e+00 : f32
      %broadcast_in_dim3A_45 = vector.broadcast %broadcast_in_dim3A_44 : f32 to vector<16xf32>
      %swap3A_46 = arith.index_cast %add3A_20 : i32 to index
      %swap3A_47 = arith.constant 80 : index
      %swap3A_48 = tpu.vector_load %arg20[%swap3A_46, %swap3A_47] {strides = array<i32>} : memref<40x128xf32, #tpu.memory_space<vmem>>, vector<16xf32>,
      tpu.vector_store %arg20[%swap3A_46, %swap3A_47], %broadcast_in_dim3A_45 {strides = array<i32>} : memref<40x128xf32, #tpu.memory_space<vmem>>, vector<16xf32>,
      %broadcast_in_dim3A_49 = arith.constant 0.000000e+00 : f32
      %broadcast_in_dim3A_50 = vector.broadcast %broadcast_in_dim3A_49 : f32 to vector<16xf32>
      %swap3A_51 = arith.index_cast %add3A_20 : i32 to index
      %swap3A_52 = arith.constant 96 : index
      %swap3A_53 = tpu.vector_load %arg20[%swap3A_51, %swap3A_52] {strides = array<i32>} : memref<40x128xf32, #tpu.memory_space<vmem>>, vector<16xf32>,
      tpu.vector_store %arg20[%swap3A_51, %swap3A_52], %broadcast_in_dim3A_50 {strides = array<i32>} : memref<40x128xf32, #tpu.memory_space<vmem>>, vector<16xf32>,
      %broadcast_in_dim3A_54 = arith.constant 0.000000e+00 : f32
      %broadcast_in_dim3A_55 = vector.broadcast %broadcast_in_dim3A_54 : f32 to vector<16xf32>
      %swap3A_56 = arith.index_cast %add3A_20 : i32 to index
      %swap3A_57 = arith.constant 112 : index
      %swap3A_58 = tpu.vector_load %arg20[%swap3A_56, %swap3A_57] {strides = array<i32>} : memref<40x128xf32, #tpu.memory_space<vmem>>, vector<16xf32>,
      tpu.vector_store %arg20[%swap3A_56, %swap3A_57], %broadcast_in_dim3A_55 {strides = array<i32>} : memref<40x128xf32, #tpu.memory_space<vmem>>, vector<16xf32>,
    }
    %scan3A_6 = arith.constant 40 : i32
    %scan3A_7 = arith.constant 0 : i32
    %scan3A_8 = arith.constant 16 : i32
    %scan3A_9 = arith.addi %scan3A_7, %scan3A_8 : i32
    %scan3A_10 = arith.constant 1 : i32
    scf.for %scan3A_16 = %scan3A_7 to %scan3A_9 step %scan3A_10  : i32 {
      %mul3A_17 = arith.constant 1 : i32
      %mul3A_18 = arith.muli %scan3A_16, %mul3A_17 : i32
      %add3A_19 = arith.constant 0 : i32
      %add3A_20 = arith.addi %add3A_19, %mul3A_18 : i32
      %mul3A_21 = arith.constant 16 : i32
      %mul3A_22 = arith.muli %add3A_20, %mul3A_21 : i32
      %add3A_23 = arith.addi %mul3A_22, %arg1 : i32
      %lt3A = arith.constant 250 : i32
      %lt3A_24 = arith.cmpi slt, %add3A_23, %lt3A : i32
      %convert_element_type3A_25 = arith.extui %lt3A_24 : i1 to i32
      %cond3A_26 = arith.constant 0 : i32
      %cond3A_27 = arith.cmpi ne, %convert_element_type3A_25, %cond3A_26 : i32
      scf.if %cond3A_27 {
        %mul3A_28 = arith.constant 40 : i32
        %mul3A_29 = arith.muli %add3A_23, %mul3A_28 : i32
        "tpu.region"() ({
          %run_scoped3A = tpu.sem_alloc : memref<!tpu.dma_semaphore, #tpu.memory_space<semaphore_mem>>
          %dma_start3A = arith.constant 0 : i32
          %dma_start3A_30 = tpu.memref_slice %arg15[%mul3A_29, %dma_start3A] : memref<10000x128xf32, #tpu.memory_space<vmem_shared>> -> memref<40x128xf32, #tpu.memory_space<vmem_shared>>
          %dma_start3A_31 = arith.constant 0 : i32
          %dma_start3A_32 = tpu.memref_slice %arg15[%mul3A_29, %dma_start3A_31] : memref<10000x128xf32, #tpu.memory_space<vmem_shared>> -> memref<40x128xf32, #tpu.memory_space<vmem_shared>>
          tpu.enqueue_dma source(%arg20 : memref<40x128xf32, #tpu.memory_space<vmem>>) target(%dma_start3A_32 : memref<40x128xf32, #tpu.memory_space<vmem_shared>>) target_semaphore(%run_scoped3A : memref<!tpu.dma_semaphore, #tpu.memory_space<semaphore_mem>>)
          %dma_wait3A = arith.constant 0 : i32
          %dma_wait3A_33 = tpu.memref_slice %arg15[%mul3A_29, %dma_wait3A] : memref<10000x128xf32, #tpu.memory_space<vmem_shared>> -> memref<40x128xf32, #tpu.memory_space<vmem_shared>>
          %dma_wait3A_34 = arith.constant 0 : i32
          %dma_wait3A_35 = tpu.memref_slice %arg15[%mul3A_29, %dma_wait3A_34] : memref<10000x128xf32, #tpu.memory_space<vmem_shared>> -> memref<40x128xf32, #tpu.memory_space<vmem_shared>>
          tpu.wait_dma2 semaphore(%run_scoped3A : memref<!tpu.dma_semaphore, #tpu.memory_space<semaphore_mem>>) src(%arg20 : memref<40x128xf32, #tpu.memory_space<vmem>>) dst(%dma_wait3A_35 : memref<40x128xf32, #tpu.memory_space<vmem_shared>>)
          tpu.yield
        }) : () -> ()
      } else {
      }
    }
    %scan3A_11 = arith.constant 16 : i32
    %barrier3A = arith.constant 0 : index
    tpu.barrier barrier_id(%barrier3A)
    "tpu.region"() ({
      %run_scoped3A = memref.alloca() : memref<40x384xf32, #tpu.memory_space<vmem>>
      %run_scoped3A_16 = memref.alloca() : memref<40x384xf32, #tpu.memory_space<vmem>>
      %dma_start3A = tpu.memref_slice %arg8[%mul3A_2] : memref<320000xi32, #tpu.memory_space<hbm>> -> memref<40xi32, #tpu.memory_space<hbm>>
      %dma_start3A_17 = tpu.memref_slice %arg8[%mul3A_2] : memref<320000xi32, #tpu.memory_space<hbm>> -> memref<40xi32, #tpu.memory_space<hbm>>
      tpu.enqueue_dma source(%dma_start3A_17 : memref<40xi32, #tpu.memory_space<hbm>>) target(%arg16 : memref<40xi32, #tpu.memory_space<vmem>>) target_semaphore(%arg28 : memref<!tpu.dma_semaphore, #tpu.memory_space<semaphore_mem>>)
      %dma_start3A_18 = tpu.memref_slice %arg7[%mul3A_2] : memref<320000xi32, #tpu.memory_space<hbm>> -> memref<40xi32, #tpu.memory_space<hbm>>
      %dma_start3A_19 = tpu.memref_slice %arg7[%mul3A_2] : memref<320000xi32, #tpu.memory_space<hbm>> -> memref<40xi32, #tpu.memory_space<hbm>>
      tpu.enqueue_dma source(%dma_start3A_19 : memref<40xi32, #tpu.memory_space<hbm>>) target(%arg17 : memref<40xi32, #tpu.memory_space<vmem>>) target_semaphore(%arg28 : memref<!tpu.dma_semaphore, #tpu.memory_space<semaphore_mem>>)
      %dma_wait3A = tpu.memref_slice %arg8[%mul3A_2] : memref<320000xi32, #tpu.memory_space<hbm>> -> memref<40xi32, #tpu.memory_space<hbm>>
      %dma_wait3A_20 = tpu.memref_slice %arg8[%mul3A_2] : memref<320000xi32, #tpu.memory_space<hbm>> -> memref<40xi32, #tpu.memory_space<hbm>>
      tpu.wait_dma2 semaphore(%arg28 : memref<!tpu.dma_semaphore, #tpu.memory_space<semaphore_mem>>) src(%dma_wait3A_20 : memref<40xi32, #tpu.memory_space<hbm>>) dst(%arg16 : memref<40xi32, #tpu.memory_space<vmem>>)
      %dma_wait3A_21 = tpu.memref_slice %arg7[%mul3A_2] : memref<320000xi32, #tpu.memory_space<hbm>> -> memref<40xi32, #tpu.memory_space<hbm>>
      %dma_wait3A_22 = tpu.memref_slice %arg7[%mul3A_2] : memref<320000xi32, #tpu.memory_space<hbm>> -> memref<40xi32, #tpu.memory_space<hbm>>
      tpu.wait_dma2 semaphore(%arg28 : memref<!tpu.dma_semaphore, #tpu.memory_space<semaphore_mem>>) src(%dma_wait3A_22 : memref<40xi32, #tpu.memory_space<hbm>>) dst(%arg17 : memref<40xi32, #tpu.memory_space<vmem>>)
      %scan3A_23 = arith.constant 0 : i32
      %scan3A_24 = arith.constant 125 : i32
      %scan3A_25 = arith.addi %scan3A_23, %scan3A_24 : i32
      %scan3A_26 = arith.constant 1 : i32
      scf.for %scan3A_28 = %scan3A_23 to %scan3A_25 step %scan3A_26  : i32 {
        %mul3A_29 = arith.constant 80 : i32
        %mul3A_30 = arith.muli %scan3A_28, %mul3A_29 : i32
        %add3A_31 = arith.constant 0 : i32
        %add3A_32 = arith.addi %add3A_31, %mul3A_30 : i32
        %add3A_33 = arith.addi %mul3A_2, %add3A_32 : i32
        %add3A_34 = arith.constant 40 : i32
        %add3A_35 = arith.addi %add3A_33, %add3A_34 : i32
        %add3A_36 = arith.constant 80 : i32
        %add3A_37 = arith.addi %add3A_33, %add3A_36 : i32
        %add3A_38 = arith.constant 10000 : i32
        %add3A_39 = arith.addi %mul3A_2, %add3A_38 : i32
        %sub3A = arith.constant 40 : i32
        %sub3A_40 = arith.subi %add3A_39, %sub3A : i32
        %min3A = arith.minsi %add3A_37, %sub3A_40 : i32
        %dma_start3A_41 = arith.constant 0 : i32
        %dma_start3A_42 = arith.constant 0 : i32
        %dma_start3A_43 = tpu.memref_slice %arg2[%dma_start3A_41, %dma_start3A_42] : memref<10000x384xf32, #tpu.memory_space<hbm>> -> memref<10000x384xf32, #tpu.memory_space<hbm>>
        tpu.enqueue_indirect_dma source(%dma_start3A_43 : memref<10000x384xf32, #tpu.memory_space<hbm>>) target(%run_scoped3A : memref<40x384xf32, #tpu.memory_space<vmem>>) offsets(%arg16 : memref<40xi32, #tpu.memory_space<vmem>>) semaphore(%arg24 : memref<!tpu.dma_semaphore, #tpu.memory_space<semaphore_mem>>)
        %dma_start3A_44 = arith.constant 0 : i32
        %dma_start3A_45 = tpu.memref_slice %arg3[%add3A_33, %dma_start3A_44] : memref<320000x384xf32, #tpu.memory_space<hbm>> -> memref<40x384xf32, #tpu.memory_space<hbm>>
        %dma_start3A_46 = arith.constant 0 : i32
        %dma_start3A_47 = tpu.memref_slice %arg3[%add3A_33, %dma_start3A_46] : memref<320000x384xf32, #tpu.memory_space<hbm>> -> memref<40x384xf32, #tpu.memory_space<hbm>>
        tpu.enqueue_dma source(%dma_start3A_47 : memref<40x384xf32, #tpu.memory_space<hbm>>) target(%run_scoped3A_16 : memref<40x384xf32, #tpu.memory_space<vmem>>) target_semaphore(%arg25 : memref<!tpu.dma_semaphore, #tpu.memory_space<semaphore_mem>>)
        %dma_start3A_48 = tpu.memref_slice %arg8[%add3A_35] : memref<320000xi32, #tpu.memory_space<hbm>> -> memref<40xi32, #tpu.memory_space<hbm>>
        %dma_start3A_49 = tpu.memref_slice %arg8[%add3A_35] : memref<320000xi32, #tpu.memory_space<hbm>> -> memref<40xi32, #tpu.memory_space<hbm>>
        tpu.enqueue_dma source(%dma_start3A_49 : memref<40xi32, #tpu.memory_space<hbm>>) target(%arg18 : memref<40xi32, #tpu.memory_space<vmem>>) target_semaphore(%arg28 : memref<!tpu.dma_semaphore, #tpu.memory_space<semaphore_mem>>)
        %dma_start3A_50 = tpu.memref_slice %arg7[%add3A_35] : memref<320000xi32, #tpu.memory_space<hbm>> -> memref<40xi32, #tpu.memory_space<hbm>>
        %dma_start3A_51 = tpu.memref_slice %arg7[%add3A_35] : memref<320000xi32, #tpu.memory_space<hbm>> -> memref<40xi32, #tpu.memory_space<hbm>>
        tpu.enqueue_dma source(%dma_start3A_51 : memref<40xi32, #tpu.memory_space<hbm>>) target(%arg19 : memref<40xi32, #tpu.memory_space<vmem>>) target_semaphore(%arg28 : memref<!tpu.dma_semaphore, #tpu.memory_space<semaphore_mem>>)
        %dma_wait3A_52 = arith.constant 0 : i32
        %dma_wait3A_53 = arith.constant 0 : i32
        %dma_wait3A_54 = tpu.memref_slice %arg2[%dma_wait3A_52, %dma_wait3A_53] : memref<10000x384xf32, #tpu.memory_space<hbm>> -> memref<10000x384xf32, #tpu.memory_space<hbm>>
        tpu.wait_indirect_dma semaphore(%arg24 : memref<!tpu.dma_semaphore, #tpu.memory_space<semaphore_mem>>) src(%dma_wait3A_54 : memref<10000x384xf32, #tpu.memory_space<hbm>>) dst(%run_scoped3A : memref<40x384xf32, #tpu.memory_space<vmem>>)
        %dma_wait3A_55 = arith.constant 0 : i32
        %dma_wait3A_56 = tpu.memref_slice %arg3[%add3A_33, %dma_wait3A_55] : memref<320000x384xf32, #tpu.memory_space<hbm>> -> memref<40x384xf32, #tpu.memory_space<hbm>>
        %dma_wait3A_57 = arith.constant 0 : i32
        %dma_wait3A_58 = tpu.memref_slice %arg3[%add3A_33, %dma_wait3A_57] : memref<320000x384xf32, #tpu.memory_space<hbm>> -> memref<40x384xf32, #tpu.memory_space<hbm>>
        tpu.wait_dma2 semaphore(%arg25 : memref<!tpu.dma_semaphore, #tpu.memory_space<semaphore_mem>>) src(%dma_wait3A_58 : memref<40x384xf32, #tpu.memory_space<hbm>>) dst(%run_scoped3A_16 : memref<40x384xf32, #tpu.memory_space<vmem>>)
        %scan3A_59 = arith.constant 0 : i32
        %scan3A_60 = arith.constant 40 : i32
        %scan3A_61 = arith.addi %scan3A_59, %scan3A_60 : i32
        %scan3A_62 = arith.constant 1 : i32
        scf.for %scan3A_175 = %scan3A_59 to %scan3A_61 step %scan3A_62  : i32 {
          %mul3A_176 = arith.constant 1 : i32
          %mul3A_177 = arith.muli %scan3A_175, %mul3A_176 : i32
          %add3A_178 = arith.constant 0 : i32
          %add3A_179 = arith.addi %add3A_178, %mul3A_177 : i32
          %get3A = arith.index_cast %add3A_179 : i32 to index
          %get3A_180 = arith.constant 0 : index
          %get3A_181 = tpu.vector_load %run_scoped3A_16[%get3A, %get3A_180] {strides = array<i32>} : memref<40x384xf32, #tpu.memory_space<vmem>>, vector<16xf32>,
          %get3A_182 = arith.index_cast %add3A_179 : i32 to index
          %get3A_183 = arith.constant 0 : index
          %get3A_184 = tpu.vector_load %run_scoped3A[%get3A_182, %get3A_183] {strides = array<i32>} : memref<40x384xf32, #tpu.memory_space<vmem>>, vector<16xf32>,
          %mul3A_185 = arith.mulf %get3A_181, %get3A_184 : vector<16xf32>
          %swap3A = arith.index_cast %add3A_179 : i32 to index
          %swap3A_186 = arith.constant 0 : index
          %swap3A_187 = tpu.vector_load %arg20[%swap3A, %swap3A_186] {strides = array<i32>} : memref<40x128xf32, #tpu.memory_space<vmem>>, vector<16xf32>,
          tpu.vector_store %arg20[%swap3A, %swap3A_186], %mul3A_185 {strides = array<i32>} : memref<40x128xf32, #tpu.memory_space<vmem>>, vector<16xf32>,
          %get3A_188 = arith.index_cast %add3A_179 : i32 to index
          %get3A_189 = arith.constant 128 : index
          %get3A_190 = tpu.vector_load %run_scoped3A_16[%get3A_188, %get3A_189] {strides = array<i32>} : memref<40x384xf32, #tpu.memory_space<vmem>>, vector<16xf32>,
          %get3A_191 = arith.index_cast %add3A_179 : i32 to index
          %get3A_192 = arith.constant 128 : index
          %get3A_193 = tpu.vector_load %run_scoped3A[%get3A_191, %get3A_192] {strides = array<i32>} : memref<40x384xf32, #tpu.memory_space<vmem>>, vector<16xf32>,
          %mul3A_194 = arith.mulf %get3A_190, %get3A_193 : vector<16xf32>
          %swap3A_195 = arith.index_cast %add3A_179 : i32 to index
          %swap3A_196 = arith.constant 128 : index
          %swap3A_197 = tpu.vector_load %run_scoped3A[%swap3A_195, %swap3A_196] {strides = array<i32>} : memref<40x384xf32, #tpu.memory_space<vmem>>, vector<16xf32>,
          tpu.vector_store %run_scoped3A[%swap3A_195, %swap3A_196], %mul3A_194 {strides = array<i32>} : memref<40x384xf32, #tpu.memory_space<vmem>>, vector<16xf32>,
          %get3A_198 = arith.index_cast %add3A_179 : i32 to index
          %get3A_199 = arith.constant 256 : index
          %get3A_200 = tpu.vector_load %run_scoped3A_16[%get3A_198, %get3A_199] {strides = array<i32>} : memref<40x384xf32, #tpu.memory_space<vmem>>, vector<16xf32>,
          %get3A_201 = arith.index_cast %add3A_179 : i32 to index
          %get3A_202 = arith.constant 256 : index
          %get3A_203 = tpu.vector_load %run_scoped3A[%get3A_201, %get3A_202] {strides = array<i32>} : memref<40x384xf32, #tpu.memory_space<vmem>>, vector<16xf32>,
          %mul3A_204 = arith.mulf %get3A_200, %get3A_203 : vector<16xf32>
          %swap3A_205 = arith.index_cast %add3A_179 : i32 to index
          %swap3A_206 = arith.constant 256 : index
          %swap3A_207 = tpu.vector_load %run_scoped3A[%swap3A_205, %swap3A_206] {strides = array<i32>} : memref<40x384xf32, #tpu.memory_space<vmem>>, vector<16xf32>,
          tpu.vector_store %run_scoped3A[%swap3A_205, %swap3A_206], %mul3A_204 {strides = array<i32>} : memref<40x384xf32, #tpu.memory_space<vmem>>, vector<16xf32>,
          %get3A_208 = arith.index_cast %add3A_179 : i32 to index
          %get3A_209 = arith.constant 16 : index
          %get3A_210 = tpu.vector_load %run_scoped3A_16[%get3A_208, %get3A_209] {strides = array<i32>} : memref<40x384xf32, #tpu.memory_space<vmem>>, vector<16xf32>,
          %get3A_211 = arith.index_cast %add3A_179 : i32 to index
          %get3A_212 = arith.constant 16 : index
          %get3A_213 = tpu.vector_load %run_scoped3A[%get3A_211, %get3A_212] {strides = array<i32>} : memref<40x384xf32, #tpu.memory_space<vmem>>, vector<16xf32>,
          %mul3A_214 = arith.mulf %get3A_210, %get3A_213 : vector<16xf32>
          %swap3A_215 = arith.index_cast %add3A_179 : i32 to index
          %swap3A_216 = arith.constant 16 : index
          %swap3A_217 = tpu.vector_load %arg20[%swap3A_215, %swap3A_216] {strides = array<i32>} : memref<40x128xf32, #tpu.memory_space<vmem>>, vector<16xf32>,
          tpu.vector_store %arg20[%swap3A_215, %swap3A_216], %mul3A_214 {strides = array<i32>} : memref<40x128xf32, #tpu.memory_space<vmem>>, vector<16xf32>,
          %get3A_218 = arith.index_cast %add3A_179 : i32 to index
          %get3A_219 = arith.constant 144 : index
          %get3A_220 = tpu.vector_load %run_scoped3A_16[%get3A_218, %get3A_219] {strides = array<i32>} : memref<40x384xf32, #tpu.memory_space<vmem>>, vector<16xf32>,
          %get3A_221 = arith.index_cast %add3A_179 : i32 to index
          %get3A_222 = arith.constant 144 : index
          %get3A_223 = tpu.vector_load %run_scoped3A[%get3A_221, %get3A_222] {strides = array<i32>} : memref<40x384xf32, #tpu.memory_space<vmem>>, vector<16xf32>,
          %mul3A_224 = arith.mulf %get3A_220, %get3A_223 : vector<16xf32>
          %swap3A_225 = arith.index_cast %add3A_179 : i32 to index
          %swap3A_226 = arith.constant 144 : index
          %swap3A_227 = tpu.vector_load %run_scoped3A[%swap3A_225, %swap3A_226] {strides = array<i32>} : memref<40x384xf32, #tpu.memory_space<vmem>>, vector<16xf32>,
          tpu.vector_store %run_scoped3A[%swap3A_225, %swap3A_226], %mul3A_224 {strides = array<i32>} : memref<40x384xf32, #tpu.memory_space<vmem>>, vector<16xf32>,
          %get3A_228 = arith.index_cast %add3A_179 : i32 to index
          %get3A_229 = arith.constant 272 : index
          %get3A_230 = tpu.vector_load %run_scoped3A_16[%get3A_228, %get3A_229] {strides = array<i32>} : memref<40x384xf32, #tpu.memory_space<vmem>>, vector<16xf32>,
          %get3A_231 = arith.index_cast %add3A_179 : i32 to index
          %get3A_232 = arith.constant 272 : index
          %get3A_233 = tpu.vector_load %run_scoped3A[%get3A_231, %get3A_232] {strides = array<i32>} : memref<40x384xf32, #tpu.memory_space<vmem>>, vector<16xf32>,
          %mul3A_234 = arith.mulf %get3A_230, %get3A_233 : vector<16xf32>
          %swap3A_235 = arith.index_cast %add3A_179 : i32 to index
          %swap3A_236 = arith.constant 272 : index
          %swap3A_237 = tpu.vector_load %run_scoped3A[%swap3A_235, %swap3A_236] {strides = array<i32>} : memref<40x384xf32, #tpu.memory_space<vmem>>, vector<16xf32>,
          tpu.vector_store %run_scoped3A[%swap3A_235, %swap3A_236], %mul3A_234 {strides = array<i32>} : memref<40x384xf32, #tpu.memory_space<vmem>>, vector<16xf32>,
          %get3A_238 = arith.index_cast %add3A_179 : i32 to index
          %get3A_239 = arith.constant 32 : index
          %get3A_240 = tpu.vector_load %run_scoped3A_16[%get3A_238, %get3A_239] {strides = array<i32>} : memref<40x384xf32, #tpu.memory_space<vmem>>, vector<16xf32>,
          %get3A_241 = arith.index_cast %add3A_179 : i32 to index
          %get3A_242 = arith.constant 32 : index
          %get3A_243 = tpu.vector_load %run_scoped3A[%get3A_241, %get3A_242] {strides = array<i32>} : memref<40x384xf32, #tpu.memory_space<vmem>>, vector<16xf32>,
          %mul3A_244 = arith.mulf %get3A_240, %get3A_243 : vector<16xf32>
          %swap3A_245 = arith.index_cast %add3A_179 : i32 to index
          %swap3A_246 = arith.constant 32 : index
          %swap3A_247 = tpu.vector_load %arg20[%swap3A_245, %swap3A_246] {strides = array<i32>} : memref<40x128xf32, #tpu.memory_space<vmem>>, vector<16xf32>,
          tpu.vector_store %arg20[%swap3A_245, %swap3A_246], %mul3A_244 {strides = array<i32>} : memref<40x128xf32, #tpu.memory_space<vmem>>, vector<16xf32>,
          %get3A_248 = arith.index_cast %add3A_179 : i32 to index
          %get3A_249 = arith.constant 160 : index
          %get3A_250 = tpu.vector_load %run_scoped3A_16[%get3A_248, %get3A_249] {strides = array<i32>} : memref<40x384xf32, #tpu.memory_space<vmem>>, vector<16xf32>,
          %get3A_251 = arith.index_cast %add3A_179 : i32 to index
          %get3A_252 = arith.constant 160 : index
          %get3A_253 = tpu.vector_load %run_scoped3A[%get3A_251, %get3A_252] {strides = array<i32>} : memref<40x384xf32, #tpu.memory_space<vmem>>, vector<16xf32>,
          %mul3A_254 = arith.mulf %get3A_250, %get3A_253 : vector<16xf32>
          %swap3A_255 = arith.index_cast %add3A_179 : i32 to index
          %swap3A_256 = arith.constant 160 : index
          %swap3A_257 = tpu.vector_load %run_scoped3A[%swap3A_255, %swap3A_256] {strides = array<i32>} : memref<40x384xf32, #tpu.memory_space<vmem>>, vector<16xf32>,
          tpu.vector_store %run_scoped3A[%swap3A_255, %swap3A_256], %mul3A_254 {strides = array<i32>} : memref<40x384xf32, #tpu.memory_space<vmem>>, vector<16xf32>,
          %get3A_258 = arith.index_cast %add3A_179 : i32 to index
          %get3A_259 = arith.constant 288 : index
          %get3A_260 = tpu.vector_load %run_scoped3A_16[%get3A_258, %get3A_259] {strides = array<i32>} : memref<40x384xf32, #tpu.memory_space<vmem>>, vector<16xf32>,
          %get3A_261 = arith.index_cast %add3A_179 : i32 to index
          %get3A_262 = arith.constant 288 : index
          %get3A_263 = tpu.vector_load %run_scoped3A[%get3A_261, %get3A_262] {strides = array<i32>} : memref<40x384xf32, #tpu.memory_space<vmem>>, vector<16xf32>,
          %mul3A_264 = arith.mulf %get3A_260, %get3A_263 : vector<16xf32>
          %swap3A_265 = arith.index_cast %add3A_179 : i32 to index
          %swap3A_266 = arith.constant 288 : index
          %swap3A_267 = tpu.vector_load %run_scoped3A[%swap3A_265, %swap3A_266] {strides = array<i32>} : memref<40x384xf32, #tpu.memory_space<vmem>>, vector<16xf32>,
          tpu.vector_store %run_scoped3A[%swap3A_265, %swap3A_266], %mul3A_264 {strides = array<i32>} : memref<40x384xf32, #tpu.memory_space<vmem>>, vector<16xf32>,
          %get3A_268 = arith.index_cast %add3A_179 : i32 to index
          %get3A_269 = arith.constant 48 : index
          %get3A_270 = tpu.vector_load %run_scoped3A_16[%get3A_268, %get3A_269] {strides = array<i32>} : memref<40x384xf32, #tpu.memory_space<vmem>>, vector<16xf32>,
          %get3A_271 = arith.index_cast %add3A_179 : i32 to index
          %get3A_272 = arith.constant 48 : index
          %get3A_273 = tpu.vector_load %run_scoped3A[%get3A_271, %get3A_272] {strides = array<i32>} : memref<40x384xf32, #tpu.memory_space<vmem>>, vector<16xf32>,
          %mul3A_274 = arith.mulf %get3A_270, %get3A_273 : vector<16xf32>
          %swap3A_275 = arith.index_cast %add3A_179 : i32 to index
          %swap3A_276 = arith.constant 48 : index
          %swap3A_277 = tpu.vector_load %arg20[%swap3A_275, %swap3A_276] {strides = array<i32>} : memref<40x128xf32, #tpu.memory_space<vmem>>, vector<16xf32>,
          tpu.vector_store %arg20[%swap3A_275, %swap3A_276], %mul3A_274 {strides = array<i32>} : memref<40x128xf32, #tpu.memory_space<vmem>>, vector<16xf32>,
          %get3A_278 = arith.index_cast %add3A_179 : i32 to index
          %get3A_279 = arith.constant 176 : index
          %get3A_280 = tpu.vector_load %run_scoped3A_16[%get3A_278, %get3A_279] {strides = array<i32>} : memref<40x384xf32, #tpu.memory_space<vmem>>, vector<16xf32>,
          %get3A_281 = arith.index_cast %add3A_179 : i32 to index
          %get3A_282 = arith.constant 176 : index
          %get3A_283 = tpu.vector_load %run_scoped3A[%get3A_281, %get3A_282] {strides = array<i32>} : memref<40x384xf32, #tpu.memory_space<vmem>>, vector<16xf32>,
          %mul3A_284 = arith.mulf %get3A_280, %get3A_283 : vector<16xf32>
          %swap3A_285 = arith.index_cast %add3A_179 : i32 to index
          %swap3A_286 = arith.constant 176 : index
          %swap3A_287 = tpu.vector_load %run_scoped3A[%swap3A_285, %swap3A_286] {strides = array<i32>} : memref<40x384xf32, #tpu.memory_space<vmem>>, vector<16xf32>,
          tpu.vector_store %run_scoped3A[%swap3A_285, %swap3A_286], %mul3A_284 {strides = array<i32>} : memref<40x384xf32, #tpu.memory_space<vmem>>, vector<16xf32>,
          %get3A_288 = arith.index_cast %add3A_179 : i32 to index
          %get3A_289 = arith.constant 304 : index
          %get3A_290 = tpu.vector_load %run_scoped3A_16[%get3A_288, %get3A_289] {strides = array<i32>} : memref<40x384xf32, #tpu.memory_space<vmem>>, vector<16xf32>,
          %get3A_291 = arith.index_cast %add3A_179 : i32 to index
          %get3A_292 = arith.constant 304 : index
          %get3A_293 = tpu.vector_load %run_scoped3A[%get3A_291, %get3A_292] {strides = array<i32>} : memref<40x384xf32, #tpu.memory_space<vmem>>, vector<16xf32>,
          %mul3A_294 = arith.mulf %get3A_290, %get3A_293 : vector<16xf32>
          %swap3A_295 = arith.index_cast %add3A_179 : i32 to index
          %swap3A_296 = arith.constant 304 : index
          %swap3A_297 = tpu.vector_load %run_scoped3A[%swap3A_295, %swap3A_296] {strides = array<i32>} : memref<40x384xf32, #tpu.memory_space<vmem>>, vector<16xf32>,
          tpu.vector_store %run_scoped3A[%swap3A_295, %swap3A_296], %mul3A_294 {strides = array<i32>} : memref<40x384xf32, #tpu.memory_space<vmem>>, vector<16xf32>,
          %get3A_298 = arith.index_cast %add3A_179 : i32 to index
          %get3A_299 = arith.constant 64 : index
          %get3A_300 = tpu.vector_load %run_scoped3A_16[%get3A_298, %get3A_299] {strides = array<i32>} : memref<40x384xf32, #tpu.memory_space<vmem>>, vector<16xf32>,
          %get3A_301 = arith.index_cast %add3A_179 : i32 to index
          %get3A_302 = arith.constant 64 : index
          %get3A_303 = tpu.vector_load %run_scoped3A[%get3A_301, %get3A_302] {strides = array<i32>} : memref<40x384xf32, #tpu.memory_space<vmem>>, vector<16xf32>,
          %mul3A_304 = arith.mulf %get3A_300, %get3A_303 : vector<16xf32>
          %swap3A_305 = arith.index_cast %add3A_179 : i32 to index
          %swap3A_306 = arith.constant 64 : index
          %swap3A_307 = tpu.vector_load %arg20[%swap3A_305, %swap3A_306] {strides = array<i32>} : memref<40x128xf32, #tpu.memory_space<vmem>>, vector<16xf32>,
          tpu.vector_store %arg20[%swap3A_305, %swap3A_306], %mul3A_304 {strides = array<i32>} : memref<40x128xf32, #tpu.memory_space<vmem>>, vector<16xf32>,
          %get3A_308 = arith.index_cast %add3A_179 : i32 to index
          %get3A_309 = arith.constant 192 : index
          %get3A_310 = tpu.vector_load %run_scoped3A_16[%get3A_308, %get3A_309] {strides = array<i32>} : memref<40x384xf32, #tpu.memory_space<vmem>>, vector<16xf32>,
          %get3A_311 = arith.index_cast %add3A_179 : i32 to index
          %get3A_312 = arith.constant 192 : index
          %get3A_313 = tpu.vector_load %run_scoped3A[%get3A_311, %get3A_312] {strides = array<i32>} : memref<40x384xf32, #tpu.memory_space<vmem>>, vector<16xf32>,
          %mul3A_314 = arith.mulf %get3A_310, %get3A_313 : vector<16xf32>
          %swap3A_315 = arith.index_cast %add3A_179 : i32 to index
          %swap3A_316 = arith.constant 192 : index
          %swap3A_317 = tpu.vector_load %run_scoped3A[%swap3A_315, %swap3A_316] {strides = array<i32>} : memref<40x384xf32, #tpu.memory_space<vmem>>, vector<16xf32>,
          tpu.vector_store %run_scoped3A[%swap3A_315, %swap3A_316], %mul3A_314 {strides = array<i32>} : memref<40x384xf32, #tpu.memory_space<vmem>>, vector<16xf32>,
          %get3A_318 = arith.index_cast %add3A_179 : i32 to index
          %get3A_319 = arith.constant 320 : index
          %get3A_320 = tpu.vector_load %run_scoped3A_16[%get3A_318, %get3A_319] {strides = array<i32>} : memref<40x384xf32, #tpu.memory_space<vmem>>, vector<16xf32>,
          %get3A_321 = arith.index_cast %add3A_179 : i32 to index
          %get3A_322 = arith.constant 320 : index
          %get3A_323 = tpu.vector_load %run_scoped3A[%get3A_321, %get3A_322] {strides = array<i32>} : memref<40x384xf32, #tpu.memory_space<vmem>>, vector<16xf32>,
          %mul3A_324 = arith.mulf %get3A_320, %get3A_323 : vector<16xf32>
          %swap3A_325 = arith.index_cast %add3A_179 : i32 to index
          %swap3A_326 = arith.constant 320 : index
          %swap3A_327 = tpu.vector_load %run_scoped3A[%swap3A_325, %swap3A_326] {strides = array<i32>} : memref<40x384xf32, #tpu.memory_space<vmem>>, vector<16xf32>,
          tpu.vector_store %run_scoped3A[%swap3A_325, %swap3A_326], %mul3A_324 {strides = array<i32>} : memref<40x384xf32, #tpu.memory_space<vmem>>, vector<16xf32>,
          %get3A_328 = arith.index_cast %add3A_179 : i32 to index
          %get3A_329 = arith.constant 80 : index
          %get3A_330 = tpu.vector_load %run_scoped3A_16[%get3A_328, %get3A_329] {strides = array<i32>} : memref<40x384xf32, #tpu.memory_space<vmem>>, vector<16xf32>,
          %get3A_331 = arith.index_cast %add3A_179 : i32 to index
          %get3A_332 = arith.constant 80 : index
          %get3A_333 = tpu.vector_load %run_scoped3A[%get3A_331, %get3A_332] {strides = array<i32>} : memref<40x384xf32, #tpu.memory_space<vmem>>, vector<16xf32>,
          %mul3A_334 = arith.mulf %get3A_330, %get3A_333 : vector<16xf32>
          %swap3A_335 = arith.index_cast %add3A_179 : i32 to index
          %swap3A_336 = arith.constant 80 : index
          %swap3A_337 = tpu.vector_load %arg20[%swap3A_335, %swap3A_336] {strides = array<i32>} : memref<40x128xf32, #tpu.memory_space<vmem>>, vector<16xf32>,
          tpu.vector_store %arg20[%swap3A_335, %swap3A_336], %mul3A_334 {strides = array<i32>} : memref<40x128xf32, #tpu.memory_space<vmem>>, vector<16xf32>,
          %get3A_338 = arith.index_cast %add3A_179 : i32 to index
          %get3A_339 = arith.constant 208 : index
          %get3A_340 = tpu.vector_load %run_scoped3A_16[%get3A_338, %get3A_339] {strides = array<i32>} : memref<40x384xf32, #tpu.memory_space<vmem>>, vector<16xf32>,
          %get3A_341 = arith.index_cast %add3A_179 : i32 to index
          %get3A_342 = arith.constant 208 : index
          %get3A_343 = tpu.vector_load %run_scoped3A[%get3A_341, %get3A_342] {strides = array<i32>} : memref<40x384xf32, #tpu.memory_space<vmem>>, vector<16xf32>,
          %mul3A_344 = arith.mulf %get3A_340, %get3A_343 : vector<16xf32>
          %swap3A_345 = arith.index_cast %add3A_179 : i32 to index
          %swap3A_346 = arith.constant 208 : index
          %swap3A_347 = tpu.vector_load %run_scoped3A[%swap3A_345, %swap3A_346] {strides = array<i32>} : memref<40x384xf32, #tpu.memory_space<vmem>>, vector<16xf32>,
          tpu.vector_store %run_scoped3A[%swap3A_345, %swap3A_346], %mul3A_344 {strides = array<i32>} : memref<40x384xf32, #tpu.memory_space<vmem>>, vector<16xf32>,
          %get3A_348 = arith.index_cast %add3A_179 : i32 to index
          %get3A_349 = arith.constant 336 : index
          %get3A_350 = tpu.vector_load %run_scoped3A_16[%get3A_348, %get3A_349] {strides = array<i32>} : memref<40x384xf32, #tpu.memory_space<vmem>>, vector<16xf32>,
          %get3A_351 = arith.index_cast %add3A_179 : i32 to index
          %get3A_352 = arith.constant 336 : index
          %get3A_353 = tpu.vector_load %run_scoped3A[%get3A_351, %get3A_352] {strides = array<i32>} : memref<40x384xf32, #tpu.memory_space<vmem>>, vector<16xf32>,
          %mul3A_354 = arith.mulf %get3A_350, %get3A_353 : vector<16xf32>
          %swap3A_355 = arith.index_cast %add3A_179 : i32 to index
          %swap3A_356 = arith.constant 336 : index
          %swap3A_357 = tpu.vector_load %run_scoped3A[%swap3A_355, %swap3A_356] {strides = array<i32>} : memref<40x384xf32, #tpu.memory_space<vmem>>, vector<16xf32>,
          tpu.vector_store %run_scoped3A[%swap3A_355, %swap3A_356], %mul3A_354 {strides = array<i32>} : memref<40x384xf32, #tpu.memory_space<vmem>>, vector<16xf32>,
          %get3A_358 = arith.index_cast %add3A_179 : i32 to index
          %get3A_359 = arith.constant 96 : index
          %get3A_360 = tpu.vector_load %run_scoped3A_16[%get3A_358, %get3A_359] {strides = array<i32>} : memref<40x384xf32, #tpu.memory_space<vmem>>, vector<16xf32>,
          %get3A_361 = arith.index_cast %add3A_179 : i32 to index
          %get3A_362 = arith.constant 96 : index
          %get3A_363 = tpu.vector_load %run_scoped3A[%get3A_361, %get3A_362] {strides = array<i32>} : memref<40x384xf32, #tpu.memory_space<vmem>>, vector<16xf32>,
          %mul3A_364 = arith.mulf %get3A_360, %get3A_363 : vector<16xf32>
          %swap3A_365 = arith.index_cast %add3A_179 : i32 to index
          %swap3A_366 = arith.constant 96 : index
          %swap3A_367 = tpu.vector_load %arg20[%swap3A_365, %swap3A_366] {strides = array<i32>} : memref<40x128xf32, #tpu.memory_space<vmem>>, vector<16xf32>,
          tpu.vector_store %arg20[%swap3A_365, %swap3A_366], %mul3A_364 {strides = array<i32>} : memref<40x128xf32, #tpu.memory_space<vmem>>, vector<16xf32>,
          %get3A_368 = arith.index_cast %add3A_179 : i32 to index
          %get3A_369 = arith.constant 224 : index
          %get3A_370 = tpu.vector_load %run_scoped3A_16[%get3A_368, %get3A_369] {strides = array<i32>} : memref<40x384xf32, #tpu.memory_space<vmem>>, vector<16xf32>,
          %get3A_371 = arith.index_cast %add3A_179 : i32 to index
          %get3A_372 = arith.constant 224 : index
          %get3A_373 = tpu.vector_load %run_scoped3A[%get3A_371, %get3A_372] {strides = array<i32>} : memref<40x384xf32, #tpu.memory_space<vmem>>, vector<16xf32>,
          %mul3A_374 = arith.mulf %get3A_370, %get3A_373 : vector<16xf32>
          %swap3A_375 = arith.index_cast %add3A_179 : i32 to index
          %swap3A_376 = arith.constant 224 : index
          %swap3A_377 = tpu.vector_load %run_scoped3A[%swap3A_375, %swap3A_376] {strides = array<i32>} : memref<40x384xf32, #tpu.memory_space<vmem>>, vector<16xf32>,
          tpu.vector_store %run_scoped3A[%swap3A_375, %swap3A_376], %mul3A_374 {strides = array<i32>} : memref<40x384xf32, #tpu.memory_space<vmem>>, vector<16xf32>,
          %get3A_378 = arith.index_cast %add3A_179 : i32 to index
          %get3A_379 = arith.constant 352 : index
          %get3A_380 = tpu.vector_load %run_scoped3A_16[%get3A_378, %get3A_379] {strides = array<i32>} : memref<40x384xf32, #tpu.memory_space<vmem>>, vector<16xf32>,
          %get3A_381 = arith.index_cast %add3A_179 : i32 to index
          %get3A_382 = arith.constant 352 : index
          %get3A_383 = tpu.vector_load %run_scoped3A[%get3A_381, %get3A_382] {strides = array<i32>} : memref<40x384xf32, #tpu.memory_space<vmem>>, vector<16xf32>,
          %mul3A_384 = arith.mulf %get3A_380, %get3A_383 : vector<16xf32>
          %swap3A_385 = arith.index_cast %add3A_179 : i32 to index
          %swap3A_386 = arith.constant 352 : index
          %swap3A_387 = tpu.vector_load %run_scoped3A[%swap3A_385, %swap3A_386] {strides = array<i32>} : memref<40x384xf32, #tpu.memory_space<vmem>>, vector<16xf32>,
          tpu.vector_store %run_scoped3A[%swap3A_385, %swap3A_386], %mul3A_384 {strides = array<i32>} : memref<40x384xf32, #tpu.memory_space<vmem>>, vector<16xf32>,
          %get3A_388 = arith.index_cast %add3A_179 : i32 to index
          %get3A_389 = arith.constant 112 : index
          %get3A_390 = tpu.vector_load %run_scoped3A_16[%get3A_388, %get3A_389] {strides = array<i32>} : memref<40x384xf32, #tpu.memory_space<vmem>>, vector<16xf32>,
          %get3A_391 = arith.index_cast %add3A_179 : i32 to index
          %get3A_392 = arith.constant 112 : index
          %get3A_393 = tpu.vector_load %run_scoped3A[%get3A_391, %get3A_392] {strides = array<i32>} : memref<40x384xf32, #tpu.memory_space<vmem>>, vector<16xf32>,
          %mul3A_394 = arith.mulf %get3A_390, %get3A_393 : vector<16xf32>
          %swap3A_395 = arith.index_cast %add3A_179 : i32 to index
          %swap3A_396 = arith.constant 112 : index
          %swap3A_397 = tpu.vector_load %arg20[%swap3A_395, %swap3A_396] {strides = array<i32>} : memref<40x128xf32, #tpu.memory_space<vmem>>, vector<16xf32>,
          tpu.vector_store %arg20[%swap3A_395, %swap3A_396], %mul3A_394 {strides = array<i32>} : memref<40x128xf32, #tpu.memory_space<vmem>>, vector<16xf32>,
          %get3A_398 = arith.index_cast %add3A_179 : i32 to index
          %get3A_399 = arith.constant 240 : index
          %get3A_400 = tpu.vector_load %run_scoped3A_16[%get3A_398, %get3A_399] {strides = array<i32>} : memref<40x384xf32, #tpu.memory_space<vmem>>, vector<16xf32>,
          %get3A_401 = arith.index_cast %add3A_179 : i32 to index
          %get3A_402 = arith.constant 240 : index
          %get3A_403 = tpu.vector_load %run_scoped3A[%get3A_401, %get3A_402] {strides = array<i32>} : memref<40x384xf32, #tpu.memory_space<vmem>>, vector<16xf32>,
          %mul3A_404 = arith.mulf %get3A_400, %get3A_403 : vector<16xf32>
          %swap3A_405 = arith.index_cast %add3A_179 : i32 to index
          %swap3A_406 = arith.constant 240 : index
          %swap3A_407 = tpu.vector_load %run_scoped3A[%swap3A_405, %swap3A_406] {strides = array<i32>} : memref<40x384xf32, #tpu.memory_space<vmem>>, vector<16xf32>,
          tpu.vector_store %run_scoped3A[%swap3A_405, %swap3A_406], %mul3A_404 {strides = array<i32>} : memref<40x384xf32, #tpu.memory_space<vmem>>, vector<16xf32>,
          %get3A_408 = arith.index_cast %add3A_179 : i32 to index
          %get3A_409 = arith.constant 368 : index
          %get3A_410 = tpu.vector_load %run_scoped3A_16[%get3A_408, %get3A_409] {strides = array<i32>} : memref<40x384xf32, #tpu.memory_space<vmem>>, vector<16xf32>,
          %get3A_411 = arith.index_cast %add3A_179 : i32 to index
          %get3A_412 = arith.constant 368 : index
          %get3A_413 = tpu.vector_load %run_scoped3A[%get3A_411, %get3A_412] {strides = array<i32>} : memref<40x384xf32, #tpu.memory_space<vmem>>, vector<16xf32>,
          %mul3A_414 = arith.mulf %get3A_410, %get3A_413 : vector<16xf32>
          %swap3A_415 = arith.index_cast %add3A_179 : i32 to index
          %swap3A_416 = arith.constant 368 : index
          %swap3A_417 = tpu.vector_load %run_scoped3A[%swap3A_415, %swap3A_416] {strides = array<i32>} : memref<40x384xf32, #tpu.memory_space<vmem>>, vector<16xf32>,
          tpu.vector_store %run_scoped3A[%swap3A_415, %swap3A_416], %mul3A_414 {strides = array<i32>} : memref<40x384xf32, #tpu.memory_space<vmem>>, vector<16xf32>,
        }
        %scan3A_63 = arith.constant 40 : i32
        %dma_start3A_64 = arith.constant 0 : i32
        %dma_start3A_65 = arith.constant 128 : i32
        %dma_start3A_66 = tpu.memref_slice %run_scoped3A[%dma_start3A_64, %dma_start3A_65] : memref<40x384xf32, #tpu.memory_space<vmem>> -> memref<40x128xf32, #tpu.memory_space<vmem>>
        %dma_start3A_67 = arith.constant 0 : i32
        %dma_start3A_68 = tpu.memref_slice %arg14[%add3A_33, %dma_start3A_67] : memref<320000x256xf32, #tpu.memory_space<hbm>> -> memref<40x128xf32, #tpu.memory_space<hbm>>
        %dma_start3A_69 = arith.constant 0 : i32
        %dma_start3A_70 = tpu.memref_slice %arg14[%add3A_33, %dma_start3A_69] : memref<320000x256xf32, #tpu.memory_space<hbm>> -> memref<40x128xf32, #tpu.memory_space<hbm>>
        %dma_start3A_71 = arith.constant 0 : i32
        %dma_start3A_72 = arith.constant 128 : i32
        %dma_start3A_73 = tpu.memref_slice %run_scoped3A[%dma_start3A_71, %dma_start3A_72] : memref<40x384xf32, #tpu.memory_space<vmem>> -> memref<40x128xf32, #tpu.memory_space<vmem>>
        tpu.enqueue_dma source(%dma_start3A_73 : memref<40x128xf32, #tpu.memory_space<vmem>>) target(%dma_start3A_70 : memref<40x128xf32, #tpu.memory_space<hbm>>) target_semaphore(%arg29 : memref<!tpu.dma_semaphore, #tpu.memory_space<semaphore_mem>>)
        %dma_start3A_74 = arith.constant 0 : i32
        %dma_start3A_75 = arith.constant 256 : i32
        %dma_start3A_76 = tpu.memref_slice %run_scoped3A[%dma_start3A_74, %dma_start3A_75] : memref<40x384xf32, #tpu.memory_space<vmem>> -> memref<40x128xf32, #tpu.memory_space<vmem>>
        %dma_start3A_77 = arith.constant 128 : i32
        %dma_start3A_78 = tpu.memref_slice %arg14[%add3A_33, %dma_start3A_77] : memref<320000x256xf32, #tpu.memory_space<hbm>> -> memref<40x128xf32, #tpu.memory_space<hbm>>
        %dma_start3A_79 = arith.constant 128 : i32
        %dma_start3A_80 = tpu.memref_slice %arg14[%add3A_33, %dma_start3A_79] : memref<320000x256xf32, #tpu.memory_space<hbm>> -> memref<40x128xf32, #tpu.memory_space<hbm>>
        %dma_start3A_81 = arith.constant 0 : i32
        %dma_start3A_82 = arith.constant 256 : i32
        %dma_start3A_83 = tpu.memref_slice %run_scoped3A[%dma_start3A_81, %dma_start3A_82] : memref<40x384xf32, #tpu.memory_space<vmem>> -> memref<40x128xf32, #tpu.memory_space<vmem>>
        tpu.enqueue_dma source(%dma_start3A_83 : memref<40x128xf32, #tpu.memory_space<vmem>>) target(%dma_start3A_80 : memref<40x128xf32, #tpu.memory_space<hbm>>) target_semaphore(%arg29 : memref<!tpu.dma_semaphore, #tpu.memory_space<semaphore_mem>>)
        "tpu.region"() ({
          %run_scoped3A_175 = tpu.sem_alloc : memref<!tpu.dma_semaphore, #tpu.memory_space<semaphore_mem>>
          %dma_start3A_176 = arith.constant 0 : i32
          %dma_start3A_177 = arith.constant 0 : i32
          %dma_start3A_178 = tpu.memref_slice %arg15[%dma_start3A_176, %dma_start3A_177] : memref<10000x128xf32, #tpu.memory_space<vmem_shared>> -> memref<10000x128xf32, #tpu.memory_space<vmem_shared>>
          tpu.enqueue_indirect_dma source(%arg20 : memref<40x128xf32, #tpu.memory_space<vmem>>) target(%dma_start3A_178 : memref<10000x128xf32, #tpu.memory_space<vmem_shared>>) offsets(%arg17 : memref<40xi32, #tpu.memory_space<vmem>>) semaphore(%run_scoped3A_175 : memref<!tpu.dma_semaphore, #tpu.memory_space<semaphore_mem>>) {add = true}
          %dma_wait3A_179 = arith.constant 0 : i32
          %dma_wait3A_180 = arith.constant 0 : i32
          %dma_wait3A_181 = tpu.memref_slice %arg15[%dma_wait3A_179, %dma_wait3A_180] : memref<10000x128xf32, #tpu.memory_space<vmem_shared>> -> memref<10000x128xf32, #tpu.memory_space<vmem_shared>>
          tpu.wait_indirect_dma semaphore(%run_scoped3A_175 : memref<!tpu.dma_semaphore, #tpu.memory_space<semaphore_mem>>) src(%arg20 : memref<40x128xf32, #tpu.memory_space<vmem>>) dst(%dma_wait3A_181 : memref<10000x128xf32, #tpu.memory_space<vmem_shared>>)
          tpu.yield
        }) : () -> ()
        %dma_wait3A_84 = tpu.memref_slice %arg8[%add3A_35] : memref<320000xi32, #tpu.memory_space<hbm>> -> memref<40xi32, #tpu.memory_space<hbm>>
        %dma_wait3A_85 = tpu.memref_slice %arg8[%add3A_35] : memref<320000xi32, #tpu.memory_space<hbm>> -> memref<40xi32, #tpu.memory_space<hbm>>
        tpu.wait_dma2 semaphore(%arg28 : memref<!tpu.dma_semaphore, #tpu.memory_space<semaphore_mem>>) src(%dma_wait3A_85 : memref<40xi32, #tpu.memory_space<hbm>>) dst(%arg18 : memref<40xi32, #tpu.memory_space<vmem>>)
        %dma_wait3A_86 = tpu.memref_slice %arg7[%add3A_35] : memref<320000xi32, #tpu.memory_space<hbm>> -> memref<40xi32, #tpu.memory_space<hbm>>
        %dma_wait3A_87 = tpu.memref_slice %arg7[%add3A_35] : memref<320000xi32, #tpu.memory_space<hbm>> -> memref<40xi32, #tpu.memory_space<hbm>>
        tpu.wait_dma2 semaphore(%arg28 : memref<!tpu.dma_semaphore, #tpu.memory_space<semaphore_mem>>) src(%dma_wait3A_87 : memref<40xi32, #tpu.memory_space<hbm>>) dst(%arg19 : memref<40xi32, #tpu.memory_space<vmem>>)
        %dma_wait3A_88 = arith.constant 0 : i32
        %dma_wait3A_89 = arith.constant 128 : i32
        %dma_wait3A_90 = tpu.memref_slice %run_scoped3A[%dma_wait3A_88, %dma_wait3A_89] : memref<40x384xf32, #tpu.memory_space<vmem>> -> memref<40x128xf32, #tpu.memory_space<vmem>>
        %dma_wait3A_91 = arith.constant 0 : i32
        %dma_wait3A_92 = tpu.memref_slice %arg14[%add3A_33, %dma_wait3A_91] : memref<320000x256xf32, #tpu.memory_space<hbm>> -> memref<40x128xf32, #tpu.memory_space<hbm>>
        %dma_wait3A_93 = arith.constant 0 : i32
        %dma_wait3A_94 = tpu.memref_slice %arg14[%add3A_33, %dma_wait3A_93] : memref<320000x256xf32, #tpu.memory_space<hbm>> -> memref<40x128xf32, #tpu.memory_space<hbm>>
        %dma_wait3A_95 = arith.constant 0 : i32
        %dma_wait3A_96 = arith.constant 128 : i32
        %dma_wait3A_97 = tpu.memref_slice %run_scoped3A[%dma_wait3A_95, %dma_wait3A_96] : memref<40x384xf32, #tpu.memory_space<vmem>> -> memref<40x128xf32, #tpu.memory_space<vmem>>
        tpu.wait_dma2 semaphore(%arg29 : memref<!tpu.dma_semaphore, #tpu.memory_space<semaphore_mem>>) src(%dma_wait3A_97 : memref<40x128xf32, #tpu.memory_space<vmem>>) dst(%dma_wait3A_94 : memref<40x128xf32, #tpu.memory_space<hbm>>)
        %dma_wait3A_98 = arith.constant 0 : i32
        %dma_wait3A_99 = arith.constant 256 : i32
        %dma_wait3A_100 = tpu.memref_slice %run_scoped3A[%dma_wait3A_98, %dma_wait3A_99] : memref<40x384xf32, #tpu.memory_space<vmem>> -> memref<40x128xf32, #tpu.memory_space<vmem>>
        %dma_wait3A_101 = arith.constant 128 : i32
        %dma_wait3A_102 = tpu.memref_slice %arg14[%add3A_33, %dma_wait3A_101] : memref<320000x256xf32, #tpu.memory_space<hbm>> -> memref<40x128xf32, #tpu.memory_space<hbm>>
        %dma_wait3A_103 = arith.constant 128 : i32
        %dma_wait3A_104 = tpu.memref_slice %arg14[%add3A_33, %dma_wait3A_103] : memref<320000x256xf32, #tpu.memory_space<hbm>> -> memref<40x128xf32, #tpu.memory_space<hbm>>
        %dma_wait3A_105 = arith.constant 0 : i32
        %dma_wait3A_106 = arith.constant 256 : i32
        %dma_wait3A_107 = tpu.memref_slice %run_scoped3A[%dma_wait3A_105, %dma_wait3A_106] : memref<40x384xf32, #tpu.memory_space<vmem>> -> memref<40x128xf32, #tpu.memory_space<vmem>>
        tpu.wait_dma2 semaphore(%arg29 : memref<!tpu.dma_semaphore, #tpu.memory_space<semaphore_mem>>) src(%dma_wait3A_107 : memref<40x128xf32, #tpu.memory_space<vmem>>) dst(%dma_wait3A_104 : memref<40x128xf32, #tpu.memory_space<hbm>>)
        %dma_start3A_108 = arith.constant 0 : i32
        %dma_start3A_109 = arith.constant 0 : i32
        %dma_start3A_110 = tpu.memref_slice %arg2[%dma_start3A_108, %dma_start3A_109] : memref<10000x384xf32, #tpu.memory_space<hbm>> -> memref<10000x384xf32, #tpu.memory_space<hbm>>
        tpu.enqueue_indirect_dma source(%dma_start3A_110 : memref<10000x384xf32, #tpu.memory_space<hbm>>) target(%run_scoped3A : memref<40x384xf32, #tpu.memory_space<vmem>>) offsets(%arg18 : memref<40xi32, #tpu.memory_space<vmem>>) semaphore(%arg24 : memref<!tpu.dma_semaphore, #tpu.memory_space<semaphore_mem>>)
        %dma_start3A_111 = arith.constant 0 : i32
        %dma_start3A_112 = tpu.memref_slice %arg3[%add3A_35, %dma_start3A_111] : memref<320000x384xf32, #tpu.memory_space<hbm>> -> memref<40x384xf32, #tpu.memory_space<hbm>>
        %dma_start3A_113 = arith.constant 0 : i32
        %dma_start3A_114 = tpu.memref_slice %arg3[%add3A_35, %dma_start3A_113] : memref<320000x384xf32, #tpu.memory_space<hbm>> -> memref<40x384xf32, #tpu.memory_space<hbm>>
        tpu.enqueue_dma source(%dma_start3A_114 : memref<40x384xf32, #tpu.memory_space<hbm>>) target(%run_scoped3A_16 : memref<40x384xf32, #tpu.memory_space<vmem>>) target_semaphore(%arg25 : memref<!tpu.dma_semaphore, #tpu.memory_space<semaphore_mem>>)
        %dma_start3A_115 = tpu.memref_slice %arg8[%min3A] : memref<320000xi32, #tpu.memory_space<hbm>> -> memref<40xi32, #tpu.memory_space<hbm>>
        %dma_start3A_116 = tpu.memref_slice %arg8[%min3A] : memref<320000xi32, #tpu.memory_space<hbm>> -> memref<40xi32, #tpu.memory_space<hbm>>
        tpu.enqueue_dma source(%dma_start3A_116 : memref<40xi32, #tpu.memory_space<hbm>>) target(%arg16 : memref<40xi32, #tpu.memory_space<vmem>>) target_semaphore(%arg28 : memref<!tpu.dma_semaphore, #tpu.memory_space<semaphore_mem>>)
        %dma_start3A_117 = tpu.memref_slice %arg7[%min3A] : memref<320000xi32, #tpu.memory_space<hbm>> -> memref<40xi32, #tpu.memory_space<hbm>>
        %dma_start3A_118 = tpu.memref_slice %arg7[%min3A] : memref<320000xi32, #tpu.memory_space<hbm>> -> memref<40xi32, #tpu.memory_space<hbm>>
        tpu.enqueue_dma source(%dma_start3A_118 : memref<40xi32, #tpu.memory_space<hbm>>) target(%arg17 : memref<40xi32, #tpu.memory_space<vmem>>) target_semaphore(%arg28 : memref<!tpu.dma_semaphore, #tpu.memory_space<semaphore_mem>>)
        %dma_wait3A_119 = arith.constant 0 : i32
        %dma_wait3A_120 = arith.constant 0 : i32
        %dma_wait3A_121 = tpu.memref_slice %arg2[%dma_wait3A_119, %dma_wait3A_120] : memref<10000x384xf32, #tpu.memory_space<hbm>> -> memref<10000x384xf32, #tpu.memory_space<hbm>>
        tpu.wait_indirect_dma semaphore(%arg24 : memref<!tpu.dma_semaphore, #tpu.memory_space<semaphore_mem>>) src(%dma_wait3A_121 : memref<10000x384xf32, #tpu.memory_space<hbm>>) dst(%run_scoped3A : memref<40x384xf32, #tpu.memory_space<vmem>>)
        %dma_wait3A_122 = arith.constant 0 : i32
        %dma_wait3A_123 = tpu.memref_slice %arg3[%add3A_35, %dma_wait3A_122] : memref<320000x384xf32, #tpu.memory_space<hbm>> -> memref<40x384xf32, #tpu.memory_space<hbm>>
        %dma_wait3A_124 = arith.constant 0 : i32
        %dma_wait3A_125 = tpu.memref_slice %arg3[%add3A_35, %dma_wait3A_124] : memref<320000x384xf32, #tpu.memory_space<hbm>> -> memref<40x384xf32, #tpu.memory_space<hbm>>
        tpu.wait_dma2 semaphore(%arg25 : memref<!tpu.dma_semaphore, #tpu.memory_space<semaphore_mem>>) src(%dma_wait3A_125 : memref<40x384xf32, #tpu.memory_space<hbm>>) dst(%run_scoped3A_16 : memref<40x384xf32, #tpu.memory_space<vmem>>)
        %scan3A_126 = arith.constant 0 : i32
        %scan3A_127 = arith.constant 40 : i32
        %scan3A_128 = arith.addi %scan3A_126, %scan3A_127 : i32
        %scan3A_129 = arith.constant 1 : i32
        scf.for %scan3A_175 = %scan3A_126 to %scan3A_128 step %scan3A_129  : i32 {
          %mul3A_176 = arith.constant 1 : i32
          %mul3A_177 = arith.muli %scan3A_175, %mul3A_176 : i32
          %add3A_178 = arith.constant 0 : i32
          %add3A_179 = arith.addi %add3A_178, %mul3A_177 : i32
          %get3A = arith.index_cast %add3A_179 : i32 to index
          %get3A_180 = arith.constant 0 : index
          %get3A_181 = tpu.vector_load %run_scoped3A_16[%get3A, %get3A_180] {strides = array<i32>} : memref<40x384xf32, #tpu.memory_space<vmem>>, vector<16xf32>,
          %get3A_182 = arith.index_cast %add3A_179 : i32 to index
          %get3A_183 = arith.constant 0 : index
          %get3A_184 = tpu.vector_load %run_scoped3A[%get3A_182, %get3A_183] {strides = array<i32>} : memref<40x384xf32, #tpu.memory_space<vmem>>, vector<16xf32>,
          %mul3A_185 = arith.mulf %get3A_181, %get3A_184 : vector<16xf32>
          %swap3A = arith.index_cast %add3A_179 : i32 to index
          %swap3A_186 = arith.constant 0 : index
          %swap3A_187 = tpu.vector_load %arg20[%swap3A, %swap3A_186] {strides = array<i32>} : memref<40x128xf32, #tpu.memory_space<vmem>>, vector<16xf32>,
          tpu.vector_store %arg20[%swap3A, %swap3A_186], %mul3A_185 {strides = array<i32>} : memref<40x128xf32, #tpu.memory_space<vmem>>, vector<16xf32>,
          %get3A_188 = arith.index_cast %add3A_179 : i32 to index
          %get3A_189 = arith.constant 128 : index
          %get3A_190 = tpu.vector_load %run_scoped3A_16[%get3A_188, %get3A_189] {strides = array<i32>} : memref<40x384xf32, #tpu.memory_space<vmem>>, vector<16xf32>,
          %get3A_191 = arith.index_cast %add3A_179 : i32 to index
          %get3A_192 = arith.constant 128 : index
          %get3A_193 = tpu.vector_load %run_scoped3A[%get3A_191, %get3A_192] {strides = array<i32>} : memref<40x384xf32, #tpu.memory_space<vmem>>, vector<16xf32>,
          %mul3A_194 = arith.mulf %get3A_190, %get3A_193 : vector<16xf32>
          %swap3A_195 = arith.index_cast %add3A_179 : i32 to index
          %swap3A_196 = arith.constant 128 : index
          %swap3A_197 = tpu.vector_load %run_scoped3A[%swap3A_195, %swap3A_196] {strides = array<i32>} : memref<40x384xf32, #tpu.memory_space<vmem>>, vector<16xf32>,
          tpu.vector_store %run_scoped3A[%swap3A_195, %swap3A_196], %mul3A_194 {strides = array<i32>} : memref<40x384xf32, #tpu.memory_space<vmem>>, vector<16xf32>,
          %get3A_198 = arith.index_cast %add3A_179 : i32 to index
          %get3A_199 = arith.constant 256 : index
          %get3A_200 = tpu.vector_load %run_scoped3A_16[%get3A_198, %get3A_199] {strides = array<i32>} : memref<40x384xf32, #tpu.memory_space<vmem>>, vector<16xf32>,
          %get3A_201 = arith.index_cast %add3A_179 : i32 to index
          %get3A_202 = arith.constant 256 : index
          %get3A_203 = tpu.vector_load %run_scoped3A[%get3A_201, %get3A_202] {strides = array<i32>} : memref<40x384xf32, #tpu.memory_space<vmem>>, vector<16xf32>,
          %mul3A_204 = arith.mulf %get3A_200, %get3A_203 : vector<16xf32>
          %swap3A_205 = arith.index_cast %add3A_179 : i32 to index
          %swap3A_206 = arith.constant 256 : index
          %swap3A_207 = tpu.vector_load %run_scoped3A[%swap3A_205, %swap3A_206] {strides = array<i32>} : memref<40x384xf32, #tpu.memory_space<vmem>>, vector<16xf32>,
          tpu.vector_store %run_scoped3A[%swap3A_205, %swap3A_206], %mul3A_204 {strides = array<i32>} : memref<40x384xf32, #tpu.memory_space<vmem>>, vector<16xf32>,
          %get3A_208 = arith.index_cast %add3A_179 : i32 to index
          %get3A_209 = arith.constant 16 : index
          %get3A_210 = tpu.vector_load %run_scoped3A_16[%get3A_208, %get3A_209] {strides = array<i32>} : memref<40x384xf32, #tpu.memory_space<vmem>>, vector<16xf32>,
          %get3A_211 = arith.index_cast %add3A_179 : i32 to index
          %get3A_212 = arith.constant 16 : index
          %get3A_213 = tpu.vector_load %run_scoped3A[%get3A_211, %get3A_212] {strides = array<i32>} : memref<40x384xf32, #tpu.memory_space<vmem>>, vector<16xf32>,
          %mul3A_214 = arith.mulf %get3A_210, %get3A_213 : vector<16xf32>
          %swap3A_215 = arith.index_cast %add3A_179 : i32 to index
          %swap3A_216 = arith.constant 16 : index
          %swap3A_217 = tpu.vector_load %arg20[%swap3A_215, %swap3A_216] {strides = array<i32>} : memref<40x128xf32, #tpu.memory_space<vmem>>, vector<16xf32>,
          tpu.vector_store %arg20[%swap3A_215, %swap3A_216], %mul3A_214 {strides = array<i32>} : memref<40x128xf32, #tpu.memory_space<vmem>>, vector<16xf32>,
          %get3A_218 = arith.index_cast %add3A_179 : i32 to index
          %get3A_219 = arith.constant 144 : index
          %get3A_220 = tpu.vector_load %run_scoped3A_16[%get3A_218, %get3A_219] {strides = array<i32>} : memref<40x384xf32, #tpu.memory_space<vmem>>, vector<16xf32>,
          %get3A_221 = arith.index_cast %add3A_179 : i32 to index
          %get3A_222 = arith.constant 144 : index
          %get3A_223 = tpu.vector_load %run_scoped3A[%get3A_221, %get3A_222] {strides = array<i32>} : memref<40x384xf32, #tpu.memory_space<vmem>>, vector<16xf32>,
          %mul3A_224 = arith.mulf %get3A_220, %get3A_223 : vector<16xf32>
          %swap3A_225 = arith.index_cast %add3A_179 : i32 to index
          %swap3A_226 = arith.constant 144 : index
          %swap3A_227 = tpu.vector_load %run_scoped3A[%swap3A_225, %swap3A_226] {strides = array<i32>} : memref<40x384xf32, #tpu.memory_space<vmem>>, vector<16xf32>,
          tpu.vector_store %run_scoped3A[%swap3A_225, %swap3A_226], %mul3A_224 {strides = array<i32>} : memref<40x384xf32, #tpu.memory_space<vmem>>, vector<16xf32>,
          %get3A_228 = arith.index_cast %add3A_179 : i32 to index
          %get3A_229 = arith.constant 272 : index
          %get3A_230 = tpu.vector_load %run_scoped3A_16[%get3A_228, %get3A_229] {strides = array<i32>} : memref<40x384xf32, #tpu.memory_space<vmem>>, vector<16xf32>,
          %get3A_231 = arith.index_cast %add3A_179 : i32 to index
          %get3A_232 = arith.constant 272 : index
          %get3A_233 = tpu.vector_load %run_scoped3A[%get3A_231, %get3A_232] {strides = array<i32>} : memref<40x384xf32, #tpu.memory_space<vmem>>, vector<16xf32>,
          %mul3A_234 = arith.mulf %get3A_230, %get3A_233 : vector<16xf32>
          %swap3A_235 = arith.index_cast %add3A_179 : i32 to index
          %swap3A_236 = arith.constant 272 : index
          %swap3A_237 = tpu.vector_load %run_scoped3A[%swap3A_235, %swap3A_236] {strides = array<i32>} : memref<40x384xf32, #tpu.memory_space<vmem>>, vector<16xf32>,
          tpu.vector_store %run_scoped3A[%swap3A_235, %swap3A_236], %mul3A_234 {strides = array<i32>} : memref<40x384xf32, #tpu.memory_space<vmem>>, vector<16xf32>,
          %get3A_238 = arith.index_cast %add3A_179 : i32 to index
          %get3A_239 = arith.constant 32 : index
          %get3A_240 = tpu.vector_load %run_scoped3A_16[%get3A_238, %get3A_239] {strides = array<i32>} : memref<40x384xf32, #tpu.memory_space<vmem>>, vector<16xf32>,
          %get3A_241 = arith.index_cast %add3A_179 : i32 to index
          %get3A_242 = arith.constant 32 : index
          %get3A_243 = tpu.vector_load %run_scoped3A[%get3A_241, %get3A_242] {strides = array<i32>} : memref<40x384xf32, #tpu.memory_space<vmem>>, vector<16xf32>,
          %mul3A_244 = arith.mulf %get3A_240, %get3A_243 : vector<16xf32>
          %swap3A_245 = arith.index_cast %add3A_179 : i32 to index
          %swap3A_246 = arith.constant 32 : index
          %swap3A_247 = tpu.vector_load %arg20[%swap3A_245, %swap3A_246] {strides = array<i32>} : memref<40x128xf32, #tpu.memory_space<vmem>>, vector<16xf32>,
          tpu.vector_store %arg20[%swap3A_245, %swap3A_246], %mul3A_244 {strides = array<i32>} : memref<40x128xf32, #tpu.memory_space<vmem>>, vector<16xf32>,
          %get3A_248 = arith.index_cast %add3A_179 : i32 to index
          %get3A_249 = arith.constant 160 : index
          %get3A_250 = tpu.vector_load %run_scoped3A_16[%get3A_248, %get3A_249] {strides = array<i32>} : memref<40x384xf32, #tpu.memory_space<vmem>>, vector<16xf32>,
          %get3A_251 = arith.index_cast %add3A_179 : i32 to index
          %get3A_252 = arith.constant 160 : index
          %get3A_253 = tpu.vector_load %run_scoped3A[%get3A_251, %get3A_252] {strides = array<i32>} : memref<40x384xf32, #tpu.memory_space<vmem>>, vector<16xf32>,
          %mul3A_254 = arith.mulf %get3A_250, %get3A_253 : vector<16xf32>
          %swap3A_255 = arith.index_cast %add3A_179 : i32 to index
          %swap3A_256 = arith.constant 160 : index
          %swap3A_257 = tpu.vector_load %run_scoped3A[%swap3A_255, %swap3A_256] {strides = array<i32>} : memref<40x384xf32, #tpu.memory_space<vmem>>, vector<16xf32>,
          tpu.vector_store %run_scoped3A[%swap3A_255, %swap3A_256], %mul3A_254 {strides = array<i32>} : memref<40x384xf32, #tpu.memory_space<vmem>>, vector<16xf32>,
          %get3A_258 = arith.index_cast %add3A_179 : i32 to index
          %get3A_259 = arith.constant 288 : index
          %get3A_260 = tpu.vector_load %run_scoped3A_16[%get3A_258, %get3A_259] {strides = array<i32>} : memref<40x384xf32, #tpu.memory_space<vmem>>, vector<16xf32>,
          %get3A_261 = arith.index_cast %add3A_179 : i32 to index
          %get3A_262 = arith.constant 288 : index
          %get3A_263 = tpu.vector_load %run_scoped3A[%get3A_261, %get3A_262] {strides = array<i32>} : memref<40x384xf32, #tpu.memory_space<vmem>>, vector<16xf32>,
          %mul3A_264 = arith.mulf %get3A_260, %get3A_263 : vector<16xf32>
          %swap3A_265 = arith.index_cast %add3A_179 : i32 to index
          %swap3A_266 = arith.constant 288 : index
          %swap3A_267 = tpu.vector_load %run_scoped3A[%swap3A_265, %swap3A_266] {strides = array<i32>} : memref<40x384xf32, #tpu.memory_space<vmem>>, vector<16xf32>,
          tpu.vector_store %run_scoped3A[%swap3A_265, %swap3A_266], %mul3A_264 {strides = array<i32>} : memref<40x384xf32, #tpu.memory_space<vmem>>, vector<16xf32>,
          %get3A_268 = arith.index_cast %add3A_179 : i32 to index
          %get3A_269 = arith.constant 48 : index
          %get3A_270 = tpu.vector_load %run_scoped3A_16[%get3A_268, %get3A_269] {strides = array<i32>} : memref<40x384xf32, #tpu.memory_space<vmem>>, vector<16xf32>,
          %get3A_271 = arith.index_cast %add3A_179 : i32 to index
          %get3A_272 = arith.constant 48 : index
          %get3A_273 = tpu.vector_load %run_scoped3A[%get3A_271, %get3A_272] {strides = array<i32>} : memref<40x384xf32, #tpu.memory_space<vmem>>, vector<16xf32>,
          %mul3A_274 = arith.mulf %get3A_270, %get3A_273 : vector<16xf32>
          %swap3A_275 = arith.index_cast %add3A_179 : i32 to index
          %swap3A_276 = arith.constant 48 : index
          %swap3A_277 = tpu.vector_load %arg20[%swap3A_275, %swap3A_276] {strides = array<i32>} : memref<40x128xf32, #tpu.memory_space<vmem>>, vector<16xf32>,
          tpu.vector_store %arg20[%swap3A_275, %swap3A_276], %mul3A_274 {strides = array<i32>} : memref<40x128xf32, #tpu.memory_space<vmem>>, vector<16xf32>,
          %get3A_278 = arith.index_cast %add3A_179 : i32 to index
          %get3A_279 = arith.constant 176 : index
          %get3A_280 = tpu.vector_load %run_scoped3A_16[%get3A_278, %get3A_279] {strides = array<i32>} : memref<40x384xf32, #tpu.memory_space<vmem>>, vector<16xf32>,
          %get3A_281 = arith.index_cast %add3A_179 : i32 to index
          %get3A_282 = arith.constant 176 : index
          %get3A_283 = tpu.vector_load %run_scoped3A[%get3A_281, %get3A_282] {strides = array<i32>} : memref<40x384xf32, #tpu.memory_space<vmem>>, vector<16xf32>,
          %mul3A_284 = arith.mulf %get3A_280, %get3A_283 : vector<16xf32>
          %swap3A_285 = arith.index_cast %add3A_179 : i32 to index
          %swap3A_286 = arith.constant 176 : index
          %swap3A_287 = tpu.vector_load %run_scoped3A[%swap3A_285, %swap3A_286] {strides = array<i32>} : memref<40x384xf32, #tpu.memory_space<vmem>>, vector<16xf32>,
          tpu.vector_store %run_scoped3A[%swap3A_285, %swap3A_286], %mul3A_284 {strides = array<i32>} : memref<40x384xf32, #tpu.memory_space<vmem>>, vector<16xf32>,
          %get3A_288 = arith.index_cast %add3A_179 : i32 to index
          %get3A_289 = arith.constant 304 : index
          %get3A_290 = tpu.vector_load %run_scoped3A_16[%get3A_288, %get3A_289] {strides = array<i32>} : memref<40x384xf32, #tpu.memory_space<vmem>>, vector<16xf32>,
          %get3A_291 = arith.index_cast %add3A_179 : i32 to index
          %get3A_292 = arith.constant 304 : index
          %get3A_293 = tpu.vector_load %run_scoped3A[%get3A_291, %get3A_292] {strides = array<i32>} : memref<40x384xf32, #tpu.memory_space<vmem>>, vector<16xf32>,
          %mul3A_294 = arith.mulf %get3A_290, %get3A_293 : vector<16xf32>
          %swap3A_295 = arith.index_cast %add3A_179 : i32 to index
          %swap3A_296 = arith.constant 304 : index
          %swap3A_297 = tpu.vector_load %run_scoped3A[%swap3A_295, %swap3A_296] {strides = array<i32>} : memref<40x384xf32, #tpu.memory_space<vmem>>, vector<16xf32>,
          tpu.vector_store %run_scoped3A[%swap3A_295, %swap3A_296], %mul3A_294 {strides = array<i32>} : memref<40x384xf32, #tpu.memory_space<vmem>>, vector<16xf32>,
          %get3A_298 = arith.index_cast %add3A_179 : i32 to index
          %get3A_299 = arith.constant 64 : index
          %get3A_300 = tpu.vector_load %run_scoped3A_16[%get3A_298, %get3A_299] {strides = array<i32>} : memref<40x384xf32, #tpu.memory_space<vmem>>, vector<16xf32>,
          %get3A_301 = arith.index_cast %add3A_179 : i32 to index
          %get3A_302 = arith.constant 64 : index
          %get3A_303 = tpu.vector_load %run_scoped3A[%get3A_301, %get3A_302] {strides = array<i32>} : memref<40x384xf32, #tpu.memory_space<vmem>>, vector<16xf32>,
          %mul3A_304 = arith.mulf %get3A_300, %get3A_303 : vector<16xf32>
          %swap3A_305 = arith.index_cast %add3A_179 : i32 to index
          %swap3A_306 = arith.constant 64 : index
          %swap3A_307 = tpu.vector_load %arg20[%swap3A_305, %swap3A_306] {strides = array<i32>} : memref<40x128xf32, #tpu.memory_space<vmem>>, vector<16xf32>,
          tpu.vector_store %arg20[%swap3A_305, %swap3A_306], %mul3A_304 {strides = array<i32>} : memref<40x128xf32, #tpu.memory_space<vmem>>, vector<16xf32>,
          %get3A_308 = arith.index_cast %add3A_179 : i32 to index
          %get3A_309 = arith.constant 192 : index
          %get3A_310 = tpu.vector_load %run_scoped3A_16[%get3A_308, %get3A_309] {strides = array<i32>} : memref<40x384xf32, #tpu.memory_space<vmem>>, vector<16xf32>,
          %get3A_311 = arith.index_cast %add3A_179 : i32 to index
          %get3A_312 = arith.constant 192 : index
          %get3A_313 = tpu.vector_load %run_scoped3A[%get3A_311, %get3A_312] {strides = array<i32>} : memref<40x384xf32, #tpu.memory_space<vmem>>, vector<16xf32>,
          %mul3A_314 = arith.mulf %get3A_310, %get3A_313 : vector<16xf32>
          %swap3A_315 = arith.index_cast %add3A_179 : i32 to index
          %swap3A_316 = arith.constant 192 : index
          %swap3A_317 = tpu.vector_load %run_scoped3A[%swap3A_315, %swap3A_316] {strides = array<i32>} : memref<40x384xf32, #tpu.memory_space<vmem>>, vector<16xf32>,
          tpu.vector_store %run_scoped3A[%swap3A_315, %swap3A_316], %mul3A_314 {strides = array<i32>} : memref<40x384xf32, #tpu.memory_space<vmem>>, vector<16xf32>,
          %get3A_318 = arith.index_cast %add3A_179 : i32 to index
          %get3A_319 = arith.constant 320 : index
          %get3A_320 = tpu.vector_load %run_scoped3A_16[%get3A_318, %get3A_319] {strides = array<i32>} : memref<40x384xf32, #tpu.memory_space<vmem>>, vector<16xf32>,
          %get3A_321 = arith.index_cast %add3A_179 : i32 to index
          %get3A_322 = arith.constant 320 : index
          %get3A_323 = tpu.vector_load %run_scoped3A[%get3A_321, %get3A_322] {strides = array<i32>} : memref<40x384xf32, #tpu.memory_space<vmem>>, vector<16xf32>,
          %mul3A_324 = arith.mulf %get3A_320, %get3A_323 : vector<16xf32>
          %swap3A_325 = arith.index_cast %add3A_179 : i32 to index
          %swap3A_326 = arith.constant 320 : index
          %swap3A_327 = tpu.vector_load %run_scoped3A[%swap3A_325, %swap3A_326] {strides = array<i32>} : memref<40x384xf32, #tpu.memory_space<vmem>>, vector<16xf32>,
          tpu.vector_store %run_scoped3A[%swap3A_325, %swap3A_326], %mul3A_324 {strides = array<i32>} : memref<40x384xf32, #tpu.memory_space<vmem>>, vector<16xf32>,
          %get3A_328 = arith.index_cast %add3A_179 : i32 to index
          %get3A_329 = arith.constant 80 : index
          %get3A_330 = tpu.vector_load %run_scoped3A_16[%get3A_328, %get3A_329] {strides = array<i32>} : memref<40x384xf32, #tpu.memory_space<vmem>>, vector<16xf32>,
          %get3A_331 = arith.index_cast %add3A_179 : i32 to index
          %get3A_332 = arith.constant 80 : index
          %get3A_333 = tpu.vector_load %run_scoped3A[%get3A_331, %get3A_332] {strides = array<i32>} : memref<40x384xf32, #tpu.memory_space<vmem>>, vector<16xf32>,
          %mul3A_334 = arith.mulf %get3A_330, %get3A_333 : vector<16xf32>
          %swap3A_335 = arith.index_cast %add3A_179 : i32 to index
          %swap3A_336 = arith.constant 80 : index
          %swap3A_337 = tpu.vector_load %arg20[%swap3A_335, %swap3A_336] {strides = array<i32>} : memref<40x128xf32, #tpu.memory_space<vmem>>, vector<16xf32>,
          tpu.vector_store %arg20[%swap3A_335, %swap3A_336], %mul3A_334 {strides = array<i32>} : memref<40x128xf32, #tpu.memory_space<vmem>>, vector<16xf32>,
          %get3A_338 = arith.index_cast %add3A_179 : i32 to index
          %get3A_339 = arith.constant 208 : index
          %get3A_340 = tpu.vector_load %run_scoped3A_16[%get3A_338, %get3A_339] {strides = array<i32>} : memref<40x384xf32, #tpu.memory_space<vmem>>, vector<16xf32>,
          %get3A_341 = arith.index_cast %add3A_179 : i32 to index
          %get3A_342 = arith.constant 208 : index
          %get3A_343 = tpu.vector_load %run_scoped3A[%get3A_341, %get3A_342] {strides = array<i32>} : memref<40x384xf32, #tpu.memory_space<vmem>>, vector<16xf32>,
          %mul3A_344 = arith.mulf %get3A_340, %get3A_343 : vector<16xf32>
          %swap3A_345 = arith.index_cast %add3A_179 : i32 to index
          %swap3A_346 = arith.constant 208 : index
          %swap3A_347 = tpu.vector_load %run_scoped3A[%swap3A_345, %swap3A_346] {strides = array<i32>} : memref<40x384xf32, #tpu.memory_space<vmem>>, vector<16xf32>,
          tpu.vector_store %run_scoped3A[%swap3A_345, %swap3A_346], %mul3A_344 {strides = array<i32>} : memref<40x384xf32, #tpu.memory_space<vmem>>, vector<16xf32>,
          %get3A_348 = arith.index_cast %add3A_179 : i32 to index
          %get3A_349 = arith.constant 336 : index
          %get3A_350 = tpu.vector_load %run_scoped3A_16[%get3A_348, %get3A_349] {strides = array<i32>} : memref<40x384xf32, #tpu.memory_space<vmem>>, vector<16xf32>,
          %get3A_351 = arith.index_cast %add3A_179 : i32 to index
          %get3A_352 = arith.constant 336 : index
          %get3A_353 = tpu.vector_load %run_scoped3A[%get3A_351, %get3A_352] {strides = array<i32>} : memref<40x384xf32, #tpu.memory_space<vmem>>, vector<16xf32>,
          %mul3A_354 = arith.mulf %get3A_350, %get3A_353 : vector<16xf32>
          %swap3A_355 = arith.index_cast %add3A_179 : i32 to index
          %swap3A_356 = arith.constant 336 : index
          %swap3A_357 = tpu.vector_load %run_scoped3A[%swap3A_355, %swap3A_356] {strides = array<i32>} : memref<40x384xf32, #tpu.memory_space<vmem>>, vector<16xf32>,
          tpu.vector_store %run_scoped3A[%swap3A_355, %swap3A_356], %mul3A_354 {strides = array<i32>} : memref<40x384xf32, #tpu.memory_space<vmem>>, vector<16xf32>,
          %get3A_358 = arith.index_cast %add3A_179 : i32 to index
          %get3A_359 = arith.constant 96 : index
          %get3A_360 = tpu.vector_load %run_scoped3A_16[%get3A_358, %get3A_359] {strides = array<i32>} : memref<40x384xf32, #tpu.memory_space<vmem>>, vector<16xf32>,
          %get3A_361 = arith.index_cast %add3A_179 : i32 to index
          %get3A_362 = arith.constant 96 : index
          %get3A_363 = tpu.vector_load %run_scoped3A[%get3A_361, %get3A_362] {strides = array<i32>} : memref<40x384xf32, #tpu.memory_space<vmem>>, vector<16xf32>,
          %mul3A_364 = arith.mulf %get3A_360, %get3A_363 : vector<16xf32>
          %swap3A_365 = arith.index_cast %add3A_179 : i32 to index
          %swap3A_366 = arith.constant 96 : index
          %swap3A_367 = tpu.vector_load %arg20[%swap3A_365, %swap3A_366] {strides = array<i32>} : memref<40x128xf32, #tpu.memory_space<vmem>>, vector<16xf32>,
          tpu.vector_store %arg20[%swap3A_365, %swap3A_366], %mul3A_364 {strides = array<i32>} : memref<40x128xf32, #tpu.memory_space<vmem>>, vector<16xf32>,
          %get3A_368 = arith.index_cast %add3A_179 : i32 to index
          %get3A_369 = arith.constant 224 : index
          %get3A_370 = tpu.vector_load %run_scoped3A_16[%get3A_368, %get3A_369] {strides = array<i32>} : memref<40x384xf32, #tpu.memory_space<vmem>>, vector<16xf32>,
          %get3A_371 = arith.index_cast %add3A_179 : i32 to index
          %get3A_372 = arith.constant 224 : index
          %get3A_373 = tpu.vector_load %run_scoped3A[%get3A_371, %get3A_372] {strides = array<i32>} : memref<40x384xf32, #tpu.memory_space<vmem>>, vector<16xf32>,
          %mul3A_374 = arith.mulf %get3A_370, %get3A_373 : vector<16xf32>
          %swap3A_375 = arith.index_cast %add3A_179 : i32 to index
          %swap3A_376 = arith.constant 224 : index
          %swap3A_377 = tpu.vector_load %run_scoped3A[%swap3A_375, %swap3A_376] {strides = array<i32>} : memref<40x384xf32, #tpu.memory_space<vmem>>, vector<16xf32>,
          tpu.vector_store %run_scoped3A[%swap3A_375, %swap3A_376], %mul3A_374 {strides = array<i32>} : memref<40x384xf32, #tpu.memory_space<vmem>>, vector<16xf32>,
          %get3A_378 = arith.index_cast %add3A_179 : i32 to index
          %get3A_379 = arith.constant 352 : index
          %get3A_380 = tpu.vector_load %run_scoped3A_16[%get3A_378, %get3A_379] {strides = array<i32>} : memref<40x384xf32, #tpu.memory_space<vmem>>, vector<16xf32>,
          %get3A_381 = arith.index_cast %add3A_179 : i32 to index
          %get3A_382 = arith.constant 352 : index
          %get3A_383 = tpu.vector_load %run_scoped3A[%get3A_381, %get3A_382] {strides = array<i32>} : memref<40x384xf32, #tpu.memory_space<vmem>>, vector<16xf32>,
          %mul3A_384 = arith.mulf %get3A_380, %get3A_383 : vector<16xf32>
          %swap3A_385 = arith.index_cast %add3A_179 : i32 to index
          %swap3A_386 = arith.constant 352 : index
          %swap3A_387 = tpu.vector_load %run_scoped3A[%swap3A_385, %swap3A_386] {strides = array<i32>} : memref<40x384xf32, #tpu.memory_space<vmem>>, vector<16xf32>,
          tpu.vector_store %run_scoped3A[%swap3A_385, %swap3A_386], %mul3A_384 {strides = array<i32>} : memref<40x384xf32, #tpu.memory_space<vmem>>, vector<16xf32>,
          %get3A_388 = arith.index_cast %add3A_179 : i32 to index
          %get3A_389 = arith.constant 112 : index
          %get3A_390 = tpu.vector_load %run_scoped3A_16[%get3A_388, %get3A_389] {strides = array<i32>} : memref<40x384xf32, #tpu.memory_space<vmem>>, vector<16xf32>,
          %get3A_391 = arith.index_cast %add3A_179 : i32 to index
          %get3A_392 = arith.constant 112 : index
          %get3A_393 = tpu.vector_load %run_scoped3A[%get3A_391, %get3A_392] {strides = array<i32>} : memref<40x384xf32, #tpu.memory_space<vmem>>, vector<16xf32>,
          %mul3A_394 = arith.mulf %get3A_390, %get3A_393 : vector<16xf32>
          %swap3A_395 = arith.index_cast %add3A_179 : i32 to index
          %swap3A_396 = arith.constant 112 : index
          %swap3A_397 = tpu.vector_load %arg20[%swap3A_395, %swap3A_396] {strides = array<i32>} : memref<40x128xf32, #tpu.memory_space<vmem>>, vector<16xf32>,
          tpu.vector_store %arg20[%swap3A_395, %swap3A_396], %mul3A_394 {strides = array<i32>} : memref<40x128xf32, #tpu.memory_space<vmem>>, vector<16xf32>,
          %get3A_398 = arith.index_cast %add3A_179 : i32 to index
          %get3A_399 = arith.constant 240 : index
          %get3A_400 = tpu.vector_load %run_scoped3A_16[%get3A_398, %get3A_399] {strides = array<i32>} : memref<40x384xf32, #tpu.memory_space<vmem>>, vector<16xf32>,
          %get3A_401 = arith.index_cast %add3A_179 : i32 to index
          %get3A_402 = arith.constant 240 : index
          %get3A_403 = tpu.vector_load %run_scoped3A[%get3A_401, %get3A_402] {strides = array<i32>} : memref<40x384xf32, #tpu.memory_space<vmem>>, vector<16xf32>,
          %mul3A_404 = arith.mulf %get3A_400, %get3A_403 : vector<16xf32>
          %swap3A_405 = arith.index_cast %add3A_179 : i32 to index
          %swap3A_406 = arith.constant 240 : index
          %swap3A_407 = tpu.vector_load %run_scoped3A[%swap3A_405, %swap3A_406] {strides = array<i32>} : memref<40x384xf32, #tpu.memory_space<vmem>>, vector<16xf32>,
          tpu.vector_store %run_scoped3A[%swap3A_405, %swap3A_406], %mul3A_404 {strides = array<i32>} : memref<40x384xf32, #tpu.memory_space<vmem>>, vector<16xf32>,
          %get3A_408 = arith.index_cast %add3A_179 : i32 to index
          %get3A_409 = arith.constant 368 : index
          %get3A_410 = tpu.vector_load %run_scoped3A_16[%get3A_408, %get3A_409] {strides = array<i32>} : memref<40x384xf32, #tpu.memory_space<vmem>>, vector<16xf32>,
          %get3A_411 = arith.index_cast %add3A_179 : i32 to index
          %get3A_412 = arith.constant 368 : index
          %get3A_413 = tpu.vector_load %run_scoped3A[%get3A_411, %get3A_412] {strides = array<i32>} : memref<40x384xf32, #tpu.memory_space<vmem>>, vector<16xf32>,
          %mul3A_414 = arith.mulf %get3A_410, %get3A_413 : vector<16xf32>
          %swap3A_415 = arith.index_cast %add3A_179 : i32 to index
          %swap3A_416 = arith.constant 368 : index
          %swap3A_417 = tpu.vector_load %run_scoped3A[%swap3A_415, %swap3A_416] {strides = array<i32>} : memref<40x384xf32, #tpu.memory_space<vmem>>, vector<16xf32>,
          tpu.vector_store %run_scoped3A[%swap3A_415, %swap3A_416], %mul3A_414 {strides = array<i32>} : memref<40x384xf32, #tpu.memory_space<vmem>>, vector<16xf32>,
        }
        %scan3A_130 = arith.constant 40 : i32
        %dma_start3A_131 = arith.constant 0 : i32
        %dma_start3A_132 = arith.constant 128 : i32
        %dma_start3A_133 = tpu.memref_slice %run_scoped3A[%dma_start3A_131, %dma_start3A_132] : memref<40x384xf32, #tpu.memory_space<vmem>> -> memref<40x128xf32, #tpu.memory_space<vmem>>
        %dma_start3A_134 = arith.constant 0 : i32
        %dma_start3A_135 = tpu.memref_slice %arg14[%add3A_35, %dma_start3A_134] : memref<320000x256xf32, #tpu.memory_space<hbm>> -> memref<40x128xf32, #tpu.memory_space<hbm>>
        %dma_start3A_136 = arith.constant 0 : i32
        %dma_start3A_137 = tpu.memref_slice %arg14[%add3A_35, %dma_start3A_136] : memref<320000x256xf32, #tpu.memory_space<hbm>> -> memref<40x128xf32, #tpu.memory_space<hbm>>
        %dma_start3A_138 = arith.constant 0 : i32
        %dma_start3A_139 = arith.constant 128 : i32
        %dma_start3A_140 = tpu.memref_slice %run_scoped3A[%dma_start3A_138, %dma_start3A_139] : memref<40x384xf32, #tpu.memory_space<vmem>> -> memref<40x128xf32, #tpu.memory_space<vmem>>
        tpu.enqueue_dma source(%dma_start3A_140 : memref<40x128xf32, #tpu.memory_space<vmem>>) target(%dma_start3A_137 : memref<40x128xf32, #tpu.memory_space<hbm>>) target_semaphore(%arg29 : memref<!tpu.dma_semaphore, #tpu.memory_space<semaphore_mem>>)
        %dma_start3A_141 = arith.constant 0 : i32
        %dma_start3A_142 = arith.constant 256 : i32
        %dma_start3A_143 = tpu.memref_slice %run_scoped3A[%dma_start3A_141, %dma_start3A_142] : memref<40x384xf32, #tpu.memory_space<vmem>> -> memref<40x128xf32, #tpu.memory_space<vmem>>
        %dma_start3A_144 = arith.constant 128 : i32
        %dma_start3A_145 = tpu.memref_slice %arg14[%add3A_35, %dma_start3A_144] : memref<320000x256xf32, #tpu.memory_space<hbm>> -> memref<40x128xf32, #tpu.memory_space<hbm>>
        %dma_start3A_146 = arith.constant 128 : i32
        %dma_start3A_147 = tpu.memref_slice %arg14[%add3A_35, %dma_start3A_146] : memref<320000x256xf32, #tpu.memory_space<hbm>> -> memref<40x128xf32, #tpu.memory_space<hbm>>
        %dma_start3A_148 = arith.constant 0 : i32
        %dma_start3A_149 = arith.constant 256 : i32
        %dma_start3A_150 = tpu.memref_slice %run_scoped3A[%dma_start3A_148, %dma_start3A_149] : memref<40x384xf32, #tpu.memory_space<vmem>> -> memref<40x128xf32, #tpu.memory_space<vmem>>
        tpu.enqueue_dma source(%dma_start3A_150 : memref<40x128xf32, #tpu.memory_space<vmem>>) target(%dma_start3A_147 : memref<40x128xf32, #tpu.memory_space<hbm>>) target_semaphore(%arg29 : memref<!tpu.dma_semaphore, #tpu.memory_space<semaphore_mem>>)
        "tpu.region"() ({
          %run_scoped3A_175 = tpu.sem_alloc : memref<!tpu.dma_semaphore, #tpu.memory_space<semaphore_mem>>
          %dma_start3A_176 = arith.constant 0 : i32
          %dma_start3A_177 = arith.constant 0 : i32
          %dma_start3A_178 = tpu.memref_slice %arg15[%dma_start3A_176, %dma_start3A_177] : memref<10000x128xf32, #tpu.memory_space<vmem_shared>> -> memref<10000x128xf32, #tpu.memory_space<vmem_shared>>
          tpu.enqueue_indirect_dma source(%arg20 : memref<40x128xf32, #tpu.memory_space<vmem>>) target(%dma_start3A_178 : memref<10000x128xf32, #tpu.memory_space<vmem_shared>>) offsets(%arg19 : memref<40xi32, #tpu.memory_space<vmem>>) semaphore(%run_scoped3A_175 : memref<!tpu.dma_semaphore, #tpu.memory_space<semaphore_mem>>) {add = true}
          %dma_wait3A_179 = arith.constant 0 : i32
          %dma_wait3A_180 = arith.constant 0 : i32
          %dma_wait3A_181 = tpu.memref_slice %arg15[%dma_wait3A_179, %dma_wait3A_180] : memref<10000x128xf32, #tpu.memory_space<vmem_shared>> -> memref<10000x128xf32, #tpu.memory_space<vmem_shared>>
          tpu.wait_indirect_dma semaphore(%run_scoped3A_175 : memref<!tpu.dma_semaphore, #tpu.memory_space<semaphore_mem>>) src(%arg20 : memref<40x128xf32, #tpu.memory_space<vmem>>) dst(%dma_wait3A_181 : memref<10000x128xf32, #tpu.memory_space<vmem_shared>>)
          tpu.yield
        }) : () -> ()
        %dma_wait3A_151 = tpu.memref_slice %arg8[%min3A] : memref<320000xi32, #tpu.memory_space<hbm>> -> memref<40xi32, #tpu.memory_space<hbm>>
        %dma_wait3A_152 = tpu.memref_slice %arg8[%min3A] : memref<320000xi32, #tpu.memory_space<hbm>> -> memref<40xi32, #tpu.memory_space<hbm>>
        tpu.wait_dma2 semaphore(%arg28 : memref<!tpu.dma_semaphore, #tpu.memory_space<semaphore_mem>>) src(%dma_wait3A_152 : memref<40xi32, #tpu.memory_space<hbm>>) dst(%arg16 : memref<40xi32, #tpu.memory_space<vmem>>)
        %dma_wait3A_153 = tpu.memref_slice %arg7[%min3A] : memref<320000xi32, #tpu.memory_space<hbm>> -> memref<40xi32, #tpu.memory_space<hbm>>
        %dma_wait3A_154 = tpu.memref_slice %arg7[%min3A] : memref<320000xi32, #tpu.memory_space<hbm>> -> memref<40xi32, #tpu.memory_space<hbm>>
        tpu.wait_dma2 semaphore(%arg28 : memref<!tpu.dma_semaphore, #tpu.memory_space<semaphore_mem>>) src(%dma_wait3A_154 : memref<40xi32, #tpu.memory_space<hbm>>) dst(%arg17 : memref<40xi32, #tpu.memory_space<vmem>>)
        %dma_wait3A_155 = arith.constant 0 : i32
        %dma_wait3A_156 = arith.constant 128 : i32
        %dma_wait3A_157 = tpu.memref_slice %run_scoped3A[%dma_wait3A_155, %dma_wait3A_156] : memref<40x384xf32, #tpu.memory_space<vmem>> -> memref<40x128xf32, #tpu.memory_space<vmem>>
        %dma_wait3A_158 = arith.constant 0 : i32
        %dma_wait3A_159 = tpu.memref_slice %arg14[%add3A_35, %dma_wait3A_158] : memref<320000x256xf32, #tpu.memory_space<hbm>> -> memref<40x128xf32, #tpu.memory_space<hbm>>
        %dma_wait3A_160 = arith.constant 0 : i32
        %dma_wait3A_161 = tpu.memref_slice %arg14[%add3A_35, %dma_wait3A_160] : memref<320000x256xf32, #tpu.memory_space<hbm>> -> memref<40x128xf32, #tpu.memory_space<hbm>>
        %dma_wait3A_162 = arith.constant 0 : i32
        %dma_wait3A_163 = arith.constant 128 : i32
        %dma_wait3A_164 = tpu.memref_slice %run_scoped3A[%dma_wait3A_162, %dma_wait3A_163] : memref<40x384xf32, #tpu.memory_space<vmem>> -> memref<40x128xf32, #tpu.memory_space<vmem>>
        tpu.wait_dma2 semaphore(%arg29 : memref<!tpu.dma_semaphore, #tpu.memory_space<semaphore_mem>>) src(%dma_wait3A_164 : memref<40x128xf32, #tpu.memory_space<vmem>>) dst(%dma_wait3A_161 : memref<40x128xf32, #tpu.memory_space<hbm>>)
        %dma_wait3A_165 = arith.constant 0 : i32
        %dma_wait3A_166 = arith.constant 256 : i32
        %dma_wait3A_167 = tpu.memref_slice %run_scoped3A[%dma_wait3A_165, %dma_wait3A_166] : memref<40x384xf32, #tpu.memory_space<vmem>> -> memref<40x128xf32, #tpu.memory_space<vmem>>
        %dma_wait3A_168 = arith.constant 128 : i32
        %dma_wait3A_169 = tpu.memref_slice %arg14[%add3A_35, %dma_wait3A_168] : memref<320000x256xf32, #tpu.memory_space<hbm>> -> memref<40x128xf32, #tpu.memory_space<hbm>>
        %dma_wait3A_170 = arith.constant 128 : i32
        %dma_wait3A_171 = tpu.memref_slice %arg14[%add3A_35, %dma_wait3A_170] : memref<320000x256xf32, #tpu.memory_space<hbm>> -> memref<40x128xf32, #tpu.memory_space<hbm>>
        %dma_wait3A_172 = arith.constant 0 : i32
        %dma_wait3A_173 = arith.constant 256 : i32
        %dma_wait3A_174 = tpu.memref_slice %run_scoped3A[%dma_wait3A_172, %dma_wait3A_173] : memref<40x384xf32, #tpu.memory_space<vmem>> -> memref<40x128xf32, #tpu.memory_space<vmem>>
        tpu.wait_dma2 semaphore(%arg29 : memref<!tpu.dma_semaphore, #tpu.memory_space<semaphore_mem>>) src(%dma_wait3A_174 : memref<40x128xf32, #tpu.memory_space<vmem>>) dst(%dma_wait3A_171 : memref<40x128xf32, #tpu.memory_space<hbm>>)
      }
      %scan3A_27 = arith.constant 125 : i32
      tpu.yield
    }) : () -> ()
    %barrier3A_12 = arith.constant 0 : index
    tpu.barrier barrier_id(%barrier3A_12)
    %eq3A = arith.constant 0 : i32
    %eq3A_13 = arith.cmpi eq, %arg1, %eq3A : i32
    %convert_element_type3A = arith.extui %eq3A_13 : i1 to i32
    %cond3A = arith.constant 0 : i32
    %cond3A_14 = arith.cmpi ne, %convert_element_type3A, %cond3A : i32
    scf.if %cond3A_14 {
      "tpu.region"() ({
        %run_scoped3A = tpu.sem_alloc : memref<!tpu.dma_semaphore, #tpu.memory_space<semaphore_mem>>
        %dma_start3A = arith.constant 0 : i32
        %dma_start3A_16 = arith.constant 0 : i32
        %dma_start3A_17 = tpu.memref_slice %arg12[%arg0, %dma_start3A, %dma_start3A_16] : memref<2x10000x128xf32, #tpu.memory_space<hbm>> -> memref<1x10000x128xf32, #tpu.memory_space<hbm>>
        %dma_start3A_18 = tpu.memref_squeeze %dma_start3A_17 : memref<1x10000x128xf32, #tpu.memory_space<hbm>> -> memref<10000x128xf32, #tpu.memory_space<hbm>>
        tpu.enqueue_dma source(%arg15 : memref<10000x128xf32, #tpu.memory_space<vmem_shared>>) target(%dma_start3A_18 : memref<10000x128xf32, #tpu.memory_space<hbm>>) target_semaphore(%run_scoped3A : memref<!tpu.dma_semaphore, #tpu.memory_space<semaphore_mem>>)
        %dma_wait3A = arith.constant 0 : i32
        %dma_wait3A_19 = arith.constant 0 : i32
        %dma_wait3A_20 = tpu.memref_slice %arg12[%arg0, %dma_wait3A, %dma_wait3A_19] : memref<2x10000x128xf32, #tpu.memory_space<hbm>> -> memref<1x10000x128xf32, #tpu.memory_space<hbm>>
        %dma_wait3A_21 = tpu.memref_squeeze %dma_wait3A_20 : memref<1x10000x128xf32, #tpu.memory_space<hbm>> -> memref<10000x128xf32, #tpu.memory_space<hbm>>
        tpu.wait_dma2 semaphore(%run_scoped3A : memref<!tpu.dma_semaphore, #tpu.memory_space<semaphore_mem>>) src(%arg15 : memref<10000x128xf32, #tpu.memory_space<vmem_shared>>) dst(%dma_wait3A_21 : memref<10000x128xf32, #tpu.memory_space<hbm>>)
        tpu.yield
      }) : () -> ()
    } else {
    }
    %barrier3A_15 = arith.constant 0 : index
    tpu.barrier barrier_id(%barrier3A_15)
    "tpu.region"() ({
      %run_scoped3A = memref.alloca() : memref<40x128xf32, #tpu.memory_space<vmem>>
      %run_scoped3A_16 = memref.alloca() : memref<40x128xf32, #tpu.memory_space<vmem>>
      %run_scoped3A_17 = memref.alloca() : memref<40x128xf32, #tpu.memory_space<vmem>>
      %run_scoped3A_18 = memref.alloca() : memref<40xf32, #tpu.memory_space<vmem>>
      %scan3A_19 = arith.constant 0 : i32
      %scan3A_20 = arith.constant 40 : i32
      %scan3A_21 = arith.addi %scan3A_19, %scan3A_20 : i32
      %scan3A_22 = arith.constant 1 : i32
      scf.for %scan3A_141 = %scan3A_19 to %scan3A_21 step %scan3A_22  : i32 {
        %mul3A_142 = arith.constant 1 : i32
        %mul3A_143 = arith.muli %scan3A_141, %mul3A_142 : i32
        %add3A_144 = arith.constant 0 : i32
        %add3A_145 = arith.addi %add3A_144, %mul3A_143 : i32
        %broadcast_in_dim3A = arith.constant 0.000000e+00 : f32
        %broadcast_in_dim3A_146 = vector.broadcast %broadcast_in_dim3A : f32 to vector<16xf32>
        %swap3A = arith.index_cast %add3A_145 : i32 to index
        %swap3A_147 = arith.constant 0 : index
        %swap3A_148 = tpu.vector_load %arg20[%swap3A, %swap3A_147] {strides = array<i32>} : memref<40x128xf32, #tpu.memory_space<vmem>>, vector<16xf32>,
        tpu.vector_store %arg20[%swap3A, %swap3A_147], %broadcast_in_dim3A_146 {strides = array<i32>} : memref<40x128xf32, #tpu.memory_space<vmem>>, vector<16xf32>,
        %broadcast_in_dim3A_149 = arith.constant 0.000000e+00 : f32
        %broadcast_in_dim3A_150 = vector.broadcast %broadcast_in_dim3A_149 : f32 to vector<16xf32>
        %swap3A_151 = arith.index_cast %add3A_145 : i32 to index
        %swap3A_152 = arith.constant 16 : index
        %swap3A_153 = tpu.vector_load %arg20[%swap3A_151, %swap3A_152] {strides = array<i32>} : memref<40x128xf32, #tpu.memory_space<vmem>>, vector<16xf32>,
        tpu.vector_store %arg20[%swap3A_151, %swap3A_152], %broadcast_in_dim3A_150 {strides = array<i32>} : memref<40x128xf32, #tpu.memory_space<vmem>>, vector<16xf32>,
        %broadcast_in_dim3A_154 = arith.constant 0.000000e+00 : f32
        %broadcast_in_dim3A_155 = vector.broadcast %broadcast_in_dim3A_154 : f32 to vector<16xf32>
        %swap3A_156 = arith.index_cast %add3A_145 : i32 to index
        %swap3A_157 = arith.constant 32 : index
        %swap3A_158 = tpu.vector_load %arg20[%swap3A_156, %swap3A_157] {strides = array<i32>} : memref<40x128xf32, #tpu.memory_space<vmem>>, vector<16xf32>,
        tpu.vector_store %arg20[%swap3A_156, %swap3A_157], %broadcast_in_dim3A_155 {strides = array<i32>} : memref<40x128xf32, #tpu.memory_space<vmem>>, vector<16xf32>,
        %broadcast_in_dim3A_159 = arith.constant 0.000000e+00 : f32
        %broadcast_in_dim3A_160 = vector.broadcast %broadcast_in_dim3A_159 : f32 to vector<16xf32>
        %swap3A_161 = arith.index_cast %add3A_145 : i32 to index
        %swap3A_162 = arith.constant 48 : index
        %swap3A_163 = tpu.vector_load %arg20[%swap3A_161, %swap3A_162] {strides = array<i32>} : memref<40x128xf32, #tpu.memory_space<vmem>>, vector<16xf32>,
        tpu.vector_store %arg20[%swap3A_161, %swap3A_162], %broadcast_in_dim3A_160 {strides = array<i32>} : memref<40x128xf32, #tpu.memory_space<vmem>>, vector<16xf32>,
        %broadcast_in_dim3A_164 = arith.constant 0.000000e+00 : f32
        %broadcast_in_dim3A_165 = vector.broadcast %broadcast_in_dim3A_164 : f32 to vector<16xf32>
        %swap3A_166 = arith.index_cast %add3A_145 : i32 to index
        %swap3A_167 = arith.constant 64 : index
        %swap3A_168 = tpu.vector_load %arg20[%swap3A_166, %swap3A_167] {strides = array<i32>} : memref<40x128xf32, #tpu.memory_space<vmem>>, vector<16xf32>,
        tpu.vector_store %arg20[%swap3A_166, %swap3A_167], %broadcast_in_dim3A_165 {strides = array<i32>} : memref<40x128xf32, #tpu.memory_space<vmem>>, vector<16xf32>,
        %broadcast_in_dim3A_169 = arith.constant 0.000000e+00 : f32
        %broadcast_in_dim3A_170 = vector.broadcast %broadcast_in_dim3A_169 : f32 to vector<16xf32>
        %swap3A_171 = arith.index_cast %add3A_145 : i32 to index
        %swap3A_172 = arith.constant 80 : index
        %swap3A_173 = tpu.vector_load %arg20[%swap3A_171, %swap3A_172] {strides = array<i32>} : memref<40x128xf32, #tpu.memory_space<vmem>>, vector<16xf32>,
        tpu.vector_store %arg20[%swap3A_171, %swap3A_172], %broadcast_in_dim3A_170 {strides = array<i32>} : memref<40x128xf32, #tpu.memory_space<vmem>>, vector<16xf32>,
        %broadcast_in_dim3A_174 = arith.constant 0.000000e+00 : f32
        %broadcast_in_dim3A_175 = vector.broadcast %broadcast_in_dim3A_174 : f32 to vector<16xf32>
        %swap3A_176 = arith.index_cast %add3A_145 : i32 to index
        %swap3A_177 = arith.constant 96 : index
        %swap3A_178 = tpu.vector_load %arg20[%swap3A_176, %swap3A_177] {strides = array<i32>} : memref<40x128xf32, #tpu.memory_space<vmem>>, vector<16xf32>,
        tpu.vector_store %arg20[%swap3A_176, %swap3A_177], %broadcast_in_dim3A_175 {strides = array<i32>} : memref<40x128xf32, #tpu.memory_space<vmem>>, vector<16xf32>,
        %broadcast_in_dim3A_179 = arith.constant 0.000000e+00 : f32
        %broadcast_in_dim3A_180 = vector.broadcast %broadcast_in_dim3A_179 : f32 to vector<16xf32>
        %swap3A_181 = arith.index_cast %add3A_145 : i32 to index
        %swap3A_182 = arith.constant 112 : index
        %swap3A_183 = tpu.vector_load %arg20[%swap3A_181, %swap3A_182] {strides = array<i32>} : memref<40x128xf32, #tpu.memory_space<vmem>>, vector<16xf32>,
        tpu.vector_store %arg20[%swap3A_181, %swap3A_182], %broadcast_in_dim3A_180 {strides = array<i32>} : memref<40x128xf32, #tpu.memory_space<vmem>>, vector<16xf32>,
      }
      %scan3A_23 = arith.constant 40 : i32
      %scan3A_24 = arith.constant 0 : i32
      %scan3A_25 = arith.constant 16 : i32
      %scan3A_26 = arith.addi %scan3A_24, %scan3A_25 : i32
      %scan3A_27 = arith.constant 1 : i32
      scf.for %scan3A_141 = %scan3A_24 to %scan3A_26 step %scan3A_27  : i32 {
        %mul3A_142 = arith.constant 1 : i32
        %mul3A_143 = arith.muli %scan3A_141, %mul3A_142 : i32
        %add3A_144 = arith.constant 0 : i32
        %add3A_145 = arith.addi %add3A_144, %mul3A_143 : i32
        %mul3A_146 = arith.constant 16 : i32
        %mul3A_147 = arith.muli %add3A_145, %mul3A_146 : i32
        %add3A_148 = arith.addi %mul3A_147, %arg1 : i32
        %lt3A = arith.constant 250 : i32
        %lt3A_149 = arith.cmpi slt, %add3A_148, %lt3A : i32
        %convert_element_type3A_150 = arith.extui %lt3A_149 : i1 to i32
        %cond3A_151 = arith.constant 0 : i32
        %cond3A_152 = arith.cmpi ne, %convert_element_type3A_150, %cond3A_151 : i32
        scf.if %cond3A_152 {
          %mul3A_153 = arith.constant 40 : i32
          %mul3A_154 = arith.muli %add3A_148, %mul3A_153 : i32
          "tpu.region"() ({
            %run_scoped3A_155 = tpu.sem_alloc : memref<!tpu.dma_semaphore, #tpu.memory_space<semaphore_mem>>
            %dma_start3A_156 = arith.constant 0 : i32
            %dma_start3A_157 = tpu.memref_slice %arg15[%mul3A_154, %dma_start3A_156] : memref<10000x128xf32, #tpu.memory_space<vmem_shared>> -> memref<40x128xf32, #tpu.memory_space<vmem_shared>>
            %dma_start3A_158 = arith.constant 0 : i32
            %dma_start3A_159 = tpu.memref_slice %arg15[%mul3A_154, %dma_start3A_158] : memref<10000x128xf32, #tpu.memory_space<vmem_shared>> -> memref<40x128xf32, #tpu.memory_space<vmem_shared>>
            tpu.enqueue_dma source(%arg20 : memref<40x128xf32, #tpu.memory_space<vmem>>) target(%dma_start3A_159 : memref<40x128xf32, #tpu.memory_space<vmem_shared>>) target_semaphore(%run_scoped3A_155 : memref<!tpu.dma_semaphore, #tpu.memory_space<semaphore_mem>>)
            %dma_wait3A = arith.constant 0 : i32
            %dma_wait3A_160 = tpu.memref_slice %arg15[%mul3A_154, %dma_wait3A] : memref<10000x128xf32, #tpu.memory_space<vmem_shared>> -> memref<40x128xf32, #tpu.memory_space<vmem_shared>>
            %dma_wait3A_161 = arith.constant 0 : i32
            %dma_wait3A_162 = tpu.memref_slice %arg15[%mul3A_154, %dma_wait3A_161] : memref<10000x128xf32, #tpu.memory_space<vmem_shared>> -> memref<40x128xf32, #tpu.memory_space<vmem_shared>>
            tpu.wait_dma2 semaphore(%run_scoped3A_155 : memref<!tpu.dma_semaphore, #tpu.memory_space<semaphore_mem>>) src(%arg20 : memref<40x128xf32, #tpu.memory_space<vmem>>) dst(%dma_wait3A_162 : memref<40x128xf32, #tpu.memory_space<vmem_shared>>)
            tpu.yield
          }) : () -> ()
        } else {
        }
      }
      %scan3A_28 = arith.constant 16 : i32
      %barrier3A_29 = arith.constant 0 : index
      tpu.barrier barrier_id(%barrier3A_29)
      "tpu.region"() ({
        %run_scoped3A_141 = tpu.sem_alloc : memref<!tpu.dma_semaphore, #tpu.memory_space<semaphore_mem>>
        %dma_start3A_142 = tpu.memref_slice %arg8[%mul3A_2] : memref<320000xi32, #tpu.memory_space<hbm>> -> memref<40xi32, #tpu.memory_space<hbm>>
        %dma_start3A_143 = tpu.memref_slice %arg8[%mul3A_2] : memref<320000xi32, #tpu.memory_space<hbm>> -> memref<40xi32, #tpu.memory_space<hbm>>
        tpu.enqueue_dma source(%dma_start3A_143 : memref<40xi32, #tpu.memory_space<hbm>>) target(%arg16 : memref<40xi32, #tpu.memory_space<vmem>>) target_semaphore(%run_scoped3A_141 : memref<!tpu.dma_semaphore, #tpu.memory_space<semaphore_mem>>)
        %dma_wait3A = tpu.memref_slice %arg8[%mul3A_2] : memref<320000xi32, #tpu.memory_space<hbm>> -> memref<40xi32, #tpu.memory_space<hbm>>
        %dma_wait3A_144 = tpu.memref_slice %arg8[%mul3A_2] : memref<320000xi32, #tpu.memory_space<hbm>> -> memref<40xi32, #tpu.memory_space<hbm>>
        tpu.wait_dma2 semaphore(%run_scoped3A_141 : memref<!tpu.dma_semaphore, #tpu.memory_space<semaphore_mem>>) src(%dma_wait3A_144 : memref<40xi32, #tpu.memory_space<hbm>>) dst(%arg16 : memref<40xi32, #tpu.memory_space<vmem>>)
        tpu.yield
      }) : () -> ()
      "tpu.region"() ({
        %run_scoped3A_141 = tpu.sem_alloc : memref<!tpu.dma_semaphore, #tpu.memory_space<semaphore_mem>>
        %dma_start3A_142 = tpu.memref_slice %arg7[%mul3A_2] : memref<320000xi32, #tpu.memory_space<hbm>> -> memref<40xi32, #tpu.memory_space<hbm>>
        %dma_start3A_143 = tpu.memref_slice %arg7[%mul3A_2] : memref<320000xi32, #tpu.memory_space<hbm>> -> memref<40xi32, #tpu.memory_space<hbm>>
        tpu.enqueue_dma source(%dma_start3A_143 : memref<40xi32, #tpu.memory_space<hbm>>) target(%arg17 : memref<40xi32, #tpu.memory_space<vmem>>) target_semaphore(%run_scoped3A_141 : memref<!tpu.dma_semaphore, #tpu.memory_space<semaphore_mem>>)
        %dma_wait3A = tpu.memref_slice %arg7[%mul3A_2] : memref<320000xi32, #tpu.memory_space<hbm>> -> memref<40xi32, #tpu.memory_space<hbm>>
        %dma_wait3A_144 = tpu.memref_slice %arg7[%mul3A_2] : memref<320000xi32, #tpu.memory_space<hbm>> -> memref<40xi32, #tpu.memory_space<hbm>>
        tpu.wait_dma2 semaphore(%run_scoped3A_141 : memref<!tpu.dma_semaphore, #tpu.memory_space<semaphore_mem>>) src(%dma_wait3A_144 : memref<40xi32, #tpu.memory_space<hbm>>) dst(%arg17 : memref<40xi32, #tpu.memory_space<vmem>>)
        tpu.yield
      }) : () -> ()
      %dma_start3A = arith.constant 0 : i32
      %dma_start3A_30 = arith.constant 0 : i32
      %dma_start3A_31 = tpu.memref_slice %arg4[%dma_start3A, %dma_start3A_30] : memref<10000x128xf32, #tpu.memory_space<hbm>> -> memref<10000x128xf32, #tpu.memory_space<hbm>>
      tpu.enqueue_indirect_dma source(%dma_start3A_31 : memref<10000x128xf32, #tpu.memory_space<hbm>>) target(%arg22 : memref<40x128xf32, #tpu.memory_space<vmem>>) offsets(%arg16 : memref<40xi32, #tpu.memory_space<vmem>>) semaphore(%arg24 : memref<!tpu.dma_semaphore, #tpu.memory_space<semaphore_mem>>)
      %dma_start3A_32 = arith.constant 0 : i32
      %dma_start3A_33 = tpu.memref_slice %arg14[%mul3A_2, %dma_start3A_32] : memref<320000x256xf32, #tpu.memory_space<hbm>> -> memref<40x128xf32, #tpu.memory_space<hbm>>
      %dma_start3A_34 = arith.constant 0 : i32
      %dma_start3A_35 = tpu.memref_slice %arg14[%mul3A_2, %dma_start3A_34] : memref<320000x256xf32, #tpu.memory_space<hbm>> -> memref<40x128xf32, #tpu.memory_space<hbm>>
      tpu.enqueue_dma source(%dma_start3A_35 : memref<40x128xf32, #tpu.memory_space<hbm>>) target(%arg21 : memref<40x128xf32, #tpu.memory_space<vmem>>) target_semaphore(%arg25 : memref<!tpu.dma_semaphore, #tpu.memory_space<semaphore_mem>>)
      %dma_start3A_36 = arith.constant 128 : i32
      %dma_start3A_37 = tpu.memref_slice %arg14[%mul3A_2, %dma_start3A_36] : memref<320000x256xf32, #tpu.memory_space<hbm>> -> memref<40x128xf32, #tpu.memory_space<hbm>>
      %dma_start3A_38 = arith.constant 128 : i32
      %dma_start3A_39 = tpu.memref_slice %arg14[%mul3A_2, %dma_start3A_38] : memref<320000x256xf32, #tpu.memory_space<hbm>> -> memref<40x128xf32, #tpu.memory_space<hbm>>
      tpu.enqueue_dma source(%dma_start3A_39 : memref<40x128xf32, #tpu.memory_space<hbm>>) target(%arg20 : memref<40x128xf32, #tpu.memory_space<vmem>>) target_semaphore(%arg25 : memref<!tpu.dma_semaphore, #tpu.memory_space<semaphore_mem>>)
      %dma_start3A_40 = tpu.memref_slice %arg9[%mul3A_2] : memref<320000xf32, #tpu.memory_space<hbm>> -> memref<40xf32, #tpu.memory_space<hbm>>
      %dma_start3A_41 = tpu.memref_slice %arg9[%mul3A_2] : memref<320000xf32, #tpu.memory_space<hbm>> -> memref<40xf32, #tpu.memory_space<hbm>>
      tpu.enqueue_dma source(%dma_start3A_41 : memref<40xf32, #tpu.memory_space<hbm>>) target(%arg23 : memref<40xf32, #tpu.memory_space<vmem>>) target_semaphore(%arg25 : memref<!tpu.dma_semaphore, #tpu.memory_space<semaphore_mem>>)
      %add3A_42 = arith.constant 40 : i32
      %add3A_43 = arith.addi %mul3A_2, %add3A_42 : i32
      "tpu.region"() ({
        %run_scoped3A_141 = tpu.sem_alloc : memref<!tpu.dma_semaphore, #tpu.memory_space<semaphore_mem>>
        %dma_start3A_142 = tpu.memref_slice %arg8[%add3A_43] : memref<320000xi32, #tpu.memory_space<hbm>> -> memref<40xi32, #tpu.memory_space<hbm>>
        %dma_start3A_143 = tpu.memref_slice %arg8[%add3A_43] : memref<320000xi32, #tpu.memory_space<hbm>> -> memref<40xi32, #tpu.memory_space<hbm>>
        tpu.enqueue_dma source(%dma_start3A_143 : memref<40xi32, #tpu.memory_space<hbm>>) target(%arg18 : memref<40xi32, #tpu.memory_space<vmem>>) target_semaphore(%run_scoped3A_141 : memref<!tpu.dma_semaphore, #tpu.memory_space<semaphore_mem>>)
        %dma_wait3A = tpu.memref_slice %arg8[%add3A_43] : memref<320000xi32, #tpu.memory_space<hbm>> -> memref<40xi32, #tpu.memory_space<hbm>>
        %dma_wait3A_144 = tpu.memref_slice %arg8[%add3A_43] : memref<320000xi32, #tpu.memory_space<hbm>> -> memref<40xi32, #tpu.memory_space<hbm>>
        tpu.wait_dma2 semaphore(%run_scoped3A_141 : memref<!tpu.dma_semaphore, #tpu.memory_space<semaphore_mem>>) src(%dma_wait3A_144 : memref<40xi32, #tpu.memory_space<hbm>>) dst(%arg18 : memref<40xi32, #tpu.memory_space<vmem>>)
        tpu.yield
      }) : () -> ()
      %add3A_44 = arith.constant 40 : i32
      %add3A_45 = arith.addi %mul3A_2, %add3A_44 : i32
      "tpu.region"() ({
        %run_scoped3A_141 = tpu.sem_alloc : memref<!tpu.dma_semaphore, #tpu.memory_space<semaphore_mem>>
        %dma_start3A_142 = tpu.memref_slice %arg7[%add3A_45] : memref<320000xi32, #tpu.memory_space<hbm>> -> memref<40xi32, #tpu.memory_space<hbm>>
        %dma_start3A_143 = tpu.memref_slice %arg7[%add3A_45] : memref<320000xi32, #tpu.memory_space<hbm>> -> memref<40xi32, #tpu.memory_space<hbm>>
        tpu.enqueue_dma source(%dma_start3A_143 : memref<40xi32, #tpu.memory_space<hbm>>) target(%arg19 : memref<40xi32, #tpu.memory_space<vmem>>) target_semaphore(%run_scoped3A_141 : memref<!tpu.dma_semaphore, #tpu.memory_space<semaphore_mem>>)
        %dma_wait3A = tpu.memref_slice %arg7[%add3A_45] : memref<320000xi32, #tpu.memory_space<hbm>> -> memref<40xi32, #tpu.memory_space<hbm>>
        %dma_wait3A_144 = tpu.memref_slice %arg7[%add3A_45] : memref<320000xi32, #tpu.memory_space<hbm>> -> memref<40xi32, #tpu.memory_space<hbm>>
        tpu.wait_dma2 semaphore(%run_scoped3A_141 : memref<!tpu.dma_semaphore, #tpu.memory_space<semaphore_mem>>) src(%dma_wait3A_144 : memref<40xi32, #tpu.memory_space<hbm>>) dst(%arg19 : memref<40xi32, #tpu.memory_space<vmem>>)
        tpu.yield
      }) : () -> ()
      %scan3A_46 = arith.constant 0 : i32
      %scan3A_47 = arith.constant 125 : i32
      %scan3A_48 = arith.addi %scan3A_46, %scan3A_47 : i32
      %scan3A_49 = arith.constant 1 : i32
      scf.for %scan3A_141 = %scan3A_46 to %scan3A_48 step %scan3A_49  : i32 {
        %mul3A_142 = arith.constant 80 : i32
        %mul3A_143 = arith.muli %scan3A_141, %mul3A_142 : i32
        %add3A_144 = arith.constant 0 : i32
        %add3A_145 = arith.addi %add3A_144, %mul3A_143 : i32
        %add3A_146 = arith.addi %mul3A_2, %add3A_145 : i32
        %add3A_147 = arith.constant 40 : i32
        %add3A_148 = arith.addi %add3A_146, %add3A_147 : i32
        %gt3A = arith.constant 0 : i32
        %gt3A_149 = arith.cmpi sgt, %add3A_145, %gt3A : i32
        %convert_element_type3A_150 = arith.extui %gt3A_149 : i1 to i32
        %cond3A_151 = arith.constant 0 : i32
        %cond3A_152 = arith.cmpi ne, %convert_element_type3A_150, %cond3A_151 : i32
        scf.if %cond3A_152 {
          %dma_wait3A_233 = arith.constant 0 : i32
          %dma_wait3A_234 = tpu.memref_slice %arg8[%dma_wait3A_233] : memref<320000xi32, #tpu.memory_space<hbm>> -> memref<40xi32, #tpu.memory_space<hbm>>
          %dma_wait3A_235 = arith.constant 0 : i32
          %dma_wait3A_236 = tpu.memref_slice %arg8[%dma_wait3A_235] : memref<320000xi32, #tpu.memory_space<hbm>> -> memref<40xi32, #tpu.memory_space<hbm>>
          tpu.wait_dma2 semaphore(%arg28 : memref<!tpu.dma_semaphore, #tpu.memory_space<semaphore_mem>>) src(%dma_wait3A_236 : memref<40xi32, #tpu.memory_space<hbm>>) dst(%arg18 : memref<40xi32, #tpu.memory_space<vmem>>)
          %dma_wait3A_237 = arith.constant 0 : i32
          %dma_wait3A_238 = tpu.memref_slice %arg7[%dma_wait3A_237] : memref<320000xi32, #tpu.memory_space<hbm>> -> memref<40xi32, #tpu.memory_space<hbm>>
          %dma_wait3A_239 = arith.constant 0 : i32
          %dma_wait3A_240 = tpu.memref_slice %arg7[%dma_wait3A_239] : memref<320000xi32, #tpu.memory_space<hbm>> -> memref<40xi32, #tpu.memory_space<hbm>>
          tpu.wait_dma2 semaphore(%arg28 : memref<!tpu.dma_semaphore, #tpu.memory_space<semaphore_mem>>) src(%dma_wait3A_240 : memref<40xi32, #tpu.memory_space<hbm>>) dst(%arg19 : memref<40xi32, #tpu.memory_space<vmem>>)
        } else {
        }
        %dma_start3A_153 = arith.constant 0 : i32
        %dma_start3A_154 = arith.constant 0 : i32
        %dma_start3A_155 = tpu.memref_slice %arg4[%dma_start3A_153, %dma_start3A_154] : memref<10000x128xf32, #tpu.memory_space<hbm>> -> memref<10000x128xf32, #tpu.memory_space<hbm>>
        tpu.enqueue_indirect_dma source(%dma_start3A_155 : memref<10000x128xf32, #tpu.memory_space<hbm>>) target(%run_scoped3A_17 : memref<40x128xf32, #tpu.memory_space<vmem>>) offsets(%arg18 : memref<40xi32, #tpu.memory_space<vmem>>) semaphore(%arg26 : memref<!tpu.dma_semaphore, #tpu.memory_space<semaphore_mem>>)
        %dma_start3A_156 = arith.constant 0 : i32
        %dma_start3A_157 = tpu.memref_slice %arg14[%add3A_148, %dma_start3A_156] : memref<320000x256xf32, #tpu.memory_space<hbm>> -> memref<40x128xf32, #tpu.memory_space<hbm>>
        %dma_start3A_158 = arith.constant 0 : i32
        %dma_start3A_159 = tpu.memref_slice %arg14[%add3A_148, %dma_start3A_158] : memref<320000x256xf32, #tpu.memory_space<hbm>> -> memref<40x128xf32, #tpu.memory_space<hbm>>
        tpu.enqueue_dma source(%dma_start3A_159 : memref<40x128xf32, #tpu.memory_space<hbm>>) target(%run_scoped3A_16 : memref<40x128xf32, #tpu.memory_space<vmem>>) target_semaphore(%arg27 : memref<!tpu.dma_semaphore, #tpu.memory_space<semaphore_mem>>)
        %dma_start3A_160 = arith.constant 128 : i32
        %dma_start3A_161 = tpu.memref_slice %arg14[%add3A_148, %dma_start3A_160] : memref<320000x256xf32, #tpu.memory_space<hbm>> -> memref<40x128xf32, #tpu.memory_space<hbm>>
        %dma_start3A_162 = arith.constant 128 : i32
        %dma_start3A_163 = tpu.memref_slice %arg14[%add3A_148, %dma_start3A_162] : memref<320000x256xf32, #tpu.memory_space<hbm>> -> memref<40x128xf32, #tpu.memory_space<hbm>>
        tpu.enqueue_dma source(%dma_start3A_163 : memref<40x128xf32, #tpu.memory_space<hbm>>) target(%run_scoped3A : memref<40x128xf32, #tpu.memory_space<vmem>>) target_semaphore(%arg27 : memref<!tpu.dma_semaphore, #tpu.memory_space<semaphore_mem>>)
        %dma_start3A_164 = tpu.memref_slice %arg9[%add3A_148] : memref<320000xf32, #tpu.memory_space<hbm>> -> memref<40xf32, #tpu.memory_space<hbm>>
        %dma_start3A_165 = tpu.memref_slice %arg9[%add3A_148] : memref<320000xf32, #tpu.memory_space<hbm>> -> memref<40xf32, #tpu.memory_space<hbm>>
        tpu.enqueue_dma source(%dma_start3A_165 : memref<40xf32, #tpu.memory_space<hbm>>) target(%run_scoped3A_18 : memref<40xf32, #tpu.memory_space<vmem>>) target_semaphore(%arg27 : memref<!tpu.dma_semaphore, #tpu.memory_space<semaphore_mem>>)
        %dma_wait3A = arith.constant 0 : i32
        %dma_wait3A_166 = arith.constant 0 : i32
        %dma_wait3A_167 = tpu.memref_slice %arg4[%dma_wait3A, %dma_wait3A_166] : memref<10000x128xf32, #tpu.memory_space<hbm>> -> memref<40x128xf32, #tpu.memory_space<hbm>>
        %dma_wait3A_168 = arith.constant 0 : i32
        %dma_wait3A_169 = arith.constant 0 : i32
        %dma_wait3A_170 = tpu.memref_slice %arg4[%dma_wait3A_168, %dma_wait3A_169] : memref<10000x128xf32, #tpu.memory_space<hbm>> -> memref<40x128xf32, #tpu.memory_space<hbm>>
        tpu.wait_dma2 semaphore(%arg24 : memref<!tpu.dma_semaphore, #tpu.memory_space<semaphore_mem>>) src(%dma_wait3A_170 : memref<40x128xf32, #tpu.memory_space<hbm>>) dst(%arg22 : memref<40x128xf32, #tpu.memory_space<vmem>>)
        %dma_wait3A_171 = arith.constant 0 : i32
        %dma_wait3A_172 = arith.constant 0 : i32
        %dma_wait3A_173 = tpu.memref_slice %arg14[%dma_wait3A_171, %dma_wait3A_172] : memref<320000x256xf32, #tpu.memory_space<hbm>> -> memref<40x128xf32, #tpu.memory_space<hbm>>
        %dma_wait3A_174 = arith.constant 0 : i32
        %dma_wait3A_175 = arith.constant 0 : i32
        %dma_wait3A_176 = tpu.memref_slice %arg14[%dma_wait3A_174, %dma_wait3A_175] : memref<320000x256xf32, #tpu.memory_space<hbm>> -> memref<40x128xf32, #tpu.memory_space<hbm>>
        tpu.wait_dma2 semaphore(%arg25 : memref<!tpu.dma_semaphore, #tpu.memory_space<semaphore_mem>>) src(%dma_wait3A_176 : memref<40x128xf32, #tpu.memory_space<hbm>>) dst(%arg21 : memref<40x128xf32, #tpu.memory_space<vmem>>)
        %dma_wait3A_177 = arith.constant 0 : i32
        %dma_wait3A_178 = arith.constant 128 : i32
        %dma_wait3A_179 = tpu.memref_slice %arg14[%dma_wait3A_177, %dma_wait3A_178] : memref<320000x256xf32, #tpu.memory_space<hbm>> -> memref<40x128xf32, #tpu.memory_space<hbm>>
        %dma_wait3A_180 = arith.constant 0 : i32
        %dma_wait3A_181 = arith.constant 128 : i32
        %dma_wait3A_182 = tpu.memref_slice %arg14[%dma_wait3A_180, %dma_wait3A_181] : memref<320000x256xf32, #tpu.memory_space<hbm>> -> memref<40x128xf32, #tpu.memory_space<hbm>>
        tpu.wait_dma2 semaphore(%arg25 : memref<!tpu.dma_semaphore, #tpu.memory_space<semaphore_mem>>) src(%dma_wait3A_182 : memref<40x128xf32, #tpu.memory_space<hbm>>) dst(%arg20 : memref<40x128xf32, #tpu.memory_space<vmem>>)
        %dma_wait3A_183 = arith.constant 0 : i32
        %dma_wait3A_184 = tpu.memref_slice %arg9[%dma_wait3A_183] : memref<320000xf32, #tpu.memory_space<hbm>> -> memref<40xf32, #tpu.memory_space<hbm>>
        %dma_wait3A_185 = arith.constant 0 : i32
        %dma_wait3A_186 = tpu.memref_slice %arg9[%dma_wait3A_185] : memref<320000xf32, #tpu.memory_space<hbm>> -> memref<40xf32, #tpu.memory_space<hbm>>
        tpu.wait_dma2 semaphore(%arg25 : memref<!tpu.dma_semaphore, #tpu.memory_space<semaphore_mem>>) src(%dma_wait3A_186 : memref<40xf32, #tpu.memory_space<hbm>>) dst(%arg23 : memref<40xf32, #tpu.memory_space<vmem>>)
        %scan3A_187 = arith.constant 0 : i32
        %scan3A_188 = arith.constant 40 : i32
        %scan3A_189 = arith.addi %scan3A_187, %scan3A_188 : i32
        %scan3A_190 = arith.constant 1 : i32
        scf.for %scan3A_233 = %scan3A_187 to %scan3A_189 step %scan3A_190  : i32 {
          %mul3A_234 = arith.constant 1 : i32
          %mul3A_235 = arith.muli %scan3A_233, %mul3A_234 : i32
          %add3A_236 = arith.constant 0 : i32
          %add3A_237 = arith.addi %add3A_236, %mul3A_235 : i32
          %broadcast_in_dim3A = vector.broadcast %add3A_237 : i32 to vector<16xi32>
          %gather3A = tpu.vector_load_idx %arg23[%broadcast_in_dim3A] : memref<40xf32, #tpu.memory_space<vmem>>[vector<16xi32>], vector<16xf32>,
          %get3A = arith.index_cast %add3A_237 : i32 to index
          %get3A_238 = arith.constant 0 : index
          %get3A_239 = tpu.vector_load %arg21[%get3A, %get3A_238] {strides = array<i32>} : memref<40x128xf32, #tpu.memory_space<vmem>>, vector<16xf32>,
          %mul3A_240 = arith.mulf %get3A_239, %gather3A : vector<16xf32>
          %get3A_241 = arith.index_cast %add3A_237 : i32 to index
          %get3A_242 = arith.constant 0 : index
          %get3A_243 = tpu.vector_load %arg20[%get3A_241, %get3A_242] {strides = array<i32>} : memref<40x128xf32, #tpu.memory_space<vmem>>, vector<16xf32>,
          %get3A_244 = arith.index_cast %add3A_237 : i32 to index
          %get3A_245 = arith.constant 0 : index
          %get3A_246 = tpu.vector_load %arg22[%get3A_244, %get3A_245] {strides = array<i32>} : memref<40x128xf32, #tpu.memory_space<vmem>>, vector<16xf32>,
          %mul3A_247 = arith.mulf %get3A_243, %get3A_246 : vector<16xf32>
          %add3A_248 = arith.addf %mul3A_240, %mul3A_247 : vector<16xf32>
          %swap3A = arith.index_cast %add3A_237 : i32 to index
          %swap3A_249 = arith.constant 0 : index
          %swap3A_250 = tpu.vector_load %arg20[%swap3A, %swap3A_249] {strides = array<i32>} : memref<40x128xf32, #tpu.memory_space<vmem>>, vector<16xf32>,
          tpu.vector_store %arg20[%swap3A, %swap3A_249], %add3A_248 {strides = array<i32>} : memref<40x128xf32, #tpu.memory_space<vmem>>, vector<16xf32>,
          %get3A_251 = arith.index_cast %add3A_237 : i32 to index
          %get3A_252 = arith.constant 16 : index
          %get3A_253 = tpu.vector_load %arg21[%get3A_251, %get3A_252] {strides = array<i32>} : memref<40x128xf32, #tpu.memory_space<vmem>>, vector<16xf32>,
          %mul3A_254 = arith.mulf %get3A_253, %gather3A : vector<16xf32>
          %get3A_255 = arith.index_cast %add3A_237 : i32 to index
          %get3A_256 = arith.constant 16 : index
          %get3A_257 = tpu.vector_load %arg20[%get3A_255, %get3A_256] {strides = array<i32>} : memref<40x128xf32, #tpu.memory_space<vmem>>, vector<16xf32>,
          %get3A_258 = arith.index_cast %add3A_237 : i32 to index
          %get3A_259 = arith.constant 16 : index
          %get3A_260 = tpu.vector_load %arg22[%get3A_258, %get3A_259] {strides = array<i32>} : memref<40x128xf32, #tpu.memory_space<vmem>>, vector<16xf32>,
          %mul3A_261 = arith.mulf %get3A_257, %get3A_260 : vector<16xf32>
          %add3A_262 = arith.addf %mul3A_254, %mul3A_261 : vector<16xf32>
          %swap3A_263 = arith.index_cast %add3A_237 : i32 to index
          %swap3A_264 = arith.constant 16 : index
          %swap3A_265 = tpu.vector_load %arg20[%swap3A_263, %swap3A_264] {strides = array<i32>} : memref<40x128xf32, #tpu.memory_space<vmem>>, vector<16xf32>,
          tpu.vector_store %arg20[%swap3A_263, %swap3A_264], %add3A_262 {strides = array<i32>} : memref<40x128xf32, #tpu.memory_space<vmem>>, vector<16xf32>,
          %get3A_266 = arith.index_cast %add3A_237 : i32 to index
          %get3A_267 = arith.constant 32 : index
          %get3A_268 = tpu.vector_load %arg21[%get3A_266, %get3A_267] {strides = array<i32>} : memref<40x128xf32, #tpu.memory_space<vmem>>, vector<16xf32>,
          %mul3A_269 = arith.mulf %get3A_268, %gather3A : vector<16xf32>
          %get3A_270 = arith.index_cast %add3A_237 : i32 to index
          %get3A_271 = arith.constant 32 : index
          %get3A_272 = tpu.vector_load %arg20[%get3A_270, %get3A_271] {strides = array<i32>} : memref<40x128xf32, #tpu.memory_space<vmem>>, vector<16xf32>,
          %get3A_273 = arith.index_cast %add3A_237 : i32 to index
          %get3A_274 = arith.constant 32 : index
          %get3A_275 = tpu.vector_load %arg22[%get3A_273, %get3A_274] {strides = array<i32>} : memref<40x128xf32, #tpu.memory_space<vmem>>, vector<16xf32>,
          %mul3A_276 = arith.mulf %get3A_272, %get3A_275 : vector<16xf32>
          %add3A_277 = arith.addf %mul3A_269, %mul3A_276 : vector<16xf32>
          %swap3A_278 = arith.index_cast %add3A_237 : i32 to index
          %swap3A_279 = arith.constant 32 : index
          %swap3A_280 = tpu.vector_load %arg20[%swap3A_278, %swap3A_279] {strides = array<i32>} : memref<40x128xf32, #tpu.memory_space<vmem>>, vector<16xf32>,
          tpu.vector_store %arg20[%swap3A_278, %swap3A_279], %add3A_277 {strides = array<i32>} : memref<40x128xf32, #tpu.memory_space<vmem>>, vector<16xf32>,
          %get3A_281 = arith.index_cast %add3A_237 : i32 to index
          %get3A_282 = arith.constant 48 : index
          %get3A_283 = tpu.vector_load %arg21[%get3A_281, %get3A_282] {strides = array<i32>} : memref<40x128xf32, #tpu.memory_space<vmem>>, vector<16xf32>,
          %mul3A_284 = arith.mulf %get3A_283, %gather3A : vector<16xf32>
          %get3A_285 = arith.index_cast %add3A_237 : i32 to index
          %get3A_286 = arith.constant 48 : index
          %get3A_287 = tpu.vector_load %arg20[%get3A_285, %get3A_286] {strides = array<i32>} : memref<40x128xf32, #tpu.memory_space<vmem>>, vector<16xf32>,
          %get3A_288 = arith.index_cast %add3A_237 : i32 to index
          %get3A_289 = arith.constant 48 : index
          %get3A_290 = tpu.vector_load %arg22[%get3A_288, %get3A_289] {strides = array<i32>} : memref<40x128xf32, #tpu.memory_space<vmem>>, vector<16xf32>,
          %mul3A_291 = arith.mulf %get3A_287, %get3A_290 : vector<16xf32>
          %add3A_292 = arith.addf %mul3A_284, %mul3A_291 : vector<16xf32>
          %swap3A_293 = arith.index_cast %add3A_237 : i32 to index
          %swap3A_294 = arith.constant 48 : index
          %swap3A_295 = tpu.vector_load %arg20[%swap3A_293, %swap3A_294] {strides = array<i32>} : memref<40x128xf32, #tpu.memory_space<vmem>>, vector<16xf32>,
          tpu.vector_store %arg20[%swap3A_293, %swap3A_294], %add3A_292 {strides = array<i32>} : memref<40x128xf32, #tpu.memory_space<vmem>>, vector<16xf32>,
          %get3A_296 = arith.index_cast %add3A_237 : i32 to index
          %get3A_297 = arith.constant 64 : index
          %get3A_298 = tpu.vector_load %arg21[%get3A_296, %get3A_297] {strides = array<i32>} : memref<40x128xf32, #tpu.memory_space<vmem>>, vector<16xf32>,
          %mul3A_299 = arith.mulf %get3A_298, %gather3A : vector<16xf32>
          %get3A_300 = arith.index_cast %add3A_237 : i32 to index
          %get3A_301 = arith.constant 64 : index
          %get3A_302 = tpu.vector_load %arg20[%get3A_300, %get3A_301] {strides = array<i32>} : memref<40x128xf32, #tpu.memory_space<vmem>>, vector<16xf32>,
          %get3A_303 = arith.index_cast %add3A_237 : i32 to index
          %get3A_304 = arith.constant 64 : index
          %get3A_305 = tpu.vector_load %arg22[%get3A_303, %get3A_304] {strides = array<i32>} : memref<40x128xf32, #tpu.memory_space<vmem>>, vector<16xf32>,
          %mul3A_306 = arith.mulf %get3A_302, %get3A_305 : vector<16xf32>
          %add3A_307 = arith.addf %mul3A_299, %mul3A_306 : vector<16xf32>
          %swap3A_308 = arith.index_cast %add3A_237 : i32 to index
          %swap3A_309 = arith.constant 64 : index
          %swap3A_310 = tpu.vector_load %arg20[%swap3A_308, %swap3A_309] {strides = array<i32>} : memref<40x128xf32, #tpu.memory_space<vmem>>, vector<16xf32>,
          tpu.vector_store %arg20[%swap3A_308, %swap3A_309], %add3A_307 {strides = array<i32>} : memref<40x128xf32, #tpu.memory_space<vmem>>, vector<16xf32>,
          %get3A_311 = arith.index_cast %add3A_237 : i32 to index
          %get3A_312 = arith.constant 80 : index
          %get3A_313 = tpu.vector_load %arg21[%get3A_311, %get3A_312] {strides = array<i32>} : memref<40x128xf32, #tpu.memory_space<vmem>>, vector<16xf32>,
          %mul3A_314 = arith.mulf %get3A_313, %gather3A : vector<16xf32>
          %get3A_315 = arith.index_cast %add3A_237 : i32 to index
          %get3A_316 = arith.constant 80 : index
          %get3A_317 = tpu.vector_load %arg20[%get3A_315, %get3A_316] {strides = array<i32>} : memref<40x128xf32, #tpu.memory_space<vmem>>, vector<16xf32>,
          %get3A_318 = arith.index_cast %add3A_237 : i32 to index
          %get3A_319 = arith.constant 80 : index
          %get3A_320 = tpu.vector_load %arg22[%get3A_318, %get3A_319] {strides = array<i32>} : memref<40x128xf32, #tpu.memory_space<vmem>>, vector<16xf32>,
          %mul3A_321 = arith.mulf %get3A_317, %get3A_320 : vector<16xf32>
          %add3A_322 = arith.addf %mul3A_314, %mul3A_321 : vector<16xf32>
          %swap3A_323 = arith.index_cast %add3A_237 : i32 to index
          %swap3A_324 = arith.constant 80 : index
          %swap3A_325 = tpu.vector_load %arg20[%swap3A_323, %swap3A_324] {strides = array<i32>} : memref<40x128xf32, #tpu.memory_space<vmem>>, vector<16xf32>,
          tpu.vector_store %arg20[%swap3A_323, %swap3A_324], %add3A_322 {strides = array<i32>} : memref<40x128xf32, #tpu.memory_space<vmem>>, vector<16xf32>,
          %get3A_326 = arith.index_cast %add3A_237 : i32 to index
          %get3A_327 = arith.constant 96 : index
          %get3A_328 = tpu.vector_load %arg21[%get3A_326, %get3A_327] {strides = array<i32>} : memref<40x128xf32, #tpu.memory_space<vmem>>, vector<16xf32>,
          %mul3A_329 = arith.mulf %get3A_328, %gather3A : vector<16xf32>
          %get3A_330 = arith.index_cast %add3A_237 : i32 to index
          %get3A_331 = arith.constant 96 : index
          %get3A_332 = tpu.vector_load %arg20[%get3A_330, %get3A_331] {strides = array<i32>} : memref<40x128xf32, #tpu.memory_space<vmem>>, vector<16xf32>,
          %get3A_333 = arith.index_cast %add3A_237 : i32 to index
          %get3A_334 = arith.constant 96 : index
          %get3A_335 = tpu.vector_load %arg22[%get3A_333, %get3A_334] {strides = array<i32>} : memref<40x128xf32, #tpu.memory_space<vmem>>, vector<16xf32>,
          %mul3A_336 = arith.mulf %get3A_332, %get3A_335 : vector<16xf32>
          %add3A_337 = arith.addf %mul3A_329, %mul3A_336 : vector<16xf32>
          %swap3A_338 = arith.index_cast %add3A_237 : i32 to index
          %swap3A_339 = arith.constant 96 : index
          %swap3A_340 = tpu.vector_load %arg20[%swap3A_338, %swap3A_339] {strides = array<i32>} : memref<40x128xf32, #tpu.memory_space<vmem>>, vector<16xf32>,
          tpu.vector_store %arg20[%swap3A_338, %swap3A_339], %add3A_337 {strides = array<i32>} : memref<40x128xf32, #tpu.memory_space<vmem>>, vector<16xf32>,
          %get3A_341 = arith.index_cast %add3A_237 : i32 to index
          %get3A_342 = arith.constant 112 : index
          %get3A_343 = tpu.vector_load %arg21[%get3A_341, %get3A_342] {strides = array<i32>} : memref<40x128xf32, #tpu.memory_space<vmem>>, vector<16xf32>,
          %mul3A_344 = arith.mulf %get3A_343, %gather3A : vector<16xf32>
          %get3A_345 = arith.index_cast %add3A_237 : i32 to index
          %get3A_346 = arith.constant 112 : index
          %get3A_347 = tpu.vector_load %arg20[%get3A_345, %get3A_346] {strides = array<i32>} : memref<40x128xf32, #tpu.memory_space<vmem>>, vector<16xf32>,
          %get3A_348 = arith.index_cast %add3A_237 : i32 to index
          %get3A_349 = arith.constant 112 : index
          %get3A_350 = tpu.vector_load %arg22[%get3A_348, %get3A_349] {strides = array<i32>} : memref<40x128xf32, #tpu.memory_space<vmem>>, vector<16xf32>,
          %mul3A_351 = arith.mulf %get3A_347, %get3A_350 : vector<16xf32>
          %add3A_352 = arith.addf %mul3A_344, %mul3A_351 : vector<16xf32>
          %swap3A_353 = arith.index_cast %add3A_237 : i32 to index
          %swap3A_354 = arith.constant 112 : index
          %swap3A_355 = tpu.vector_load %arg20[%swap3A_353, %swap3A_354] {strides = array<i32>} : memref<40x128xf32, #tpu.memory_space<vmem>>, vector<16xf32>,
          tpu.vector_store %arg20[%swap3A_353, %swap3A_354], %add3A_352 {strides = array<i32>} : memref<40x128xf32, #tpu.memory_space<vmem>>, vector<16xf32>,
        }
        %scan3A_191 = arith.constant 40 : i32
        "tpu.region"() ({
          %run_scoped3A_233 = tpu.sem_alloc : memref<!tpu.dma_semaphore, #tpu.memory_space<semaphore_mem>>
          %dma_start3A_234 = arith.constant 0 : i32
          %dma_start3A_235 = arith.constant 0 : i32
          %dma_start3A_236 = tpu.memref_slice %arg15[%dma_start3A_234, %dma_start3A_235] : memref<10000x128xf32, #tpu.memory_space<vmem_shared>> -> memref<10000x128xf32, #tpu.memory_space<vmem_shared>>
          tpu.enqueue_indirect_dma source(%arg20 : memref<40x128xf32, #tpu.memory_space<vmem>>) target(%dma_start3A_236 : memref<10000x128xf32, #tpu.memory_space<vmem_shared>>) offsets(%arg17 : memref<40xi32, #tpu.memory_space<vmem>>) semaphore(%run_scoped3A_233 : memref<!tpu.dma_semaphore, #tpu.memory_space<semaphore_mem>>) {add = true}
          %dma_wait3A_237 = arith.constant 0 : i32
          %dma_wait3A_238 = arith.constant 0 : i32
          %dma_wait3A_239 = tpu.memref_slice %arg15[%dma_wait3A_237, %dma_wait3A_238] : memref<10000x128xf32, #tpu.memory_space<vmem_shared>> -> memref<10000x128xf32, #tpu.memory_space<vmem_shared>>
          tpu.wait_indirect_dma semaphore(%run_scoped3A_233 : memref<!tpu.dma_semaphore, #tpu.memory_space<semaphore_mem>>) src(%arg20 : memref<40x128xf32, #tpu.memory_space<vmem>>) dst(%dma_wait3A_239 : memref<10000x128xf32, #tpu.memory_space<vmem_shared>>)
          tpu.yield
        }) : () -> ()
        %lt3A = arith.constant 9920 : i32
        %lt3A_192 = arith.cmpi slt, %add3A_145, %lt3A : i32
        %convert_element_type3A_193 = arith.extui %lt3A_192 : i1 to i32
        %cond3A_194 = arith.constant 0 : i32
        %cond3A_195 = arith.cmpi ne, %convert_element_type3A_193, %cond3A_194 : i32
        scf.if %cond3A_195 {
          %add3A_233 = arith.constant 80 : i32
          %add3A_234 = arith.addi %add3A_146, %add3A_233 : i32
          %dma_start3A_235 = tpu.memref_slice %arg8[%add3A_234] : memref<320000xi32, #tpu.memory_space<hbm>> -> memref<40xi32, #tpu.memory_space<hbm>>
          %dma_start3A_236 = tpu.memref_slice %arg8[%add3A_234] : memref<320000xi32, #tpu.memory_space<hbm>> -> memref<40xi32, #tpu.memory_space<hbm>>
          tpu.enqueue_dma source(%dma_start3A_236 : memref<40xi32, #tpu.memory_space<hbm>>) target(%arg16 : memref<40xi32, #tpu.memory_space<vmem>>) target_semaphore(%arg28 : memref<!tpu.dma_semaphore, #tpu.memory_space<semaphore_mem>>)
          %dma_start3A_237 = tpu.memref_slice %arg7[%add3A_234] : memref<320000xi32, #tpu.memory_space<hbm>> -> memref<40xi32, #tpu.memory_space<hbm>>
          %dma_start3A_238 = tpu.memref_slice %arg7[%add3A_234] : memref<320000xi32, #tpu.memory_space<hbm>> -> memref<40xi32, #tpu.memory_space<hbm>>
          tpu.enqueue_dma source(%dma_start3A_238 : memref<40xi32, #tpu.memory_space<hbm>>) target(%arg17 : memref<40xi32, #tpu.memory_space<vmem>>) target_semaphore(%arg28 : memref<!tpu.dma_semaphore, #tpu.memory_space<semaphore_mem>>)
        } else {
        }
        %lt3A_196 = arith.constant 9920 : i32
        %lt3A_197 = arith.cmpi slt, %add3A_145, %lt3A_196 : i32
        %convert_element_type3A_198 = arith.extui %lt3A_197 : i1 to i32
        %cond3A_199 = arith.constant 0 : i32
        %cond3A_200 = arith.cmpi ne, %convert_element_type3A_198, %cond3A_199 : i32
        scf.if %cond3A_200 {
          %dma_wait3A_233 = arith.constant 0 : i32
          %dma_wait3A_234 = tpu.memref_slice %arg8[%dma_wait3A_233] : memref<320000xi32, #tpu.memory_space<hbm>> -> memref<40xi32, #tpu.memory_space<hbm>>
          %dma_wait3A_235 = arith.constant 0 : i32
          %dma_wait3A_236 = tpu.memref_slice %arg8[%dma_wait3A_235] : memref<320000xi32, #tpu.memory_space<hbm>> -> memref<40xi32, #tpu.memory_space<hbm>>
          tpu.wait_dma2 semaphore(%arg28 : memref<!tpu.dma_semaphore, #tpu.memory_space<semaphore_mem>>) src(%dma_wait3A_236 : memref<40xi32, #tpu.memory_space<hbm>>) dst(%arg16 : memref<40xi32, #tpu.memory_space<vmem>>)
          %dma_wait3A_237 = arith.constant 0 : i32
          %dma_wait3A_238 = tpu.memref_slice %arg7[%dma_wait3A_237] : memref<320000xi32, #tpu.memory_space<hbm>> -> memref<40xi32, #tpu.memory_space<hbm>>
          %dma_wait3A_239 = arith.constant 0 : i32
          %dma_wait3A_240 = tpu.memref_slice %arg7[%dma_wait3A_239] : memref<320000xi32, #tpu.memory_space<hbm>> -> memref<40xi32, #tpu.memory_space<hbm>>
          tpu.wait_dma2 semaphore(%arg28 : memref<!tpu.dma_semaphore, #tpu.memory_space<semaphore_mem>>) src(%dma_wait3A_240 : memref<40xi32, #tpu.memory_space<hbm>>) dst(%arg17 : memref<40xi32, #tpu.memory_space<vmem>>)
          %add3A_241 = arith.constant 80 : i32
          %add3A_242 = arith.addi %add3A_146, %add3A_241 : i32
          %dma_start3A_243 = arith.constant 0 : i32
          %dma_start3A_244 = arith.constant 0 : i32
          %dma_start3A_245 = tpu.memref_slice %arg4[%dma_start3A_243, %dma_start3A_244] : memref<10000x128xf32, #tpu.memory_space<hbm>> -> memref<10000x128xf32, #tpu.memory_space<hbm>>
          tpu.enqueue_indirect_dma source(%dma_start3A_245 : memref<10000x128xf32, #tpu.memory_space<hbm>>) target(%arg22 : memref<40x128xf32, #tpu.memory_space<vmem>>) offsets(%arg16 : memref<40xi32, #tpu.memory_space<vmem>>) semaphore(%arg24 : memref<!tpu.dma_semaphore, #tpu.memory_space<semaphore_mem>>)
          %dma_start3A_246 = arith.constant 0 : i32
          %dma_start3A_247 = tpu.memref_slice %arg14[%add3A_242, %dma_start3A_246] : memref<320000x256xf32, #tpu.memory_space<hbm>> -> memref<40x128xf32, #tpu.memory_space<hbm>>
          %dma_start3A_248 = arith.constant 0 : i32
          %dma_start3A_249 = tpu.memref_slice %arg14[%add3A_242, %dma_start3A_248] : memref<320000x256xf32, #tpu.memory_space<hbm>> -> memref<40x128xf32, #tpu.memory_space<hbm>>
          tpu.enqueue_dma source(%dma_start3A_249 : memref<40x128xf32, #tpu.memory_space<hbm>>) target(%arg21 : memref<40x128xf32, #tpu.memory_space<vmem>>) target_semaphore(%arg25 : memref<!tpu.dma_semaphore, #tpu.memory_space<semaphore_mem>>)
          %dma_start3A_250 = arith.constant 128 : i32
          %dma_start3A_251 = tpu.memref_slice %arg14[%add3A_242, %dma_start3A_250] : memref<320000x256xf32, #tpu.memory_space<hbm>> -> memref<40x128xf32, #tpu.memory_space<hbm>>
          %dma_start3A_252 = arith.constant 128 : i32
          %dma_start3A_253 = tpu.memref_slice %arg14[%add3A_242, %dma_start3A_252] : memref<320000x256xf32, #tpu.memory_space<hbm>> -> memref<40x128xf32, #tpu.memory_space<hbm>>
          tpu.enqueue_dma source(%dma_start3A_253 : memref<40x128xf32, #tpu.memory_space<hbm>>) target(%arg20 : memref<40x128xf32, #tpu.memory_space<vmem>>) target_semaphore(%arg25 : memref<!tpu.dma_semaphore, #tpu.memory_space<semaphore_mem>>)
          %dma_start3A_254 = tpu.memref_slice %arg9[%add3A_242] : memref<320000xf32, #tpu.memory_space<hbm>> -> memref<40xf32, #tpu.memory_space<hbm>>
          %dma_start3A_255 = tpu.memref_slice %arg9[%add3A_242] : memref<320000xf32, #tpu.memory_space<hbm>> -> memref<40xf32, #tpu.memory_space<hbm>>
          tpu.enqueue_dma source(%dma_start3A_255 : memref<40xf32, #tpu.memory_space<hbm>>) target(%arg23 : memref<40xf32, #tpu.memory_space<vmem>>) target_semaphore(%arg25 : memref<!tpu.dma_semaphore, #tpu.memory_space<semaphore_mem>>)
        } else {
        }
        %dma_wait3A_201 = arith.constant 0 : i32
        %dma_wait3A_202 = arith.constant 0 : i32
        %dma_wait3A_203 = tpu.memref_slice %arg4[%dma_wait3A_201, %dma_wait3A_202] : memref<10000x128xf32, #tpu.memory_space<hbm>> -> memref<40x128xf32, #tpu.memory_space<hbm>>
        %dma_wait3A_204 = arith.constant 0 : i32
        %dma_wait3A_205 = arith.constant 0 : i32
        %dma_wait3A_206 = tpu.memref_slice %arg4[%dma_wait3A_204, %dma_wait3A_205] : memref<10000x128xf32, #tpu.memory_space<hbm>> -> memref<40x128xf32, #tpu.memory_space<hbm>>
        tpu.wait_dma2 semaphore(%arg26 : memref<!tpu.dma_semaphore, #tpu.memory_space<semaphore_mem>>) src(%dma_wait3A_206 : memref<40x128xf32, #tpu.memory_space<hbm>>) dst(%run_scoped3A_17 : memref<40x128xf32, #tpu.memory_space<vmem>>)
        %dma_wait3A_207 = arith.constant 0 : i32
        %dma_wait3A_208 = arith.constant 0 : i32
        %dma_wait3A_209 = tpu.memref_slice %arg14[%dma_wait3A_207, %dma_wait3A_208] : memref<320000x256xf32, #tpu.memory_space<hbm>> -> memref<40x128xf32, #tpu.memory_space<hbm>>
        %dma_wait3A_210 = arith.constant 0 : i32
        %dma_wait3A_211 = arith.constant 0 : i32
        %dma_wait3A_212 = tpu.memref_slice %arg14[%dma_wait3A_210, %dma_wait3A_211] : memref<320000x256xf32, #tpu.memory_space<hbm>> -> memref<40x128xf32, #tpu.memory_space<hbm>>
        tpu.wait_dma2 semaphore(%arg27 : memref<!tpu.dma_semaphore, #tpu.memory_space<semaphore_mem>>) src(%dma_wait3A_212 : memref<40x128xf32, #tpu.memory_space<hbm>>) dst(%run_scoped3A_16 : memref<40x128xf32, #tpu.memory_space<vmem>>)
        %dma_wait3A_213 = arith.constant 0 : i32
        %dma_wait3A_214 = arith.constant 128 : i32
        %dma_wait3A_215 = tpu.memref_slice %arg14[%dma_wait3A_213, %dma_wait3A_214] : memref<320000x256xf32, #tpu.memory_space<hbm>> -> memref<40x128xf32, #tpu.memory_space<hbm>>
        %dma_wait3A_216 = arith.constant 0 : i32
        %dma_wait3A_217 = arith.constant 128 : i32
        %dma_wait3A_218 = tpu.memref_slice %arg14[%dma_wait3A_216, %dma_wait3A_217] : memref<320000x256xf32, #tpu.memory_space<hbm>> -> memref<40x128xf32, #tpu.memory_space<hbm>>
        tpu.wait_dma2 semaphore(%arg27 : memref<!tpu.dma_semaphore, #tpu.memory_space<semaphore_mem>>) src(%dma_wait3A_218 : memref<40x128xf32, #tpu.memory_space<hbm>>) dst(%run_scoped3A : memref<40x128xf32, #tpu.memory_space<vmem>>)
        %dma_wait3A_219 = arith.constant 0 : i32
        %dma_wait3A_220 = tpu.memref_slice %arg9[%dma_wait3A_219] : memref<320000xf32, #tpu.memory_space<hbm>> -> memref<40xf32, #tpu.memory_space<hbm>>
        %dma_wait3A_221 = arith.constant 0 : i32
        %dma_wait3A_222 = tpu.memref_slice %arg9[%dma_wait3A_221] : memref<320000xf32, #tpu.memory_space<hbm>> -> memref<40xf32, #tpu.memory_space<hbm>>
        tpu.wait_dma2 semaphore(%arg27 : memref<!tpu.dma_semaphore, #tpu.memory_space<semaphore_mem>>) src(%dma_wait3A_222 : memref<40xf32, #tpu.memory_space<hbm>>) dst(%run_scoped3A_18 : memref<40xf32, #tpu.memory_space<vmem>>)
        %scan3A_223 = arith.constant 0 : i32
        %scan3A_224 = arith.constant 40 : i32
        %scan3A_225 = arith.addi %scan3A_223, %scan3A_224 : i32
        %scan3A_226 = arith.constant 1 : i32
        scf.for %scan3A_233 = %scan3A_223 to %scan3A_225 step %scan3A_226  : i32 {
          %mul3A_234 = arith.constant 1 : i32
          %mul3A_235 = arith.muli %scan3A_233, %mul3A_234 : i32
          %add3A_236 = arith.constant 0 : i32
          %add3A_237 = arith.addi %add3A_236, %mul3A_235 : i32
          %broadcast_in_dim3A = vector.broadcast %add3A_237 : i32 to vector<16xi32>
          %gather3A = tpu.vector_load_idx %run_scoped3A_18[%broadcast_in_dim3A] : memref<40xf32, #tpu.memory_space<vmem>>[vector<16xi32>], vector<16xf32>,
          %get3A = arith.index_cast %add3A_237 : i32 to index
          %get3A_238 = arith.constant 0 : index
          %get3A_239 = tpu.vector_load %run_scoped3A_16[%get3A, %get3A_238] {strides = array<i32>} : memref<40x128xf32, #tpu.memory_space<vmem>>, vector<16xf32>,
          %mul3A_240 = arith.mulf %get3A_239, %gather3A : vector<16xf32>
          %get3A_241 = arith.index_cast %add3A_237 : i32 to index
          %get3A_242 = arith.constant 0 : index
          %get3A_243 = tpu.vector_load %run_scoped3A[%get3A_241, %get3A_242] {strides = array<i32>} : memref<40x128xf32, #tpu.memory_space<vmem>>, vector<16xf32>,
          %get3A_244 = arith.index_cast %add3A_237 : i32 to index
          %get3A_245 = arith.constant 0 : index
          %get3A_246 = tpu.vector_load %run_scoped3A_17[%get3A_244, %get3A_245] {strides = array<i32>} : memref<40x128xf32, #tpu.memory_space<vmem>>, vector<16xf32>,
          %mul3A_247 = arith.mulf %get3A_243, %get3A_246 : vector<16xf32>
          %add3A_248 = arith.addf %mul3A_240, %mul3A_247 : vector<16xf32>
          %swap3A = arith.index_cast %add3A_237 : i32 to index
          %swap3A_249 = arith.constant 0 : index
          %swap3A_250 = tpu.vector_load %run_scoped3A[%swap3A, %swap3A_249] {strides = array<i32>} : memref<40x128xf32, #tpu.memory_space<vmem>>, vector<16xf32>,
          tpu.vector_store %run_scoped3A[%swap3A, %swap3A_249], %add3A_248 {strides = array<i32>} : memref<40x128xf32, #tpu.memory_space<vmem>>, vector<16xf32>,
          %get3A_251 = arith.index_cast %add3A_237 : i32 to index
          %get3A_252 = arith.constant 16 : index
          %get3A_253 = tpu.vector_load %run_scoped3A_16[%get3A_251, %get3A_252] {strides = array<i32>} : memref<40x128xf32, #tpu.memory_space<vmem>>, vector<16xf32>,
          %mul3A_254 = arith.mulf %get3A_253, %gather3A : vector<16xf32>
          %get3A_255 = arith.index_cast %add3A_237 : i32 to index
          %get3A_256 = arith.constant 16 : index
          %get3A_257 = tpu.vector_load %run_scoped3A[%get3A_255, %get3A_256] {strides = array<i32>} : memref<40x128xf32, #tpu.memory_space<vmem>>, vector<16xf32>,
          %get3A_258 = arith.index_cast %add3A_237 : i32 to index
          %get3A_259 = arith.constant 16 : index
          %get3A_260 = tpu.vector_load %run_scoped3A_17[%get3A_258, %get3A_259] {strides = array<i32>} : memref<40x128xf32, #tpu.memory_space<vmem>>, vector<16xf32>,
          %mul3A_261 = arith.mulf %get3A_257, %get3A_260 : vector<16xf32>
          %add3A_262 = arith.addf %mul3A_254, %mul3A_261 : vector<16xf32>
          %swap3A_263 = arith.index_cast %add3A_237 : i32 to index
          %swap3A_264 = arith.constant 16 : index
          %swap3A_265 = tpu.vector_load %run_scoped3A[%swap3A_263, %swap3A_264] {strides = array<i32>} : memref<40x128xf32, #tpu.memory_space<vmem>>, vector<16xf32>,
          tpu.vector_store %run_scoped3A[%swap3A_263, %swap3A_264], %add3A_262 {strides = array<i32>} : memref<40x128xf32, #tpu.memory_space<vmem>>, vector<16xf32>,
          %get3A_266 = arith.index_cast %add3A_237 : i32 to index
          %get3A_267 = arith.constant 32 : index
          %get3A_268 = tpu.vector_load %run_scoped3A_16[%get3A_266, %get3A_267] {strides = array<i32>} : memref<40x128xf32, #tpu.memory_space<vmem>>, vector<16xf32>,
          %mul3A_269 = arith.mulf %get3A_268, %gather3A : vector<16xf32>
          %get3A_270 = arith.index_cast %add3A_237 : i32 to index
          %get3A_271 = arith.constant 32 : index
          %get3A_272 = tpu.vector_load %run_scoped3A[%get3A_270, %get3A_271] {strides = array<i32>} : memref<40x128xf32, #tpu.memory_space<vmem>>, vector<16xf32>,
          %get3A_273 = arith.index_cast %add3A_237 : i32 to index
          %get3A_274 = arith.constant 32 : index
          %get3A_275 = tpu.vector_load %run_scoped3A_17[%get3A_273, %get3A_274] {strides = array<i32>} : memref<40x128xf32, #tpu.memory_space<vmem>>, vector<16xf32>,
          %mul3A_276 = arith.mulf %get3A_272, %get3A_275 : vector<16xf32>
          %add3A_277 = arith.addf %mul3A_269, %mul3A_276 : vector<16xf32>
          %swap3A_278 = arith.index_cast %add3A_237 : i32 to index
          %swap3A_279 = arith.constant 32 : index
          %swap3A_280 = tpu.vector_load %run_scoped3A[%swap3A_278, %swap3A_279] {strides = array<i32>} : memref<40x128xf32, #tpu.memory_space<vmem>>, vector<16xf32>,
          tpu.vector_store %run_scoped3A[%swap3A_278, %swap3A_279], %add3A_277 {strides = array<i32>} : memref<40x128xf32, #tpu.memory_space<vmem>>, vector<16xf32>,
          %get3A_281 = arith.index_cast %add3A_237 : i32 to index
          %get3A_282 = arith.constant 48 : index
          %get3A_283 = tpu.vector_load %run_scoped3A_16[%get3A_281, %get3A_282] {strides = array<i32>} : memref<40x128xf32, #tpu.memory_space<vmem>>, vector<16xf32>,
          %mul3A_284 = arith.mulf %get3A_283, %gather3A : vector<16xf32>
          %get3A_285 = arith.index_cast %add3A_237 : i32 to index
          %get3A_286 = arith.constant 48 : index
          %get3A_287 = tpu.vector_load %run_scoped3A[%get3A_285, %get3A_286] {strides = array<i32>} : memref<40x128xf32, #tpu.memory_space<vmem>>, vector<16xf32>,
          %get3A_288 = arith.index_cast %add3A_237 : i32 to index
          %get3A_289 = arith.constant 48 : index
          %get3A_290 = tpu.vector_load %run_scoped3A_17[%get3A_288, %get3A_289] {strides = array<i32>} : memref<40x128xf32, #tpu.memory_space<vmem>>, vector<16xf32>,
          %mul3A_291 = arith.mulf %get3A_287, %get3A_290 : vector<16xf32>
          %add3A_292 = arith.addf %mul3A_284, %mul3A_291 : vector<16xf32>
          %swap3A_293 = arith.index_cast %add3A_237 : i32 to index
          %swap3A_294 = arith.constant 48 : index
          %swap3A_295 = tpu.vector_load %run_scoped3A[%swap3A_293, %swap3A_294] {strides = array<i32>} : memref<40x128xf32, #tpu.memory_space<vmem>>, vector<16xf32>,
          tpu.vector_store %run_scoped3A[%swap3A_293, %swap3A_294], %add3A_292 {strides = array<i32>} : memref<40x128xf32, #tpu.memory_space<vmem>>, vector<16xf32>,
          %get3A_296 = arith.index_cast %add3A_237 : i32 to index
          %get3A_297 = arith.constant 64 : index
          %get3A_298 = tpu.vector_load %run_scoped3A_16[%get3A_296, %get3A_297] {strides = array<i32>} : memref<40x128xf32, #tpu.memory_space<vmem>>, vector<16xf32>,
          %mul3A_299 = arith.mulf %get3A_298, %gather3A : vector<16xf32>
          %get3A_300 = arith.index_cast %add3A_237 : i32 to index
          %get3A_301 = arith.constant 64 : index
          %get3A_302 = tpu.vector_load %run_scoped3A[%get3A_300, %get3A_301] {strides = array<i32>} : memref<40x128xf32, #tpu.memory_space<vmem>>, vector<16xf32>,
          %get3A_303 = arith.index_cast %add3A_237 : i32 to index
          %get3A_304 = arith.constant 64 : index
          %get3A_305 = tpu.vector_load %run_scoped3A_17[%get3A_303, %get3A_304] {strides = array<i32>} : memref<40x128xf32, #tpu.memory_space<vmem>>, vector<16xf32>,
          %mul3A_306 = arith.mulf %get3A_302, %get3A_305 : vector<16xf32>
          %add3A_307 = arith.addf %mul3A_299, %mul3A_306 : vector<16xf32>
          %swap3A_308 = arith.index_cast %add3A_237 : i32 to index
          %swap3A_309 = arith.constant 64 : index
          %swap3A_310 = tpu.vector_load %run_scoped3A[%swap3A_308, %swap3A_309] {strides = array<i32>} : memref<40x128xf32, #tpu.memory_space<vmem>>, vector<16xf32>,
          tpu.vector_store %run_scoped3A[%swap3A_308, %swap3A_309], %add3A_307 {strides = array<i32>} : memref<40x128xf32, #tpu.memory_space<vmem>>, vector<16xf32>,
          %get3A_311 = arith.index_cast %add3A_237 : i32 to index
          %get3A_312 = arith.constant 80 : index
          %get3A_313 = tpu.vector_load %run_scoped3A_16[%get3A_311, %get3A_312] {strides = array<i32>} : memref<40x128xf32, #tpu.memory_space<vmem>>, vector<16xf32>,
          %mul3A_314 = arith.mulf %get3A_313, %gather3A : vector<16xf32>
          %get3A_315 = arith.index_cast %add3A_237 : i32 to index
          %get3A_316 = arith.constant 80 : index
          %get3A_317 = tpu.vector_load %run_scoped3A[%get3A_315, %get3A_316] {strides = array<i32>} : memref<40x128xf32, #tpu.memory_space<vmem>>, vector<16xf32>,
          %get3A_318 = arith.index_cast %add3A_237 : i32 to index
          %get3A_319 = arith.constant 80 : index
          %get3A_320 = tpu.vector_load %run_scoped3A_17[%get3A_318, %get3A_319] {strides = array<i32>} : memref<40x128xf32, #tpu.memory_space<vmem>>, vector<16xf32>,
          %mul3A_321 = arith.mulf %get3A_317, %get3A_320 : vector<16xf32>
          %add3A_322 = arith.addf %mul3A_314, %mul3A_321 : vector<16xf32>
          %swap3A_323 = arith.index_cast %add3A_237 : i32 to index
          %swap3A_324 = arith.constant 80 : index
          %swap3A_325 = tpu.vector_load %run_scoped3A[%swap3A_323, %swap3A_324] {strides = array<i32>} : memref<40x128xf32, #tpu.memory_space<vmem>>, vector<16xf32>,
          tpu.vector_store %run_scoped3A[%swap3A_323, %swap3A_324], %add3A_322 {strides = array<i32>} : memref<40x128xf32, #tpu.memory_space<vmem>>, vector<16xf32>,
          %get3A_326 = arith.index_cast %add3A_237 : i32 to index
          %get3A_327 = arith.constant 96 : index
          %get3A_328 = tpu.vector_load %run_scoped3A_16[%get3A_326, %get3A_327] {strides = array<i32>} : memref<40x128xf32, #tpu.memory_space<vmem>>, vector<16xf32>,
          %mul3A_329 = arith.mulf %get3A_328, %gather3A : vector<16xf32>
          %get3A_330 = arith.index_cast %add3A_237 : i32 to index
          %get3A_331 = arith.constant 96 : index
          %get3A_332 = tpu.vector_load %run_scoped3A[%get3A_330, %get3A_331] {strides = array<i32>} : memref<40x128xf32, #tpu.memory_space<vmem>>, vector<16xf32>,
          %get3A_333 = arith.index_cast %add3A_237 : i32 to index
          %get3A_334 = arith.constant 96 : index
          %get3A_335 = tpu.vector_load %run_scoped3A_17[%get3A_333, %get3A_334] {strides = array<i32>} : memref<40x128xf32, #tpu.memory_space<vmem>>, vector<16xf32>,
          %mul3A_336 = arith.mulf %get3A_332, %get3A_335 : vector<16xf32>
          %add3A_337 = arith.addf %mul3A_329, %mul3A_336 : vector<16xf32>
          %swap3A_338 = arith.index_cast %add3A_237 : i32 to index
          %swap3A_339 = arith.constant 96 : index
          %swap3A_340 = tpu.vector_load %run_scoped3A[%swap3A_338, %swap3A_339] {strides = array<i32>} : memref<40x128xf32, #tpu.memory_space<vmem>>, vector<16xf32>,
          tpu.vector_store %run_scoped3A[%swap3A_338, %swap3A_339], %add3A_337 {strides = array<i32>} : memref<40x128xf32, #tpu.memory_space<vmem>>, vector<16xf32>,
          %get3A_341 = arith.index_cast %add3A_237 : i32 to index
          %get3A_342 = arith.constant 112 : index
          %get3A_343 = tpu.vector_load %run_scoped3A_16[%get3A_341, %get3A_342] {strides = array<i32>} : memref<40x128xf32, #tpu.memory_space<vmem>>, vector<16xf32>,
          %mul3A_344 = arith.mulf %get3A_343, %gather3A : vector<16xf32>
          %get3A_345 = arith.index_cast %add3A_237 : i32 to index
          %get3A_346 = arith.constant 112 : index
          %get3A_347 = tpu.vector_load %run_scoped3A[%get3A_345, %get3A_346] {strides = array<i32>} : memref<40x128xf32, #tpu.memory_space<vmem>>, vector<16xf32>,
          %get3A_348 = arith.index_cast %add3A_237 : i32 to index
          %get3A_349 = arith.constant 112 : index
          %get3A_350 = tpu.vector_load %run_scoped3A_17[%get3A_348, %get3A_349] {strides = array<i32>} : memref<40x128xf32, #tpu.memory_space<vmem>>, vector<16xf32>,
          %mul3A_351 = arith.mulf %get3A_347, %get3A_350 : vector<16xf32>
          %add3A_352 = arith.addf %mul3A_344, %mul3A_351 : vector<16xf32>
          %swap3A_353 = arith.index_cast %add3A_237 : i32 to index
          %swap3A_354 = arith.constant 112 : index
          %swap3A_355 = tpu.vector_load %run_scoped3A[%swap3A_353, %swap3A_354] {strides = array<i32>} : memref<40x128xf32, #tpu.memory_space<vmem>>, vector<16xf32>,
          tpu.vector_store %run_scoped3A[%swap3A_353, %swap3A_354], %add3A_352 {strides = array<i32>} : memref<40x128xf32, #tpu.memory_space<vmem>>, vector<16xf32>,
        }
        %scan3A_227 = arith.constant 40 : i32
        "tpu.region"() ({
          %run_scoped3A_233 = tpu.sem_alloc : memref<!tpu.dma_semaphore, #tpu.memory_space<semaphore_mem>>
          %dma_start3A_234 = arith.constant 0 : i32
          %dma_start3A_235 = arith.constant 0 : i32
          %dma_start3A_236 = tpu.memref_slice %arg15[%dma_start3A_234, %dma_start3A_235] : memref<10000x128xf32, #tpu.memory_space<vmem_shared>> -> memref<10000x128xf32, #tpu.memory_space<vmem_shared>>
          tpu.enqueue_indirect_dma source(%run_scoped3A : memref<40x128xf32, #tpu.memory_space<vmem>>) target(%dma_start3A_236 : memref<10000x128xf32, #tpu.memory_space<vmem_shared>>) offsets(%arg19 : memref<40xi32, #tpu.memory_space<vmem>>) semaphore(%run_scoped3A_233 : memref<!tpu.dma_semaphore, #tpu.memory_space<semaphore_mem>>) {add = true}
          %dma_wait3A_237 = arith.constant 0 : i32
          %dma_wait3A_238 = arith.constant 0 : i32
          %dma_wait3A_239 = tpu.memref_slice %arg15[%dma_wait3A_237, %dma_wait3A_238] : memref<10000x128xf32, #tpu.memory_space<vmem_shared>> -> memref<10000x128xf32, #tpu.memory_space<vmem_shared>>
          tpu.wait_indirect_dma semaphore(%run_scoped3A_233 : memref<!tpu.dma_semaphore, #tpu.memory_space<semaphore_mem>>) src(%run_scoped3A : memref<40x128xf32, #tpu.memory_space<vmem>>) dst(%dma_wait3A_239 : memref<10000x128xf32, #tpu.memory_space<vmem_shared>>)
          tpu.yield
        }) : () -> ()
        %lt3A_228 = arith.constant 9880 : i32
        %lt3A_229 = arith.cmpi slt, %add3A_145, %lt3A_228 : i32
        %convert_element_type3A_230 = arith.extui %lt3A_229 : i1 to i32
        %cond3A_231 = arith.constant 0 : i32
        %cond3A_232 = arith.cmpi ne, %convert_element_type3A_230, %cond3A_231 : i32
        scf.if %cond3A_232 {
          %add3A_233 = arith.constant 120 : i32
          %add3A_234 = arith.addi %add3A_146, %add3A_233 : i32
          %dma_start3A_235 = tpu.memref_slice %arg8[%add3A_234] : memref<320000xi32, #tpu.memory_space<hbm>> -> memref<40xi32, #tpu.memory_space<hbm>>
          %dma_start3A_236 = tpu.memref_slice %arg8[%add3A_234] : memref<320000xi32, #tpu.memory_space<hbm>> -> memref<40xi32, #tpu.memory_space<hbm>>
          tpu.enqueue_dma source(%dma_start3A_236 : memref<40xi32, #tpu.memory_space<hbm>>) target(%arg18 : memref<40xi32, #tpu.memory_space<vmem>>) target_semaphore(%arg28 : memref<!tpu.dma_semaphore, #tpu.memory_space<semaphore_mem>>)
          %dma_start3A_237 = tpu.memref_slice %arg7[%add3A_234] : memref<320000xi32, #tpu.memory_space<hbm>> -> memref<40xi32, #tpu.memory_space<hbm>>
          %dma_start3A_238 = tpu.memref_slice %arg7[%add3A_234] : memref<320000xi32, #tpu.memory_space<hbm>> -> memref<40xi32, #tpu.memory_space<hbm>>
          tpu.enqueue_dma source(%dma_start3A_238 : memref<40xi32, #tpu.memory_space<hbm>>) target(%arg19 : memref<40xi32, #tpu.memory_space<vmem>>) target_semaphore(%arg28 : memref<!tpu.dma_semaphore, #tpu.memory_space<semaphore_mem>>)
        } else {
        }
      }
      %scan3A_50 = arith.constant 125 : i32
      %barrier3A_51 = arith.constant 0 : index
      tpu.barrier barrier_id(%barrier3A_51)
      %eq3A_52 = arith.constant 0 : i32
      %eq3A_53 = arith.cmpi eq, %arg1, %eq3A_52 : i32
      %convert_element_type3A_54 = arith.extui %eq3A_53 : i1 to i32
      %cond3A_55 = arith.constant 0 : i32
      %cond3A_56 = arith.constant 0 : i32
      %cond3A_57 = arith.cmpi ne, %convert_element_type3A_54, %cond3A_56 : i32
      scf.if %cond3A_57 {
        "tpu.region"() ({
          %run_scoped3A_141 = tpu.sem_alloc : memref<!tpu.dma_semaphore, #tpu.memory_space<semaphore_mem>>
          %dma_start3A_142 = arith.constant 0 : i32
          %dma_start3A_143 = arith.constant 0 : i32
          %dma_start3A_144 = tpu.memref_slice %arg13[%cond3A_55, %arg0, %dma_start3A_142, %dma_start3A_143] : memref<3x2x10000x128xf32, #tpu.memory_space<hbm>> -> memref<1x1x10000x128xf32, #tpu.memory_space<hbm>>
          %dma_start3A_145 = tpu.memref_squeeze %dma_start3A_144 : memref<1x1x10000x128xf32, #tpu.memory_space<hbm>> -> memref<10000x128xf32, #tpu.memory_space<hbm>>
          tpu.enqueue_dma source(%arg15 : memref<10000x128xf32, #tpu.memory_space<vmem_shared>>) target(%dma_start3A_145 : memref<10000x128xf32, #tpu.memory_space<hbm>>) target_semaphore(%run_scoped3A_141 : memref<!tpu.dma_semaphore, #tpu.memory_space<semaphore_mem>>)
          %dma_wait3A = arith.constant 0 : i32
          %dma_wait3A_146 = arith.constant 0 : i32
          %dma_wait3A_147 = tpu.memref_slice %arg13[%cond3A_55, %arg0, %dma_wait3A, %dma_wait3A_146] : memref<3x2x10000x128xf32, #tpu.memory_space<hbm>> -> memref<1x1x10000x128xf32, #tpu.memory_space<hbm>>
          %dma_wait3A_148 = tpu.memref_squeeze %dma_wait3A_147 : memref<1x1x10000x128xf32, #tpu.memory_space<hbm>> -> memref<10000x128xf32, #tpu.memory_space<hbm>>
          tpu.wait_dma2 semaphore(%run_scoped3A_141 : memref<!tpu.dma_semaphore, #tpu.memory_space<semaphore_mem>>) src(%arg15 : memref<10000x128xf32, #tpu.memory_space<vmem_shared>>) dst(%dma_wait3A_148 : memref<10000x128xf32, #tpu.memory_space<hbm>>)
          tpu.yield
        }) : () -> ()
      } else {
      }
      %barrier3A_58 = arith.constant 0 : index
      tpu.barrier barrier_id(%barrier3A_58)
      %scan3A_59 = arith.constant 0 : i32
      %scan3A_60 = arith.constant 40 : i32
      %scan3A_61 = arith.addi %scan3A_59, %scan3A_60 : i32
      %scan3A_62 = arith.constant 1 : i32
      scf.for %scan3A_141 = %scan3A_59 to %scan3A_61 step %scan3A_62  : i32 {
        %mul3A_142 = arith.constant 1 : i32
        %mul3A_143 = arith.muli %scan3A_141, %mul3A_142 : i32
        %add3A_144 = arith.constant 0 : i32
        %add3A_145 = arith.addi %add3A_144, %mul3A_143 : i32
        %broadcast_in_dim3A = arith.constant 0.000000e+00 : f32
        %broadcast_in_dim3A_146 = vector.broadcast %broadcast_in_dim3A : f32 to vector<16xf32>
        %swap3A = arith.index_cast %add3A_145 : i32 to index
        %swap3A_147 = arith.constant 0 : index
        %swap3A_148 = tpu.vector_load %arg20[%swap3A, %swap3A_147] {strides = array<i32>} : memref<40x128xf32, #tpu.memory_space<vmem>>, vector<16xf32>,
        tpu.vector_store %arg20[%swap3A, %swap3A_147], %broadcast_in_dim3A_146 {strides = array<i32>} : memref<40x128xf32, #tpu.memory_space<vmem>>, vector<16xf32>,
        %broadcast_in_dim3A_149 = arith.constant 0.000000e+00 : f32
        %broadcast_in_dim3A_150 = vector.broadcast %broadcast_in_dim3A_149 : f32 to vector<16xf32>
        %swap3A_151 = arith.index_cast %add3A_145 : i32 to index
        %swap3A_152 = arith.constant 16 : index
        %swap3A_153 = tpu.vector_load %arg20[%swap3A_151, %swap3A_152] {strides = array<i32>} : memref<40x128xf32, #tpu.memory_space<vmem>>, vector<16xf32>,
        tpu.vector_store %arg20[%swap3A_151, %swap3A_152], %broadcast_in_dim3A_150 {strides = array<i32>} : memref<40x128xf32, #tpu.memory_space<vmem>>, vector<16xf32>,
        %broadcast_in_dim3A_154 = arith.constant 0.000000e+00 : f32
        %broadcast_in_dim3A_155 = vector.broadcast %broadcast_in_dim3A_154 : f32 to vector<16xf32>
        %swap3A_156 = arith.index_cast %add3A_145 : i32 to index
        %swap3A_157 = arith.constant 32 : index
        %swap3A_158 = tpu.vector_load %arg20[%swap3A_156, %swap3A_157] {strides = array<i32>} : memref<40x128xf32, #tpu.memory_space<vmem>>, vector<16xf32>,
        tpu.vector_store %arg20[%swap3A_156, %swap3A_157], %broadcast_in_dim3A_155 {strides = array<i32>} : memref<40x128xf32, #tpu.memory_space<vmem>>, vector<16xf32>,
        %broadcast_in_dim3A_159 = arith.constant 0.000000e+00 : f32
        %broadcast_in_dim3A_160 = vector.broadcast %broadcast_in_dim3A_159 : f32 to vector<16xf32>
        %swap3A_161 = arith.index_cast %add3A_145 : i32 to index
        %swap3A_162 = arith.constant 48 : index
        %swap3A_163 = tpu.vector_load %arg20[%swap3A_161, %swap3A_162] {strides = array<i32>} : memref<40x128xf32, #tpu.memory_space<vmem>>, vector<16xf32>,
        tpu.vector_store %arg20[%swap3A_161, %swap3A_162], %broadcast_in_dim3A_160 {strides = array<i32>} : memref<40x128xf32, #tpu.memory_space<vmem>>, vector<16xf32>,
        %broadcast_in_dim3A_164 = arith.constant 0.000000e+00 : f32
        %broadcast_in_dim3A_165 = vector.broadcast %broadcast_in_dim3A_164 : f32 to vector<16xf32>
        %swap3A_166 = arith.index_cast %add3A_145 : i32 to index
        %swap3A_167 = arith.constant 64 : index
        %swap3A_168 = tpu.vector_load %arg20[%swap3A_166, %swap3A_167] {strides = array<i32>} : memref<40x128xf32, #tpu.memory_space<vmem>>, vector<16xf32>,
        tpu.vector_store %arg20[%swap3A_166, %swap3A_167], %broadcast_in_dim3A_165 {strides = array<i32>} : memref<40x128xf32, #tpu.memory_space<vmem>>, vector<16xf32>,
        %broadcast_in_dim3A_169 = arith.constant 0.000000e+00 : f32
        %broadcast_in_dim3A_170 = vector.broadcast %broadcast_in_dim3A_169 : f32 to vector<16xf32>
        %swap3A_171 = arith.index_cast %add3A_145 : i32 to index
        %swap3A_172 = arith.constant 80 : index
        %swap3A_173 = tpu.vector_load %arg20[%swap3A_171, %swap3A_172] {strides = array<i32>} : memref<40x128xf32, #tpu.memory_space<vmem>>, vector<16xf32>,
        tpu.vector_store %arg20[%swap3A_171, %swap3A_172], %broadcast_in_dim3A_170 {strides = array<i32>} : memref<40x128xf32, #tpu.memory_space<vmem>>, vector<16xf32>,
        %broadcast_in_dim3A_174 = arith.constant 0.000000e+00 : f32
        %broadcast_in_dim3A_175 = vector.broadcast %broadcast_in_dim3A_174 : f32 to vector<16xf32>
        %swap3A_176 = arith.index_cast %add3A_145 : i32 to index
        %swap3A_177 = arith.constant 96 : index
        %swap3A_178 = tpu.vector_load %arg20[%swap3A_176, %swap3A_177] {strides = array<i32>} : memref<40x128xf32, #tpu.memory_space<vmem>>, vector<16xf32>,
        tpu.vector_store %arg20[%swap3A_176, %swap3A_177], %broadcast_in_dim3A_175 {strides = array<i32>} : memref<40x128xf32, #tpu.memory_space<vmem>>, vector<16xf32>,
        %broadcast_in_dim3A_179 = arith.constant 0.000000e+00 : f32
        %broadcast_in_dim3A_180 = vector.broadcast %broadcast_in_dim3A_179 : f32 to vector<16xf32>
        %swap3A_181 = arith.index_cast %add3A_145 : i32 to index
        %swap3A_182 = arith.constant 112 : index
        %swap3A_183 = tpu.vector_load %arg20[%swap3A_181, %swap3A_182] {strides = array<i32>} : memref<40x128xf32, #tpu.memory_space<vmem>>, vector<16xf32>,
        tpu.vector_store %arg20[%swap3A_181, %swap3A_182], %broadcast_in_dim3A_180 {strides = array<i32>} : memref<40x128xf32, #tpu.memory_space<vmem>>, vector<16xf32>,
      }
      %scan3A_63 = arith.constant 40 : i32
      %scan3A_64 = arith.constant 0 : i32
      %scan3A_65 = arith.constant 16 : i32
      %scan3A_66 = arith.addi %scan3A_64, %scan3A_65 : i32
      %scan3A_67 = arith.constant 1 : i32
      scf.for %scan3A_141 = %scan3A_64 to %scan3A_66 step %scan3A_67  : i32 {
        %mul3A_142 = arith.constant 1 : i32
        %mul3A_143 = arith.muli %scan3A_141, %mul3A_142 : i32
        %add3A_144 = arith.constant 0 : i32
        %add3A_145 = arith.addi %add3A_144, %mul3A_143 : i32
        %mul3A_146 = arith.constant 16 : i32
        %mul3A_147 = arith.muli %add3A_145, %mul3A_146 : i32
        %add3A_148 = arith.addi %mul3A_147, %arg1 : i32
        %lt3A = arith.constant 250 : i32
        %lt3A_149 = arith.cmpi slt, %add3A_148, %lt3A : i32
        %convert_element_type3A_150 = arith.extui %lt3A_149 : i1 to i32
        %cond3A_151 = arith.constant 0 : i32
        %cond3A_152 = arith.cmpi ne, %convert_element_type3A_150, %cond3A_151 : i32
        scf.if %cond3A_152 {
          %mul3A_153 = arith.constant 40 : i32
          %mul3A_154 = arith.muli %add3A_148, %mul3A_153 : i32
          "tpu.region"() ({
            %run_scoped3A_155 = tpu.sem_alloc : memref<!tpu.dma_semaphore, #tpu.memory_space<semaphore_mem>>
            %dma_start3A_156 = arith.constant 0 : i32
            %dma_start3A_157 = tpu.memref_slice %arg15[%mul3A_154, %dma_start3A_156] : memref<10000x128xf32, #tpu.memory_space<vmem_shared>> -> memref<40x128xf32, #tpu.memory_space<vmem_shared>>
            %dma_start3A_158 = arith.constant 0 : i32
            %dma_start3A_159 = tpu.memref_slice %arg15[%mul3A_154, %dma_start3A_158] : memref<10000x128xf32, #tpu.memory_space<vmem_shared>> -> memref<40x128xf32, #tpu.memory_space<vmem_shared>>
            tpu.enqueue_dma source(%arg20 : memref<40x128xf32, #tpu.memory_space<vmem>>) target(%dma_start3A_159 : memref<40x128xf32, #tpu.memory_space<vmem_shared>>) target_semaphore(%run_scoped3A_155 : memref<!tpu.dma_semaphore, #tpu.memory_space<semaphore_mem>>)
            %dma_wait3A = arith.constant 0 : i32
            %dma_wait3A_160 = tpu.memref_slice %arg15[%mul3A_154, %dma_wait3A] : memref<10000x128xf32, #tpu.memory_space<vmem_shared>> -> memref<40x128xf32, #tpu.memory_space<vmem_shared>>
            %dma_wait3A_161 = arith.constant 0 : i32
            %dma_wait3A_162 = tpu.memref_slice %arg15[%mul3A_154, %dma_wait3A_161] : memref<10000x128xf32, #tpu.memory_space<vmem_shared>> -> memref<40x128xf32, #tpu.memory_space<vmem_shared>>
            tpu.wait_dma2 semaphore(%run_scoped3A_155 : memref<!tpu.dma_semaphore, #tpu.memory_space<semaphore_mem>>) src(%arg20 : memref<40x128xf32, #tpu.memory_space<vmem>>) dst(%dma_wait3A_162 : memref<40x128xf32, #tpu.memory_space<vmem_shared>>)
            tpu.yield
          }) : () -> ()
        } else {
        }
      }
      %scan3A_68 = arith.constant 16 : i32
      %barrier3A_69 = arith.constant 0 : index
      tpu.barrier barrier_id(%barrier3A_69)
      "tpu.region"() ({
        %run_scoped3A_141 = tpu.sem_alloc : memref<!tpu.dma_semaphore, #tpu.memory_space<semaphore_mem>>
        %dma_start3A_142 = tpu.memref_slice %arg8[%mul3A_2] : memref<320000xi32, #tpu.memory_space<hbm>> -> memref<40xi32, #tpu.memory_space<hbm>>
        %dma_start3A_143 = tpu.memref_slice %arg8[%mul3A_2] : memref<320000xi32, #tpu.memory_space<hbm>> -> memref<40xi32, #tpu.memory_space<hbm>>
        tpu.enqueue_dma source(%dma_start3A_143 : memref<40xi32, #tpu.memory_space<hbm>>) target(%arg16 : memref<40xi32, #tpu.memory_space<vmem>>) target_semaphore(%run_scoped3A_141 : memref<!tpu.dma_semaphore, #tpu.memory_space<semaphore_mem>>)
        %dma_wait3A = tpu.memref_slice %arg8[%mul3A_2] : memref<320000xi32, #tpu.memory_space<hbm>> -> memref<40xi32, #tpu.memory_space<hbm>>
        %dma_wait3A_144 = tpu.memref_slice %arg8[%mul3A_2] : memref<320000xi32, #tpu.memory_space<hbm>> -> memref<40xi32, #tpu.memory_space<hbm>>
        tpu.wait_dma2 semaphore(%run_scoped3A_141 : memref<!tpu.dma_semaphore, #tpu.memory_space<semaphore_mem>>) src(%dma_wait3A_144 : memref<40xi32, #tpu.memory_space<hbm>>) dst(%arg16 : memref<40xi32, #tpu.memory_space<vmem>>)
        tpu.yield
      }) : () -> ()
      "tpu.region"() ({
        %run_scoped3A_141 = tpu.sem_alloc : memref<!tpu.dma_semaphore, #tpu.memory_space<semaphore_mem>>
        %dma_start3A_142 = tpu.memref_slice %arg7[%mul3A_2] : memref<320000xi32, #tpu.memory_space<hbm>> -> memref<40xi32, #tpu.memory_space<hbm>>
        %dma_start3A_143 = tpu.memref_slice %arg7[%mul3A_2] : memref<320000xi32, #tpu.memory_space<hbm>> -> memref<40xi32, #tpu.memory_space<hbm>>
        tpu.enqueue_dma source(%dma_start3A_143 : memref<40xi32, #tpu.memory_space<hbm>>) target(%arg17 : memref<40xi32, #tpu.memory_space<vmem>>) target_semaphore(%run_scoped3A_141 : memref<!tpu.dma_semaphore, #tpu.memory_space<semaphore_mem>>)
        %dma_wait3A = tpu.memref_slice %arg7[%mul3A_2] : memref<320000xi32, #tpu.memory_space<hbm>> -> memref<40xi32, #tpu.memory_space<hbm>>
        %dma_wait3A_144 = tpu.memref_slice %arg7[%mul3A_2] : memref<320000xi32, #tpu.memory_space<hbm>> -> memref<40xi32, #tpu.memory_space<hbm>>
        tpu.wait_dma2 semaphore(%run_scoped3A_141 : memref<!tpu.dma_semaphore, #tpu.memory_space<semaphore_mem>>) src(%dma_wait3A_144 : memref<40xi32, #tpu.memory_space<hbm>>) dst(%arg17 : memref<40xi32, #tpu.memory_space<vmem>>)
        tpu.yield
      }) : () -> ()
      %dma_start3A_70 = arith.constant 0 : i32
      %dma_start3A_71 = arith.constant 0 : i32
      %dma_start3A_72 = tpu.memref_slice %arg5[%dma_start3A_70, %dma_start3A_71] : memref<10000x128xf32, #tpu.memory_space<hbm>> -> memref<10000x128xf32, #tpu.memory_space<hbm>>
      tpu.enqueue_indirect_dma source(%dma_start3A_72 : memref<10000x128xf32, #tpu.memory_space<hbm>>) target(%arg22 : memref<40x128xf32, #tpu.memory_space<vmem>>) offsets(%arg16 : memref<40xi32, #tpu.memory_space<vmem>>) semaphore(%arg24 : memref<!tpu.dma_semaphore, #tpu.memory_space<semaphore_mem>>)
      %dma_start3A_73 = arith.constant 0 : i32
      %dma_start3A_74 = tpu.memref_slice %arg14[%mul3A_2, %dma_start3A_73] : memref<320000x256xf32, #tpu.memory_space<hbm>> -> memref<40x128xf32, #tpu.memory_space<hbm>>
      %dma_start3A_75 = arith.constant 0 : i32
      %dma_start3A_76 = tpu.memref_slice %arg14[%mul3A_2, %dma_start3A_75] : memref<320000x256xf32, #tpu.memory_space<hbm>> -> memref<40x128xf32, #tpu.memory_space<hbm>>
      tpu.enqueue_dma source(%dma_start3A_76 : memref<40x128xf32, #tpu.memory_space<hbm>>) target(%arg21 : memref<40x128xf32, #tpu.memory_space<vmem>>) target_semaphore(%arg25 : memref<!tpu.dma_semaphore, #tpu.memory_space<semaphore_mem>>)
      %dma_start3A_77 = arith.constant 128 : i32
      %dma_start3A_78 = tpu.memref_slice %arg14[%mul3A_2, %dma_start3A_77] : memref<320000x256xf32, #tpu.memory_space<hbm>> -> memref<40x128xf32, #tpu.memory_space<hbm>>
      %dma_start3A_79 = arith.constant 128 : i32
      %dma_start3A_80 = tpu.memref_slice %arg14[%mul3A_2, %dma_start3A_79] : memref<320000x256xf32, #tpu.memory_space<hbm>> -> memref<40x128xf32, #tpu.memory_space<hbm>>
      tpu.enqueue_dma source(%dma_start3A_80 : memref<40x128xf32, #tpu.memory_space<hbm>>) target(%arg20 : memref<40x128xf32, #tpu.memory_space<vmem>>) target_semaphore(%arg25 : memref<!tpu.dma_semaphore, #tpu.memory_space<semaphore_mem>>)
      %dma_start3A_81 = tpu.memref_slice %arg10[%mul3A_2] : memref<320000xf32, #tpu.memory_space<hbm>> -> memref<40xf32, #tpu.memory_space<hbm>>
      %dma_start3A_82 = tpu.memref_slice %arg10[%mul3A_2] : memref<320000xf32, #tpu.memory_space<hbm>> -> memref<40xf32, #tpu.memory_space<hbm>>
      tpu.enqueue_dma source(%dma_start3A_82 : memref<40xf32, #tpu.memory_space<hbm>>) target(%arg23 : memref<40xf32, #tpu.memory_space<vmem>>) target_semaphore(%arg25 : memref<!tpu.dma_semaphore, #tpu.memory_space<semaphore_mem>>)
      %add3A_83 = arith.constant 40 : i32
      %add3A_84 = arith.addi %mul3A_2, %add3A_83 : i32
      "tpu.region"() ({
        %run_scoped3A_141 = tpu.sem_alloc : memref<!tpu.dma_semaphore, #tpu.memory_space<semaphore_mem>>
        %dma_start3A_142 = tpu.memref_slice %arg8[%add3A_84] : memref<320000xi32, #tpu.memory_space<hbm>> -> memref<40xi32, #tpu.memory_space<hbm>>
        %dma_start3A_143 = tpu.memref_slice %arg8[%add3A_84] : memref<320000xi32, #tpu.memory_space<hbm>> -> memref<40xi32, #tpu.memory_space<hbm>>
        tpu.enqueue_dma source(%dma_start3A_143 : memref<40xi32, #tpu.memory_space<hbm>>) target(%arg18 : memref<40xi32, #tpu.memory_space<vmem>>) target_semaphore(%run_scoped3A_141 : memref<!tpu.dma_semaphore, #tpu.memory_space<semaphore_mem>>)
        %dma_wait3A = tpu.memref_slice %arg8[%add3A_84] : memref<320000xi32, #tpu.memory_space<hbm>> -> memref<40xi32, #tpu.memory_space<hbm>>
        %dma_wait3A_144 = tpu.memref_slice %arg8[%add3A_84] : memref<320000xi32, #tpu.memory_space<hbm>> -> memref<40xi32, #tpu.memory_space<hbm>>
        tpu.wait_dma2 semaphore(%run_scoped3A_141 : memref<!tpu.dma_semaphore, #tpu.memory_space<semaphore_mem>>) src(%dma_wait3A_144 : memref<40xi32, #tpu.memory_space<hbm>>) dst(%arg18 : memref<40xi32, #tpu.memory_space<vmem>>)
        tpu.yield
      }) : () -> ()
      %add3A_85 = arith.constant 40 : i32
      %add3A_86 = arith.addi %mul3A_2, %add3A_85 : i32
      "tpu.region"() ({
        %run_scoped3A_141 = tpu.sem_alloc : memref<!tpu.dma_semaphore, #tpu.memory_space<semaphore_mem>>
        %dma_start3A_142 = tpu.memref_slice %arg7[%add3A_86] : memref<320000xi32, #tpu.memory_space<hbm>> -> memref<40xi32, #tpu.memory_space<hbm>>
        %dma_start3A_143 = tpu.memref_slice %arg7[%add3A_86] : memref<320000xi32, #tpu.memory_space<hbm>> -> memref<40xi32, #tpu.memory_space<hbm>>
        tpu.enqueue_dma source(%dma_start3A_143 : memref<40xi32, #tpu.memory_space<hbm>>) target(%arg19 : memref<40xi32, #tpu.memory_space<vmem>>) target_semaphore(%run_scoped3A_141 : memref<!tpu.dma_semaphore, #tpu.memory_space<semaphore_mem>>)
        %dma_wait3A = tpu.memref_slice %arg7[%add3A_86] : memref<320000xi32, #tpu.memory_space<hbm>> -> memref<40xi32, #tpu.memory_space<hbm>>
        %dma_wait3A_144 = tpu.memref_slice %arg7[%add3A_86] : memref<320000xi32, #tpu.memory_space<hbm>> -> memref<40xi32, #tpu.memory_space<hbm>>
        tpu.wait_dma2 semaphore(%run_scoped3A_141 : memref<!tpu.dma_semaphore, #tpu.memory_space<semaphore_mem>>) src(%dma_wait3A_144 : memref<40xi32, #tpu.memory_space<hbm>>) dst(%arg19 : memref<40xi32, #tpu.memory_space<vmem>>)
        tpu.yield
      }) : () -> ()
      %scan3A_87 = arith.constant 0 : i32
      %scan3A_88 = arith.constant 125 : i32
      %scan3A_89 = arith.addi %scan3A_87, %scan3A_88 : i32
      %scan3A_90 = arith.constant 1 : i32
      scf.for %scan3A_141 = %scan3A_87 to %scan3A_89 step %scan3A_90  : i32 {
        %mul3A_142 = arith.constant 80 : i32
        %mul3A_143 = arith.muli %scan3A_141, %mul3A_142 : i32
        %add3A_144 = arith.constant 0 : i32
        %add3A_145 = arith.addi %add3A_144, %mul3A_143 : i32
        %add3A_146 = arith.addi %mul3A_2, %add3A_145 : i32
        %add3A_147 = arith.constant 40 : i32
        %add3A_148 = arith.addi %add3A_146, %add3A_147 : i32
        %gt3A = arith.constant 0 : i32
        %gt3A_149 = arith.cmpi sgt, %add3A_145, %gt3A : i32
        %convert_element_type3A_150 = arith.extui %gt3A_149 : i1 to i32
        %cond3A_151 = arith.constant 0 : i32
        %cond3A_152 = arith.cmpi ne, %convert_element_type3A_150, %cond3A_151 : i32
        scf.if %cond3A_152 {
          %dma_wait3A_233 = arith.constant 0 : i32
          %dma_wait3A_234 = tpu.memref_slice %arg8[%dma_wait3A_233] : memref<320000xi32, #tpu.memory_space<hbm>> -> memref<40xi32, #tpu.memory_space<hbm>>
          %dma_wait3A_235 = arith.constant 0 : i32
          %dma_wait3A_236 = tpu.memref_slice %arg8[%dma_wait3A_235] : memref<320000xi32, #tpu.memory_space<hbm>> -> memref<40xi32, #tpu.memory_space<hbm>>
          tpu.wait_dma2 semaphore(%arg28 : memref<!tpu.dma_semaphore, #tpu.memory_space<semaphore_mem>>) src(%dma_wait3A_236 : memref<40xi32, #tpu.memory_space<hbm>>) dst(%arg18 : memref<40xi32, #tpu.memory_space<vmem>>)
          %dma_wait3A_237 = arith.constant 0 : i32
          %dma_wait3A_238 = tpu.memref_slice %arg7[%dma_wait3A_237] : memref<320000xi32, #tpu.memory_space<hbm>> -> memref<40xi32, #tpu.memory_space<hbm>>
          %dma_wait3A_239 = arith.constant 0 : i32
          %dma_wait3A_240 = tpu.memref_slice %arg7[%dma_wait3A_239] : memref<320000xi32, #tpu.memory_space<hbm>> -> memref<40xi32, #tpu.memory_space<hbm>>
          tpu.wait_dma2 semaphore(%arg28 : memref<!tpu.dma_semaphore, #tpu.memory_space<semaphore_mem>>) src(%dma_wait3A_240 : memref<40xi32, #tpu.memory_space<hbm>>) dst(%arg19 : memref<40xi32, #tpu.memory_space<vmem>>)
        } else {
        }
        %dma_start3A_153 = arith.constant 0 : i32
        %dma_start3A_154 = arith.constant 0 : i32
        %dma_start3A_155 = tpu.memref_slice %arg5[%dma_start3A_153, %dma_start3A_154] : memref<10000x128xf32, #tpu.memory_space<hbm>> -> memref<10000x128xf32, #tpu.memory_space<hbm>>
        tpu.enqueue_indirect_dma source(%dma_start3A_155 : memref<10000x128xf32, #tpu.memory_space<hbm>>) target(%run_scoped3A_17 : memref<40x128xf32, #tpu.memory_space<vmem>>) offsets(%arg18 : memref<40xi32, #tpu.memory_space<vmem>>) semaphore(%arg26 : memref<!tpu.dma_semaphore, #tpu.memory_space<semaphore_mem>>)
        %dma_start3A_156 = arith.constant 0 : i32
        %dma_start3A_157 = tpu.memref_slice %arg14[%add3A_148, %dma_start3A_156] : memref<320000x256xf32, #tpu.memory_space<hbm>> -> memref<40x128xf32, #tpu.memory_space<hbm>>
        %dma_start3A_158 = arith.constant 0 : i32
        %dma_start3A_159 = tpu.memref_slice %arg14[%add3A_148, %dma_start3A_158] : memref<320000x256xf32, #tpu.memory_space<hbm>> -> memref<40x128xf32, #tpu.memory_space<hbm>>
        tpu.enqueue_dma source(%dma_start3A_159 : memref<40x128xf32, #tpu.memory_space<hbm>>) target(%run_scoped3A_16 : memref<40x128xf32, #tpu.memory_space<vmem>>) target_semaphore(%arg27 : memref<!tpu.dma_semaphore, #tpu.memory_space<semaphore_mem>>)
        %dma_start3A_160 = arith.constant 128 : i32
        %dma_start3A_161 = tpu.memref_slice %arg14[%add3A_148, %dma_start3A_160] : memref<320000x256xf32, #tpu.memory_space<hbm>> -> memref<40x128xf32, #tpu.memory_space<hbm>>
        %dma_start3A_162 = arith.constant 128 : i32
        %dma_start3A_163 = tpu.memref_slice %arg14[%add3A_148, %dma_start3A_162] : memref<320000x256xf32, #tpu.memory_space<hbm>> -> memref<40x128xf32, #tpu.memory_space<hbm>>
        tpu.enqueue_dma source(%dma_start3A_163 : memref<40x128xf32, #tpu.memory_space<hbm>>) target(%run_scoped3A : memref<40x128xf32, #tpu.memory_space<vmem>>) target_semaphore(%arg27 : memref<!tpu.dma_semaphore, #tpu.memory_space<semaphore_mem>>)
        %dma_start3A_164 = tpu.memref_slice %arg10[%add3A_148] : memref<320000xf32, #tpu.memory_space<hbm>> -> memref<40xf32, #tpu.memory_space<hbm>>
        %dma_start3A_165 = tpu.memref_slice %arg10[%add3A_148] : memref<320000xf32, #tpu.memory_space<hbm>> -> memref<40xf32, #tpu.memory_space<hbm>>
        tpu.enqueue_dma source(%dma_start3A_165 : memref<40xf32, #tpu.memory_space<hbm>>) target(%run_scoped3A_18 : memref<40xf32, #tpu.memory_space<vmem>>) target_semaphore(%arg27 : memref<!tpu.dma_semaphore, #tpu.memory_space<semaphore_mem>>)
        %dma_wait3A = arith.constant 0 : i32
        %dma_wait3A_166 = arith.constant 0 : i32
        %dma_wait3A_167 = tpu.memref_slice %arg5[%dma_wait3A, %dma_wait3A_166] : memref<10000x128xf32, #tpu.memory_space<hbm>> -> memref<40x128xf32, #tpu.memory_space<hbm>>
        %dma_wait3A_168 = arith.constant 0 : i32
        %dma_wait3A_169 = arith.constant 0 : i32
        %dma_wait3A_170 = tpu.memref_slice %arg5[%dma_wait3A_168, %dma_wait3A_169] : memref<10000x128xf32, #tpu.memory_space<hbm>> -> memref<40x128xf32, #tpu.memory_space<hbm>>
        tpu.wait_dma2 semaphore(%arg24 : memref<!tpu.dma_semaphore, #tpu.memory_space<semaphore_mem>>) src(%dma_wait3A_170 : memref<40x128xf32, #tpu.memory_space<hbm>>) dst(%arg22 : memref<40x128xf32, #tpu.memory_space<vmem>>)
        %dma_wait3A_171 = arith.constant 0 : i32
        %dma_wait3A_172 = arith.constant 0 : i32
        %dma_wait3A_173 = tpu.memref_slice %arg14[%dma_wait3A_171, %dma_wait3A_172] : memref<320000x256xf32, #tpu.memory_space<hbm>> -> memref<40x128xf32, #tpu.memory_space<hbm>>
        %dma_wait3A_174 = arith.constant 0 : i32
        %dma_wait3A_175 = arith.constant 0 : i32
        %dma_wait3A_176 = tpu.memref_slice %arg14[%dma_wait3A_174, %dma_wait3A_175] : memref<320000x256xf32, #tpu.memory_space<hbm>> -> memref<40x128xf32, #tpu.memory_space<hbm>>
        tpu.wait_dma2 semaphore(%arg25 : memref<!tpu.dma_semaphore, #tpu.memory_space<semaphore_mem>>) src(%dma_wait3A_176 : memref<40x128xf32, #tpu.memory_space<hbm>>) dst(%arg21 : memref<40x128xf32, #tpu.memory_space<vmem>>)
        %dma_wait3A_177 = arith.constant 0 : i32
        %dma_wait3A_178 = arith.constant 128 : i32
        %dma_wait3A_179 = tpu.memref_slice %arg14[%dma_wait3A_177, %dma_wait3A_178] : memref<320000x256xf32, #tpu.memory_space<hbm>> -> memref<40x128xf32, #tpu.memory_space<hbm>>
        %dma_wait3A_180 = arith.constant 0 : i32
        %dma_wait3A_181 = arith.constant 128 : i32
        %dma_wait3A_182 = tpu.memref_slice %arg14[%dma_wait3A_180, %dma_wait3A_181] : memref<320000x256xf32, #tpu.memory_space<hbm>> -> memref<40x128xf32, #tpu.memory_space<hbm>>
        tpu.wait_dma2 semaphore(%arg25 : memref<!tpu.dma_semaphore, #tpu.memory_space<semaphore_mem>>) src(%dma_wait3A_182 : memref<40x128xf32, #tpu.memory_space<hbm>>) dst(%arg20 : memref<40x128xf32, #tpu.memory_space<vmem>>)
        %dma_wait3A_183 = arith.constant 0 : i32
        %dma_wait3A_184 = tpu.memref_slice %arg10[%dma_wait3A_183] : memref<320000xf32, #tpu.memory_space<hbm>> -> memref<40xf32, #tpu.memory_space<hbm>>
        %dma_wait3A_185 = arith.constant 0 : i32
        %dma_wait3A_186 = tpu.memref_slice %arg10[%dma_wait3A_185] : memref<320000xf32, #tpu.memory_space<hbm>> -> memref<40xf32, #tpu.memory_space<hbm>>
        tpu.wait_dma2 semaphore(%arg25 : memref<!tpu.dma_semaphore, #tpu.memory_space<semaphore_mem>>) src(%dma_wait3A_186 : memref<40xf32, #tpu.memory_space<hbm>>) dst(%arg23 : memref<40xf32, #tpu.memory_space<vmem>>)
        %scan3A_187 = arith.constant 0 : i32
        %scan3A_188 = arith.constant 40 : i32
        %scan3A_189 = arith.addi %scan3A_187, %scan3A_188 : i32
        %scan3A_190 = arith.constant 1 : i32
        scf.for %scan3A_233 = %scan3A_187 to %scan3A_189 step %scan3A_190  : i32 {
          %mul3A_234 = arith.constant 1 : i32
          %mul3A_235 = arith.muli %scan3A_233, %mul3A_234 : i32
          %add3A_236 = arith.constant 0 : i32
          %add3A_237 = arith.addi %add3A_236, %mul3A_235 : i32
          %broadcast_in_dim3A = vector.broadcast %add3A_237 : i32 to vector<16xi32>
          %gather3A = tpu.vector_load_idx %arg23[%broadcast_in_dim3A] : memref<40xf32, #tpu.memory_space<vmem>>[vector<16xi32>], vector<16xf32>,
          %get3A = arith.index_cast %add3A_237 : i32 to index
          %get3A_238 = arith.constant 0 : index
          %get3A_239 = tpu.vector_load %arg21[%get3A, %get3A_238] {strides = array<i32>} : memref<40x128xf32, #tpu.memory_space<vmem>>, vector<16xf32>,
          %mul3A_240 = arith.mulf %get3A_239, %gather3A : vector<16xf32>
          %get3A_241 = arith.index_cast %add3A_237 : i32 to index
          %get3A_242 = arith.constant 0 : index
          %get3A_243 = tpu.vector_load %arg20[%get3A_241, %get3A_242] {strides = array<i32>} : memref<40x128xf32, #tpu.memory_space<vmem>>, vector<16xf32>,
          %get3A_244 = arith.index_cast %add3A_237 : i32 to index
          %get3A_245 = arith.constant 0 : index
          %get3A_246 = tpu.vector_load %arg22[%get3A_244, %get3A_245] {strides = array<i32>} : memref<40x128xf32, #tpu.memory_space<vmem>>, vector<16xf32>,
          %mul3A_247 = arith.mulf %get3A_243, %get3A_246 : vector<16xf32>
          %add3A_248 = arith.addf %mul3A_240, %mul3A_247 : vector<16xf32>
          %swap3A = arith.index_cast %add3A_237 : i32 to index
          %swap3A_249 = arith.constant 0 : index
          %swap3A_250 = tpu.vector_load %arg20[%swap3A, %swap3A_249] {strides = array<i32>} : memref<40x128xf32, #tpu.memory_space<vmem>>, vector<16xf32>,
          tpu.vector_store %arg20[%swap3A, %swap3A_249], %add3A_248 {strides = array<i32>} : memref<40x128xf32, #tpu.memory_space<vmem>>, vector<16xf32>,
          %get3A_251 = arith.index_cast %add3A_237 : i32 to index
          %get3A_252 = arith.constant 16 : index
          %get3A_253 = tpu.vector_load %arg21[%get3A_251, %get3A_252] {strides = array<i32>} : memref<40x128xf32, #tpu.memory_space<vmem>>, vector<16xf32>,
          %mul3A_254 = arith.mulf %get3A_253, %gather3A : vector<16xf32>
          %get3A_255 = arith.index_cast %add3A_237 : i32 to index
          %get3A_256 = arith.constant 16 : index
          %get3A_257 = tpu.vector_load %arg20[%get3A_255, %get3A_256] {strides = array<i32>} : memref<40x128xf32, #tpu.memory_space<vmem>>, vector<16xf32>,
          %get3A_258 = arith.index_cast %add3A_237 : i32 to index
          %get3A_259 = arith.constant 16 : index
          %get3A_260 = tpu.vector_load %arg22[%get3A_258, %get3A_259] {strides = array<i32>} : memref<40x128xf32, #tpu.memory_space<vmem>>, vector<16xf32>,
          %mul3A_261 = arith.mulf %get3A_257, %get3A_260 : vector<16xf32>
          %add3A_262 = arith.addf %mul3A_254, %mul3A_261 : vector<16xf32>
          %swap3A_263 = arith.index_cast %add3A_237 : i32 to index
          %swap3A_264 = arith.constant 16 : index
          %swap3A_265 = tpu.vector_load %arg20[%swap3A_263, %swap3A_264] {strides = array<i32>} : memref<40x128xf32, #tpu.memory_space<vmem>>, vector<16xf32>,
          tpu.vector_store %arg20[%swap3A_263, %swap3A_264], %add3A_262 {strides = array<i32>} : memref<40x128xf32, #tpu.memory_space<vmem>>, vector<16xf32>,
          %get3A_266 = arith.index_cast %add3A_237 : i32 to index
          %get3A_267 = arith.constant 32 : index
          %get3A_268 = tpu.vector_load %arg21[%get3A_266, %get3A_267] {strides = array<i32>} : memref<40x128xf32, #tpu.memory_space<vmem>>, vector<16xf32>,
          %mul3A_269 = arith.mulf %get3A_268, %gather3A : vector<16xf32>
          %get3A_270 = arith.index_cast %add3A_237 : i32 to index
          %get3A_271 = arith.constant 32 : index
          %get3A_272 = tpu.vector_load %arg20[%get3A_270, %get3A_271] {strides = array<i32>} : memref<40x128xf32, #tpu.memory_space<vmem>>, vector<16xf32>,
          %get3A_273 = arith.index_cast %add3A_237 : i32 to index
          %get3A_274 = arith.constant 32 : index
          %get3A_275 = tpu.vector_load %arg22[%get3A_273, %get3A_274] {strides = array<i32>} : memref<40x128xf32, #tpu.memory_space<vmem>>, vector<16xf32>,
          %mul3A_276 = arith.mulf %get3A_272, %get3A_275 : vector<16xf32>
          %add3A_277 = arith.addf %mul3A_269, %mul3A_276 : vector<16xf32>
          %swap3A_278 = arith.index_cast %add3A_237 : i32 to index
          %swap3A_279 = arith.constant 32 : index
          %swap3A_280 = tpu.vector_load %arg20[%swap3A_278, %swap3A_279] {strides = array<i32>} : memref<40x128xf32, #tpu.memory_space<vmem>>, vector<16xf32>,
          tpu.vector_store %arg20[%swap3A_278, %swap3A_279], %add3A_277 {strides = array<i32>} : memref<40x128xf32, #tpu.memory_space<vmem>>, vector<16xf32>,
          %get3A_281 = arith.index_cast %add3A_237 : i32 to index
          %get3A_282 = arith.constant 48 : index
          %get3A_283 = tpu.vector_load %arg21[%get3A_281, %get3A_282] {strides = array<i32>} : memref<40x128xf32, #tpu.memory_space<vmem>>, vector<16xf32>,
          %mul3A_284 = arith.mulf %get3A_283, %gather3A : vector<16xf32>
          %get3A_285 = arith.index_cast %add3A_237 : i32 to index
          %get3A_286 = arith.constant 48 : index
          %get3A_287 = tpu.vector_load %arg20[%get3A_285, %get3A_286] {strides = array<i32>} : memref<40x128xf32, #tpu.memory_space<vmem>>, vector<16xf32>,
          %get3A_288 = arith.index_cast %add3A_237 : i32 to index
          %get3A_289 = arith.constant 48 : index
          %get3A_290 = tpu.vector_load %arg22[%get3A_288, %get3A_289] {strides = array<i32>} : memref<40x128xf32, #tpu.memory_space<vmem>>, vector<16xf32>,
          %mul3A_291 = arith.mulf %get3A_287, %get3A_290 : vector<16xf32>
          %add3A_292 = arith.addf %mul3A_284, %mul3A_291 : vector<16xf32>
          %swap3A_293 = arith.index_cast %add3A_237 : i32 to index
          %swap3A_294 = arith.constant 48 : index
          %swap3A_295 = tpu.vector_load %arg20[%swap3A_293, %swap3A_294] {strides = array<i32>} : memref<40x128xf32, #tpu.memory_space<vmem>>, vector<16xf32>,
          tpu.vector_store %arg20[%swap3A_293, %swap3A_294], %add3A_292 {strides = array<i32>} : memref<40x128xf32, #tpu.memory_space<vmem>>, vector<16xf32>,
          %get3A_296 = arith.index_cast %add3A_237 : i32 to index
          %get3A_297 = arith.constant 64 : index
          %get3A_298 = tpu.vector_load %arg21[%get3A_296, %get3A_297] {strides = array<i32>} : memref<40x128xf32, #tpu.memory_space<vmem>>, vector<16xf32>,
          %mul3A_299 = arith.mulf %get3A_298, %gather3A : vector<16xf32>
          %get3A_300 = arith.index_cast %add3A_237 : i32 to index
          %get3A_301 = arith.constant 64 : index
          %get3A_302 = tpu.vector_load %arg20[%get3A_300, %get3A_301] {strides = array<i32>} : memref<40x128xf32, #tpu.memory_space<vmem>>, vector<16xf32>,
          %get3A_303 = arith.index_cast %add3A_237 : i32 to index
          %get3A_304 = arith.constant 64 : index
          %get3A_305 = tpu.vector_load %arg22[%get3A_303, %get3A_304] {strides = array<i32>} : memref<40x128xf32, #tpu.memory_space<vmem>>, vector<16xf32>,
          %mul3A_306 = arith.mulf %get3A_302, %get3A_305 : vector<16xf32>
          %add3A_307 = arith.addf %mul3A_299, %mul3A_306 : vector<16xf32>
          %swap3A_308 = arith.index_cast %add3A_237 : i32 to index
          %swap3A_309 = arith.constant 64 : index
          %swap3A_310 = tpu.vector_load %arg20[%swap3A_308, %swap3A_309] {strides = array<i32>} : memref<40x128xf32, #tpu.memory_space<vmem>>, vector<16xf32>,
          tpu.vector_store %arg20[%swap3A_308, %swap3A_309], %add3A_307 {strides = array<i32>} : memref<40x128xf32, #tpu.memory_space<vmem>>, vector<16xf32>,
          %get3A_311 = arith.index_cast %add3A_237 : i32 to index
          %get3A_312 = arith.constant 80 : index
          %get3A_313 = tpu.vector_load %arg21[%get3A_311, %get3A_312] {strides = array<i32>} : memref<40x128xf32, #tpu.memory_space<vmem>>, vector<16xf32>,
          %mul3A_314 = arith.mulf %get3A_313, %gather3A : vector<16xf32>
          %get3A_315 = arith.index_cast %add3A_237 : i32 to index
          %get3A_316 = arith.constant 80 : index
          %get3A_317 = tpu.vector_load %arg20[%get3A_315, %get3A_316] {strides = array<i32>} : memref<40x128xf32, #tpu.memory_space<vmem>>, vector<16xf32>,
          %get3A_318 = arith.index_cast %add3A_237 : i32 to index
          %get3A_319 = arith.constant 80 : index
          %get3A_320 = tpu.vector_load %arg22[%get3A_318, %get3A_319] {strides = array<i32>} : memref<40x128xf32, #tpu.memory_space<vmem>>, vector<16xf32>,
          %mul3A_321 = arith.mulf %get3A_317, %get3A_320 : vector<16xf32>
          %add3A_322 = arith.addf %mul3A_314, %mul3A_321 : vector<16xf32>
          %swap3A_323 = arith.index_cast %add3A_237 : i32 to index
          %swap3A_324 = arith.constant 80 : index
          %swap3A_325 = tpu.vector_load %arg20[%swap3A_323, %swap3A_324] {strides = array<i32>} : memref<40x128xf32, #tpu.memory_space<vmem>>, vector<16xf32>,
          tpu.vector_store %arg20[%swap3A_323, %swap3A_324], %add3A_322 {strides = array<i32>} : memref<40x128xf32, #tpu.memory_space<vmem>>, vector<16xf32>,
          %get3A_326 = arith.index_cast %add3A_237 : i32 to index
          %get3A_327 = arith.constant 96 : index
          %get3A_328 = tpu.vector_load %arg21[%get3A_326, %get3A_327] {strides = array<i32>} : memref<40x128xf32, #tpu.memory_space<vmem>>, vector<16xf32>,
          %mul3A_329 = arith.mulf %get3A_328, %gather3A : vector<16xf32>
          %get3A_330 = arith.index_cast %add3A_237 : i32 to index
          %get3A_331 = arith.constant 96 : index
          %get3A_332 = tpu.vector_load %arg20[%get3A_330, %get3A_331] {strides = array<i32>} : memref<40x128xf32, #tpu.memory_space<vmem>>, vector<16xf32>,
          %get3A_333 = arith.index_cast %add3A_237 : i32 to index
          %get3A_334 = arith.constant 96 : index
          %get3A_335 = tpu.vector_load %arg22[%get3A_333, %get3A_334] {strides = array<i32>} : memref<40x128xf32, #tpu.memory_space<vmem>>, vector<16xf32>,
          %mul3A_336 = arith.mulf %get3A_332, %get3A_335 : vector<16xf32>
          %add3A_337 = arith.addf %mul3A_329, %mul3A_336 : vector<16xf32>
          %swap3A_338 = arith.index_cast %add3A_237 : i32 to index
          %swap3A_339 = arith.constant 96 : index
          %swap3A_340 = tpu.vector_load %arg20[%swap3A_338, %swap3A_339] {strides = array<i32>} : memref<40x128xf32, #tpu.memory_space<vmem>>, vector<16xf32>,
          tpu.vector_store %arg20[%swap3A_338, %swap3A_339], %add3A_337 {strides = array<i32>} : memref<40x128xf32, #tpu.memory_space<vmem>>, vector<16xf32>,
          %get3A_341 = arith.index_cast %add3A_237 : i32 to index
          %get3A_342 = arith.constant 112 : index
          %get3A_343 = tpu.vector_load %arg21[%get3A_341, %get3A_342] {strides = array<i32>} : memref<40x128xf32, #tpu.memory_space<vmem>>, vector<16xf32>,
          %mul3A_344 = arith.mulf %get3A_343, %gather3A : vector<16xf32>
          %get3A_345 = arith.index_cast %add3A_237 : i32 to index
          %get3A_346 = arith.constant 112 : index
          %get3A_347 = tpu.vector_load %arg20[%get3A_345, %get3A_346] {strides = array<i32>} : memref<40x128xf32, #tpu.memory_space<vmem>>, vector<16xf32>,
          %get3A_348 = arith.index_cast %add3A_237 : i32 to index
          %get3A_349 = arith.constant 112 : index
          %get3A_350 = tpu.vector_load %arg22[%get3A_348, %get3A_349] {strides = array<i32>} : memref<40x128xf32, #tpu.memory_space<vmem>>, vector<16xf32>,
          %mul3A_351 = arith.mulf %get3A_347, %get3A_350 : vector<16xf32>
          %add3A_352 = arith.addf %mul3A_344, %mul3A_351 : vector<16xf32>
          %swap3A_353 = arith.index_cast %add3A_237 : i32 to index
          %swap3A_354 = arith.constant 112 : index
          %swap3A_355 = tpu.vector_load %arg20[%swap3A_353, %swap3A_354] {strides = array<i32>} : memref<40x128xf32, #tpu.memory_space<vmem>>, vector<16xf32>,
          tpu.vector_store %arg20[%swap3A_353, %swap3A_354], %add3A_352 {strides = array<i32>} : memref<40x128xf32, #tpu.memory_space<vmem>>, vector<16xf32>,
        }
        %scan3A_191 = arith.constant 40 : i32
        "tpu.region"() ({
          %run_scoped3A_233 = tpu.sem_alloc : memref<!tpu.dma_semaphore, #tpu.memory_space<semaphore_mem>>
          %dma_start3A_234 = arith.constant 0 : i32
          %dma_start3A_235 = arith.constant 0 : i32
          %dma_start3A_236 = tpu.memref_slice %arg15[%dma_start3A_234, %dma_start3A_235] : memref<10000x128xf32, #tpu.memory_space<vmem_shared>> -> memref<10000x128xf32, #tpu.memory_space<vmem_shared>>
          tpu.enqueue_indirect_dma source(%arg20 : memref<40x128xf32, #tpu.memory_space<vmem>>) target(%dma_start3A_236 : memref<10000x128xf32, #tpu.memory_space<vmem_shared>>) offsets(%arg17 : memref<40xi32, #tpu.memory_space<vmem>>) semaphore(%run_scoped3A_233 : memref<!tpu.dma_semaphore, #tpu.memory_space<semaphore_mem>>) {add = true}
          %dma_wait3A_237 = arith.constant 0 : i32
          %dma_wait3A_238 = arith.constant 0 : i32
          %dma_wait3A_239 = tpu.memref_slice %arg15[%dma_wait3A_237, %dma_wait3A_238] : memref<10000x128xf32, #tpu.memory_space<vmem_shared>> -> memref<10000x128xf32, #tpu.memory_space<vmem_shared>>
          tpu.wait_indirect_dma semaphore(%run_scoped3A_233 : memref<!tpu.dma_semaphore, #tpu.memory_space<semaphore_mem>>) src(%arg20 : memref<40x128xf32, #tpu.memory_space<vmem>>) dst(%dma_wait3A_239 : memref<10000x128xf32, #tpu.memory_space<vmem_shared>>)
          tpu.yield
        }) : () -> ()
        %lt3A = arith.constant 9920 : i32
        %lt3A_192 = arith.cmpi slt, %add3A_145, %lt3A : i32
        %convert_element_type3A_193 = arith.extui %lt3A_192 : i1 to i32
        %cond3A_194 = arith.constant 0 : i32
        %cond3A_195 = arith.cmpi ne, %convert_element_type3A_193, %cond3A_194 : i32
        scf.if %cond3A_195 {
          %add3A_233 = arith.constant 80 : i32
          %add3A_234 = arith.addi %add3A_146, %add3A_233 : i32
          %dma_start3A_235 = tpu.memref_slice %arg8[%add3A_234] : memref<320000xi32, #tpu.memory_space<hbm>> -> memref<40xi32, #tpu.memory_space<hbm>>
          %dma_start3A_236 = tpu.memref_slice %arg8[%add3A_234] : memref<320000xi32, #tpu.memory_space<hbm>> -> memref<40xi32, #tpu.memory_space<hbm>>
          tpu.enqueue_dma source(%dma_start3A_236 : memref<40xi32, #tpu.memory_space<hbm>>) target(%arg16 : memref<40xi32, #tpu.memory_space<vmem>>) target_semaphore(%arg28 : memref<!tpu.dma_semaphore, #tpu.memory_space<semaphore_mem>>)
          %dma_start3A_237 = tpu.memref_slice %arg7[%add3A_234] : memref<320000xi32, #tpu.memory_space<hbm>> -> memref<40xi32, #tpu.memory_space<hbm>>
          %dma_start3A_238 = tpu.memref_slice %arg7[%add3A_234] : memref<320000xi32, #tpu.memory_space<hbm>> -> memref<40xi32, #tpu.memory_space<hbm>>
          tpu.enqueue_dma source(%dma_start3A_238 : memref<40xi32, #tpu.memory_space<hbm>>) target(%arg17 : memref<40xi32, #tpu.memory_space<vmem>>) target_semaphore(%arg28 : memref<!tpu.dma_semaphore, #tpu.memory_space<semaphore_mem>>)
        } else {
        }
        %lt3A_196 = arith.constant 9920 : i32
        %lt3A_197 = arith.cmpi slt, %add3A_145, %lt3A_196 : i32
        %convert_element_type3A_198 = arith.extui %lt3A_197 : i1 to i32
        %cond3A_199 = arith.constant 0 : i32
        %cond3A_200 = arith.cmpi ne, %convert_element_type3A_198, %cond3A_199 : i32
        scf.if %cond3A_200 {
          %dma_wait3A_233 = arith.constant 0 : i32
          %dma_wait3A_234 = tpu.memref_slice %arg8[%dma_wait3A_233] : memref<320000xi32, #tpu.memory_space<hbm>> -> memref<40xi32, #tpu.memory_space<hbm>>
          %dma_wait3A_235 = arith.constant 0 : i32
          %dma_wait3A_236 = tpu.memref_slice %arg8[%dma_wait3A_235] : memref<320000xi32, #tpu.memory_space<hbm>> -> memref<40xi32, #tpu.memory_space<hbm>>
          tpu.wait_dma2 semaphore(%arg28 : memref<!tpu.dma_semaphore, #tpu.memory_space<semaphore_mem>>) src(%dma_wait3A_236 : memref<40xi32, #tpu.memory_space<hbm>>) dst(%arg16 : memref<40xi32, #tpu.memory_space<vmem>>)
          %dma_wait3A_237 = arith.constant 0 : i32
          %dma_wait3A_238 = tpu.memref_slice %arg7[%dma_wait3A_237] : memref<320000xi32, #tpu.memory_space<hbm>> -> memref<40xi32, #tpu.memory_space<hbm>>
          %dma_wait3A_239 = arith.constant 0 : i32
          %dma_wait3A_240 = tpu.memref_slice %arg7[%dma_wait3A_239] : memref<320000xi32, #tpu.memory_space<hbm>> -> memref<40xi32, #tpu.memory_space<hbm>>
          tpu.wait_dma2 semaphore(%arg28 : memref<!tpu.dma_semaphore, #tpu.memory_space<semaphore_mem>>) src(%dma_wait3A_240 : memref<40xi32, #tpu.memory_space<hbm>>) dst(%arg17 : memref<40xi32, #tpu.memory_space<vmem>>)
          %add3A_241 = arith.constant 80 : i32
          %add3A_242 = arith.addi %add3A_146, %add3A_241 : i32
          %dma_start3A_243 = arith.constant 0 : i32
          %dma_start3A_244 = arith.constant 0 : i32
          %dma_start3A_245 = tpu.memref_slice %arg5[%dma_start3A_243, %dma_start3A_244] : memref<10000x128xf32, #tpu.memory_space<hbm>> -> memref<10000x128xf32, #tpu.memory_space<hbm>>
          tpu.enqueue_indirect_dma source(%dma_start3A_245 : memref<10000x128xf32, #tpu.memory_space<hbm>>) target(%arg22 : memref<40x128xf32, #tpu.memory_space<vmem>>) offsets(%arg16 : memref<40xi32, #tpu.memory_space<vmem>>) semaphore(%arg24 : memref<!tpu.dma_semaphore, #tpu.memory_space<semaphore_mem>>)
          %dma_start3A_246 = arith.constant 0 : i32
          %dma_start3A_247 = tpu.memref_slice %arg14[%add3A_242, %dma_start3A_246] : memref<320000x256xf32, #tpu.memory_space<hbm>> -> memref<40x128xf32, #tpu.memory_space<hbm>>
          %dma_start3A_248 = arith.constant 0 : i32
          %dma_start3A_249 = tpu.memref_slice %arg14[%add3A_242, %dma_start3A_248] : memref<320000x256xf32, #tpu.memory_space<hbm>> -> memref<40x128xf32, #tpu.memory_space<hbm>>
          tpu.enqueue_dma source(%dma_start3A_249 : memref<40x128xf32, #tpu.memory_space<hbm>>) target(%arg21 : memref<40x128xf32, #tpu.memory_space<vmem>>) target_semaphore(%arg25 : memref<!tpu.dma_semaphore, #tpu.memory_space<semaphore_mem>>)
          %dma_start3A_250 = arith.constant 128 : i32
          %dma_start3A_251 = tpu.memref_slice %arg14[%add3A_242, %dma_start3A_250] : memref<320000x256xf32, #tpu.memory_space<hbm>> -> memref<40x128xf32, #tpu.memory_space<hbm>>
          %dma_start3A_252 = arith.constant 128 : i32
          %dma_start3A_253 = tpu.memref_slice %arg14[%add3A_242, %dma_start3A_252] : memref<320000x256xf32, #tpu.memory_space<hbm>> -> memref<40x128xf32, #tpu.memory_space<hbm>>
          tpu.enqueue_dma source(%dma_start3A_253 : memref<40x128xf32, #tpu.memory_space<hbm>>) target(%arg20 : memref<40x128xf32, #tpu.memory_space<vmem>>) target_semaphore(%arg25 : memref<!tpu.dma_semaphore, #tpu.memory_space<semaphore_mem>>)
          %dma_start3A_254 = tpu.memref_slice %arg10[%add3A_242] : memref<320000xf32, #tpu.memory_space<hbm>> -> memref<40xf32, #tpu.memory_space<hbm>>
          %dma_start3A_255 = tpu.memref_slice %arg10[%add3A_242] : memref<320000xf32, #tpu.memory_space<hbm>> -> memref<40xf32, #tpu.memory_space<hbm>>
          tpu.enqueue_dma source(%dma_start3A_255 : memref<40xf32, #tpu.memory_space<hbm>>) target(%arg23 : memref<40xf32, #tpu.memory_space<vmem>>) target_semaphore(%arg25 : memref<!tpu.dma_semaphore, #tpu.memory_space<semaphore_mem>>)
        } else {
        }
        %dma_wait3A_201 = arith.constant 0 : i32
        %dma_wait3A_202 = arith.constant 0 : i32
        %dma_wait3A_203 = tpu.memref_slice %arg5[%dma_wait3A_201, %dma_wait3A_202] : memref<10000x128xf32, #tpu.memory_space<hbm>> -> memref<40x128xf32, #tpu.memory_space<hbm>>
        %dma_wait3A_204 = arith.constant 0 : i32
        %dma_wait3A_205 = arith.constant 0 : i32
        %dma_wait3A_206 = tpu.memref_slice %arg5[%dma_wait3A_204, %dma_wait3A_205] : memref<10000x128xf32, #tpu.memory_space<hbm>> -> memref<40x128xf32, #tpu.memory_space<hbm>>
        tpu.wait_dma2 semaphore(%arg26 : memref<!tpu.dma_semaphore, #tpu.memory_space<semaphore_mem>>) src(%dma_wait3A_206 : memref<40x128xf32, #tpu.memory_space<hbm>>) dst(%run_scoped3A_17 : memref<40x128xf32, #tpu.memory_space<vmem>>)
        %dma_wait3A_207 = arith.constant 0 : i32
        %dma_wait3A_208 = arith.constant 0 : i32
        %dma_wait3A_209 = tpu.memref_slice %arg14[%dma_wait3A_207, %dma_wait3A_208] : memref<320000x256xf32, #tpu.memory_space<hbm>> -> memref<40x128xf32, #tpu.memory_space<hbm>>
        %dma_wait3A_210 = arith.constant 0 : i32
        %dma_wait3A_211 = arith.constant 0 : i32
        %dma_wait3A_212 = tpu.memref_slice %arg14[%dma_wait3A_210, %dma_wait3A_211] : memref<320000x256xf32, #tpu.memory_space<hbm>> -> memref<40x128xf32, #tpu.memory_space<hbm>>
        tpu.wait_dma2 semaphore(%arg27 : memref<!tpu.dma_semaphore, #tpu.memory_space<semaphore_mem>>) src(%dma_wait3A_212 : memref<40x128xf32, #tpu.memory_space<hbm>>) dst(%run_scoped3A_16 : memref<40x128xf32, #tpu.memory_space<vmem>>)
        %dma_wait3A_213 = arith.constant 0 : i32
        %dma_wait3A_214 = arith.constant 128 : i32
        %dma_wait3A_215 = tpu.memref_slice %arg14[%dma_wait3A_213, %dma_wait3A_214] : memref<320000x256xf32, #tpu.memory_space<hbm>> -> memref<40x128xf32, #tpu.memory_space<hbm>>
        %dma_wait3A_216 = arith.constant 0 : i32
        %dma_wait3A_217 = arith.constant 128 : i32
        %dma_wait3A_218 = tpu.memref_slice %arg14[%dma_wait3A_216, %dma_wait3A_217] : memref<320000x256xf32, #tpu.memory_space<hbm>> -> memref<40x128xf32, #tpu.memory_space<hbm>>
        tpu.wait_dma2 semaphore(%arg27 : memref<!tpu.dma_semaphore, #tpu.memory_space<semaphore_mem>>) src(%dma_wait3A_218 : memref<40x128xf32, #tpu.memory_space<hbm>>) dst(%run_scoped3A : memref<40x128xf32, #tpu.memory_space<vmem>>)
        %dma_wait3A_219 = arith.constant 0 : i32
        %dma_wait3A_220 = tpu.memref_slice %arg10[%dma_wait3A_219] : memref<320000xf32, #tpu.memory_space<hbm>> -> memref<40xf32, #tpu.memory_space<hbm>>
        %dma_wait3A_221 = arith.constant 0 : i32
        %dma_wait3A_222 = tpu.memref_slice %arg10[%dma_wait3A_221] : memref<320000xf32, #tpu.memory_space<hbm>> -> memref<40xf32, #tpu.memory_space<hbm>>
        tpu.wait_dma2 semaphore(%arg27 : memref<!tpu.dma_semaphore, #tpu.memory_space<semaphore_mem>>) src(%dma_wait3A_222 : memref<40xf32, #tpu.memory_space<hbm>>) dst(%run_scoped3A_18 : memref<40xf32, #tpu.memory_space<vmem>>)
        %scan3A_223 = arith.constant 0 : i32
        %scan3A_224 = arith.constant 40 : i32
        %scan3A_225 = arith.addi %scan3A_223, %scan3A_224 : i32
        %scan3A_226 = arith.constant 1 : i32
        scf.for %scan3A_233 = %scan3A_223 to %scan3A_225 step %scan3A_226  : i32 {
          %mul3A_234 = arith.constant 1 : i32
          %mul3A_235 = arith.muli %scan3A_233, %mul3A_234 : i32
          %add3A_236 = arith.constant 0 : i32
          %add3A_237 = arith.addi %add3A_236, %mul3A_235 : i32
          %broadcast_in_dim3A = vector.broadcast %add3A_237 : i32 to vector<16xi32>
          %gather3A = tpu.vector_load_idx %run_scoped3A_18[%broadcast_in_dim3A] : memref<40xf32, #tpu.memory_space<vmem>>[vector<16xi32>], vector<16xf32>,
          %get3A = arith.index_cast %add3A_237 : i32 to index
          %get3A_238 = arith.constant 0 : index
          %get3A_239 = tpu.vector_load %run_scoped3A_16[%get3A, %get3A_238] {strides = array<i32>} : memref<40x128xf32, #tpu.memory_space<vmem>>, vector<16xf32>,
          %mul3A_240 = arith.mulf %get3A_239, %gather3A : vector<16xf32>
          %get3A_241 = arith.index_cast %add3A_237 : i32 to index
          %get3A_242 = arith.constant 0 : index
          %get3A_243 = tpu.vector_load %run_scoped3A[%get3A_241, %get3A_242] {strides = array<i32>} : memref<40x128xf32, #tpu.memory_space<vmem>>, vector<16xf32>,
          %get3A_244 = arith.index_cast %add3A_237 : i32 to index
          %get3A_245 = arith.constant 0 : index
          %get3A_246 = tpu.vector_load %run_scoped3A_17[%get3A_244, %get3A_245] {strides = array<i32>} : memref<40x128xf32, #tpu.memory_space<vmem>>, vector<16xf32>,
          %mul3A_247 = arith.mulf %get3A_243, %get3A_246 : vector<16xf32>
          %add3A_248 = arith.addf %mul3A_240, %mul3A_247 : vector<16xf32>
          %swap3A = arith.index_cast %add3A_237 : i32 to index
          %swap3A_249 = arith.constant 0 : index
          %swap3A_250 = tpu.vector_load %run_scoped3A[%swap3A, %swap3A_249] {strides = array<i32>} : memref<40x128xf32, #tpu.memory_space<vmem>>, vector<16xf32>,
          tpu.vector_store %run_scoped3A[%swap3A, %swap3A_249], %add3A_248 {strides = array<i32>} : memref<40x128xf32, #tpu.memory_space<vmem>>, vector<16xf32>,
          %get3A_251 = arith.index_cast %add3A_237 : i32 to index
          %get3A_252 = arith.constant 16 : index
          %get3A_253 = tpu.vector_load %run_scoped3A_16[%get3A_251, %get3A_252] {strides = array<i32>} : memref<40x128xf32, #tpu.memory_space<vmem>>, vector<16xf32>,
          %mul3A_254 = arith.mulf %get3A_253, %gather3A : vector<16xf32>
          %get3A_255 = arith.index_cast %add3A_237 : i32 to index
          %get3A_256 = arith.constant 16 : index
          %get3A_257 = tpu.vector_load %run_scoped3A[%get3A_255, %get3A_256] {strides = array<i32>} : memref<40x128xf32, #tpu.memory_space<vmem>>, vector<16xf32>,
          %get3A_258 = arith.index_cast %add3A_237 : i32 to index
          %get3A_259 = arith.constant 16 : index
          %get3A_260 = tpu.vector_load %run_scoped3A_17[%get3A_258, %get3A_259] {strides = array<i32>} : memref<40x128xf32, #tpu.memory_space<vmem>>, vector<16xf32>,
          %mul3A_261 = arith.mulf %get3A_257, %get3A_260 : vector<16xf32>
          %add3A_262 = arith.addf %mul3A_254, %mul3A_261 : vector<16xf32>
          %swap3A_263 = arith.index_cast %add3A_237 : i32 to index
          %swap3A_264 = arith.constant 16 : index
          %swap3A_265 = tpu.vector_load %run_scoped3A[%swap3A_263, %swap3A_264] {strides = array<i32>} : memref<40x128xf32, #tpu.memory_space<vmem>>, vector<16xf32>,
          tpu.vector_store %run_scoped3A[%swap3A_263, %swap3A_264], %add3A_262 {strides = array<i32>} : memref<40x128xf32, #tpu.memory_space<vmem>>, vector<16xf32>,
          %get3A_266 = arith.index_cast %add3A_237 : i32 to index
          %get3A_267 = arith.constant 32 : index
          %get3A_268 = tpu.vector_load %run_scoped3A_16[%get3A_266, %get3A_267] {strides = array<i32>} : memref<40x128xf32, #tpu.memory_space<vmem>>, vector<16xf32>,
          %mul3A_269 = arith.mulf %get3A_268, %gather3A : vector<16xf32>
          %get3A_270 = arith.index_cast %add3A_237 : i32 to index
          %get3A_271 = arith.constant 32 : index
          %get3A_272 = tpu.vector_load %run_scoped3A[%get3A_270, %get3A_271] {strides = array<i32>} : memref<40x128xf32, #tpu.memory_space<vmem>>, vector<16xf32>,
          %get3A_273 = arith.index_cast %add3A_237 : i32 to index
          %get3A_274 = arith.constant 32 : index
          %get3A_275 = tpu.vector_load %run_scoped3A_17[%get3A_273, %get3A_274] {strides = array<i32>} : memref<40x128xf32, #tpu.memory_space<vmem>>, vector<16xf32>,
          %mul3A_276 = arith.mulf %get3A_272, %get3A_275 : vector<16xf32>
          %add3A_277 = arith.addf %mul3A_269, %mul3A_276 : vector<16xf32>
          %swap3A_278 = arith.index_cast %add3A_237 : i32 to index
          %swap3A_279 = arith.constant 32 : index
          %swap3A_280 = tpu.vector_load %run_scoped3A[%swap3A_278, %swap3A_279] {strides = array<i32>} : memref<40x128xf32, #tpu.memory_space<vmem>>, vector<16xf32>,
          tpu.vector_store %run_scoped3A[%swap3A_278, %swap3A_279], %add3A_277 {strides = array<i32>} : memref<40x128xf32, #tpu.memory_space<vmem>>, vector<16xf32>,
          %get3A_281 = arith.index_cast %add3A_237 : i32 to index
          %get3A_282 = arith.constant 48 : index
          %get3A_283 = tpu.vector_load %run_scoped3A_16[%get3A_281, %get3A_282] {strides = array<i32>} : memref<40x128xf32, #tpu.memory_space<vmem>>, vector<16xf32>,
          %mul3A_284 = arith.mulf %get3A_283, %gather3A : vector<16xf32>
          %get3A_285 = arith.index_cast %add3A_237 : i32 to index
          %get3A_286 = arith.constant 48 : index
          %get3A_287 = tpu.vector_load %run_scoped3A[%get3A_285, %get3A_286] {strides = array<i32>} : memref<40x128xf32, #tpu.memory_space<vmem>>, vector<16xf32>,
          %get3A_288 = arith.index_cast %add3A_237 : i32 to index
          %get3A_289 = arith.constant 48 : index
          %get3A_290 = tpu.vector_load %run_scoped3A_17[%get3A_288, %get3A_289] {strides = array<i32>} : memref<40x128xf32, #tpu.memory_space<vmem>>, vector<16xf32>,
          %mul3A_291 = arith.mulf %get3A_287, %get3A_290 : vector<16xf32>
          %add3A_292 = arith.addf %mul3A_284, %mul3A_291 : vector<16xf32>
          %swap3A_293 = arith.index_cast %add3A_237 : i32 to index
          %swap3A_294 = arith.constant 48 : index
          %swap3A_295 = tpu.vector_load %run_scoped3A[%swap3A_293, %swap3A_294] {strides = array<i32>} : memref<40x128xf32, #tpu.memory_space<vmem>>, vector<16xf32>,
          tpu.vector_store %run_scoped3A[%swap3A_293, %swap3A_294], %add3A_292 {strides = array<i32>} : memref<40x128xf32, #tpu.memory_space<vmem>>, vector<16xf32>,
          %get3A_296 = arith.index_cast %add3A_237 : i32 to index
          %get3A_297 = arith.constant 64 : index
          %get3A_298 = tpu.vector_load %run_scoped3A_16[%get3A_296, %get3A_297] {strides = array<i32>} : memref<40x128xf32, #tpu.memory_space<vmem>>, vector<16xf32>,
          %mul3A_299 = arith.mulf %get3A_298, %gather3A : vector<16xf32>
          %get3A_300 = arith.index_cast %add3A_237 : i32 to index
          %get3A_301 = arith.constant 64 : index
          %get3A_302 = tpu.vector_load %run_scoped3A[%get3A_300, %get3A_301] {strides = array<i32>} : memref<40x128xf32, #tpu.memory_space<vmem>>, vector<16xf32>,
          %get3A_303 = arith.index_cast %add3A_237 : i32 to index
          %get3A_304 = arith.constant 64 : index
          %get3A_305 = tpu.vector_load %run_scoped3A_17[%get3A_303, %get3A_304] {strides = array<i32>} : memref<40x128xf32, #tpu.memory_space<vmem>>, vector<16xf32>,
          %mul3A_306 = arith.mulf %get3A_302, %get3A_305 : vector<16xf32>
          %add3A_307 = arith.addf %mul3A_299, %mul3A_306 : vector<16xf32>
          %swap3A_308 = arith.index_cast %add3A_237 : i32 to index
          %swap3A_309 = arith.constant 64 : index
          %swap3A_310 = tpu.vector_load %run_scoped3A[%swap3A_308, %swap3A_309] {strides = array<i32>} : memref<40x128xf32, #tpu.memory_space<vmem>>, vector<16xf32>,
          tpu.vector_store %run_scoped3A[%swap3A_308, %swap3A_309], %add3A_307 {strides = array<i32>} : memref<40x128xf32, #tpu.memory_space<vmem>>, vector<16xf32>,
          %get3A_311 = arith.index_cast %add3A_237 : i32 to index
          %get3A_312 = arith.constant 80 : index
          %get3A_313 = tpu.vector_load %run_scoped3A_16[%get3A_311, %get3A_312] {strides = array<i32>} : memref<40x128xf32, #tpu.memory_space<vmem>>, vector<16xf32>,
          %mul3A_314 = arith.mulf %get3A_313, %gather3A : vector<16xf32>
          %get3A_315 = arith.index_cast %add3A_237 : i32 to index
          %get3A_316 = arith.constant 80 : index
          %get3A_317 = tpu.vector_load %run_scoped3A[%get3A_315, %get3A_316] {strides = array<i32>} : memref<40x128xf32, #tpu.memory_space<vmem>>, vector<16xf32>,
          %get3A_318 = arith.index_cast %add3A_237 : i32 to index
          %get3A_319 = arith.constant 80 : index
          %get3A_320 = tpu.vector_load %run_scoped3A_17[%get3A_318, %get3A_319] {strides = array<i32>} : memref<40x128xf32, #tpu.memory_space<vmem>>, vector<16xf32>,
          %mul3A_321 = arith.mulf %get3A_317, %get3A_320 : vector<16xf32>
          %add3A_322 = arith.addf %mul3A_314, %mul3A_321 : vector<16xf32>
          %swap3A_323 = arith.index_cast %add3A_237 : i32 to index
          %swap3A_324 = arith.constant 80 : index
          %swap3A_325 = tpu.vector_load %run_scoped3A[%swap3A_323, %swap3A_324] {strides = array<i32>} : memref<40x128xf32, #tpu.memory_space<vmem>>, vector<16xf32>,
          tpu.vector_store %run_scoped3A[%swap3A_323, %swap3A_324], %add3A_322 {strides = array<i32>} : memref<40x128xf32, #tpu.memory_space<vmem>>, vector<16xf32>,
          %get3A_326 = arith.index_cast %add3A_237 : i32 to index
          %get3A_327 = arith.constant 96 : index
          %get3A_328 = tpu.vector_load %run_scoped3A_16[%get3A_326, %get3A_327] {strides = array<i32>} : memref<40x128xf32, #tpu.memory_space<vmem>>, vector<16xf32>,
          %mul3A_329 = arith.mulf %get3A_328, %gather3A : vector<16xf32>
          %get3A_330 = arith.index_cast %add3A_237 : i32 to index
          %get3A_331 = arith.constant 96 : index
          %get3A_332 = tpu.vector_load %run_scoped3A[%get3A_330, %get3A_331] {strides = array<i32>} : memref<40x128xf32, #tpu.memory_space<vmem>>, vector<16xf32>,
          %get3A_333 = arith.index_cast %add3A_237 : i32 to index
          %get3A_334 = arith.constant 96 : index
          %get3A_335 = tpu.vector_load %run_scoped3A_17[%get3A_333, %get3A_334] {strides = array<i32>} : memref<40x128xf32, #tpu.memory_space<vmem>>, vector<16xf32>,
          %mul3A_336 = arith.mulf %get3A_332, %get3A_335 : vector<16xf32>
          %add3A_337 = arith.addf %mul3A_329, %mul3A_336 : vector<16xf32>
          %swap3A_338 = arith.index_cast %add3A_237 : i32 to index
          %swap3A_339 = arith.constant 96 : index
          %swap3A_340 = tpu.vector_load %run_scoped3A[%swap3A_338, %swap3A_339] {strides = array<i32>} : memref<40x128xf32, #tpu.memory_space<vmem>>, vector<16xf32>,
          tpu.vector_store %run_scoped3A[%swap3A_338, %swap3A_339], %add3A_337 {strides = array<i32>} : memref<40x128xf32, #tpu.memory_space<vmem>>, vector<16xf32>,
          %get3A_341 = arith.index_cast %add3A_237 : i32 to index
          %get3A_342 = arith.constant 112 : index
          %get3A_343 = tpu.vector_load %run_scoped3A_16[%get3A_341, %get3A_342] {strides = array<i32>} : memref<40x128xf32, #tpu.memory_space<vmem>>, vector<16xf32>,
          %mul3A_344 = arith.mulf %get3A_343, %gather3A : vector<16xf32>
          %get3A_345 = arith.index_cast %add3A_237 : i32 to index
          %get3A_346 = arith.constant 112 : index
          %get3A_347 = tpu.vector_load %run_scoped3A[%get3A_345, %get3A_346] {strides = array<i32>} : memref<40x128xf32, #tpu.memory_space<vmem>>, vector<16xf32>,
          %get3A_348 = arith.index_cast %add3A_237 : i32 to index
          %get3A_349 = arith.constant 112 : index
          %get3A_350 = tpu.vector_load %run_scoped3A_17[%get3A_348, %get3A_349] {strides = array<i32>} : memref<40x128xf32, #tpu.memory_space<vmem>>, vector<16xf32>,
          %mul3A_351 = arith.mulf %get3A_347, %get3A_350 : vector<16xf32>
          %add3A_352 = arith.addf %mul3A_344, %mul3A_351 : vector<16xf32>
          %swap3A_353 = arith.index_cast %add3A_237 : i32 to index
          %swap3A_354 = arith.constant 112 : index
          %swap3A_355 = tpu.vector_load %run_scoped3A[%swap3A_353, %swap3A_354] {strides = array<i32>} : memref<40x128xf32, #tpu.memory_space<vmem>>, vector<16xf32>,
          tpu.vector_store %run_scoped3A[%swap3A_353, %swap3A_354], %add3A_352 {strides = array<i32>} : memref<40x128xf32, #tpu.memory_space<vmem>>, vector<16xf32>,
        }
        %scan3A_227 = arith.constant 40 : i32
        "tpu.region"() ({
          %run_scoped3A_233 = tpu.sem_alloc : memref<!tpu.dma_semaphore, #tpu.memory_space<semaphore_mem>>
          %dma_start3A_234 = arith.constant 0 : i32
          %dma_start3A_235 = arith.constant 0 : i32
          %dma_start3A_236 = tpu.memref_slice %arg15[%dma_start3A_234, %dma_start3A_235] : memref<10000x128xf32, #tpu.memory_space<vmem_shared>> -> memref<10000x128xf32, #tpu.memory_space<vmem_shared>>
          tpu.enqueue_indirect_dma source(%run_scoped3A : memref<40x128xf32, #tpu.memory_space<vmem>>) target(%dma_start3A_236 : memref<10000x128xf32, #tpu.memory_space<vmem_shared>>) offsets(%arg19 : memref<40xi32, #tpu.memory_space<vmem>>) semaphore(%run_scoped3A_233 : memref<!tpu.dma_semaphore, #tpu.memory_space<semaphore_mem>>) {add = true}
          %dma_wait3A_237 = arith.constant 0 : i32
          %dma_wait3A_238 = arith.constant 0 : i32
          %dma_wait3A_239 = tpu.memref_slice %arg15[%dma_wait3A_237, %dma_wait3A_238] : memref<10000x128xf32, #tpu.memory_space<vmem_shared>> -> memref<10000x128xf32, #tpu.memory_space<vmem_shared>>
          tpu.wait_indirect_dma semaphore(%run_scoped3A_233 : memref<!tpu.dma_semaphore, #tpu.memory_space<semaphore_mem>>) src(%run_scoped3A : memref<40x128xf32, #tpu.memory_space<vmem>>) dst(%dma_wait3A_239 : memref<10000x128xf32, #tpu.memory_space<vmem_shared>>)
          tpu.yield
        }) : () -> ()
        %lt3A_228 = arith.constant 9880 : i32
        %lt3A_229 = arith.cmpi slt, %add3A_145, %lt3A_228 : i32
        %convert_element_type3A_230 = arith.extui %lt3A_229 : i1 to i32
        %cond3A_231 = arith.constant 0 : i32
        %cond3A_232 = arith.cmpi ne, %convert_element_type3A_230, %cond3A_231 : i32
        scf.if %cond3A_232 {
          %add3A_233 = arith.constant 120 : i32
          %add3A_234 = arith.addi %add3A_146, %add3A_233 : i32
          %dma_start3A_235 = tpu.memref_slice %arg8[%add3A_234] : memref<320000xi32, #tpu.memory_space<hbm>> -> memref<40xi32, #tpu.memory_space<hbm>>
          %dma_start3A_236 = tpu.memref_slice %arg8[%add3A_234] : memref<320000xi32, #tpu.memory_space<hbm>> -> memref<40xi32, #tpu.memory_space<hbm>>
          tpu.enqueue_dma source(%dma_start3A_236 : memref<40xi32, #tpu.memory_space<hbm>>) target(%arg18 : memref<40xi32, #tpu.memory_space<vmem>>) target_semaphore(%arg28 : memref<!tpu.dma_semaphore, #tpu.memory_space<semaphore_mem>>)
          %dma_start3A_237 = tpu.memref_slice %arg7[%add3A_234] : memref<320000xi32, #tpu.memory_space<hbm>> -> memref<40xi32, #tpu.memory_space<hbm>>
          %dma_start3A_238 = tpu.memref_slice %arg7[%add3A_234] : memref<320000xi32, #tpu.memory_space<hbm>> -> memref<40xi32, #tpu.memory_space<hbm>>
          tpu.enqueue_dma source(%dma_start3A_238 : memref<40xi32, #tpu.memory_space<hbm>>) target(%arg19 : memref<40xi32, #tpu.memory_space<vmem>>) target_semaphore(%arg28 : memref<!tpu.dma_semaphore, #tpu.memory_space<semaphore_mem>>)
        } else {
        }
      }
      %scan3A_91 = arith.constant 125 : i32
      %barrier3A_92 = arith.constant 0 : index
      tpu.barrier barrier_id(%barrier3A_92)
      %eq3A_93 = arith.constant 0 : i32
      %eq3A_94 = arith.cmpi eq, %arg1, %eq3A_93 : i32
      %convert_element_type3A_95 = arith.extui %eq3A_94 : i1 to i32
      %cond3A_96 = arith.constant 1 : i32
      %cond3A_97 = arith.constant 0 : i32
      %cond3A_98 = arith.cmpi ne, %convert_element_type3A_95, %cond3A_97 : i32
      scf.if %cond3A_98 {
        "tpu.region"() ({
          %run_scoped3A_141 = tpu.sem_alloc : memref<!tpu.dma_semaphore, #tpu.memory_space<semaphore_mem>>
          %dma_start3A_142 = arith.constant 0 : i32
          %dma_start3A_143 = arith.constant 0 : i32
          %dma_start3A_144 = tpu.memref_slice %arg13[%cond3A_96, %arg0, %dma_start3A_142, %dma_start3A_143] : memref<3x2x10000x128xf32, #tpu.memory_space<hbm>> -> memref<1x1x10000x128xf32, #tpu.memory_space<hbm>>
          %dma_start3A_145 = tpu.memref_squeeze %dma_start3A_144 : memref<1x1x10000x128xf32, #tpu.memory_space<hbm>> -> memref<10000x128xf32, #tpu.memory_space<hbm>>
          tpu.enqueue_dma source(%arg15 : memref<10000x128xf32, #tpu.memory_space<vmem_shared>>) target(%dma_start3A_145 : memref<10000x128xf32, #tpu.memory_space<hbm>>) target_semaphore(%run_scoped3A_141 : memref<!tpu.dma_semaphore, #tpu.memory_space<semaphore_mem>>)
          %dma_wait3A = arith.constant 0 : i32
          %dma_wait3A_146 = arith.constant 0 : i32
          %dma_wait3A_147 = tpu.memref_slice %arg13[%cond3A_96, %arg0, %dma_wait3A, %dma_wait3A_146] : memref<3x2x10000x128xf32, #tpu.memory_space<hbm>> -> memref<1x1x10000x128xf32, #tpu.memory_space<hbm>>
          %dma_wait3A_148 = tpu.memref_squeeze %dma_wait3A_147 : memref<1x1x10000x128xf32, #tpu.memory_space<hbm>> -> memref<10000x128xf32, #tpu.memory_space<hbm>>
          tpu.wait_dma2 semaphore(%run_scoped3A_141 : memref<!tpu.dma_semaphore, #tpu.memory_space<semaphore_mem>>) src(%arg15 : memref<10000x128xf32, #tpu.memory_space<vmem_shared>>) dst(%dma_wait3A_148 : memref<10000x128xf32, #tpu.memory_space<hbm>>)
          tpu.yield
        }) : () -> ()
      } else {
      }
      %barrier3A_99 = arith.constant 0 : index
      tpu.barrier barrier_id(%barrier3A_99)
      %scan3A_100 = arith.constant 0 : i32
      %scan3A_101 = arith.constant 40 : i32
      %scan3A_102 = arith.addi %scan3A_100, %scan3A_101 : i32
      %scan3A_103 = arith.constant 1 : i32
      scf.for %scan3A_141 = %scan3A_100 to %scan3A_102 step %scan3A_103  : i32 {
        %mul3A_142 = arith.constant 1 : i32
        %mul3A_143 = arith.muli %scan3A_141, %mul3A_142 : i32
        %add3A_144 = arith.constant 0 : i32
        %add3A_145 = arith.addi %add3A_144, %mul3A_143 : i32
        %broadcast_in_dim3A = arith.constant 0.000000e+00 : f32
        %broadcast_in_dim3A_146 = vector.broadcast %broadcast_in_dim3A : f32 to vector<16xf32>
        %swap3A = arith.index_cast %add3A_145 : i32 to index
        %swap3A_147 = arith.constant 0 : index
        %swap3A_148 = tpu.vector_load %arg20[%swap3A, %swap3A_147] {strides = array<i32>} : memref<40x128xf32, #tpu.memory_space<vmem>>, vector<16xf32>,
        tpu.vector_store %arg20[%swap3A, %swap3A_147], %broadcast_in_dim3A_146 {strides = array<i32>} : memref<40x128xf32, #tpu.memory_space<vmem>>, vector<16xf32>,
        %broadcast_in_dim3A_149 = arith.constant 0.000000e+00 : f32
        %broadcast_in_dim3A_150 = vector.broadcast %broadcast_in_dim3A_149 : f32 to vector<16xf32>
        %swap3A_151 = arith.index_cast %add3A_145 : i32 to index
        %swap3A_152 = arith.constant 16 : index
        %swap3A_153 = tpu.vector_load %arg20[%swap3A_151, %swap3A_152] {strides = array<i32>} : memref<40x128xf32, #tpu.memory_space<vmem>>, vector<16xf32>,
        tpu.vector_store %arg20[%swap3A_151, %swap3A_152], %broadcast_in_dim3A_150 {strides = array<i32>} : memref<40x128xf32, #tpu.memory_space<vmem>>, vector<16xf32>,
        %broadcast_in_dim3A_154 = arith.constant 0.000000e+00 : f32
        %broadcast_in_dim3A_155 = vector.broadcast %broadcast_in_dim3A_154 : f32 to vector<16xf32>
        %swap3A_156 = arith.index_cast %add3A_145 : i32 to index
        %swap3A_157 = arith.constant 32 : index
        %swap3A_158 = tpu.vector_load %arg20[%swap3A_156, %swap3A_157] {strides = array<i32>} : memref<40x128xf32, #tpu.memory_space<vmem>>, vector<16xf32>,
        tpu.vector_store %arg20[%swap3A_156, %swap3A_157], %broadcast_in_dim3A_155 {strides = array<i32>} : memref<40x128xf32, #tpu.memory_space<vmem>>, vector<16xf32>,
        %broadcast_in_dim3A_159 = arith.constant 0.000000e+00 : f32
        %broadcast_in_dim3A_160 = vector.broadcast %broadcast_in_dim3A_159 : f32 to vector<16xf32>
        %swap3A_161 = arith.index_cast %add3A_145 : i32 to index
        %swap3A_162 = arith.constant 48 : index
        %swap3A_163 = tpu.vector_load %arg20[%swap3A_161, %swap3A_162] {strides = array<i32>} : memref<40x128xf32, #tpu.memory_space<vmem>>, vector<16xf32>,
        tpu.vector_store %arg20[%swap3A_161, %swap3A_162], %broadcast_in_dim3A_160 {strides = array<i32>} : memref<40x128xf32, #tpu.memory_space<vmem>>, vector<16xf32>,
        %broadcast_in_dim3A_164 = arith.constant 0.000000e+00 : f32
        %broadcast_in_dim3A_165 = vector.broadcast %broadcast_in_dim3A_164 : f32 to vector<16xf32>
        %swap3A_166 = arith.index_cast %add3A_145 : i32 to index
        %swap3A_167 = arith.constant 64 : index
        %swap3A_168 = tpu.vector_load %arg20[%swap3A_166, %swap3A_167] {strides = array<i32>} : memref<40x128xf32, #tpu.memory_space<vmem>>, vector<16xf32>,
        tpu.vector_store %arg20[%swap3A_166, %swap3A_167], %broadcast_in_dim3A_165 {strides = array<i32>} : memref<40x128xf32, #tpu.memory_space<vmem>>, vector<16xf32>,
        %broadcast_in_dim3A_169 = arith.constant 0.000000e+00 : f32
        %broadcast_in_dim3A_170 = vector.broadcast %broadcast_in_dim3A_169 : f32 to vector<16xf32>
        %swap3A_171 = arith.index_cast %add3A_145 : i32 to index
        %swap3A_172 = arith.constant 80 : index
        %swap3A_173 = tpu.vector_load %arg20[%swap3A_171, %swap3A_172] {strides = array<i32>} : memref<40x128xf32, #tpu.memory_space<vmem>>, vector<16xf32>,
        tpu.vector_store %arg20[%swap3A_171, %swap3A_172], %broadcast_in_dim3A_170 {strides = array<i32>} : memref<40x128xf32, #tpu.memory_space<vmem>>, vector<16xf32>,
        %broadcast_in_dim3A_174 = arith.constant 0.000000e+00 : f32
        %broadcast_in_dim3A_175 = vector.broadcast %broadcast_in_dim3A_174 : f32 to vector<16xf32>
        %swap3A_176 = arith.index_cast %add3A_145 : i32 to index
        %swap3A_177 = arith.constant 96 : index
        %swap3A_178 = tpu.vector_load %arg20[%swap3A_176, %swap3A_177] {strides = array<i32>} : memref<40x128xf32, #tpu.memory_space<vmem>>, vector<16xf32>,
        tpu.vector_store %arg20[%swap3A_176, %swap3A_177], %broadcast_in_dim3A_175 {strides = array<i32>} : memref<40x128xf32, #tpu.memory_space<vmem>>, vector<16xf32>,
        %broadcast_in_dim3A_179 = arith.constant 0.000000e+00 : f32
        %broadcast_in_dim3A_180 = vector.broadcast %broadcast_in_dim3A_179 : f32 to vector<16xf32>
        %swap3A_181 = arith.index_cast %add3A_145 : i32 to index
        %swap3A_182 = arith.constant 112 : index
        %swap3A_183 = tpu.vector_load %arg20[%swap3A_181, %swap3A_182] {strides = array<i32>} : memref<40x128xf32, #tpu.memory_space<vmem>>, vector<16xf32>,
        tpu.vector_store %arg20[%swap3A_181, %swap3A_182], %broadcast_in_dim3A_180 {strides = array<i32>} : memref<40x128xf32, #tpu.memory_space<vmem>>, vector<16xf32>,
      }
      %scan3A_104 = arith.constant 40 : i32
      %scan3A_105 = arith.constant 0 : i32
      %scan3A_106 = arith.constant 16 : i32
      %scan3A_107 = arith.addi %scan3A_105, %scan3A_106 : i32
      %scan3A_108 = arith.constant 1 : i32
      scf.for %scan3A_141 = %scan3A_105 to %scan3A_107 step %scan3A_108  : i32 {
        %mul3A_142 = arith.constant 1 : i32
        %mul3A_143 = arith.muli %scan3A_141, %mul3A_142 : i32
        %add3A_144 = arith.constant 0 : i32
        %add3A_145 = arith.addi %add3A_144, %mul3A_143 : i32
        %mul3A_146 = arith.constant 16 : i32
        %mul3A_147 = arith.muli %add3A_145, %mul3A_146 : i32
        %add3A_148 = arith.addi %mul3A_147, %arg1 : i32
        %lt3A = arith.constant 250 : i32
        %lt3A_149 = arith.cmpi slt, %add3A_148, %lt3A : i32
        %convert_element_type3A_150 = arith.extui %lt3A_149 : i1 to i32
        %cond3A_151 = arith.constant 0 : i32
        %cond3A_152 = arith.cmpi ne, %convert_element_type3A_150, %cond3A_151 : i32
        scf.if %cond3A_152 {
          %mul3A_153 = arith.constant 40 : i32
          %mul3A_154 = arith.muli %add3A_148, %mul3A_153 : i32
          "tpu.region"() ({
            %run_scoped3A_155 = tpu.sem_alloc : memref<!tpu.dma_semaphore, #tpu.memory_space<semaphore_mem>>
            %dma_start3A_156 = arith.constant 0 : i32
            %dma_start3A_157 = tpu.memref_slice %arg15[%mul3A_154, %dma_start3A_156] : memref<10000x128xf32, #tpu.memory_space<vmem_shared>> -> memref<40x128xf32, #tpu.memory_space<vmem_shared>>
            %dma_start3A_158 = arith.constant 0 : i32
            %dma_start3A_159 = tpu.memref_slice %arg15[%mul3A_154, %dma_start3A_158] : memref<10000x128xf32, #tpu.memory_space<vmem_shared>> -> memref<40x128xf32, #tpu.memory_space<vmem_shared>>
            tpu.enqueue_dma source(%arg20 : memref<40x128xf32, #tpu.memory_space<vmem>>) target(%dma_start3A_159 : memref<40x128xf32, #tpu.memory_space<vmem_shared>>) target_semaphore(%run_scoped3A_155 : memref<!tpu.dma_semaphore, #tpu.memory_space<semaphore_mem>>)
            %dma_wait3A = arith.constant 0 : i32
            %dma_wait3A_160 = tpu.memref_slice %arg15[%mul3A_154, %dma_wait3A] : memref<10000x128xf32, #tpu.memory_space<vmem_shared>> -> memref<40x128xf32, #tpu.memory_space<vmem_shared>>
            %dma_wait3A_161 = arith.constant 0 : i32
            %dma_wait3A_162 = tpu.memref_slice %arg15[%mul3A_154, %dma_wait3A_161] : memref<10000x128xf32, #tpu.memory_space<vmem_shared>> -> memref<40x128xf32, #tpu.memory_space<vmem_shared>>
            tpu.wait_dma2 semaphore(%run_scoped3A_155 : memref<!tpu.dma_semaphore, #tpu.memory_space<semaphore_mem>>) src(%arg20 : memref<40x128xf32, #tpu.memory_space<vmem>>) dst(%dma_wait3A_162 : memref<40x128xf32, #tpu.memory_space<vmem_shared>>)
            tpu.yield
          }) : () -> ()
        } else {
        }
      }
      %scan3A_109 = arith.constant 16 : i32
      %barrier3A_110 = arith.constant 0 : index
      tpu.barrier barrier_id(%barrier3A_110)
      "tpu.region"() ({
        %run_scoped3A_141 = tpu.sem_alloc : memref<!tpu.dma_semaphore, #tpu.memory_space<semaphore_mem>>
        %dma_start3A_142 = tpu.memref_slice %arg8[%mul3A_2] : memref<320000xi32, #tpu.memory_space<hbm>> -> memref<40xi32, #tpu.memory_space<hbm>>
        %dma_start3A_143 = tpu.memref_slice %arg8[%mul3A_2] : memref<320000xi32, #tpu.memory_space<hbm>> -> memref<40xi32, #tpu.memory_space<hbm>>
        tpu.enqueue_dma source(%dma_start3A_143 : memref<40xi32, #tpu.memory_space<hbm>>) target(%arg16 : memref<40xi32, #tpu.memory_space<vmem>>) target_semaphore(%run_scoped3A_141 : memref<!tpu.dma_semaphore, #tpu.memory_space<semaphore_mem>>)
        %dma_wait3A = tpu.memref_slice %arg8[%mul3A_2] : memref<320000xi32, #tpu.memory_space<hbm>> -> memref<40xi32, #tpu.memory_space<hbm>>
        %dma_wait3A_144 = tpu.memref_slice %arg8[%mul3A_2] : memref<320000xi32, #tpu.memory_space<hbm>> -> memref<40xi32, #tpu.memory_space<hbm>>
        tpu.wait_dma2 semaphore(%run_scoped3A_141 : memref<!tpu.dma_semaphore, #tpu.memory_space<semaphore_mem>>) src(%dma_wait3A_144 : memref<40xi32, #tpu.memory_space<hbm>>) dst(%arg16 : memref<40xi32, #tpu.memory_space<vmem>>)
        tpu.yield
      }) : () -> ()
      "tpu.region"() ({
        %run_scoped3A_141 = tpu.sem_alloc : memref<!tpu.dma_semaphore, #tpu.memory_space<semaphore_mem>>
        %dma_start3A_142 = tpu.memref_slice %arg7[%mul3A_2] : memref<320000xi32, #tpu.memory_space<hbm>> -> memref<40xi32, #tpu.memory_space<hbm>>
        %dma_start3A_143 = tpu.memref_slice %arg7[%mul3A_2] : memref<320000xi32, #tpu.memory_space<hbm>> -> memref<40xi32, #tpu.memory_space<hbm>>
        tpu.enqueue_dma source(%dma_start3A_143 : memref<40xi32, #tpu.memory_space<hbm>>) target(%arg17 : memref<40xi32, #tpu.memory_space<vmem>>) target_semaphore(%run_scoped3A_141 : memref<!tpu.dma_semaphore, #tpu.memory_space<semaphore_mem>>)
        %dma_wait3A = tpu.memref_slice %arg7[%mul3A_2] : memref<320000xi32, #tpu.memory_space<hbm>> -> memref<40xi32, #tpu.memory_space<hbm>>
        %dma_wait3A_144 = tpu.memref_slice %arg7[%mul3A_2] : memref<320000xi32, #tpu.memory_space<hbm>> -> memref<40xi32, #tpu.memory_space<hbm>>
        tpu.wait_dma2 semaphore(%run_scoped3A_141 : memref<!tpu.dma_semaphore, #tpu.memory_space<semaphore_mem>>) src(%dma_wait3A_144 : memref<40xi32, #tpu.memory_space<hbm>>) dst(%arg17 : memref<40xi32, #tpu.memory_space<vmem>>)
        tpu.yield
      }) : () -> ()
      %dma_start3A_111 = arith.constant 0 : i32
      %dma_start3A_112 = arith.constant 0 : i32
      %dma_start3A_113 = tpu.memref_slice %arg6[%dma_start3A_111, %dma_start3A_112] : memref<10000x128xf32, #tpu.memory_space<hbm>> -> memref<10000x128xf32, #tpu.memory_space<hbm>>
      tpu.enqueue_indirect_dma source(%dma_start3A_113 : memref<10000x128xf32, #tpu.memory_space<hbm>>) target(%arg22 : memref<40x128xf32, #tpu.memory_space<vmem>>) offsets(%arg16 : memref<40xi32, #tpu.memory_space<vmem>>) semaphore(%arg24 : memref<!tpu.dma_semaphore, #tpu.memory_space<semaphore_mem>>)
      %dma_start3A_114 = arith.constant 0 : i32
      %dma_start3A_115 = tpu.memref_slice %arg14[%mul3A_2, %dma_start3A_114] : memref<320000x256xf32, #tpu.memory_space<hbm>> -> memref<40x128xf32, #tpu.memory_space<hbm>>
      %dma_start3A_116 = arith.constant 0 : i32
      %dma_start3A_117 = tpu.memref_slice %arg14[%mul3A_2, %dma_start3A_116] : memref<320000x256xf32, #tpu.memory_space<hbm>> -> memref<40x128xf32, #tpu.memory_space<hbm>>
      tpu.enqueue_dma source(%dma_start3A_117 : memref<40x128xf32, #tpu.memory_space<hbm>>) target(%arg21 : memref<40x128xf32, #tpu.memory_space<vmem>>) target_semaphore(%arg25 : memref<!tpu.dma_semaphore, #tpu.memory_space<semaphore_mem>>)
      %dma_start3A_118 = arith.constant 128 : i32
      %dma_start3A_119 = tpu.memref_slice %arg14[%mul3A_2, %dma_start3A_118] : memref<320000x256xf32, #tpu.memory_space<hbm>> -> memref<40x128xf32, #tpu.memory_space<hbm>>
      %dma_start3A_120 = arith.constant 128 : i32
      %dma_start3A_121 = tpu.memref_slice %arg14[%mul3A_2, %dma_start3A_120] : memref<320000x256xf32, #tpu.memory_space<hbm>> -> memref<40x128xf32, #tpu.memory_space<hbm>>
      tpu.enqueue_dma source(%dma_start3A_121 : memref<40x128xf32, #tpu.memory_space<hbm>>) target(%arg20 : memref<40x128xf32, #tpu.memory_space<vmem>>) target_semaphore(%arg25 : memref<!tpu.dma_semaphore, #tpu.memory_space<semaphore_mem>>)
      %dma_start3A_122 = tpu.memref_slice %arg11[%mul3A_2] : memref<320000xf32, #tpu.memory_space<hbm>> -> memref<40xf32, #tpu.memory_space<hbm>>
      %dma_start3A_123 = tpu.memref_slice %arg11[%mul3A_2] : memref<320000xf32, #tpu.memory_space<hbm>> -> memref<40xf32, #tpu.memory_space<hbm>>
      tpu.enqueue_dma source(%dma_start3A_123 : memref<40xf32, #tpu.memory_space<hbm>>) target(%arg23 : memref<40xf32, #tpu.memory_space<vmem>>) target_semaphore(%arg25 : memref<!tpu.dma_semaphore, #tpu.memory_space<semaphore_mem>>)
      %add3A_124 = arith.constant 40 : i32
      %add3A_125 = arith.addi %mul3A_2, %add3A_124 : i32
      "tpu.region"() ({
        %run_scoped3A_141 = tpu.sem_alloc : memref<!tpu.dma_semaphore, #tpu.memory_space<semaphore_mem>>
        %dma_start3A_142 = tpu.memref_slice %arg8[%add3A_125] : memref<320000xi32, #tpu.memory_space<hbm>> -> memref<40xi32, #tpu.memory_space<hbm>>
        %dma_start3A_143 = tpu.memref_slice %arg8[%add3A_125] : memref<320000xi32, #tpu.memory_space<hbm>> -> memref<40xi32, #tpu.memory_space<hbm>>
        tpu.enqueue_dma source(%dma_start3A_143 : memref<40xi32, #tpu.memory_space<hbm>>) target(%arg18 : memref<40xi32, #tpu.memory_space<vmem>>) target_semaphore(%run_scoped3A_141 : memref<!tpu.dma_semaphore, #tpu.memory_space<semaphore_mem>>)
        %dma_wait3A = tpu.memref_slice %arg8[%add3A_125] : memref<320000xi32, #tpu.memory_space<hbm>> -> memref<40xi32, #tpu.memory_space<hbm>>
        %dma_wait3A_144 = tpu.memref_slice %arg8[%add3A_125] : memref<320000xi32, #tpu.memory_space<hbm>> -> memref<40xi32, #tpu.memory_space<hbm>>
        tpu.wait_dma2 semaphore(%run_scoped3A_141 : memref<!tpu.dma_semaphore, #tpu.memory_space<semaphore_mem>>) src(%dma_wait3A_144 : memref<40xi32, #tpu.memory_space<hbm>>) dst(%arg18 : memref<40xi32, #tpu.memory_space<vmem>>)
        tpu.yield
      }) : () -> ()
      %add3A_126 = arith.constant 40 : i32
      %add3A_127 = arith.addi %mul3A_2, %add3A_126 : i32
      "tpu.region"() ({
        %run_scoped3A_141 = tpu.sem_alloc : memref<!tpu.dma_semaphore, #tpu.memory_space<semaphore_mem>>
        %dma_start3A_142 = tpu.memref_slice %arg7[%add3A_127] : memref<320000xi32, #tpu.memory_space<hbm>> -> memref<40xi32, #tpu.memory_space<hbm>>
        %dma_start3A_143 = tpu.memref_slice %arg7[%add3A_127] : memref<320000xi32, #tpu.memory_space<hbm>> -> memref<40xi32, #tpu.memory_space<hbm>>
        tpu.enqueue_dma source(%dma_start3A_143 : memref<40xi32, #tpu.memory_space<hbm>>) target(%arg19 : memref<40xi32, #tpu.memory_space<vmem>>) target_semaphore(%run_scoped3A_141 : memref<!tpu.dma_semaphore, #tpu.memory_space<semaphore_mem>>)
        %dma_wait3A = tpu.memref_slice %arg7[%add3A_127] : memref<320000xi32, #tpu.memory_space<hbm>> -> memref<40xi32, #tpu.memory_space<hbm>>
        %dma_wait3A_144 = tpu.memref_slice %arg7[%add3A_127] : memref<320000xi32, #tpu.memory_space<hbm>> -> memref<40xi32, #tpu.memory_space<hbm>>
        tpu.wait_dma2 semaphore(%run_scoped3A_141 : memref<!tpu.dma_semaphore, #tpu.memory_space<semaphore_mem>>) src(%dma_wait3A_144 : memref<40xi32, #tpu.memory_space<hbm>>) dst(%arg19 : memref<40xi32, #tpu.memory_space<vmem>>)
        tpu.yield
      }) : () -> ()
      %scan3A_128 = arith.constant 0 : i32
      %scan3A_129 = arith.constant 125 : i32
      %scan3A_130 = arith.addi %scan3A_128, %scan3A_129 : i32
      %scan3A_131 = arith.constant 1 : i32
      scf.for %scan3A_141 = %scan3A_128 to %scan3A_130 step %scan3A_131  : i32 {
        %mul3A_142 = arith.constant 80 : i32
        %mul3A_143 = arith.muli %scan3A_141, %mul3A_142 : i32
        %add3A_144 = arith.constant 0 : i32
        %add3A_145 = arith.addi %add3A_144, %mul3A_143 : i32
        %add3A_146 = arith.addi %mul3A_2, %add3A_145 : i32
        %add3A_147 = arith.constant 40 : i32
        %add3A_148 = arith.addi %add3A_146, %add3A_147 : i32
        %gt3A = arith.constant 0 : i32
        %gt3A_149 = arith.cmpi sgt, %add3A_145, %gt3A : i32
        %convert_element_type3A_150 = arith.extui %gt3A_149 : i1 to i32
        %cond3A_151 = arith.constant 0 : i32
        %cond3A_152 = arith.cmpi ne, %convert_element_type3A_150, %cond3A_151 : i32
        scf.if %cond3A_152 {
          %dma_wait3A_233 = arith.constant 0 : i32
          %dma_wait3A_234 = tpu.memref_slice %arg8[%dma_wait3A_233] : memref<320000xi32, #tpu.memory_space<hbm>> -> memref<40xi32, #tpu.memory_space<hbm>>
          %dma_wait3A_235 = arith.constant 0 : i32
          %dma_wait3A_236 = tpu.memref_slice %arg8[%dma_wait3A_235] : memref<320000xi32, #tpu.memory_space<hbm>> -> memref<40xi32, #tpu.memory_space<hbm>>
          tpu.wait_dma2 semaphore(%arg28 : memref<!tpu.dma_semaphore, #tpu.memory_space<semaphore_mem>>) src(%dma_wait3A_236 : memref<40xi32, #tpu.memory_space<hbm>>) dst(%arg18 : memref<40xi32, #tpu.memory_space<vmem>>)
          %dma_wait3A_237 = arith.constant 0 : i32
          %dma_wait3A_238 = tpu.memref_slice %arg7[%dma_wait3A_237] : memref<320000xi32, #tpu.memory_space<hbm>> -> memref<40xi32, #tpu.memory_space<hbm>>
          %dma_wait3A_239 = arith.constant 0 : i32
          %dma_wait3A_240 = tpu.memref_slice %arg7[%dma_wait3A_239] : memref<320000xi32, #tpu.memory_space<hbm>> -> memref<40xi32, #tpu.memory_space<hbm>>
          tpu.wait_dma2 semaphore(%arg28 : memref<!tpu.dma_semaphore, #tpu.memory_space<semaphore_mem>>) src(%dma_wait3A_240 : memref<40xi32, #tpu.memory_space<hbm>>) dst(%arg19 : memref<40xi32, #tpu.memory_space<vmem>>)
        } else {
        }
        %dma_start3A_153 = arith.constant 0 : i32
        %dma_start3A_154 = arith.constant 0 : i32
        %dma_start3A_155 = tpu.memref_slice %arg6[%dma_start3A_153, %dma_start3A_154] : memref<10000x128xf32, #tpu.memory_space<hbm>> -> memref<10000x128xf32, #tpu.memory_space<hbm>>
        tpu.enqueue_indirect_dma source(%dma_start3A_155 : memref<10000x128xf32, #tpu.memory_space<hbm>>) target(%run_scoped3A_17 : memref<40x128xf32, #tpu.memory_space<vmem>>) offsets(%arg18 : memref<40xi32, #tpu.memory_space<vmem>>) semaphore(%arg26 : memref<!tpu.dma_semaphore, #tpu.memory_space<semaphore_mem>>)
        %dma_start3A_156 = arith.constant 0 : i32
        %dma_start3A_157 = tpu.memref_slice %arg14[%add3A_148, %dma_start3A_156] : memref<320000x256xf32, #tpu.memory_space<hbm>> -> memref<40x128xf32, #tpu.memory_space<hbm>>
        %dma_start3A_158 = arith.constant 0 : i32
        %dma_start3A_159 = tpu.memref_slice %arg14[%add3A_148, %dma_start3A_158] : memref<320000x256xf32, #tpu.memory_space<hbm>> -> memref<40x128xf32, #tpu.memory_space<hbm>>
        tpu.enqueue_dma source(%dma_start3A_159 : memref<40x128xf32, #tpu.memory_space<hbm>>) target(%run_scoped3A_16 : memref<40x128xf32, #tpu.memory_space<vmem>>) target_semaphore(%arg27 : memref<!tpu.dma_semaphore, #tpu.memory_space<semaphore_mem>>)
        %dma_start3A_160 = arith.constant 128 : i32
        %dma_start3A_161 = tpu.memref_slice %arg14[%add3A_148, %dma_start3A_160] : memref<320000x256xf32, #tpu.memory_space<hbm>> -> memref<40x128xf32, #tpu.memory_space<hbm>>
        %dma_start3A_162 = arith.constant 128 : i32
        %dma_start3A_163 = tpu.memref_slice %arg14[%add3A_148, %dma_start3A_162] : memref<320000x256xf32, #tpu.memory_space<hbm>> -> memref<40x128xf32, #tpu.memory_space<hbm>>
        tpu.enqueue_dma source(%dma_start3A_163 : memref<40x128xf32, #tpu.memory_space<hbm>>) target(%run_scoped3A : memref<40x128xf32, #tpu.memory_space<vmem>>) target_semaphore(%arg27 : memref<!tpu.dma_semaphore, #tpu.memory_space<semaphore_mem>>)
        %dma_start3A_164 = tpu.memref_slice %arg11[%add3A_148] : memref<320000xf32, #tpu.memory_space<hbm>> -> memref<40xf32, #tpu.memory_space<hbm>>
        %dma_start3A_165 = tpu.memref_slice %arg11[%add3A_148] : memref<320000xf32, #tpu.memory_space<hbm>> -> memref<40xf32, #tpu.memory_space<hbm>>
        tpu.enqueue_dma source(%dma_start3A_165 : memref<40xf32, #tpu.memory_space<hbm>>) target(%run_scoped3A_18 : memref<40xf32, #tpu.memory_space<vmem>>) target_semaphore(%arg27 : memref<!tpu.dma_semaphore, #tpu.memory_space<semaphore_mem>>)
        %dma_wait3A = arith.constant 0 : i32
        %dma_wait3A_166 = arith.constant 0 : i32
        %dma_wait3A_167 = tpu.memref_slice %arg6[%dma_wait3A, %dma_wait3A_166] : memref<10000x128xf32, #tpu.memory_space<hbm>> -> memref<40x128xf32, #tpu.memory_space<hbm>>
        %dma_wait3A_168 = arith.constant 0 : i32
        %dma_wait3A_169 = arith.constant 0 : i32
        %dma_wait3A_170 = tpu.memref_slice %arg6[%dma_wait3A_168, %dma_wait3A_169] : memref<10000x128xf32, #tpu.memory_space<hbm>> -> memref<40x128xf32, #tpu.memory_space<hbm>>
        tpu.wait_dma2 semaphore(%arg24 : memref<!tpu.dma_semaphore, #tpu.memory_space<semaphore_mem>>) src(%dma_wait3A_170 : memref<40x128xf32, #tpu.memory_space<hbm>>) dst(%arg22 : memref<40x128xf32, #tpu.memory_space<vmem>>)
        %dma_wait3A_171 = arith.constant 0 : i32
        %dma_wait3A_172 = arith.constant 0 : i32
        %dma_wait3A_173 = tpu.memref_slice %arg14[%dma_wait3A_171, %dma_wait3A_172] : memref<320000x256xf32, #tpu.memory_space<hbm>> -> memref<40x128xf32, #tpu.memory_space<hbm>>
        %dma_wait3A_174 = arith.constant 0 : i32
        %dma_wait3A_175 = arith.constant 0 : i32
        %dma_wait3A_176 = tpu.memref_slice %arg14[%dma_wait3A_174, %dma_wait3A_175] : memref<320000x256xf32, #tpu.memory_space<hbm>> -> memref<40x128xf32, #tpu.memory_space<hbm>>
        tpu.wait_dma2 semaphore(%arg25 : memref<!tpu.dma_semaphore, #tpu.memory_space<semaphore_mem>>) src(%dma_wait3A_176 : memref<40x128xf32, #tpu.memory_space<hbm>>) dst(%arg21 : memref<40x128xf32, #tpu.memory_space<vmem>>)
        %dma_wait3A_177 = arith.constant 0 : i32
        %dma_wait3A_178 = arith.constant 128 : i32
        %dma_wait3A_179 = tpu.memref_slice %arg14[%dma_wait3A_177, %dma_wait3A_178] : memref<320000x256xf32, #tpu.memory_space<hbm>> -> memref<40x128xf32, #tpu.memory_space<hbm>>
        %dma_wait3A_180 = arith.constant 0 : i32
        %dma_wait3A_181 = arith.constant 128 : i32
        %dma_wait3A_182 = tpu.memref_slice %arg14[%dma_wait3A_180, %dma_wait3A_181] : memref<320000x256xf32, #tpu.memory_space<hbm>> -> memref<40x128xf32, #tpu.memory_space<hbm>>
        tpu.wait_dma2 semaphore(%arg25 : memref<!tpu.dma_semaphore, #tpu.memory_space<semaphore_mem>>) src(%dma_wait3A_182 : memref<40x128xf32, #tpu.memory_space<hbm>>) dst(%arg20 : memref<40x128xf32, #tpu.memory_space<vmem>>)
        %dma_wait3A_183 = arith.constant 0 : i32
        %dma_wait3A_184 = tpu.memref_slice %arg11[%dma_wait3A_183] : memref<320000xf32, #tpu.memory_space<hbm>> -> memref<40xf32, #tpu.memory_space<hbm>>
        %dma_wait3A_185 = arith.constant 0 : i32
        %dma_wait3A_186 = tpu.memref_slice %arg11[%dma_wait3A_185] : memref<320000xf32, #tpu.memory_space<hbm>> -> memref<40xf32, #tpu.memory_space<hbm>>
        tpu.wait_dma2 semaphore(%arg25 : memref<!tpu.dma_semaphore, #tpu.memory_space<semaphore_mem>>) src(%dma_wait3A_186 : memref<40xf32, #tpu.memory_space<hbm>>) dst(%arg23 : memref<40xf32, #tpu.memory_space<vmem>>)
        %scan3A_187 = arith.constant 0 : i32
        %scan3A_188 = arith.constant 40 : i32
        %scan3A_189 = arith.addi %scan3A_187, %scan3A_188 : i32
        %scan3A_190 = arith.constant 1 : i32
        scf.for %scan3A_233 = %scan3A_187 to %scan3A_189 step %scan3A_190  : i32 {
          %mul3A_234 = arith.constant 1 : i32
          %mul3A_235 = arith.muli %scan3A_233, %mul3A_234 : i32
          %add3A_236 = arith.constant 0 : i32
          %add3A_237 = arith.addi %add3A_236, %mul3A_235 : i32
          %broadcast_in_dim3A = vector.broadcast %add3A_237 : i32 to vector<16xi32>
          %gather3A = tpu.vector_load_idx %arg23[%broadcast_in_dim3A] : memref<40xf32, #tpu.memory_space<vmem>>[vector<16xi32>], vector<16xf32>,
          %get3A = arith.index_cast %add3A_237 : i32 to index
          %get3A_238 = arith.constant 0 : index
          %get3A_239 = tpu.vector_load %arg21[%get3A, %get3A_238] {strides = array<i32>} : memref<40x128xf32, #tpu.memory_space<vmem>>, vector<16xf32>,
          %mul3A_240 = arith.mulf %get3A_239, %gather3A : vector<16xf32>
          %get3A_241 = arith.index_cast %add3A_237 : i32 to index
          %get3A_242 = arith.constant 0 : index
          %get3A_243 = tpu.vector_load %arg20[%get3A_241, %get3A_242] {strides = array<i32>} : memref<40x128xf32, #tpu.memory_space<vmem>>, vector<16xf32>,
          %get3A_244 = arith.index_cast %add3A_237 : i32 to index
          %get3A_245 = arith.constant 0 : index
          %get3A_246 = tpu.vector_load %arg22[%get3A_244, %get3A_245] {strides = array<i32>} : memref<40x128xf32, #tpu.memory_space<vmem>>, vector<16xf32>,
          %mul3A_247 = arith.mulf %get3A_243, %get3A_246 : vector<16xf32>
          %add3A_248 = arith.addf %mul3A_240, %mul3A_247 : vector<16xf32>
          %swap3A = arith.index_cast %add3A_237 : i32 to index
          %swap3A_249 = arith.constant 0 : index
          %swap3A_250 = tpu.vector_load %arg20[%swap3A, %swap3A_249] {strides = array<i32>} : memref<40x128xf32, #tpu.memory_space<vmem>>, vector<16xf32>,
          tpu.vector_store %arg20[%swap3A, %swap3A_249], %add3A_248 {strides = array<i32>} : memref<40x128xf32, #tpu.memory_space<vmem>>, vector<16xf32>,
          %get3A_251 = arith.index_cast %add3A_237 : i32 to index
          %get3A_252 = arith.constant 16 : index
          %get3A_253 = tpu.vector_load %arg21[%get3A_251, %get3A_252] {strides = array<i32>} : memref<40x128xf32, #tpu.memory_space<vmem>>, vector<16xf32>,
          %mul3A_254 = arith.mulf %get3A_253, %gather3A : vector<16xf32>
          %get3A_255 = arith.index_cast %add3A_237 : i32 to index
          %get3A_256 = arith.constant 16 : index
          %get3A_257 = tpu.vector_load %arg20[%get3A_255, %get3A_256] {strides = array<i32>} : memref<40x128xf32, #tpu.memory_space<vmem>>, vector<16xf32>,
          %get3A_258 = arith.index_cast %add3A_237 : i32 to index
          %get3A_259 = arith.constant 16 : index
          %get3A_260 = tpu.vector_load %arg22[%get3A_258, %get3A_259] {strides = array<i32>} : memref<40x128xf32, #tpu.memory_space<vmem>>, vector<16xf32>,
          %mul3A_261 = arith.mulf %get3A_257, %get3A_260 : vector<16xf32>
          %add3A_262 = arith.addf %mul3A_254, %mul3A_261 : vector<16xf32>
          %swap3A_263 = arith.index_cast %add3A_237 : i32 to index
          %swap3A_264 = arith.constant 16 : index
          %swap3A_265 = tpu.vector_load %arg20[%swap3A_263, %swap3A_264] {strides = array<i32>} : memref<40x128xf32, #tpu.memory_space<vmem>>, vector<16xf32>,
          tpu.vector_store %arg20[%swap3A_263, %swap3A_264], %add3A_262 {strides = array<i32>} : memref<40x128xf32, #tpu.memory_space<vmem>>, vector<16xf32>,
          %get3A_266 = arith.index_cast %add3A_237 : i32 to index
          %get3A_267 = arith.constant 32 : index
          %get3A_268 = tpu.vector_load %arg21[%get3A_266, %get3A_267] {strides = array<i32>} : memref<40x128xf32, #tpu.memory_space<vmem>>, vector<16xf32>,
          %mul3A_269 = arith.mulf %get3A_268, %gather3A : vector<16xf32>
          %get3A_270 = arith.index_cast %add3A_237 : i32 to index
          %get3A_271 = arith.constant 32 : index
          %get3A_272 = tpu.vector_load %arg20[%get3A_270, %get3A_271] {strides = array<i32>} : memref<40x128xf32, #tpu.memory_space<vmem>>, vector<16xf32>,
          %get3A_273 = arith.index_cast %add3A_237 : i32 to index
          %get3A_274 = arith.constant 32 : index
          %get3A_275 = tpu.vector_load %arg22[%get3A_273, %get3A_274] {strides = array<i32>} : memref<40x128xf32, #tpu.memory_space<vmem>>, vector<16xf32>,
          %mul3A_276 = arith.mulf %get3A_272, %get3A_275 : vector<16xf32>
          %add3A_277 = arith.addf %mul3A_269, %mul3A_276 : vector<16xf32>
          %swap3A_278 = arith.index_cast %add3A_237 : i32 to index
          %swap3A_279 = arith.constant 32 : index
          %swap3A_280 = tpu.vector_load %arg20[%swap3A_278, %swap3A_279] {strides = array<i32>} : memref<40x128xf32, #tpu.memory_space<vmem>>, vector<16xf32>,
          tpu.vector_store %arg20[%swap3A_278, %swap3A_279], %add3A_277 {strides = array<i32>} : memref<40x128xf32, #tpu.memory_space<vmem>>, vector<16xf32>,
          %get3A_281 = arith.index_cast %add3A_237 : i32 to index
          %get3A_282 = arith.constant 48 : index
          %get3A_283 = tpu.vector_load %arg21[%get3A_281, %get3A_282] {strides = array<i32>} : memref<40x128xf32, #tpu.memory_space<vmem>>, vector<16xf32>,
          %mul3A_284 = arith.mulf %get3A_283, %gather3A : vector<16xf32>
          %get3A_285 = arith.index_cast %add3A_237 : i32 to index
          %get3A_286 = arith.constant 48 : index
          %get3A_287 = tpu.vector_load %arg20[%get3A_285, %get3A_286] {strides = array<i32>} : memref<40x128xf32, #tpu.memory_space<vmem>>, vector<16xf32>,
          %get3A_288 = arith.index_cast %add3A_237 : i32 to index
          %get3A_289 = arith.constant 48 : index
          %get3A_290 = tpu.vector_load %arg22[%get3A_288, %get3A_289] {strides = array<i32>} : memref<40x128xf32, #tpu.memory_space<vmem>>, vector<16xf32>,
          %mul3A_291 = arith.mulf %get3A_287, %get3A_290 : vector<16xf32>
          %add3A_292 = arith.addf %mul3A_284, %mul3A_291 : vector<16xf32>
          %swap3A_293 = arith.index_cast %add3A_237 : i32 to index
          %swap3A_294 = arith.constant 48 : index
          %swap3A_295 = tpu.vector_load %arg20[%swap3A_293, %swap3A_294] {strides = array<i32>} : memref<40x128xf32, #tpu.memory_space<vmem>>, vector<16xf32>,
          tpu.vector_store %arg20[%swap3A_293, %swap3A_294], %add3A_292 {strides = array<i32>} : memref<40x128xf32, #tpu.memory_space<vmem>>, vector<16xf32>,
          %get3A_296 = arith.index_cast %add3A_237 : i32 to index
          %get3A_297 = arith.constant 64 : index
          %get3A_298 = tpu.vector_load %arg21[%get3A_296, %get3A_297] {strides = array<i32>} : memref<40x128xf32, #tpu.memory_space<vmem>>, vector<16xf32>,
          %mul3A_299 = arith.mulf %get3A_298, %gather3A : vector<16xf32>
          %get3A_300 = arith.index_cast %add3A_237 : i32 to index
          %get3A_301 = arith.constant 64 : index
          %get3A_302 = tpu.vector_load %arg20[%get3A_300, %get3A_301] {strides = array<i32>} : memref<40x128xf32, #tpu.memory_space<vmem>>, vector<16xf32>,
          %get3A_303 = arith.index_cast %add3A_237 : i32 to index
          %get3A_304 = arith.constant 64 : index
          %get3A_305 = tpu.vector_load %arg22[%get3A_303, %get3A_304] {strides = array<i32>} : memref<40x128xf32, #tpu.memory_space<vmem>>, vector<16xf32>,
          %mul3A_306 = arith.mulf %get3A_302, %get3A_305 : vector<16xf32>
          %add3A_307 = arith.addf %mul3A_299, %mul3A_306 : vector<16xf32>
          %swap3A_308 = arith.index_cast %add3A_237 : i32 to index
          %swap3A_309 = arith.constant 64 : index
          %swap3A_310 = tpu.vector_load %arg20[%swap3A_308, %swap3A_309] {strides = array<i32>} : memref<40x128xf32, #tpu.memory_space<vmem>>, vector<16xf32>,
          tpu.vector_store %arg20[%swap3A_308, %swap3A_309], %add3A_307 {strides = array<i32>} : memref<40x128xf32, #tpu.memory_space<vmem>>, vector<16xf32>,
          %get3A_311 = arith.index_cast %add3A_237 : i32 to index
          %get3A_312 = arith.constant 80 : index
          %get3A_313 = tpu.vector_load %arg21[%get3A_311, %get3A_312] {strides = array<i32>} : memref<40x128xf32, #tpu.memory_space<vmem>>, vector<16xf32>,
          %mul3A_314 = arith.mulf %get3A_313, %gather3A : vector<16xf32>
          %get3A_315 = arith.index_cast %add3A_237 : i32 to index
          %get3A_316 = arith.constant 80 : index
          %get3A_317 = tpu.vector_load %arg20[%get3A_315, %get3A_316] {strides = array<i32>} : memref<40x128xf32, #tpu.memory_space<vmem>>, vector<16xf32>,
          %get3A_318 = arith.index_cast %add3A_237 : i32 to index
          %get3A_319 = arith.constant 80 : index
          %get3A_320 = tpu.vector_load %arg22[%get3A_318, %get3A_319] {strides = array<i32>} : memref<40x128xf32, #tpu.memory_space<vmem>>, vector<16xf32>,
          %mul3A_321 = arith.mulf %get3A_317, %get3A_320 : vector<16xf32>
          %add3A_322 = arith.addf %mul3A_314, %mul3A_321 : vector<16xf32>
          %swap3A_323 = arith.index_cast %add3A_237 : i32 to index
          %swap3A_324 = arith.constant 80 : index
          %swap3A_325 = tpu.vector_load %arg20[%swap3A_323, %swap3A_324] {strides = array<i32>} : memref<40x128xf32, #tpu.memory_space<vmem>>, vector<16xf32>,
          tpu.vector_store %arg20[%swap3A_323, %swap3A_324], %add3A_322 {strides = array<i32>} : memref<40x128xf32, #tpu.memory_space<vmem>>, vector<16xf32>,
          %get3A_326 = arith.index_cast %add3A_237 : i32 to index
          %get3A_327 = arith.constant 96 : index
          %get3A_328 = tpu.vector_load %arg21[%get3A_326, %get3A_327] {strides = array<i32>} : memref<40x128xf32, #tpu.memory_space<vmem>>, vector<16xf32>,
          %mul3A_329 = arith.mulf %get3A_328, %gather3A : vector<16xf32>
          %get3A_330 = arith.index_cast %add3A_237 : i32 to index
          %get3A_331 = arith.constant 96 : index
          %get3A_332 = tpu.vector_load %arg20[%get3A_330, %get3A_331] {strides = array<i32>} : memref<40x128xf32, #tpu.memory_space<vmem>>, vector<16xf32>,
          %get3A_333 = arith.index_cast %add3A_237 : i32 to index
          %get3A_334 = arith.constant 96 : index
          %get3A_335 = tpu.vector_load %arg22[%get3A_333, %get3A_334] {strides = array<i32>} : memref<40x128xf32, #tpu.memory_space<vmem>>, vector<16xf32>,
          %mul3A_336 = arith.mulf %get3A_332, %get3A_335 : vector<16xf32>
          %add3A_337 = arith.addf %mul3A_329, %mul3A_336 : vector<16xf32>
          %swap3A_338 = arith.index_cast %add3A_237 : i32 to index
          %swap3A_339 = arith.constant 96 : index
          %swap3A_340 = tpu.vector_load %arg20[%swap3A_338, %swap3A_339] {strides = array<i32>} : memref<40x128xf32, #tpu.memory_space<vmem>>, vector<16xf32>,
          tpu.vector_store %arg20[%swap3A_338, %swap3A_339], %add3A_337 {strides = array<i32>} : memref<40x128xf32, #tpu.memory_space<vmem>>, vector<16xf32>,
          %get3A_341 = arith.index_cast %add3A_237 : i32 to index
          %get3A_342 = arith.constant 112 : index
          %get3A_343 = tpu.vector_load %arg21[%get3A_341, %get3A_342] {strides = array<i32>} : memref<40x128xf32, #tpu.memory_space<vmem>>, vector<16xf32>,
          %mul3A_344 = arith.mulf %get3A_343, %gather3A : vector<16xf32>
          %get3A_345 = arith.index_cast %add3A_237 : i32 to index
          %get3A_346 = arith.constant 112 : index
          %get3A_347 = tpu.vector_load %arg20[%get3A_345, %get3A_346] {strides = array<i32>} : memref<40x128xf32, #tpu.memory_space<vmem>>, vector<16xf32>,
          %get3A_348 = arith.index_cast %add3A_237 : i32 to index
          %get3A_349 = arith.constant 112 : index
          %get3A_350 = tpu.vector_load %arg22[%get3A_348, %get3A_349] {strides = array<i32>} : memref<40x128xf32, #tpu.memory_space<vmem>>, vector<16xf32>,
          %mul3A_351 = arith.mulf %get3A_347, %get3A_350 : vector<16xf32>
          %add3A_352 = arith.addf %mul3A_344, %mul3A_351 : vector<16xf32>
          %swap3A_353 = arith.index_cast %add3A_237 : i32 to index
          %swap3A_354 = arith.constant 112 : index
          %swap3A_355 = tpu.vector_load %arg20[%swap3A_353, %swap3A_354] {strides = array<i32>} : memref<40x128xf32, #tpu.memory_space<vmem>>, vector<16xf32>,
          tpu.vector_store %arg20[%swap3A_353, %swap3A_354], %add3A_352 {strides = array<i32>} : memref<40x128xf32, #tpu.memory_space<vmem>>, vector<16xf32>,
        }
        %scan3A_191 = arith.constant 40 : i32
        "tpu.region"() ({
          %run_scoped3A_233 = tpu.sem_alloc : memref<!tpu.dma_semaphore, #tpu.memory_space<semaphore_mem>>
          %dma_start3A_234 = arith.constant 0 : i32
          %dma_start3A_235 = arith.constant 0 : i32
          %dma_start3A_236 = tpu.memref_slice %arg15[%dma_start3A_234, %dma_start3A_235] : memref<10000x128xf32, #tpu.memory_space<vmem_shared>> -> memref<10000x128xf32, #tpu.memory_space<vmem_shared>>
          tpu.enqueue_indirect_dma source(%arg20 : memref<40x128xf32, #tpu.memory_space<vmem>>) target(%dma_start3A_236 : memref<10000x128xf32, #tpu.memory_space<vmem_shared>>) offsets(%arg17 : memref<40xi32, #tpu.memory_space<vmem>>) semaphore(%run_scoped3A_233 : memref<!tpu.dma_semaphore, #tpu.memory_space<semaphore_mem>>) {add = true}
          %dma_wait3A_237 = arith.constant 0 : i32
          %dma_wait3A_238 = arith.constant 0 : i32
          %dma_wait3A_239 = tpu.memref_slice %arg15[%dma_wait3A_237, %dma_wait3A_238] : memref<10000x128xf32, #tpu.memory_space<vmem_shared>> -> memref<10000x128xf32, #tpu.memory_space<vmem_shared>>
          tpu.wait_indirect_dma semaphore(%run_scoped3A_233 : memref<!tpu.dma_semaphore, #tpu.memory_space<semaphore_mem>>) src(%arg20 : memref<40x128xf32, #tpu.memory_space<vmem>>) dst(%dma_wait3A_239 : memref<10000x128xf32, #tpu.memory_space<vmem_shared>>)
          tpu.yield
        }) : () -> ()
        %lt3A = arith.constant 9920 : i32
        %lt3A_192 = arith.cmpi slt, %add3A_145, %lt3A : i32
        %convert_element_type3A_193 = arith.extui %lt3A_192 : i1 to i32
        %cond3A_194 = arith.constant 0 : i32
        %cond3A_195 = arith.cmpi ne, %convert_element_type3A_193, %cond3A_194 : i32
        scf.if %cond3A_195 {
          %add3A_233 = arith.constant 80 : i32
          %add3A_234 = arith.addi %add3A_146, %add3A_233 : i32
          %dma_start3A_235 = tpu.memref_slice %arg8[%add3A_234] : memref<320000xi32, #tpu.memory_space<hbm>> -> memref<40xi32, #tpu.memory_space<hbm>>
          %dma_start3A_236 = tpu.memref_slice %arg8[%add3A_234] : memref<320000xi32, #tpu.memory_space<hbm>> -> memref<40xi32, #tpu.memory_space<hbm>>
          tpu.enqueue_dma source(%dma_start3A_236 : memref<40xi32, #tpu.memory_space<hbm>>) target(%arg16 : memref<40xi32, #tpu.memory_space<vmem>>) target_semaphore(%arg28 : memref<!tpu.dma_semaphore, #tpu.memory_space<semaphore_mem>>)
          %dma_start3A_237 = tpu.memref_slice %arg7[%add3A_234] : memref<320000xi32, #tpu.memory_space<hbm>> -> memref<40xi32, #tpu.memory_space<hbm>>
          %dma_start3A_238 = tpu.memref_slice %arg7[%add3A_234] : memref<320000xi32, #tpu.memory_space<hbm>> -> memref<40xi32, #tpu.memory_space<hbm>>
          tpu.enqueue_dma source(%dma_start3A_238 : memref<40xi32, #tpu.memory_space<hbm>>) target(%arg17 : memref<40xi32, #tpu.memory_space<vmem>>) target_semaphore(%arg28 : memref<!tpu.dma_semaphore, #tpu.memory_space<semaphore_mem>>)
        } else {
        }
        %lt3A_196 = arith.constant 9920 : i32
        %lt3A_197 = arith.cmpi slt, %add3A_145, %lt3A_196 : i32
        %convert_element_type3A_198 = arith.extui %lt3A_197 : i1 to i32
        %cond3A_199 = arith.constant 0 : i32
        %cond3A_200 = arith.cmpi ne, %convert_element_type3A_198, %cond3A_199 : i32
        scf.if %cond3A_200 {
          %dma_wait3A_233 = arith.constant 0 : i32
          %dma_wait3A_234 = tpu.memref_slice %arg8[%dma_wait3A_233] : memref<320000xi32, #tpu.memory_space<hbm>> -> memref<40xi32, #tpu.memory_space<hbm>>
          %dma_wait3A_235 = arith.constant 0 : i32
          %dma_wait3A_236 = tpu.memref_slice %arg8[%dma_wait3A_235] : memref<320000xi32, #tpu.memory_space<hbm>> -> memref<40xi32, #tpu.memory_space<hbm>>
          tpu.wait_dma2 semaphore(%arg28 : memref<!tpu.dma_semaphore, #tpu.memory_space<semaphore_mem>>) src(%dma_wait3A_236 : memref<40xi32, #tpu.memory_space<hbm>>) dst(%arg16 : memref<40xi32, #tpu.memory_space<vmem>>)
          %dma_wait3A_237 = arith.constant 0 : i32
          %dma_wait3A_238 = tpu.memref_slice %arg7[%dma_wait3A_237] : memref<320000xi32, #tpu.memory_space<hbm>> -> memref<40xi32, #tpu.memory_space<hbm>>
          %dma_wait3A_239 = arith.constant 0 : i32
          %dma_wait3A_240 = tpu.memref_slice %arg7[%dma_wait3A_239] : memref<320000xi32, #tpu.memory_space<hbm>> -> memref<40xi32, #tpu.memory_space<hbm>>
          tpu.wait_dma2 semaphore(%arg28 : memref<!tpu.dma_semaphore, #tpu.memory_space<semaphore_mem>>) src(%dma_wait3A_240 : memref<40xi32, #tpu.memory_space<hbm>>) dst(%arg17 : memref<40xi32, #tpu.memory_space<vmem>>)
          %add3A_241 = arith.constant 80 : i32
          %add3A_242 = arith.addi %add3A_146, %add3A_241 : i32
          %dma_start3A_243 = arith.constant 0 : i32
          %dma_start3A_244 = arith.constant 0 : i32
          %dma_start3A_245 = tpu.memref_slice %arg6[%dma_start3A_243, %dma_start3A_244] : memref<10000x128xf32, #tpu.memory_space<hbm>> -> memref<10000x128xf32, #tpu.memory_space<hbm>>
          tpu.enqueue_indirect_dma source(%dma_start3A_245 : memref<10000x128xf32, #tpu.memory_space<hbm>>) target(%arg22 : memref<40x128xf32, #tpu.memory_space<vmem>>) offsets(%arg16 : memref<40xi32, #tpu.memory_space<vmem>>) semaphore(%arg24 : memref<!tpu.dma_semaphore, #tpu.memory_space<semaphore_mem>>)
          %dma_start3A_246 = arith.constant 0 : i32
          %dma_start3A_247 = tpu.memref_slice %arg14[%add3A_242, %dma_start3A_246] : memref<320000x256xf32, #tpu.memory_space<hbm>> -> memref<40x128xf32, #tpu.memory_space<hbm>>
          %dma_start3A_248 = arith.constant 0 : i32
          %dma_start3A_249 = tpu.memref_slice %arg14[%add3A_242, %dma_start3A_248] : memref<320000x256xf32, #tpu.memory_space<hbm>> -> memref<40x128xf32, #tpu.memory_space<hbm>>
          tpu.enqueue_dma source(%dma_start3A_249 : memref<40x128xf32, #tpu.memory_space<hbm>>) target(%arg21 : memref<40x128xf32, #tpu.memory_space<vmem>>) target_semaphore(%arg25 : memref<!tpu.dma_semaphore, #tpu.memory_space<semaphore_mem>>)
          %dma_start3A_250 = arith.constant 128 : i32
          %dma_start3A_251 = tpu.memref_slice %arg14[%add3A_242, %dma_start3A_250] : memref<320000x256xf32, #tpu.memory_space<hbm>> -> memref<40x128xf32, #tpu.memory_space<hbm>>
          %dma_start3A_252 = arith.constant 128 : i32
          %dma_start3A_253 = tpu.memref_slice %arg14[%add3A_242, %dma_start3A_252] : memref<320000x256xf32, #tpu.memory_space<hbm>> -> memref<40x128xf32, #tpu.memory_space<hbm>>
          tpu.enqueue_dma source(%dma_start3A_253 : memref<40x128xf32, #tpu.memory_space<hbm>>) target(%arg20 : memref<40x128xf32, #tpu.memory_space<vmem>>) target_semaphore(%arg25 : memref<!tpu.dma_semaphore, #tpu.memory_space<semaphore_mem>>)
          %dma_start3A_254 = tpu.memref_slice %arg11[%add3A_242] : memref<320000xf32, #tpu.memory_space<hbm>> -> memref<40xf32, #tpu.memory_space<hbm>>
          %dma_start3A_255 = tpu.memref_slice %arg11[%add3A_242] : memref<320000xf32, #tpu.memory_space<hbm>> -> memref<40xf32, #tpu.memory_space<hbm>>
          tpu.enqueue_dma source(%dma_start3A_255 : memref<40xf32, #tpu.memory_space<hbm>>) target(%arg23 : memref<40xf32, #tpu.memory_space<vmem>>) target_semaphore(%arg25 : memref<!tpu.dma_semaphore, #tpu.memory_space<semaphore_mem>>)
        } else {
        }
        %dma_wait3A_201 = arith.constant 0 : i32
        %dma_wait3A_202 = arith.constant 0 : i32
        %dma_wait3A_203 = tpu.memref_slice %arg6[%dma_wait3A_201, %dma_wait3A_202] : memref<10000x128xf32, #tpu.memory_space<hbm>> -> memref<40x128xf32, #tpu.memory_space<hbm>>
        %dma_wait3A_204 = arith.constant 0 : i32
        %dma_wait3A_205 = arith.constant 0 : i32
        %dma_wait3A_206 = tpu.memref_slice %arg6[%dma_wait3A_204, %dma_wait3A_205] : memref<10000x128xf32, #tpu.memory_space<hbm>> -> memref<40x128xf32, #tpu.memory_space<hbm>>
        tpu.wait_dma2 semaphore(%arg26 : memref<!tpu.dma_semaphore, #tpu.memory_space<semaphore_mem>>) src(%dma_wait3A_206 : memref<40x128xf32, #tpu.memory_space<hbm>>) dst(%run_scoped3A_17 : memref<40x128xf32, #tpu.memory_space<vmem>>)
        %dma_wait3A_207 = arith.constant 0 : i32
        %dma_wait3A_208 = arith.constant 0 : i32
        %dma_wait3A_209 = tpu.memref_slice %arg14[%dma_wait3A_207, %dma_wait3A_208] : memref<320000x256xf32, #tpu.memory_space<hbm>> -> memref<40x128xf32, #tpu.memory_space<hbm>>
        %dma_wait3A_210 = arith.constant 0 : i32
        %dma_wait3A_211 = arith.constant 0 : i32
        %dma_wait3A_212 = tpu.memref_slice %arg14[%dma_wait3A_210, %dma_wait3A_211] : memref<320000x256xf32, #tpu.memory_space<hbm>> -> memref<40x128xf32, #tpu.memory_space<hbm>>
        tpu.wait_dma2 semaphore(%arg27 : memref<!tpu.dma_semaphore, #tpu.memory_space<semaphore_mem>>) src(%dma_wait3A_212 : memref<40x128xf32, #tpu.memory_space<hbm>>) dst(%run_scoped3A_16 : memref<40x128xf32, #tpu.memory_space<vmem>>)
        %dma_wait3A_213 = arith.constant 0 : i32
        %dma_wait3A_214 = arith.constant 128 : i32
        %dma_wait3A_215 = tpu.memref_slice %arg14[%dma_wait3A_213, %dma_wait3A_214] : memref<320000x256xf32, #tpu.memory_space<hbm>> -> memref<40x128xf32, #tpu.memory_space<hbm>>
        %dma_wait3A_216 = arith.constant 0 : i32
        %dma_wait3A_217 = arith.constant 128 : i32
        %dma_wait3A_218 = tpu.memref_slice %arg14[%dma_wait3A_216, %dma_wait3A_217] : memref<320000x256xf32, #tpu.memory_space<hbm>> -> memref<40x128xf32, #tpu.memory_space<hbm>>
        tpu.wait_dma2 semaphore(%arg27 : memref<!tpu.dma_semaphore, #tpu.memory_space<semaphore_mem>>) src(%dma_wait3A_218 : memref<40x128xf32, #tpu.memory_space<hbm>>) dst(%run_scoped3A : memref<40x128xf32, #tpu.memory_space<vmem>>)
        %dma_wait3A_219 = arith.constant 0 : i32
        %dma_wait3A_220 = tpu.memref_slice %arg11[%dma_wait3A_219] : memref<320000xf32, #tpu.memory_space<hbm>> -> memref<40xf32, #tpu.memory_space<hbm>>
        %dma_wait3A_221 = arith.constant 0 : i32
        %dma_wait3A_222 = tpu.memref_slice %arg11[%dma_wait3A_221] : memref<320000xf32, #tpu.memory_space<hbm>> -> memref<40xf32, #tpu.memory_space<hbm>>
        tpu.wait_dma2 semaphore(%arg27 : memref<!tpu.dma_semaphore, #tpu.memory_space<semaphore_mem>>) src(%dma_wait3A_222 : memref<40xf32, #tpu.memory_space<hbm>>) dst(%run_scoped3A_18 : memref<40xf32, #tpu.memory_space<vmem>>)
        %scan3A_223 = arith.constant 0 : i32
        %scan3A_224 = arith.constant 40 : i32
        %scan3A_225 = arith.addi %scan3A_223, %scan3A_224 : i32
        %scan3A_226 = arith.constant 1 : i32
        scf.for %scan3A_233 = %scan3A_223 to %scan3A_225 step %scan3A_226  : i32 {
          %mul3A_234 = arith.constant 1 : i32
          %mul3A_235 = arith.muli %scan3A_233, %mul3A_234 : i32
          %add3A_236 = arith.constant 0 : i32
          %add3A_237 = arith.addi %add3A_236, %mul3A_235 : i32
          %broadcast_in_dim3A = vector.broadcast %add3A_237 : i32 to vector<16xi32>
          %gather3A = tpu.vector_load_idx %run_scoped3A_18[%broadcast_in_dim3A] : memref<40xf32, #tpu.memory_space<vmem>>[vector<16xi32>], vector<16xf32>,
          %get3A = arith.index_cast %add3A_237 : i32 to index
          %get3A_238 = arith.constant 0 : index
          %get3A_239 = tpu.vector_load %run_scoped3A_16[%get3A, %get3A_238] {strides = array<i32>} : memref<40x128xf32, #tpu.memory_space<vmem>>, vector<16xf32>,
          %mul3A_240 = arith.mulf %get3A_239, %gather3A : vector<16xf32>
          %get3A_241 = arith.index_cast %add3A_237 : i32 to index
          %get3A_242 = arith.constant 0 : index
          %get3A_243 = tpu.vector_load %run_scoped3A[%get3A_241, %get3A_242] {strides = array<i32>} : memref<40x128xf32, #tpu.memory_space<vmem>>, vector<16xf32>,
          %get3A_244 = arith.index_cast %add3A_237 : i32 to index
          %get3A_245 = arith.constant 0 : index
          %get3A_246 = tpu.vector_load %run_scoped3A_17[%get3A_244, %get3A_245] {strides = array<i32>} : memref<40x128xf32, #tpu.memory_space<vmem>>, vector<16xf32>,
          %mul3A_247 = arith.mulf %get3A_243, %get3A_246 : vector<16xf32>
          %add3A_248 = arith.addf %mul3A_240, %mul3A_247 : vector<16xf32>
          %swap3A = arith.index_cast %add3A_237 : i32 to index
          %swap3A_249 = arith.constant 0 : index
          %swap3A_250 = tpu.vector_load %run_scoped3A[%swap3A, %swap3A_249] {strides = array<i32>} : memref<40x128xf32, #tpu.memory_space<vmem>>, vector<16xf32>,
          tpu.vector_store %run_scoped3A[%swap3A, %swap3A_249], %add3A_248 {strides = array<i32>} : memref<40x128xf32, #tpu.memory_space<vmem>>, vector<16xf32>,
          %get3A_251 = arith.index_cast %add3A_237 : i32 to index
          %get3A_252 = arith.constant 16 : index
          %get3A_253 = tpu.vector_load %run_scoped3A_16[%get3A_251, %get3A_252] {strides = array<i32>} : memref<40x128xf32, #tpu.memory_space<vmem>>, vector<16xf32>,
          %mul3A_254 = arith.mulf %get3A_253, %gather3A : vector<16xf32>
          %get3A_255 = arith.index_cast %add3A_237 : i32 to index
          %get3A_256 = arith.constant 16 : index
          %get3A_257 = tpu.vector_load %run_scoped3A[%get3A_255, %get3A_256] {strides = array<i32>} : memref<40x128xf32, #tpu.memory_space<vmem>>, vector<16xf32>,
          %get3A_258 = arith.index_cast %add3A_237 : i32 to index
          %get3A_259 = arith.constant 16 : index
          %get3A_260 = tpu.vector_load %run_scoped3A_17[%get3A_258, %get3A_259] {strides = array<i32>} : memref<40x128xf32, #tpu.memory_space<vmem>>, vector<16xf32>,
          %mul3A_261 = arith.mulf %get3A_257, %get3A_260 : vector<16xf32>
          %add3A_262 = arith.addf %mul3A_254, %mul3A_261 : vector<16xf32>
          %swap3A_263 = arith.index_cast %add3A_237 : i32 to index
          %swap3A_264 = arith.constant 16 : index
          %swap3A_265 = tpu.vector_load %run_scoped3A[%swap3A_263, %swap3A_264] {strides = array<i32>} : memref<40x128xf32, #tpu.memory_space<vmem>>, vector<16xf32>,
          tpu.vector_store %run_scoped3A[%swap3A_263, %swap3A_264], %add3A_262 {strides = array<i32>} : memref<40x128xf32, #tpu.memory_space<vmem>>, vector<16xf32>,
          %get3A_266 = arith.index_cast %add3A_237 : i32 to index
          %get3A_267 = arith.constant 32 : index
          %get3A_268 = tpu.vector_load %run_scoped3A_16[%get3A_266, %get3A_267] {strides = array<i32>} : memref<40x128xf32, #tpu.memory_space<vmem>>, vector<16xf32>,
          %mul3A_269 = arith.mulf %get3A_268, %gather3A : vector<16xf32>
          %get3A_270 = arith.index_cast %add3A_237 : i32 to index
          %get3A_271 = arith.constant 32 : index
          %get3A_272 = tpu.vector_load %run_scoped3A[%get3A_270, %get3A_271] {strides = array<i32>} : memref<40x128xf32, #tpu.memory_space<vmem>>, vector<16xf32>,
          %get3A_273 = arith.index_cast %add3A_237 : i32 to index
          %get3A_274 = arith.constant 32 : index
          %get3A_275 = tpu.vector_load %run_scoped3A_17[%get3A_273, %get3A_274] {strides = array<i32>} : memref<40x128xf32, #tpu.memory_space<vmem>>, vector<16xf32>,
          %mul3A_276 = arith.mulf %get3A_272, %get3A_275 : vector<16xf32>
          %add3A_277 = arith.addf %mul3A_269, %mul3A_276 : vector<16xf32>
          %swap3A_278 = arith.index_cast %add3A_237 : i32 to index
          %swap3A_279 = arith.constant 32 : index
          %swap3A_280 = tpu.vector_load %run_scoped3A[%swap3A_278, %swap3A_279] {strides = array<i32>} : memref<40x128xf32, #tpu.memory_space<vmem>>, vector<16xf32>,
          tpu.vector_store %run_scoped3A[%swap3A_278, %swap3A_279], %add3A_277 {strides = array<i32>} : memref<40x128xf32, #tpu.memory_space<vmem>>, vector<16xf32>,
          %get3A_281 = arith.index_cast %add3A_237 : i32 to index
          %get3A_282 = arith.constant 48 : index
          %get3A_283 = tpu.vector_load %run_scoped3A_16[%get3A_281, %get3A_282] {strides = array<i32>} : memref<40x128xf32, #tpu.memory_space<vmem>>, vector<16xf32>,
          %mul3A_284 = arith.mulf %get3A_283, %gather3A : vector<16xf32>
          %get3A_285 = arith.index_cast %add3A_237 : i32 to index
          %get3A_286 = arith.constant 48 : index
          %get3A_287 = tpu.vector_load %run_scoped3A[%get3A_285, %get3A_286] {strides = array<i32>} : memref<40x128xf32, #tpu.memory_space<vmem>>, vector<16xf32>,
          %get3A_288 = arith.index_cast %add3A_237 : i32 to index
          %get3A_289 = arith.constant 48 : index
          %get3A_290 = tpu.vector_load %run_scoped3A_17[%get3A_288, %get3A_289] {strides = array<i32>} : memref<40x128xf32, #tpu.memory_space<vmem>>, vector<16xf32>,
          %mul3A_291 = arith.mulf %get3A_287, %get3A_290 : vector<16xf32>
          %add3A_292 = arith.addf %mul3A_284, %mul3A_291 : vector<16xf32>
          %swap3A_293 = arith.index_cast %add3A_237 : i32 to index
          %swap3A_294 = arith.constant 48 : index
          %swap3A_295 = tpu.vector_load %run_scoped3A[%swap3A_293, %swap3A_294] {strides = array<i32>} : memref<40x128xf32, #tpu.memory_space<vmem>>, vector<16xf32>,
          tpu.vector_store %run_scoped3A[%swap3A_293, %swap3A_294], %add3A_292 {strides = array<i32>} : memref<40x128xf32, #tpu.memory_space<vmem>>, vector<16xf32>,
          %get3A_296 = arith.index_cast %add3A_237 : i32 to index
          %get3A_297 = arith.constant 64 : index
          %get3A_298 = tpu.vector_load %run_scoped3A_16[%get3A_296, %get3A_297] {strides = array<i32>} : memref<40x128xf32, #tpu.memory_space<vmem>>, vector<16xf32>,
          %mul3A_299 = arith.mulf %get3A_298, %gather3A : vector<16xf32>
          %get3A_300 = arith.index_cast %add3A_237 : i32 to index
          %get3A_301 = arith.constant 64 : index
          %get3A_302 = tpu.vector_load %run_scoped3A[%get3A_300, %get3A_301] {strides = array<i32>} : memref<40x128xf32, #tpu.memory_space<vmem>>, vector<16xf32>,
          %get3A_303 = arith.index_cast %add3A_237 : i32 to index
          %get3A_304 = arith.constant 64 : index
          %get3A_305 = tpu.vector_load %run_scoped3A_17[%get3A_303, %get3A_304] {strides = array<i32>} : memref<40x128xf32, #tpu.memory_space<vmem>>, vector<16xf32>,
          %mul3A_306 = arith.mulf %get3A_302, %get3A_305 : vector<16xf32>
          %add3A_307 = arith.addf %mul3A_299, %mul3A_306 : vector<16xf32>
          %swap3A_308 = arith.index_cast %add3A_237 : i32 to index
          %swap3A_309 = arith.constant 64 : index
          %swap3A_310 = tpu.vector_load %run_scoped3A[%swap3A_308, %swap3A_309] {strides = array<i32>} : memref<40x128xf32, #tpu.memory_space<vmem>>, vector<16xf32>,
          tpu.vector_store %run_scoped3A[%swap3A_308, %swap3A_309], %add3A_307 {strides = array<i32>} : memref<40x128xf32, #tpu.memory_space<vmem>>, vector<16xf32>,
          %get3A_311 = arith.index_cast %add3A_237 : i32 to index
          %get3A_312 = arith.constant 80 : index
          %get3A_313 = tpu.vector_load %run_scoped3A_16[%get3A_311, %get3A_312] {strides = array<i32>} : memref<40x128xf32, #tpu.memory_space<vmem>>, vector<16xf32>,
          %mul3A_314 = arith.mulf %get3A_313, %gather3A : vector<16xf32>
          %get3A_315 = arith.index_cast %add3A_237 : i32 to index
          %get3A_316 = arith.constant 80 : index
          %get3A_317 = tpu.vector_load %run_scoped3A[%get3A_315, %get3A_316] {strides = array<i32>} : memref<40x128xf32, #tpu.memory_space<vmem>>, vector<16xf32>,
          %get3A_318 = arith.index_cast %add3A_237 : i32 to index
          %get3A_319 = arith.constant 80 : index
          %get3A_320 = tpu.vector_load %run_scoped3A_17[%get3A_318, %get3A_319] {strides = array<i32>} : memref<40x128xf32, #tpu.memory_space<vmem>>, vector<16xf32>,
          %mul3A_321 = arith.mulf %get3A_317, %get3A_320 : vector<16xf32>
          %add3A_322 = arith.addf %mul3A_314, %mul3A_321 : vector<16xf32>
          %swap3A_323 = arith.index_cast %add3A_237 : i32 to index
          %swap3A_324 = arith.constant 80 : index
          %swap3A_325 = tpu.vector_load %run_scoped3A[%swap3A_323, %swap3A_324] {strides = array<i32>} : memref<40x128xf32, #tpu.memory_space<vmem>>, vector<16xf32>,
          tpu.vector_store %run_scoped3A[%swap3A_323, %swap3A_324], %add3A_322 {strides = array<i32>} : memref<40x128xf32, #tpu.memory_space<vmem>>, vector<16xf32>,
          %get3A_326 = arith.index_cast %add3A_237 : i32 to index
          %get3A_327 = arith.constant 96 : index
          %get3A_328 = tpu.vector_load %run_scoped3A_16[%get3A_326, %get3A_327] {strides = array<i32>} : memref<40x128xf32, #tpu.memory_space<vmem>>, vector<16xf32>,
          %mul3A_329 = arith.mulf %get3A_328, %gather3A : vector<16xf32>
          %get3A_330 = arith.index_cast %add3A_237 : i32 to index
          %get3A_331 = arith.constant 96 : index
          %get3A_332 = tpu.vector_load %run_scoped3A[%get3A_330, %get3A_331] {strides = array<i32>} : memref<40x128xf32, #tpu.memory_space<vmem>>, vector<16xf32>,
          %get3A_333 = arith.index_cast %add3A_237 : i32 to index
          %get3A_334 = arith.constant 96 : index
          %get3A_335 = tpu.vector_load %run_scoped3A_17[%get3A_333, %get3A_334] {strides = array<i32>} : memref<40x128xf32, #tpu.memory_space<vmem>>, vector<16xf32>,
          %mul3A_336 = arith.mulf %get3A_332, %get3A_335 : vector<16xf32>
          %add3A_337 = arith.addf %mul3A_329, %mul3A_336 : vector<16xf32>
          %swap3A_338 = arith.index_cast %add3A_237 : i32 to index
          %swap3A_339 = arith.constant 96 : index
          %swap3A_340 = tpu.vector_load %run_scoped3A[%swap3A_338, %swap3A_339] {strides = array<i32>} : memref<40x128xf32, #tpu.memory_space<vmem>>, vector<16xf32>,
          tpu.vector_store %run_scoped3A[%swap3A_338, %swap3A_339], %add3A_337 {strides = array<i32>} : memref<40x128xf32, #tpu.memory_space<vmem>>, vector<16xf32>,
          %get3A_341 = arith.index_cast %add3A_237 : i32 to index
          %get3A_342 = arith.constant 112 : index
          %get3A_343 = tpu.vector_load %run_scoped3A_16[%get3A_341, %get3A_342] {strides = array<i32>} : memref<40x128xf32, #tpu.memory_space<vmem>>, vector<16xf32>,
          %mul3A_344 = arith.mulf %get3A_343, %gather3A : vector<16xf32>
          %get3A_345 = arith.index_cast %add3A_237 : i32 to index
          %get3A_346 = arith.constant 112 : index
          %get3A_347 = tpu.vector_load %run_scoped3A[%get3A_345, %get3A_346] {strides = array<i32>} : memref<40x128xf32, #tpu.memory_space<vmem>>, vector<16xf32>,
          %get3A_348 = arith.index_cast %add3A_237 : i32 to index
          %get3A_349 = arith.constant 112 : index
          %get3A_350 = tpu.vector_load %run_scoped3A_17[%get3A_348, %get3A_349] {strides = array<i32>} : memref<40x128xf32, #tpu.memory_space<vmem>>, vector<16xf32>,
          %mul3A_351 = arith.mulf %get3A_347, %get3A_350 : vector<16xf32>
          %add3A_352 = arith.addf %mul3A_344, %mul3A_351 : vector<16xf32>
          %swap3A_353 = arith.index_cast %add3A_237 : i32 to index
          %swap3A_354 = arith.constant 112 : index
          %swap3A_355 = tpu.vector_load %run_scoped3A[%swap3A_353, %swap3A_354] {strides = array<i32>} : memref<40x128xf32, #tpu.memory_space<vmem>>, vector<16xf32>,
          tpu.vector_store %run_scoped3A[%swap3A_353, %swap3A_354], %add3A_352 {strides = array<i32>} : memref<40x128xf32, #tpu.memory_space<vmem>>, vector<16xf32>,
        }
        %scan3A_227 = arith.constant 40 : i32
        "tpu.region"() ({
          %run_scoped3A_233 = tpu.sem_alloc : memref<!tpu.dma_semaphore, #tpu.memory_space<semaphore_mem>>
          %dma_start3A_234 = arith.constant 0 : i32
          %dma_start3A_235 = arith.constant 0 : i32
          %dma_start3A_236 = tpu.memref_slice %arg15[%dma_start3A_234, %dma_start3A_235] : memref<10000x128xf32, #tpu.memory_space<vmem_shared>> -> memref<10000x128xf32, #tpu.memory_space<vmem_shared>>
          tpu.enqueue_indirect_dma source(%run_scoped3A : memref<40x128xf32, #tpu.memory_space<vmem>>) target(%dma_start3A_236 : memref<10000x128xf32, #tpu.memory_space<vmem_shared>>) offsets(%arg19 : memref<40xi32, #tpu.memory_space<vmem>>) semaphore(%run_scoped3A_233 : memref<!tpu.dma_semaphore, #tpu.memory_space<semaphore_mem>>) {add = true}
          %dma_wait3A_237 = arith.constant 0 : i32
          %dma_wait3A_238 = arith.constant 0 : i32
          %dma_wait3A_239 = tpu.memref_slice %arg15[%dma_wait3A_237, %dma_wait3A_238] : memref<10000x128xf32, #tpu.memory_space<vmem_shared>> -> memref<10000x128xf32, #tpu.memory_space<vmem_shared>>
          tpu.wait_indirect_dma semaphore(%run_scoped3A_233 : memref<!tpu.dma_semaphore, #tpu.memory_space<semaphore_mem>>) src(%run_scoped3A : memref<40x128xf32, #tpu.memory_space<vmem>>) dst(%dma_wait3A_239 : memref<10000x128xf32, #tpu.memory_space<vmem_shared>>)
          tpu.yield
        }) : () -> ()
        %lt3A_228 = arith.constant 9880 : i32
        %lt3A_229 = arith.cmpi slt, %add3A_145, %lt3A_228 : i32
        %convert_element_type3A_230 = arith.extui %lt3A_229 : i1 to i32
        %cond3A_231 = arith.constant 0 : i32
        %cond3A_232 = arith.cmpi ne, %convert_element_type3A_230, %cond3A_231 : i32
        scf.if %cond3A_232 {
          %add3A_233 = arith.constant 120 : i32
          %add3A_234 = arith.addi %add3A_146, %add3A_233 : i32
          %dma_start3A_235 = tpu.memref_slice %arg8[%add3A_234] : memref<320000xi32, #tpu.memory_space<hbm>> -> memref<40xi32, #tpu.memory_space<hbm>>
          %dma_start3A_236 = tpu.memref_slice %arg8[%add3A_234] : memref<320000xi32, #tpu.memory_space<hbm>> -> memref<40xi32, #tpu.memory_space<hbm>>
          tpu.enqueue_dma source(%dma_start3A_236 : memref<40xi32, #tpu.memory_space<hbm>>) target(%arg18 : memref<40xi32, #tpu.memory_space<vmem>>) target_semaphore(%arg28 : memref<!tpu.dma_semaphore, #tpu.memory_space<semaphore_mem>>)
          %dma_start3A_237 = tpu.memref_slice %arg7[%add3A_234] : memref<320000xi32, #tpu.memory_space<hbm>> -> memref<40xi32, #tpu.memory_space<hbm>>
          %dma_start3A_238 = tpu.memref_slice %arg7[%add3A_234] : memref<320000xi32, #tpu.memory_space<hbm>> -> memref<40xi32, #tpu.memory_space<hbm>>
          tpu.enqueue_dma source(%dma_start3A_238 : memref<40xi32, #tpu.memory_space<hbm>>) target(%arg19 : memref<40xi32, #tpu.memory_space<vmem>>) target_semaphore(%arg28 : memref<!tpu.dma_semaphore, #tpu.memory_space<semaphore_mem>>)
        } else {
        }
      }
      %scan3A_132 = arith.constant 125 : i32
      %barrier3A_133 = arith.constant 0 : index
      tpu.barrier barrier_id(%barrier3A_133)
      %eq3A_134 = arith.constant 0 : i32
      %eq3A_135 = arith.cmpi eq, %arg1, %eq3A_134 : i32
      %convert_element_type3A_136 = arith.extui %eq3A_135 : i1 to i32
      %cond3A_137 = arith.constant 2 : i32
      %cond3A_138 = arith.constant 0 : i32
      %cond3A_139 = arith.cmpi ne, %convert_element_type3A_136, %cond3A_138 : i32
      scf.if %cond3A_139 {
        "tpu.region"() ({
          %run_scoped3A_141 = tpu.sem_alloc : memref<!tpu.dma_semaphore, #tpu.memory_space<semaphore_mem>>
          %dma_start3A_142 = arith.constant 0 : i32
          %dma_start3A_143 = arith.constant 0 : i32
          %dma_start3A_144 = tpu.memref_slice %arg13[%cond3A_137, %arg0, %dma_start3A_142, %dma_start3A_143] : memref<3x2x10000x128xf32, #tpu.memory_space<hbm>> -> memref<1x1x10000x128xf32, #tpu.memory_space<hbm>>
          %dma_start3A_145 = tpu.memref_squeeze %dma_start3A_144 : memref<1x1x10000x128xf32, #tpu.memory_space<hbm>> -> memref<10000x128xf32, #tpu.memory_space<hbm>>
          tpu.enqueue_dma source(%arg15 : memref<10000x128xf32, #tpu.memory_space<vmem_shared>>) target(%dma_start3A_145 : memref<10000x128xf32, #tpu.memory_space<hbm>>) target_semaphore(%run_scoped3A_141 : memref<!tpu.dma_semaphore, #tpu.memory_space<semaphore_mem>>)
          %dma_wait3A = arith.constant 0 : i32
          %dma_wait3A_146 = arith.constant 0 : i32
          %dma_wait3A_147 = tpu.memref_slice %arg13[%cond3A_137, %arg0, %dma_wait3A, %dma_wait3A_146] : memref<3x2x10000x128xf32, #tpu.memory_space<hbm>> -> memref<1x1x10000x128xf32, #tpu.memory_space<hbm>>
          %dma_wait3A_148 = tpu.memref_squeeze %dma_wait3A_147 : memref<1x1x10000x128xf32, #tpu.memory_space<hbm>> -> memref<10000x128xf32, #tpu.memory_space<hbm>>
          tpu.wait_dma2 semaphore(%run_scoped3A_141 : memref<!tpu.dma_semaphore, #tpu.memory_space<semaphore_mem>>) src(%arg15 : memref<10000x128xf32, #tpu.memory_space<vmem_shared>>) dst(%dma_wait3A_148 : memref<10000x128xf32, #tpu.memory_space<hbm>>)
          tpu.yield
        }) : () -> ()
      } else {
      }
      %barrier3A_140 = arith.constant 0 : index
      tpu.barrier barrier_id(%barrier3A_140)
      tpu.yield
    }) : () -> ()
    return
  }
}

module attributes {stable_mosaic.version = 14 : i64} {
  func.func @_edge_filter_body(%arg0: i32, %arg1: memref<4000x16xf32, #tpu.memory_space<vmem>>, %arg2: memref<4000x1xf32, #tpu.memory_space<vmem>>, %arg3: memref<16x384xf32, #tpu.memory_space<vmem>>, %arg4: memref<1x384xf32, #tpu.memory_space<vmem>>, %arg5: memref<4000x384xf32, #tpu.memory_space<vmem>>) attributes {dimension_semantics = [#tpu.dimension_semantics<arbitrary>], iteration_bounds = array<i64: 80>, scalar_prefetch = 0 : i64, scratch_operands = 0 : i64, tpu.core_type = #tpu.core_type<tc>, window_params = [{transform_indices = @transform_0, window_bounds = array<i64: 4000, 16>}, {transform_indices = @transform_1, window_bounds = array<i64: 4000, 1>}, {pipeline_mode = #tpu.pipeline_mode<synchronous>, transform_indices = @transform_2, window_bounds = array<i64: 16, 384>}, {pipeline_mode = #tpu.pipeline_mode<synchronous>, transform_indices = @transform_3, window_bounds = array<i64: 1, 384>}, {transform_indices = @transform_4, window_bounds = array<i64: 4000, 384>}]} {
    %get3A = arith.constant 0 : index
    %get3A_0 = arith.constant 0 : index
    %get3A_1 = vector.load %arg1[%get3A, %get3A_0] : memref<4000x16xf32, #tpu.memory_space<vmem>>, vector<4000x16xf32>
    %get3A_2 = arith.constant 0 : index
    %get3A_3 = arith.constant 0 : index
    %get3A_4 = vector.load %arg3[%get3A_2, %get3A_3] : memref<16x384xf32, #tpu.memory_space<vmem>>, vector<16x384xf32>
    %dot_general3A = arith.constant dense<0.000000e+00> : vector<4000x384xf32>
    %dot_general3A_5 = tpu.matmul %get3A_1, %get3A_4, %dot_general3A {dimension_numbers = #tpu.dot_dimension_numbers<[1], [0], [0], [1], [0, 0, 1, 1], [], []>, transpose_lhs_hint = false} : vector<4000x16xf32>, vector<16x384xf32>, vector<4000x384xf32> -> vector<4000x384xf32>
    %get3A_6 = arith.constant 0 : index
    %get3A_7 = arith.constant 0 : index
    %get3A_8 = vector.load %arg4[%get3A_6, %get3A_7] : memref<1x384xf32, #tpu.memory_space<vmem>>, vector<1x384xf32>
    %add3A = vector.broadcast %get3A_8 : vector<1x384xf32> to vector<4000x384xf32>
    %add3A_9 = arith.addf %dot_general3A_5, %add3A : vector<4000x384xf32>
    %get3A_10 = arith.constant 0 : index
    %get3A_11 = arith.constant 0 : index
    %get3A_12 = vector.load %arg2[%get3A_10, %get3A_11] : memref<4000x1xf32, #tpu.memory_space<vmem>>, vector<4000x1xf32>
    %mul3A = arith.constant 3.14159274 : f32
    %mul3A_13 = vector.broadcast %mul3A : f32 to vector<4000x1xf32>
    %mul3A_14 = arith.mulf %mul3A_13, %get3A_12 : vector<4000x1xf32>
    %div3A = arith.constant 5.000000e+00 : f32
    %div3A_15 = vector.broadcast %div3A : f32 to vector<4000x1xf32>
    %div3A_16 = arith.divf %mul3A_14, %div3A_15 : vector<4000x1xf32>
    %cos3A = math.cos %div3A_16 : vector<4000x1xf32>
    %add3A_17 = arith.constant 1.000000e+00 : f32
    %add3A_18 = vector.broadcast %add3A_17 : f32 to vector<4000x1xf32>
    %add3A_19 = arith.addf %cos3A, %add3A_18 : vector<4000x1xf32>
    %mul3A_20 = arith.constant 5.000000e-01 : f32
    %mul3A_21 = vector.broadcast %mul3A_20 : f32 to vector<4000x1xf32>
    %mul3A_22 = arith.mulf %mul3A_21, %add3A_19 : vector<4000x1xf32>
    %lt3A = arith.constant 5.000000e+00 : f32
    %lt3A_23 = vector.broadcast %lt3A : f32 to vector<4000x1xf32>
    %lt3A_24 = arith.cmpf olt, %get3A_12, %lt3A_23 : vector<4000x1xf32>
    %convert_element_type3A = arith.extui %lt3A_24 : vector<4000x1xi1> to vector<4000x1xi32>
    %convert_element_type3A_25 = arith.sitofp %convert_element_type3A : vector<4000x1xi32> to vector<4000x1xf32>
    %mul3A_26 = arith.mulf %mul3A_22, %convert_element_type3A_25 : vector<4000x1xf32>
    %mul3A_27 = vector.broadcast %mul3A_26 : vector<4000x1xf32> to vector<4000x384xf32>
    %mul3A_28 = arith.mulf %add3A_9, %mul3A_27 : vector<4000x384xf32>
    %swap3A = arith.constant 0 : index
    %swap3A_29 = arith.constant 0 : index
    %swap3A_30 = vector.load %arg5[%swap3A, %swap3A_29] : memref<4000x384xf32, #tpu.memory_space<vmem>>, vector<4000x384xf32>
    tpu.vector_store %arg5[%swap3A, %swap3A_29], %mul3A_28 {strides = array<i32>} : memref<4000x384xf32, #tpu.memory_space<vmem>>, vector<4000x384xf32>,
    return
  }
  func.func @transform_0(%arg0: i32) -> (i32, i32) {
    %c0_i32 = arith.constant 0 : i32
    %c0_i32_0 = arith.constant 0 : i32
    return %arg0, %c0_i32 : i32, i32
  }
  func.func @transform_1(%arg0: i32) -> (i32, i32) {
    %c0_i32 = arith.constant 0 : i32
    %c0_i32_0 = arith.constant 0 : i32
    return %arg0, %c0_i32 : i32, i32
  }
  func.func @transform_2(%arg0: i32) -> (i32, i32) {
    %c0_i32 = arith.constant 0 : i32
    %c0_i32_0 = arith.constant 0 : i32
    %c0_i32_1 = arith.constant 0 : i32
    return %c0_i32, %c0_i32_0 : i32, i32
  }
  func.func @transform_3(%arg0: i32) -> (i32, i32) {
    %c0_i32 = arith.constant 0 : i32
    %c0_i32_0 = arith.constant 0 : i32
    %c0_i32_1 = arith.constant 0 : i32
    return %c0_i32, %c0_i32_0 : i32, i32
  }
  func.func @transform_4(%arg0: i32) -> (i32, i32) {
    %c0_i32 = arith.constant 0 : i32
    %c0_i32_0 = arith.constant 0 : i32
    return %arg0, %c0_i32 : i32, i32
  }
}

module attributes {stable_mosaic.version = 14 : i64} {
  func.func @_node_mlp_body(%arg0: i32, %arg1: memref<1000x128xf32, #tpu.memory_space<vmem>>, %arg2: memref<128x128xf32, #tpu.memory_space<vmem>>, %arg3: memref<1x128xf32, #tpu.memory_space<vmem>>, %arg4: memref<128x384xf32, #tpu.memory_space<vmem>>, %arg5: memref<1x384xf32, #tpu.memory_space<vmem>>, %arg6: memref<1000x384xf32, #tpu.memory_space<vmem>>) attributes {dimension_semantics = [#tpu.dimension_semantics<arbitrary>], iteration_bounds = array<i64: 10>, scalar_prefetch = 0 : i64, scratch_operands = 0 : i64, tpu.core_type = #tpu.core_type<tc>, window_params = [{transform_indices = @transform_0, window_bounds = array<i64: 1000, 128>}, {pipeline_mode = #tpu.pipeline_mode<synchronous>, transform_indices = @transform_1, window_bounds = array<i64: 128, 128>}, {pipeline_mode = #tpu.pipeline_mode<synchronous>, transform_indices = @transform_2, window_bounds = array<i64: 1, 128>}, {pipeline_mode = #tpu.pipeline_mode<synchronous>, transform_indices = @transform_3, window_bounds = array<i64: 128, 384>}, {pipeline_mode = #tpu.pipeline_mode<synchronous>, transform_indices = @transform_4, window_bounds = array<i64: 1, 384>}, {transform_indices = @transform_5, window_bounds = array<i64: 1000, 384>}]} {
    %get3A = arith.constant 0 : index
    %get3A_0 = arith.constant 0 : index
    %get3A_1 = vector.load %arg1[%get3A, %get3A_0] : memref<1000x128xf32, #tpu.memory_space<vmem>>, vector<1000x128xf32>
    %get3A_2 = arith.constant 0 : index
    %get3A_3 = arith.constant 0 : index
    %get3A_4 = vector.load %arg2[%get3A_2, %get3A_3] : memref<128x128xf32, #tpu.memory_space<vmem>>, vector<128x128xf32>
    %dot_general3A = arith.constant dense<0.000000e+00> : vector<1000x128xf32>
    %dot_general3A_5 = tpu.matmul %get3A_1, %get3A_4, %dot_general3A {dimension_numbers = #tpu.dot_dimension_numbers<[1], [0], [0], [1], [0, 0, 1, 1], [], []>, transpose_lhs_hint = false} : vector<1000x128xf32>, vector<128x128xf32>, vector<1000x128xf32> -> vector<1000x128xf32>
    %get3A_6 = arith.constant 0 : index
    %get3A_7 = arith.constant 0 : index
    %get3A_8 = vector.load %arg3[%get3A_6, %get3A_7] : memref<1x128xf32, #tpu.memory_space<vmem>>, vector<1x128xf32>
    %add3A = vector.broadcast %get3A_8 : vector<1x128xf32> to vector<1000x128xf32>
    %add3A_9 = arith.addf %dot_general3A_5, %add3A : vector<1000x128xf32>
    %logistic3A = arith.negf %add3A_9 : vector<1000x128xf32>
    %logistic3A_10 = math.exp %logistic3A : vector<1000x128xf32>
    %logistic3A_11 = arith.constant 1.000000e+00 : f32
    %logistic3A_12 = vector.broadcast %logistic3A_11 : f32 to vector<1000x128xf32>
    %logistic3A_13 = arith.addf %logistic3A_12, %logistic3A_10 : vector<1000x128xf32>
    %logistic3A_14 = arith.divf %logistic3A_12, %logistic3A_13 : vector<1000x128xf32>
    %mul3A = arith.mulf %add3A_9, %logistic3A_14 : vector<1000x128xf32>
    %get3A_15 = arith.constant 0 : index
    %get3A_16 = arith.constant 0 : index
    %get3A_17 = vector.load %arg4[%get3A_15, %get3A_16] : memref<128x384xf32, #tpu.memory_space<vmem>>, vector<128x384xf32>
    %dot_general3A_18 = arith.constant dense<0.000000e+00> : vector<1000x384xf32>
    %dot_general3A_19 = tpu.matmul %mul3A, %get3A_17, %dot_general3A_18 {dimension_numbers = #tpu.dot_dimension_numbers<[1], [0], [0], [1], [0, 0, 1, 1], [], []>, transpose_lhs_hint = false} : vector<1000x128xf32>, vector<128x384xf32>, vector<1000x384xf32> -> vector<1000x384xf32>
    %get3A_20 = arith.constant 0 : index
    %get3A_21 = arith.constant 0 : index
    %get3A_22 = vector.load %arg5[%get3A_20, %get3A_21] : memref<1x384xf32, #tpu.memory_space<vmem>>, vector<1x384xf32>
    %add3A_23 = vector.broadcast %get3A_22 : vector<1x384xf32> to vector<1000x384xf32>
    %add3A_24 = arith.addf %dot_general3A_19, %add3A_23 : vector<1000x384xf32>
    %swap3A = arith.constant 0 : index
    %swap3A_25 = arith.constant 0 : index
    %swap3A_26 = vector.load %arg6[%swap3A, %swap3A_25] : memref<1000x384xf32, #tpu.memory_space<vmem>>, vector<1000x384xf32>
    tpu.vector_store %arg6[%swap3A, %swap3A_25], %add3A_24 {strides = array<i32>} : memref<1000x384xf32, #tpu.memory_space<vmem>>, vector<1000x384xf32>,
    return
  }
  func.func @transform_0(%arg0: i32) -> (i32, i32) {
    %c0_i32 = arith.constant 0 : i32
    %c0_i32_0 = arith.constant 0 : i32
    return %arg0, %c0_i32 : i32, i32
  }
  func.func @transform_1(%arg0: i32) -> (i32, i32) {
    %c0_i32 = arith.constant 0 : i32
    %c0_i32_0 = arith.constant 0 : i32
    %c0_i32_1 = arith.constant 0 : i32
    return %c0_i32, %c0_i32_0 : i32, i32
  }
  func.func @transform_2(%arg0: i32) -> (i32, i32) {
    %c0_i32 = arith.constant 0 : i32
    %c0_i32_0 = arith.constant 0 : i32
    %c0_i32_1 = arith.constant 0 : i32
    return %c0_i32, %c0_i32_0 : i32, i32
  }
  func.func @transform_3(%arg0: i32) -> (i32, i32) {
    %c0_i32 = arith.constant 0 : i32
    %c0_i32_0 = arith.constant 0 : i32
    %c0_i32_1 = arith.constant 0 : i32
    return %c0_i32, %c0_i32_0 : i32, i32
  }
  func.func @transform_4(%arg0: i32) -> (i32, i32) {
    %c0_i32 = arith.constant 0 : i32
    %c0_i32_0 = arith.constant 0 : i32
    %c0_i32_1 = arith.constant 0 : i32
    return %c0_i32, %c0_i32_0 : i32, i32
  }
  func.func @transform_5(%arg0: i32) -> (i32, i32) {
    %c0_i32 = arith.constant 0 : i32
    %c0_i32_0 = arith.constant 0 : i32
    return %arg0, %c0_i32 : i32, i32
  }
}

module attributes {stable_mosaic.version = 14 : i64} {
  func.func @_mixing_body(%arg0: i32, %arg1: memref<1000x128xf32, #tpu.memory_space<vmem>>, %arg2: memref<1000x128xf32, #tpu.memory_space<vmem>>, %arg3: memref<1000x128xf32, #tpu.memory_space<vmem>>, %arg4: memref<1000x128xf32, #tpu.memory_space<vmem>>, %arg5: memref<1000x128xf32, #tpu.memory_space<vmem>>, %arg6: memref<1000x128xf32, #tpu.memory_space<vmem>>, %arg7: memref<1000x128xf32, #tpu.memory_space<vmem>>, %arg8: memref<1000x128xf32, #tpu.memory_space<vmem>>, %arg9: memref<1000x128xf32, #tpu.memory_space<vmem>>, %arg10: memref<1000x128xf32, #tpu.memory_space<vmem>>, %arg11: memref<1000x128xf32, #tpu.memory_space<vmem>>, %arg12: memref<1000x128xf32, #tpu.memory_space<vmem>>, %arg13: memref<128x256xf32, #tpu.memory_space<vmem>>, %arg14: memref<256x128xf32, #tpu.memory_space<vmem>>, %arg15: memref<1x128xf32, #tpu.memory_space<vmem>>, %arg16: memref<128x384xf32, #tpu.memory_space<vmem>>, %arg17: memref<1x384xf32, #tpu.memory_space<vmem>>, %arg18: memref<1000x128xf32, #tpu.memory_space<vmem>>, %arg19: memref<1000x128xf32, #tpu.memory_space<vmem>>, %arg20: memref<1000x128xf32, #tpu.memory_space<vmem>>, %arg21: memref<1000x128xf32, #tpu.memory_space<vmem>>) attributes {dimension_semantics = [#tpu.dimension_semantics<arbitrary>], iteration_bounds = array<i64: 10>, scalar_prefetch = 0 : i64, scratch_operands = 0 : i64, tpu.core_type = #tpu.core_type<tc>, window_params = [{transform_indices = @transform_0, window_bounds = array<i64: 1000, 128>}, {transform_indices = @transform_1, window_bounds = array<i64: 1000, 128>}, {transform_indices = @transform_2, window_bounds = array<i64: 1000, 128>}, {transform_indices = @transform_3, window_bounds = array<i64: 1000, 128>}, {transform_indices = @transform_4, window_bounds = array<i64: 1000, 128>}, {transform_indices = @transform_5, window_bounds = array<i64: 1000, 128>}, {transform_indices = @transform_6, window_bounds = array<i64: 1000, 128>}, {transform_indices = @transform_7, window_bounds = array<i64: 1000, 128>}, {transform_indices = @transform_8, window_bounds = array<i64: 1000, 128>}, {transform_indices = @transform_9, window_bounds = array<i64: 1000, 128>}, {transform_indices = @transform_10, window_bounds = array<i64: 1000, 128>}, {transform_indices = @transform_11, window_bounds = array<i64: 1000, 128>}, {pipeline_mode = #tpu.pipeline_mode<synchronous>, transform_indices = @transform_12, window_bounds = array<i64: 128, 256>}, {pipeline_mode = #tpu.pipeline_mode<synchronous>, transform_indices = @transform_13, window_bounds = array<i64: 256, 128>}, {pipeline_mode = #tpu.pipeline_mode<synchronous>, transform_indices = @transform_14, window_bounds = array<i64: 1, 128>}, {pipeline_mode = #tpu.pipeline_mode<synchronous>, transform_indices = @transform_15, window_bounds = array<i64: 128, 384>}, {pipeline_mode = #tpu.pipeline_mode<synchronous>, transform_indices = @transform_16, window_bounds = array<i64: 1, 384>}, {transform_indices = @transform_17, window_bounds = array<i64: 1000, 128>}, {transform_indices = @transform_18, window_bounds = array<i64: 1000, 128>}, {transform_indices = @transform_19, window_bounds = array<i64: 1000, 128>}, {transform_indices = @transform_20, window_bounds = array<i64: 1000, 128>}]} {
    %get3A = arith.constant 0 : index
    %get3A_0 = arith.constant 0 : index
    %get3A_1 = vector.load %arg1[%get3A, %get3A_0] : memref<1000x128xf32, #tpu.memory_space<vmem>>, vector<1000x128xf32>
    %get3A_2 = arith.constant 0 : index
    %get3A_3 = arith.constant 0 : index
    %get3A_4 = vector.load %arg5[%get3A_2, %get3A_3] : memref<1000x128xf32, #tpu.memory_space<vmem>>, vector<1000x128xf32>
    %add3A = arith.addf %get3A_1, %get3A_4 : vector<1000x128xf32>
    %get3A_5 = arith.constant 0 : index
    %get3A_6 = arith.constant 0 : index
    %get3A_7 = vector.load %arg6[%get3A_5, %get3A_6] : memref<1000x128xf32, #tpu.memory_space<vmem>>, vector<1000x128xf32>
    %add3A_8 = arith.addf %add3A, %get3A_7 : vector<1000x128xf32>
    %get3A_9 = arith.constant 0 : index
    %get3A_10 = arith.constant 0 : index
    %get3A_11 = vector.load %arg2[%get3A_9, %get3A_10] : memref<1000x128xf32, #tpu.memory_space<vmem>>, vector<1000x128xf32>
    %get3A_12 = arith.constant 0 : index
    %get3A_13 = arith.constant 0 : index
    %get3A_14 = vector.load %arg7[%get3A_12, %get3A_13] : memref<1000x128xf32, #tpu.memory_space<vmem>>, vector<1000x128xf32>
    %add3A_15 = arith.addf %get3A_11, %get3A_14 : vector<1000x128xf32>
    %get3A_16 = arith.constant 0 : index
    %get3A_17 = arith.constant 0 : index
    %get3A_18 = vector.load %arg8[%get3A_16, %get3A_17] : memref<1000x128xf32, #tpu.memory_space<vmem>>, vector<1000x128xf32>
    %add3A_19 = arith.addf %add3A_15, %get3A_18 : vector<1000x128xf32>
    %get3A_20 = arith.constant 0 : index
    %get3A_21 = arith.constant 0 : index
    %get3A_22 = vector.load %arg3[%get3A_20, %get3A_21] : memref<1000x128xf32, #tpu.memory_space<vmem>>, vector<1000x128xf32>
    %get3A_23 = arith.constant 0 : index
    %get3A_24 = arith.constant 0 : index
    %get3A_25 = vector.load %arg9[%get3A_23, %get3A_24] : memref<1000x128xf32, #tpu.memory_space<vmem>>, vector<1000x128xf32>
    %add3A_26 = arith.addf %get3A_22, %get3A_25 : vector<1000x128xf32>
    %get3A_27 = arith.constant 0 : index
    %get3A_28 = arith.constant 0 : index
    %get3A_29 = vector.load %arg10[%get3A_27, %get3A_28] : memref<1000x128xf32, #tpu.memory_space<vmem>>, vector<1000x128xf32>
    %add3A_30 = arith.addf %add3A_26, %get3A_29 : vector<1000x128xf32>
    %get3A_31 = arith.constant 0 : index
    %get3A_32 = arith.constant 0 : index
    %get3A_33 = vector.load %arg4[%get3A_31, %get3A_32] : memref<1000x128xf32, #tpu.memory_space<vmem>>, vector<1000x128xf32>
    %get3A_34 = arith.constant 0 : index
    %get3A_35 = arith.constant 0 : index
    %get3A_36 = vector.load %arg11[%get3A_34, %get3A_35] : memref<1000x128xf32, #tpu.memory_space<vmem>>, vector<1000x128xf32>
    %add3A_37 = arith.addf %get3A_33, %get3A_36 : vector<1000x128xf32>
    %get3A_38 = arith.constant 0 : index
    %get3A_39 = arith.constant 0 : index
    %get3A_40 = vector.load %arg12[%get3A_38, %get3A_39] : memref<1000x128xf32, #tpu.memory_space<vmem>>, vector<1000x128xf32>
    %add3A_41 = arith.addf %add3A_37, %get3A_40 : vector<1000x128xf32>
    %get3A_42 = arith.constant 0 : index
    %get3A_43 = arith.constant 0 : index
    %get3A_44 = vector.load %arg13[%get3A_42, %get3A_43] : memref<128x256xf32, #tpu.memory_space<vmem>>, vector<128x256xf32>
    %dot_general3A = arith.constant dense<0.000000e+00> : vector<1000x256xf32>
    %dot_general3A_45 = tpu.matmul %add3A_19, %get3A_44, %dot_general3A {dimension_numbers = #tpu.dot_dimension_numbers<[1], [0], [0], [1], [0, 0, 1, 1], [], []>, transpose_lhs_hint = false} : vector<1000x128xf32>, vector<128x256xf32>, vector<1000x256xf32> -> vector<1000x256xf32>
    %dot_general3A_46 = arith.constant dense<0.000000e+00> : vector<1000x256xf32>
    %dot_general3A_47 = tpu.matmul %add3A_30, %get3A_44, %dot_general3A_46 {dimension_numbers = #tpu.dot_dimension_numbers<[1], [0], [0], [1], [0, 0, 1, 1], [], []>, transpose_lhs_hint = false} : vector<1000x128xf32>, vector<128x256xf32>, vector<1000x256xf32> -> vector<1000x256xf32>
    %dot_general3A_48 = arith.constant dense<0.000000e+00> : vector<1000x256xf32>
    %dot_general3A_49 = tpu.matmul %add3A_41, %get3A_44, %dot_general3A_48 {dimension_numbers = #tpu.dot_dimension_numbers<[1], [0], [0], [1], [0, 0, 1, 1], [], []>, transpose_lhs_hint = false} : vector<1000x128xf32>, vector<128x256xf32>, vector<1000x256xf32> -> vector<1000x256xf32>
    %slice3A = vector.extract_strided_slice %dot_general3A_45 {offsets = [0, 0], sizes = [1000, 128], strides = [1, 1]} : vector<1000x256xf32> to vector<1000x128xf32>
    %slice3A_50 = vector.extract_strided_slice %dot_general3A_47 {offsets = [0, 0], sizes = [1000, 128], strides = [1, 1]} : vector<1000x256xf32> to vector<1000x128xf32>
    %slice3A_51 = vector.extract_strided_slice %dot_general3A_49 {offsets = [0, 0], sizes = [1000, 128], strides = [1, 1]} : vector<1000x256xf32> to vector<1000x128xf32>
    %slice3A_52 = vector.extract_strided_slice %dot_general3A_45 {offsets = [0, 128], sizes = [1000, 128], strides = [1, 1]} : vector<1000x256xf32> to vector<1000x128xf32>
    %slice3A_53 = vector.extract_strided_slice %dot_general3A_47 {offsets = [0, 128], sizes = [1000, 128], strides = [1, 1]} : vector<1000x256xf32> to vector<1000x128xf32>
    %slice3A_54 = vector.extract_strided_slice %dot_general3A_49 {offsets = [0, 128], sizes = [1000, 128], strides = [1, 1]} : vector<1000x256xf32> to vector<1000x128xf32>
    %mul3A = arith.mulf %slice3A, %slice3A : vector<1000x128xf32>
    %mul3A_55 = arith.mulf %slice3A_50, %slice3A_50 : vector<1000x128xf32>
    %add3A_56 = arith.addf %mul3A, %mul3A_55 : vector<1000x128xf32>
    %mul3A_57 = arith.mulf %slice3A_51, %slice3A_51 : vector<1000x128xf32>
    %add3A_58 = arith.addf %add3A_56, %mul3A_57 : vector<1000x128xf32>
    %add3A_59 = arith.constant 9.99999993E-9 : f32
    %add3A_60 = vector.broadcast %add3A_59 : f32 to vector<1000x128xf32>
    %add3A_61 = arith.addf %add3A_58, %add3A_60 : vector<1000x128xf32>
    %sqrt3A = math.sqrt %add3A_61 : vector<1000x128xf32>
    %concatenate3A = tpu.concatenate %add3A_8, %sqrt3A in 1 : vector<1000x128xf32>, vector<1000x128xf32> -> vector<1000x256xf32>
    %get3A_62 = arith.constant 0 : index
    %get3A_63 = arith.constant 0 : index
    %get3A_64 = vector.load %arg14[%get3A_62, %get3A_63] : memref<256x128xf32, #tpu.memory_space<vmem>>, vector<256x128xf32>
    %dot_general3A_65 = arith.constant dense<0.000000e+00> : vector<1000x128xf32>
    %dot_general3A_66 = tpu.matmul %concatenate3A, %get3A_64, %dot_general3A_65 {dimension_numbers = #tpu.dot_dimension_numbers<[1], [0], [0], [1], [0, 0, 1, 1], [], []>, transpose_lhs_hint = false} : vector<1000x256xf32>, vector<256x128xf32>, vector<1000x128xf32> -> vector<1000x128xf32>
    %get3A_67 = arith.constant 0 : index
    %get3A_68 = arith.constant 0 : index
    %get3A_69 = vector.load %arg15[%get3A_67, %get3A_68] : memref<1x128xf32, #tpu.memory_space<vmem>>, vector<1x128xf32>
    %add3A_70 = vector.broadcast %get3A_69 : vector<1x128xf32> to vector<1000x128xf32>
    %add3A_71 = arith.addf %dot_general3A_66, %add3A_70 : vector<1000x128xf32>
    %logistic3A = arith.negf %add3A_71 : vector<1000x128xf32>
    %logistic3A_72 = math.exp %logistic3A : vector<1000x128xf32>
    %logistic3A_73 = arith.constant 1.000000e+00 : f32
    %logistic3A_74 = vector.broadcast %logistic3A_73 : f32 to vector<1000x128xf32>
    %logistic3A_75 = arith.addf %logistic3A_74, %logistic3A_72 : vector<1000x128xf32>
    %logistic3A_76 = arith.divf %logistic3A_74, %logistic3A_75 : vector<1000x128xf32>
    %mul3A_77 = arith.mulf %add3A_71, %logistic3A_76 : vector<1000x128xf32>
    %get3A_78 = arith.constant 0 : index
    %get3A_79 = arith.constant 0 : index
    %get3A_80 = vector.load %arg16[%get3A_78, %get3A_79] : memref<128x384xf32, #tpu.memory_space<vmem>>, vector<128x384xf32>
    %dot_general3A_81 = arith.constant dense<0.000000e+00> : vector<1000x384xf32>
    %dot_general3A_82 = tpu.matmul %mul3A_77, %get3A_80, %dot_general3A_81 {dimension_numbers = #tpu.dot_dimension_numbers<[1], [0], [0], [1], [0, 0, 1, 1], [], []>, transpose_lhs_hint = false} : vector<1000x128xf32>, vector<128x384xf32>, vector<1000x384xf32> -> vector<1000x384xf32>
    %get3A_83 = arith.constant 0 : index
    %get3A_84 = arith.constant 0 : index
    %get3A_85 = vector.load %arg17[%get3A_83, %get3A_84] : memref<1x384xf32, #tpu.memory_space<vmem>>, vector<1x384xf32>
    %add3A_86 = vector.broadcast %get3A_85 : vector<1x384xf32> to vector<1000x384xf32>
    %add3A_87 = arith.addf %dot_general3A_82, %add3A_86 : vector<1000x384xf32>
    %slice3A_88 = vector.extract_strided_slice %add3A_87 {offsets = [0, 0], sizes = [1000, 128], strides = [1, 1]} : vector<1000x384xf32> to vector<1000x128xf32>
    %slice3A_89 = vector.extract_strided_slice %add3A_87 {offsets = [0, 128], sizes = [1000, 128], strides = [1, 1]} : vector<1000x384xf32> to vector<1000x128xf32>
    %slice3A_90 = vector.extract_strided_slice %add3A_87 {offsets = [0, 256], sizes = [1000, 128], strides = [1, 1]} : vector<1000x384xf32> to vector<1000x128xf32>
    %mul3A_91 = arith.mulf %slice3A, %slice3A_52 : vector<1000x128xf32>
    %mul3A_92 = arith.mulf %slice3A_50, %slice3A_53 : vector<1000x128xf32>
    %add3A_93 = arith.addf %mul3A_91, %mul3A_92 : vector<1000x128xf32>
    %mul3A_94 = arith.mulf %slice3A_51, %slice3A_54 : vector<1000x128xf32>
    %add3A_95 = arith.addf %add3A_93, %mul3A_94 : vector<1000x128xf32>
    %add3A_96 = arith.addf %add3A_8, %slice3A_88 : vector<1000x128xf32>
    %mul3A_97 = arith.mulf %slice3A_90, %add3A_95 : vector<1000x128xf32>
    %add3A_98 = arith.addf %add3A_96, %mul3A_97 : vector<1000x128xf32>
    %swap3A = arith.constant 0 : index
    %swap3A_99 = arith.constant 0 : index
    %swap3A_100 = vector.load %arg18[%swap3A, %swap3A_99] : memref<1000x128xf32, #tpu.memory_space<vmem>>, vector<1000x128xf32>
    tpu.vector_store %arg18[%swap3A, %swap3A_99], %add3A_98 {strides = array<i32>} : memref<1000x128xf32, #tpu.memory_space<vmem>>, vector<1000x128xf32>,
    %mul3A_101 = arith.mulf %slice3A_89, %slice3A_52 : vector<1000x128xf32>
    %add3A_102 = arith.addf %add3A_19, %mul3A_101 : vector<1000x128xf32>
    %swap3A_103 = arith.constant 0 : index
    %swap3A_104 = arith.constant 0 : index
    %swap3A_105 = vector.load %arg19[%swap3A_103, %swap3A_104] : memref<1000x128xf32, #tpu.memory_space<vmem>>, vector<1000x128xf32>
    tpu.vector_store %arg19[%swap3A_103, %swap3A_104], %add3A_102 {strides = array<i32>} : memref<1000x128xf32, #tpu.memory_space<vmem>>, vector<1000x128xf32>,
    %mul3A_106 = arith.mulf %slice3A_89, %slice3A_53 : vector<1000x128xf32>
    %add3A_107 = arith.addf %add3A_30, %mul3A_106 : vector<1000x128xf32>
    %swap3A_108 = arith.constant 0 : index
    %swap3A_109 = arith.constant 0 : index
    %swap3A_110 = vector.load %arg20[%swap3A_108, %swap3A_109] : memref<1000x128xf32, #tpu.memory_space<vmem>>, vector<1000x128xf32>
    tpu.vector_store %arg20[%swap3A_108, %swap3A_109], %add3A_107 {strides = array<i32>} : memref<1000x128xf32, #tpu.memory_space<vmem>>, vector<1000x128xf32>,
    %mul3A_111 = arith.mulf %slice3A_89, %slice3A_54 : vector<1000x128xf32>
    %add3A_112 = arith.addf %add3A_41, %mul3A_111 : vector<1000x128xf32>
    %swap3A_113 = arith.constant 0 : index
    %swap3A_114 = arith.constant 0 : index
    %swap3A_115 = vector.load %arg21[%swap3A_113, %swap3A_114] : memref<1000x128xf32, #tpu.memory_space<vmem>>, vector<1000x128xf32>
    tpu.vector_store %arg21[%swap3A_113, %swap3A_114], %add3A_112 {strides = array<i32>} : memref<1000x128xf32, #tpu.memory_space<vmem>>, vector<1000x128xf32>,
    return
  }
  func.func @transform_0(%arg0: i32) -> (i32, i32) {
    %c0_i32 = arith.constant 0 : i32
    %c0_i32_0 = arith.constant 0 : i32
    return %arg0, %c0_i32 : i32, i32
  }
  func.func @transform_1(%arg0: i32) -> (i32, i32) {
    %c0_i32 = arith.constant 0 : i32
    %c0_i32_0 = arith.constant 0 : i32
    return %arg0, %c0_i32 : i32, i32
  }
  func.func @transform_2(%arg0: i32) -> (i32, i32) {
    %c0_i32 = arith.constant 0 : i32
    %c0_i32_0 = arith.constant 0 : i32
    return %arg0, %c0_i32 : i32, i32
  }
  func.func @transform_3(%arg0: i32) -> (i32, i32) {
    %c0_i32 = arith.constant 0 : i32
    %c0_i32_0 = arith.constant 0 : i32
    return %arg0, %c0_i32 : i32, i32
  }
  func.func @transform_4(%arg0: i32) -> (i32, i32) {
    %c0_i32 = arith.constant 0 : i32
    %c0_i32_0 = arith.constant 0 : i32
    return %arg0, %c0_i32 : i32, i32
  }
  func.func @transform_5(%arg0: i32) -> (i32, i32) {
    %c0_i32 = arith.constant 0 : i32
    %c0_i32_0 = arith.constant 0 : i32
    return %arg0, %c0_i32 : i32, i32
  }
  func.func @transform_6(%arg0: i32) -> (i32, i32) {
    %c0_i32 = arith.constant 0 : i32
    %c0_i32_0 = arith.constant 0 : i32
    return %arg0, %c0_i32 : i32, i32
  }
  func.func @transform_7(%arg0: i32) -> (i32, i32) {
    %c0_i32 = arith.constant 0 : i32
    %c0_i32_0 = arith.constant 0 : i32
    return %arg0, %c0_i32 : i32, i32
  }
  func.func @transform_8(%arg0: i32) -> (i32, i32) {
    %c0_i32 = arith.constant 0 : i32
    %c0_i32_0 = arith.constant 0 : i32
    return %arg0, %c0_i32 : i32, i32
  }
  func.func @transform_9(%arg0: i32) -> (i32, i32) {
    %c0_i32 = arith.constant 0 : i32
    %c0_i32_0 = arith.constant 0 : i32
    return %arg0, %c0_i32 : i32, i32
  }
  func.func @transform_10(%arg0: i32) -> (i32, i32) {
    %c0_i32 = arith.constant 0 : i32
    %c0_i32_0 = arith.constant 0 : i32
    return %arg0, %c0_i32 : i32, i32
  }
  func.func @transform_11(%arg0: i32) -> (i32, i32) {
    %c0_i32 = arith.constant 0 : i32
    %c0_i32_0 = arith.constant 0 : i32
    return %arg0, %c0_i32 : i32, i32
  }
  func.func @transform_12(%arg0: i32) -> (i32, i32) {
    %c0_i32 = arith.constant 0 : i32
    %c0_i32_0 = arith.constant 0 : i32
    %c0_i32_1 = arith.constant 0 : i32
    return %c0_i32, %c0_i32_0 : i32, i32
  }
  func.func @transform_13(%arg0: i32) -> (i32, i32) {
    %c0_i32 = arith.constant 0 : i32
    %c0_i32_0 = arith.constant 0 : i32
    %c0_i32_1 = arith.constant 0 : i32
    return %c0_i32, %c0_i32_0 : i32, i32
  }
  func.func @transform_14(%arg0: i32) -> (i32, i32) {
    %c0_i32 = arith.constant 0 : i32
    %c0_i32_0 = arith.constant 0 : i32
    %c0_i32_1 = arith.constant 0 : i32
    return %c0_i32, %c0_i32_0 : i32, i32
  }
  func.func @transform_15(%arg0: i32) -> (i32, i32) {
    %c0_i32 = arith.constant 0 : i32
    %c0_i32_0 = arith.constant 0 : i32
    %c0_i32_1 = arith.constant 0 : i32
    return %c0_i32, %c0_i32_0 : i32, i32
  }
  func.func @transform_16(%arg0: i32) -> (i32, i32) {
    %c0_i32 = arith.constant 0 : i32
    %c0_i32_0 = arith.constant 0 : i32
    %c0_i32_1 = arith.constant 0 : i32
    return %c0_i32, %c0_i32_0 : i32, i32
  }
  func.func @transform_17(%arg0: i32) -> (i32, i32) {
    %c0_i32 = arith.constant 0 : i32
    %c0_i32_0 = arith.constant 0 : i32
    return %arg0, %c0_i32 : i32, i32
  }
  func.func @transform_18(%arg0: i32) -> (i32, i32) {
    %c0_i32 = arith.constant 0 : i32
    %c0_i32_0 = arith.constant 0 : i32
    return %arg0, %c0_i32 : i32, i32
  }
  func.func @transform_19(%arg0: i32) -> (i32, i32) {
    %c0_i32 = arith.constant 0 : i32
    %c0_i32_0 = arith.constant 0 : i32
    return %arg0, %c0_i32 : i32, i32
  }
  func.func @transform_20(%arg0: i32) -> (i32, i32) {
    %c0_i32 = arith.constant 0 : i32
    %c0_i32_0 = arith.constant 0 : i32
    return %arg0, %c0_i32 : i32, i32
  }
}

</mosaic_0001>

<sc_bundles>
// kernel: kernel.6.cloned.1.call-start
scs
__scs_entry_jumppad:
0x0: {  	(pc) =	sbr.rel $0x88, $3  }
0x1: {  	(tag) =	ssettag $0x0;
	lr =	simm.s32 $0x1  }
0x2: {  	[smem:$0x3F90] =	sst lr;
	_ =	strace $0xD0000000  }
0x3: {  	_ = 	snop  }
0x4: {  	_ = 	snop  }
0x5: {  	_ = 	snop  }
0x6: {  	_ = 	snop  }
0x7: {  	_ = 	snop  }
__scs_overlays_trampoline_lowered:
0x8: {  	[smem:$0x3F9F] =	sst s0  }
0x9: {  	[smem:$0x3FA0] =	sst s1  }
0xa: {  	[smem:$0x3FA1] =	sst s2  }
0xb: {  	[smem:$0x3FA2] =	sst s3  }
0xc: {  	[smem:$0x3FA3] =	sst s4  }
0xd: {  	[smem:$0x3FA4] =	sst s5  }
0xe: {  	[smem:$0x3FA5] =	sst s6  }
0xf: {  	[smem:$0x3FA6] =	sst s7  }
0x10: {  	[smem:$0x3FA7] =	sst s8  }
0x11: {  	[smem:$0x3FA8] =	sst s9;
	s0 =	simm.s32 @!p0 $0x0  }
0x12: {  	s1 =	sld [smem:$0x3F8E];
	s0 =	simm.s32 @p0 $0x1  }
0x13: {  	[smem:$0x3FA9] =	sst s0;
	s0 =	simm.s32 @!p1 $0x0  }
0x14: {  	s2 =	sld [smem:$0x3F8D];
	s0 =	simm.s32 @p1 $0x1  }
0x15: {  	[smem:$0x3FAA] =	sst s0;
	s0 =	simm.s32 @!p2 $0x0  }
0x16: {  	s3 =	sld [smem:$0x3FDB];
	s0 =	simm.s32 @p2 $0x1  }
0x17: {  	s4 =	simm.s32 $0x1BF5;
	[smem:$0x3FAC] =	sst s0  }
0x18: {  	s0 =	sld [smem:$0x3F8F];
	_ =	swait.ge [sflag:s4], $0x0  }
0x19: {  	s7 =	sld [smem:$0x3F90]  }
0x1a: {  	s8 =	sadd.s32 $0xFFFFE003, lr  }
0x1b: {  	s9 =	sadd.s32 $0xFFFFFEF7, lr;
	s5 =	simm.s32 $0xFFFFFFFF;
	p2 =	slt.u32 s8, $0xFFFFF086  }
0x1c: {  	p1 =	slt.u32 s9, $0xF7A;
	s5 =	simm.s32 @!p2 $0x0  }
0x1d: {  	s5 =	simm.s32 @p1 $0x1;
	p0 =	seq.s32 s7, s2  }
0x1e: {  	s7 =	smul.u32 @!p0 $0xF7A, s2;
	p2 =	seq.s32 @!p0 s5, $0x0  }
0x1f: {  	s9 =	smul.u32 $0xF7A, s1;
	s8 =	simm.s32 @!p0 $0x1BF5;
	p2 =	por !p2, p0  }
0x20: {  	[sflag:s8] =	ssyncset.s32 @!p0 $0xFFFFF086;
	s6 =	sadd.s32 @!p0 s3, s7;
	s7 =	simm.s32 @!p0 $0x108  }
0x21: {  	s3 =	sadd.s32 s3, s9;
	s6 =	sadd.s32 @!p0 $0x88, s6;
	s7 =	simm.s32 @p2 $0x1082  }
0x22: {  	[simem:s7], [sflag:s8] =	dma.local @!p0 [hbm:s6], $0xF7A  }
0x23: {  	s9 =	sor.u32 $0xD0000000, s2;
	s6 =	simm.s32 $0x108;
	_ =	swait.ge @!p0 [sflag:s8], $0x0  }
0x24: {  	s3 =	sadd.s32 $0x88, s3;
	s6 =	simm.s32 @!p1 $0x1082;
	[sflag:s4] =	ssyncset.s32 $0xFFFFF086  }
0x25: {  	[simem:s6], [sflag:s4] =	dma.local [hbm:s3], $0xF7A  }
0x26: {  	[smem:$0x3F90] =	sst s1;
	(tag) =	ssettag s2;
	_ =	strace s9  }
0x27: {  	s1 =	sld [smem:$0x3FA0]  }
0x28: {  	s2 =	sld [smem:$0x3FA1]  }
0x29: {  	s4 =	sld [smem:$0x3FA3]  }
0x2a: {  	p0 =	seq.s32 s5, $0x0;
	s5 =	sld [smem:$0x3FA4]  }
0x2b: {  	s6 =	sld [smem:$0x3FA5]  }
0x2c: {  	s7 =	sld [smem:$0x3FA6]  }
0x2d: {  	s3 =	simm.s32 $0x108;
	s8 =	sld [smem:$0x3FA7]  }
0x2e: {  	s3 =	simm.s32 @!p0 $0x1082;
	s9 =	sld [smem:$0x3FA8]  }
0x2f: {  	lr =	sadd.s32 s0, s3;
	s0 =	sld [smem:$0x3F9F]  }
0x30: {  	s3 =	sld [smem:$0x3FA2]  }
0x31: {  	[smem:$0x3FAB] =	sst s10  }
0x32: {  	s10 =	sld [smem:$0x3FA9];
	_ =	sdelay $0x3  }
0x33: {  	p0 =	seq.s32 s10, $0x1;
	s10 =	sld [smem:$0x3FAB];
	_ =	sdelay $0x3  }
0x34: {  	[smem:$0x3FAB] =	sst s10  }
0x35: {  	s10 =	sld [smem:$0x3FAA];
	_ =	sdelay $0x3  }
0x36: {  	p1 =	seq.s32 s10, $0x1;
	s10 =	sld [smem:$0x3FAB];
	_ =	sdelay $0x3  }
0x37: {  	[smem:$0x3FAB] =	sst s10  }
0x38: {  	s10 =	sld [smem:$0x3FAC]  }
0x39: {  	_ = 	snop;
	(pc) =	sbr.ind lr, $3  }
0x3a: {  	_ = 	snop  }
0x3b: {  	_ = 	snop  }
0x3c: {  	p2 =	seq.s32 s10, $0x1;
	s10 =	sld [smem:$0x3FAB]  }
0x3d: {  	_ =	shalt  }
0x3e: {  	_ =	shalt  }
0x3f: {  	_ =	shalt  }
0x40: {  	_ =	shalt  }
0x41: {  	_ =	shalt  }
0x42: {  	_ =	shalt  }
0x43: {  	_ =	shalt  }
0x44: {  	_ =	shalt  }
0x45: {  	_ =	shalt  }
0x46: {  	_ =	shalt  }
0x47: {  	_ =	shalt  }
0x48: {  	_ =	shalt  }
0x49: {  	_ =	shalt  }
0x4a: {  	_ =	shalt  }
0x4b: {  	_ =	shalt  }
0x4c: {  	_ =	shalt  }
0x4d: {  	_ =	shalt  }
0x4e: {  	_ =	shalt  }
0x4f: {  	_ =	shalt  }
0x50: {  	_ =	shalt  }
0x51: {  	_ =	shalt  }
0x52: {  	_ =	shalt  }
0x53: {  	_ =	shalt  }
0x54: {  	_ =	shalt  }
0x55: {  	_ =	shalt  }
0x56: {  	_ =	shalt  }
0x57: {  	_ =	shalt  }
0x58: {  	_ =	shalt  }
0x59: {  	_ =	shalt  }
0x5a: {  	_ =	shalt  }
0x5b: {  	_ =	shalt  }
0x5c: {  	_ =	shalt  }
0x5d: {  	_ =	shalt  }
0x5e: {  	_ =	shalt  }
0x5f: {  	_ =	shalt  }
0x60: {  	_ =	shalt  }
0x61: {  	_ =	shalt  }
0x62: {  	_ =	shalt  }
0x63: {  	_ =	shalt  }
0x64: {  	_ =	shalt  }
0x65: {  	_ =	shalt  }
0x66: {  	_ =	shalt  }
0x67: {  	_ =	shalt  }
0x68: {  	_ =	shalt  }
0x69: {  	_ =	shalt  }
0x6a: {  	_ =	shalt  }
0x6b: {  	_ =	shalt  }
0x6c: {  	_ =	shalt  }
0x6d: {  	_ =	shalt  }
0x6e: {  	_ =	shalt  }
0x6f: {  	_ =	shalt  }
0x70: {  	_ =	shalt  }
0x71: {  	_ =	shalt  }
0x72: {  	_ =	shalt  }
0x73: {  	_ =	shalt  }
0x74: {  	_ =	shalt  }
0x75: {  	_ =	shalt  }
0x76: {  	_ =	shalt  }
0x77: {  	_ =	shalt  }
0x78: {  	_ =	shalt  }
0x79: {  	_ =	shalt  }
0x7a: {  	_ =	shalt  }
0x7b: {  	_ =	shalt  }
0x7c: {  	_ =	shalt  }
0x7d: {  	_ =	shalt  }
0x7e: {  	_ =	shalt  }
0x7f: {  	_ =	shalt  }
0x80: {  	_ =	shalt  }
0x81: {  	_ =	shalt  }
0x82: {  	_ =	shalt  }
0x83: {  	_ =	shalt  }
0x84: {  	_ =	shalt  }
0x85: {  	_ =	shalt  }
0x86: {  	_ =	shalt  }
0x87: {  	_ =	shalt  }
.Lfunc_end0:
.L_simem_size_0:
called_computation_lowered:
.L_overlay_start_0:
0x88: {  	s2 =	sld [smem:$0x3FD9]  }
0x89: {  	s3 =	sld [smem:$0x3FFE];
	_ =	sdelay $0x1  }
0x8a: {  	s1 =	srdreg.scid  }
0x8b: {  	s0 =	sand.u32 $0x1, s1  }
0x8c: {  	s14 =	sshll.u32 s0, $0xA;
	s2 =	sadd.s32 s3, s2  }
0x8d: {  	s2 =	sadd.s32 s2, s14  }
0x8e: {  	[smem:$0x3FB7] =	sst s2  }
0x8f: {  	_ = 	snop  }
0x90: {  	s2 =	sld [smem:$0x3FD0];
	_ =	sdelay $0x2  }
0x91: {  	s15 =	simm.s32 $0xA;
	s4 =	simm.s32 $0x10  }
0x92: {  	[smem:s4], [sflag:s15] =	dma.local [hbm:s2], $0x1  }
0x93: {  	_ =	swait.eq [sflag:s15], $0x1  }
0x94: {  	[sflag:s15] =	ssyncset.done $0x0  }
0x95: {  	s16 =	sld [smem:$0x10];
	[sflag:s15] =	ssyncadd.s32 $0xFFFFFFFF  }
0x96: {  	s17 =	sld [smem:$0x11];
	(tm) =	ssettm $0x1  }
0x97: {  	s18 =	sld [smem:$0x3FFB];
	_ =	sdelay $0x3  }
0x98: {  	_ =	strace s18  }
0x99: {  	s4 =	sld [smem:$0x3FFC];
	_ =	sdelay $0x3  }
0x9a: {  	_ =	strace s4  }
0x9b: {  	s4 =	sld [smem:$0x3FFD];
	_ =	sdelay $0x3  }
0x9c: {  	_ =	strace s4  }
0x9d: {  	_ =	strace $0x8FFFFFFF  }
0x9e: {  	s19 =	sld [smem:$0x3FDB];
	_ =	sdelay $0x1  }
0x9f: {  	s5 =	simm.s32 $_scs_section_size  }
0xa0: {  	s6 =	simm.s32 $_size__tile_overlayer_lowered;
	s7 =	simm.s32 $_tile_overlayer_lowered  }
0xa1: {  	s22 =	simm.s32 $0x1BFF;
	s21 =	sshll.u32 s7, $0x1;
	s4 =	sadd.s32 s5, s19  }
0xa2: {  	s8 =	simm.s32 $0x0;
	s20 =	sshll.u32 s6, $0x1;
	s6 =	sadd.s32 s21, s4  }
0xa3: {  	[timem:s8], [sflag:s22] =	dma.local [hbm:s6], s20  }
0xa4: {  	_ =	swait.ge [sflag:s22], s20  }
0xa5: {  	s5 =	ssub.s32 $0x0, s20;
	[sflag:s22] =	ssyncset.done $0x0  }
0xa6: {  	[sflag:s22] =	ssyncadd.s32 s5;
	_ =	sdelay $0x1  }
0xa7: {  	s23 =	simm.s32 $0x1B8B  }
0xa8: {  	_ =	swait.ge [sflag:s23], $0x1  }
0xa9: {  	[sflag:s23] =	ssyncset.done $0x0  }
0xaa: {  	s25 =	simm.s32 $0x1B8E;
	s24 =	sld [smem:$0x3FFE];
	[sflag:s23] =	ssyncadd.s32 $0xFFFFFFFF  }
0xab: {  	s26 =	simm.s32 $execute0_lowered;
	[smem:$0x3FD2] =	sst s25  }
0xac: {  	s6 =	sshll.u32 s26, $0x1;
	_ =	strace $0x80000046;
	[dreg:$0x1] =	wrdreg $0xFFFFFFFF  }
0xad: {  	s28 =	simm.s32 $_size_execute0_lowered;
	s4 =	sadd.s32 s4, s6;
	[dreg:$0x0] =	wrdreg $0x0  }
0xae: {  	s6 =	sshll.u32 s28, $0x1;
	[dreg:$0x2] =	wrdreg s4  }
0xaf: {  	[dreg:$0x3] =	wrdreg s6  }
0xb0: {  	[dreg:$0x4] =	wrdreg $0xC0  }
0xb1: {  	_ =	task [dreg:s8], $0x5FFFF  }
0xb2: {  	[dreg:$0x1] =	wrdreg $0xFFFFFFFF  }
0xb3: {  	[dreg:$0x0] =	wrdreg $0x60  }
0xb4: {  	[dreg:$0x2] =	wrdreg s17  }
0xb5: {  	[dreg:$0x3] =	wrdreg s24  }
0xb6: {  	[dreg:$0x4] =	wrdreg s16  }
0xb7: {  	[dreg:$0x5] =	wrdreg $0x0  }
0xb8: {  	[dreg:$0x6] =	wrdreg $0x9  }
0xb9: {  	_ =	task.clear_ibuf [dreg:s8], $0x7FFFF;
	_ =	strace $0x90000046  }
0xba: {  	s29 =	simm.s32 $0x9;
	_ =	strace $0x80000048  }
0xbb: {  	_ =	swait.ge [sflag:s29], $0x1  }
0xbc: {  	[sflag:s29] =	ssyncadd.s32 $0xFFFFFFFF  }
0xbd: {  	_ =	strace $0x90000048  }
0xbe: {  	_ =	sfence  }
0xbf: {  	s30 =	sld [smem:$0x0];
	_ =	sdelay $0x2  }
0xc0: {  	s31 =	sshll.u32 s1, $0xD;
	s1 =	sshrl.u32 s1, $0x2  }
0xc1: {  	s3 =	sand.u32 $0x4000, s31;
	s1 =	sadd.s32 s1, s30  }
0xc2: {  	s0 =	sor.u32 s3, s0;
	s1 =	sshll.u32 s1, $0x11  }
0xc3: {  	s0 =	sor.u32 s1, s0  }
0xc4: {  	s0 =	sadd.s32 $0x8F2B, s0  }
0xc5: {  	[sflag:s0] =	ssyncadd.remote.s32 $0x1  }
0xc6: {  	_ =	sfence.sel $0xFFFF  }
0xc7: {  	[dreg:$0x0] =	wrdreg $0xFFFFFFFF;
	(pc) =	sbr.abs _section_cstart, $3  }
0xc8: {  	[dreg:$0x1] =	wrdreg $0xFFFFFFFF  }
0xc9: {  	_ =	task.clear_ibuf [dreg:s8], $0x2FFFF;
	_ =	strace $0x9FFFFFFF  }
0xca: {  	(tm) =	ssettm $0x7FFFFFFF  }
0xcb: {  	_ =	shalt  }
tec
execute0_lowered:
.L_overlay_start_1:
0x0: {  	(tag) =	ssettag $0x1  }
0x1: {  	s1 =	rddreg [dreg:$0x0]  }
0x2: {  	s0 =	rddreg [dreg:$0x1]  }
0x3: {  	s31 =	rddreg [dreg:$0x2]  }
0x4: {  	s26 =	rddreg [dreg:$0x3];
	s4 =	simm.s32 $0x0;
	s20 =	srdreg.scid  }
0x5: {  	s12 =	stileid.u32;
	s29 =	simm.s32 $0x13900;
	s28 =	simm.s32 $0x5  }
0x6: {  	s30 =	simm.s32 $0x17680;
	[smem:$0x7FF] =	sst s4;
	s2 =	sadd.s32 $0xA64000, s0  }
0x7: {  	s19 =	sadd.s32 $0x51600, s0;
	s3 =	sadd.s32 $0x3200, s0;
	s9 =	sadd.s32 $0x96200, s0  }
0x8: {  	s21 =	sadd.s32 $0x8C400, s0;
	_ =	strace $0x80000047;
	[dreg:$0x5] =	wrdreg s2  }
0x9: {  	s13 =	sadd.s32 $0x82600, s0;
	s14 =	sadd.s32 $0x78800, s0;
	[dreg:$0x6] =	wrdreg s19  }
0xa: {  	s8 =	sadd.s32 $0x190A000, s0;
	s15 =	sadd.s32 $0xA0000, s0;
	[dreg:$0x8] =	wrdreg s3  }
0xb: {  	s16 =	sadd.s32 $0xA0080, s0;
	p0 =	sne.s32 s12, $0x0;
	[dreg:$0x9] =	wrdreg s21  }
0xc: {  	s19 =	sadd.s32 $0x2A400, s0;
	s2 =	sand.u32 $0x1, s20;
	[dreg:$0xa] =	wrdreg s13  }
0xd: {  	[dreg:$0xb] =	wrdreg s14;
	s5 =	smul.u32 $0x27100, s2;
	s6 =	sshll.u32 s2, $0x4  }
0xe: {  	s10 =	ssub.s32 $0x2, s2;
	[dreg:$0x7] =	wrdreg s19;
	s6 =	sor.u32 s12, s6  }
0xf: {  	s7 =	sadd.s32 s5, s0;
	s17 =	smul.u32 $0x2710, s6;
	s5 =	sadd.s32 s8, s5  }
0x10: {  	s6 =	smul.u32 $0x4E200, s6;
	s22 =	sadd.s32 $0x19F4600, s7;
	[dreg:$0x10] =	wrdreg s5  }
0x11: {  	s2 =	smul.u32 $0x138800, s2;
	s11 =	sshrl.u32 s10, $0x1;
	[dreg:$0xd] =	wrdreg s22  }
0x12: {  	s10 =	ssub.s32 s10, s11;
	s23 =	sadd.s32 s15, s6;
	[dreg:$0xc] =	wrdreg s17  }
0x13: {  	s11 =	sshrl.u32 s17, $0x3;
	s24 =	sadd.s32 s6, s16;
	[dreg:$0xe] =	wrdreg s23  }
0x14: {  	s2 =	sshrl.u32 s2, $0x3;
	[dreg:$0xf] =	wrdreg s24;
	s7 =	sadd.s32 s31, s11  }
0x15: {  	s2 =	sadd.s32 s8, s2;
	s8 =	sadd.s32 s9, s11;
	[dreg:$0x13] =	wrdreg s7  }
0x16: {  	s20 =	smul.u32 $0x5000, s12;
	s18 =	sadd.s32 s21, s11;
	[dreg:$0x14] =	wrdreg s8  }
0x17: {  	s25 =	sadd.s32 $0x28, s17;
	s21 =	sadd.s32 s13, s11;
	[dreg:$0x15] =	wrdreg s18  }
0x18: {  	s0 =	sshrl.u32 s25, $0x3;
	s22 =	sadd.s32 s14, s11;
	[dreg:$0x16] =	wrdreg s21  }
0x19: {  	s23 =	sadd.s32 $0x4E200, s2;
	s2 =	sadd.s32 $0x9C400, s2;
	[dreg:$0x17] =	wrdreg s22  }
0x1a: {  	s24 =	smax.u32 s10, $0x1;
	s25 =	sadd.s32 $0x26E8, s17;
	[dreg:$0x18] =	wrdreg s23  }
0x1b: {  	s11 =	simm.s32 $0x17F00;
	s14 =	simm.s32 $0x18B00;
	[dreg:$0x19] =	wrdreg s2  }
0x1c: {  	s10 =	simm.s32 $0x28;
	s13 =	simm.s32 $0x7;
	[dreg:$0x1a] =	wrdreg s24  }
0x1d: {  	s6 =	sadd.s32 s31, s0;
	s0 =	sadd.s32 s9, s0;
	[dreg:$0x1c] =	wrdreg s25  }
.Ltmp0:
0x1e: {  	s21 =	simm.s32 $0x1A700;
	s25 =	simm.s32 $0x1B300;
	(pc) =	sbr.rel .LBB2_1-.Ltmp0, $4  }
0x1f: {  	s18 =	simm.s32 $0x13A00;
	s22 =	simm.s32 $0x1;
	s24 =	simm.s32 $0x2  }
0x20: {  	v3 =	vlaneseq.u32;
	v0 =	vimm.f32 $0.0e+00;
	s23 =	simm.s32 $0x4;
	[dreg:$0x12] =	wrdreg s0;
	s0 =	sshrl.u32 s20, $0x2  }
0x21: {  	vm0 =	vmmov $0xffff;
	vm1 =	vmmov $0xff;
	v2 =	vshrl.u32 v3, $0x3;
	[dreg:$0x11] =	wrdreg s6;
	s20 =	sadd.s32 $0x100, s1;
	s0 =	sadd.s32 s0, s26  }
0x22: {  	v1 =	vand.u32 $0x7, v3;
	v3 =	vor.u32 $0x8, v3;
	v2 =	vmul.u32 $0x8, v2;
	s6 =	simm.s32 $0x6;
	s1 =	simm.s32 $0x0;
	[dreg:$0x1b] =	wrdreg s0  }
.LBB2_44:
0x23: {  	[bflag:$0x0] =	sbarrier.arrive $0xFFFF  }
0x24: {  	s2 =	rddreg [dreg:$0x19]  }
0x25: {  	s0 =	simm.s32 @!p0 $0x1C07;
	s1 =	rddreg [dreg:$0x1e]  }
0x26: {  	[hbm:s2], [sflag:s0] =	dma.local @!p0 [spmem:s1], $0x27100  }
0x27: {  	s0 =	simm.s32 @!p0 $0x7  }
0x28: {  	_ =	swait.ge @!p0 [sflag:s0], $0x27100  }
0x29: {  	s17 =	rddreg [dreg:$0x1d]  }
0x2a: {  	s19 =	rddreg [dreg:$0x1a];
	s1 =	sadd.s32 $0x1, s17  }
0x2b: {  	p1 =	sne.s32 s1, s19  }
.Ltmp1:
0x2c: {  	_ = 	snop;
	(pc) =	sbr.rel @!p1 .LBB2_45-.Ltmp1, $4  }
0x2d: {  	[sflag:s0] =	ssyncset.done @!p0 $0x0  }
0x2e: {  	[sflag:s0] =	ssyncadd.s32 @!p0 $0xFFFD8F00  }
0x2f: {  	[bflag:$0x0] =	sbarrier.arrive $0xFFFF  }
0x30: {  	s11 =	simm.s32 $0x17F00  }
.LBB2_1:
0x31: {  	s0 =	simm.s32 $0x0;
	s2 =	simm.s32 $0x200  }
.LBB2_2:
0x32: {  	p1 =	sne.s32 s2, $0x4E00;
	[tilespmem:s0+$0x13AF0] =	vst v0  }
0x33: {  	[tilespmem:s0+$0x13A80] =	vst v0  }
0x34: {  	[tilespmem:s0+$0x13A90] =	vst v0  }
.Ltmp2:
0x35: {  	[tilespmem:s0+$0x13AA0] =	vst v0;
	(pc) =	sbr.rel @p1 .LBB2_2-.Ltmp2, $4  }
0x36: {  	[tilespmem:s0+$0x13AB0] =	vst v0  }
0x37: {  	[tilespmem:s0+$0x13AC0] =	vst v0  }
0x38: {  	[tilespmem:s0+$0x13AD0] =	vst v0  }
0x39: {  	[tilespmem:s0+$0x13AE0] =	vst v0;
	s0 =	sshra.s32 s2, $0x2;
	s2 =	sadd.s32 $0x200, s2  }
0x3a: {  	[tilespmem:s0+$0x13AF0] =	vst v0  }
0x3b: {  	[tilespmem:s0+$0x13A80] =	vst v0  }
0x3c: {  	[tilespmem:s0+$0x13A90] =	vst v0  }
0x3d: {  	[tilespmem:s0+$0x13AA0] =	vst v0  }
0x3e: {  	[tilespmem:s0+$0x13AB0] =	vst v0  }
0x3f: {  	[tilespmem:s0+$0x13AC0] =	vst v0;
	s2 =	sadd.s32 $0x0, s12  }
0x40: {  	[dreg:$0x1d] =	wrdreg s1;
	[tilespmem:s0+$0x13AD0] =	vst v0;
	p1 =	sgt.u32 s2, $0xF9  }
0x41: {  	[tilespmem:s0+$0x13AE0] =	vst v0;
	s3 =	rddreg [dreg:$0x1b];
	s0 =	simm.s32 @!p1 $0x13A80;
	s7 =	simm.s32 @!p1 $0x7  }
0x42: {  	[spmem:s3] =	stream.linear.scatter @!p1 [tilespmem:s0], [sflag:$0x7], $0x1400, $0x38;
	[tilespmem:$0x1EF00] =	vst v63  }
0x43: {  	s5 =	simm.s32 $0x20;
	_ =	swait.ge @!p1 [sflag:s7], $0x1400  }
0x44: {  	s2 =	simm.s32 $0x10;
	s0 =	sadd.s32 $0x14000, s3;
	[sflag:s7] =	ssyncset.done @!p1 $0x0  }
.LBB2_4:
0x45: {  	s8 =	sadd.s32 s2, s12;
	s2 =	smov.u32 s5;
	s5 =	sadd.s32 $0x10, s5  }
0x46: {  	[sflag:s7] =	ssyncadd.s32 @!p1 $0xFFFFEC00;
	p2 =	sne.s32 s5, $0x100  }
.Ltmp3:
0x47: {  	p1 =	sgt.u32 s8, $0xF9;
	(pc) =	sbr.rel @p2 .LBB2_4-.Ltmp3, $4  }
0x48: {  	s8 =	simm.s32 @!p1 $0x13A80;
	s7 =	simm.s32 @!p1 $0x7  }
0x49: {  	[spmem:s0] =	stream.linear.scatter @!p1 [tilespmem:s8], [sflag:$0x7], $0x1400, $0x38;
	[tilespmem:$0x1EF00] =	vst v63  }
0x4a: {  	_ =	swait.ge @!p1 [sflag:s7], $0x1400  }
0x4b: {  	s0 =	sadd.s32 $0x14000, s0;
	[sflag:s7] =	ssyncset.done @!p1 $0x0  }
0x4c: {  	s2 =	sadd.s32 s2, s12  }
0x4d: {  	p2 =	sgt.u32 s2, $0xF9  }
0x4e: {  	[sflag:s7] =	ssyncadd.s32 @!p1 $0xFFFFEC00;
	s2 =	simm.s32 @!p2 $0x13A80;
	s5 =	simm.s32 @!p2 $0x7  }
0x4f: {  	[spmem:s0] =	stream.linear.scatter @!p2 [tilespmem:s2], [sflag:$0x7], $0x1400, $0x38;
	[tilespmem:$0x1EF00] =	vst v63  }
0x50: {  	_ =	swait.ge @!p2 [sflag:s5], $0x1400  }
0x51: {  	[sflag:s5] =	ssyncset.done @!p2 $0x0  }
0x52: {  	[sflag:s5] =	ssyncadd.s32 @!p2 $0xFFFFEC00  }
0x53: {  	[bflag:$0x0] =	sbarrier.arrive $0xFFFF  }
0x54: {  	s3 =	simm.s32 $0x13880;
	s0 =	simm.s32 $0x0;
	s17 =	rddreg [dreg:$0x13]  }
0x55: {  	[tilespmem:s3], [sflag:$0x5] =	stream.linear.gather [hbm4b:s17+s0], $0x28, $0x38;
	[tilespmem:$0x1EF00] =	vst v63  }
0x56: {  	s19 =	rddreg [dreg:$0x14]  }
0x57: {  	[tilespmem:s29], [sflag:$0x5] =	stream.linear.gather [hbm4b:s19+s0], $0x28, $0x38;
	[tilespmem:$0x1EF00] =	vst v63  }
0x58: {  	_ =	swait.ge [sflag:s28], $0x28  }
0x59: {  	[sflag:s28] =	ssyncset.done $0x0  }
0x5a: {  	[sflag:s28] =	ssyncadd.s32 $0xFFFFFFD8  }
0x5b: {  	_ =	swait.ge [sflag:s28], $0x28  }
0x5c: {  	s7 =	simm.s32 $0x1AF00;
	s5 =	simm.s32 $0x19700;
	[sflag:s28] =	ssyncset.done $0x0  }
0x5d: {  	s17 =	simm.s32 $0x0;
	s3 =	simm.s32 $0x1A300;
	[sflag:s28] =	ssyncadd.s32 $0xFFFFFFD8  }
.LBB2_6:
0x5e: {  	v4 =	vld [tilespmem:$0x13880];
	_ =	sdelay $0x4  }
0x5f: {  	v5 =	vshrl.u32 v4, $0x3  }
0x60: {  	v5 =	vmul.u32 $0x18, v5  }
0x61: {  	v4 =	vand.u32 $0x7, v4  }
0x62: {  	v4 =	vor.u32 v4, v5  }
0x63: {  	v5 =	vperm.xlane v4, v1;
	_ =	sdelay $0x1  }
0x64: {  	v5 =	vadd.s32 v2, v5;
	_ =	sdelay $0x1  }
0x65: {  	v4 =	vperm.xlane v4, v3;
	_ =	sdelay $0x1  }
0x66: {  	s2 =	simm.s32 $0x17700;
	s1 =	rddreg [dreg:$0x0];
	v4 =	vadd.s32 v2, v4  }
0x67: {  	[tilespmem:s2], [sflag:$0x1] =	stream.indirect_vreg.gather [hbm4b:s1+s0], $0x80, v5, vm0, $0xb8;
	[tilespmem:$0x1EF00] =	vst v63  }
0x68: {  	_ = 	snop  }
0x69: {  	[tilespmem:s11], [sflag:$0x1] =	stream.indirect_vreg.gather [hbm4b:s20+s0], $0x80, v5, vm1, $0xb8;
	[tilespmem:$0x1EF00] =	vst v63  }
0x6a: {  	s19 =	smov.u32 s26;
	s26 =	simm.s32 $0x18300  }
0x6b: {  	[tilespmem:s26], [sflag:$0x1] =	stream.indirect_vreg.gather [hbm4b:s1+s0], $0x80, v4, vm0, $0xb8;
	[tilespmem:$0x1EF00] =	vst v63  }
0x6c: {  	_ = 	snop  }
0x6d: {  	[tilespmem:s14], [sflag:$0x1] =	stream.indirect_vreg.gather [hbm4b:s20+s0], $0x80, v4, vm1, $0xb8;
	[tilespmem:$0x1EF00] =	vst v63  }
0x6e: {  	v4 =	vld [tilespmem:$0x13890];
	_ =	sdelay $0x4  }
0x6f: {  	v5 =	vshrl.u32 v4, $0x3  }
0x70: {  	v5 =	vmul.u32 $0x18, v5  }
0x71: {  	v4 =	vand.u32 $0x7, v4  }
0x72: {  	v4 =	vor.u32 v4, v5  }
0x73: {  	v5 =	vperm.xlane v4, v1;
	_ =	sdelay $0x1  }
0x74: {  	v5 =	vadd.s32 v2, v5;
	_ =	sdelay $0x1  }
0x75: {  	v4 =	vperm.xlane v4, v3;
	_ =	sdelay $0x1  }
0x76: {  	s8 =	simm.s32 $0x18F00;
	v4 =	vadd.s32 v2, v4  }
0x77: {  	[tilespmem:s8], [sflag:$0x1] =	stream.indirect_vreg.gather [hbm4b:s1+s0], $0x80, v5, vm0, $0xb8;
	[tilespmem:$0x1EF00] =	vst v63  }
0x78: {  	_ = 	snop  }
0x79: {  	[tilespmem:s5], [sflag:$0x1] =	stream.indirect_vreg.gather [hbm4b:s20+s0], $0x80, v5, vm1, $0xb8;
	[tilespmem:$0x1EF00] =	vst v63  }
0x7a: {  	s11 =	simm.s32 $0x19B00  }
0x7b: {  	[tilespmem:s11], [sflag:$0x1] =	stream.indirect_vreg.gather [hbm4b:s1+s0], $0x80, v4, vm0, $0xb8;
	[tilespmem:$0x1EF00] =	vst v63  }
0x7c: {  	_ = 	snop  }
0x7d: {  	[tilespmem:s3], [sflag:$0x1] =	stream.indirect_vreg.gather [hbm4b:s20+s0], $0x80, v4, vm1, $0xb8;
	[tilespmem:$0x1EF00] =	vst v63  }
0x7e: {  	v4 =	vld.msk [tilespmem:$0x138A0], $0xff;
	_ =	sdelay $0x4  }
0x7f: {  	v5 =	vshrl.u32 v4, $0x3  }
0x80: {  	v5 =	vmul.u32 $0x18, v5  }
0x81: {  	v4 =	vand.u32 $0x7, v4  }
0x82: {  	v4 =	vor.u32 v4, v5  }
0x83: {  	v4 =	vperm.xlane v4, v1;
	_ =	sdelay $0x1  }
0x84: {  	v4 =	vadd.s32 v2, v4  }
0x85: {  	s14 =	smul.u32 $0x50, s17  }
0x86: {  	s26 =	rddreg [dreg:$0xc]  }
0x87: {  	s26 =	sadd.s32 s26, s14  }
0x88: {  	s2 =	sshrl.u32 s26, $0x3  }
0x89: {  	[tilespmem:s21], [sflag:$0x1] =	stream.indirect_vreg.gather [hbm4b:s1+s0], $0x80, v4, vm0, $0xb8;
	[tilespmem:$0x1EF00] =	vst v63  }
0x8a: {  	s2 =	smul.u32 $0x180, s2;
	s5 =	sadd.s32 $0x28, s26;
	s1 =	rddreg [dreg:$0x5]  }
0x8b: {  	[tilespmem:s7], [sflag:$0x1] =	stream.indirect_vreg.gather [hbm4b:s20+s0], $0x80, v4, vm1, $0xb8;
	[tilespmem:$0x1EF00] =	vst v63  }
0x8c: {  	s11 =	sshrl.u32 s5, $0x3;
	s2 =	sadd.s32 s1, s2  }
0x8d: {  	[tilespmem:s25], [sflag:$0x2] =	stream.linear.gather [hbm4b:s2+s0], $0x3C00, $0x38;
	[tilespmem:$0x1EF00] =	vst v63  }
0x8e: {  	s8 =	simm.s32 $0x13980;
	s7 =	sadd.s32 s31, s11  }
0x8f: {  	[tilespmem:s8], [sflag:$0x5] =	stream.linear.gather [hbm4b:s7+s0], $0x28, $0x38;
	[tilespmem:$0x1EF00] =	vst v63  }
0x90: {  	s14 =	sadd.s32 s9, s11  }
0x91: {  	[tilespmem:s18], [sflag:$0x5] =	stream.linear.gather [hbm4b:s14+s0], $0x28, $0x38;
	[tilespmem:$0x1EF00] =	vst v63  }
0x92: {  	_ =	swait.ge [sflag:s22], $0x3C00  }
0x93: {  	[sflag:s22] =	ssyncset.done $0x0  }
0x94: {  	s18 =	simm.s32 $0x0;
	[sflag:s22] =	ssyncadd.s32 $0xFFFFC400  }
0x95: {  	s2 =	smul.u32 $0xC00, s18;
	_ =	swait.ge [sflag:s24], $0x3C00  }
0x96: {  	s21 =	sand.u32 $0x380, s0;
	[sflag:s24] =	ssyncset.done $0x0  }
0x97: {  	s7 =	sor.u32 s21, s2;
	[sflag:s24] =	ssyncadd.s32 $0xFFFFC400  }
0x98: {  	v4 =	vld [tilespmem:s7+$0x1B300]  }
0x99: {  	v5 =	vld [tilespmem:s7+$0x17700];
	_ =	sdelay $0x4  }
0x9a: {  	v4 =	vmul.f32 v5, v4  }
0x9b: {  	s8 =	simm.s32 $0x13AC0  }
0x9c: {  	[tilespmem:s8+$0xFFFFFFC0] =	vst v4  }
0x9d: {  	v4 =	vld [tilespmem:s7+$0x17710]  }
0x9e: {  	v5 =	vld [tilespmem:s7+$0x17F00]  }
0x9f: {  	v6 =	vld [tilespmem:s7+$0x1B700]  }
0xa0: {  	v7 =	vld [tilespmem:s7+$0x1BB00]  }
0xa1: {  	v8 =	vld [tilespmem:s7+$0x17B00]  }
0xa2: {  	v9 =	vld [tilespmem:s7+$0x1B310];
	_ =	sdelay $0x2  }
0xa3: {  	v5 =	vmul.f32 v5, v7  }
0xa4: {  	v6 =	vmul.f32 v8, v6  }
0xa5: {  	v4 =	vmul.f32 v4, v9;
	[tilespmem:s7+$0x17F00] =	vst v5  }
0xa6: {  	[tilespmem:s7+$0x17B00] =	vst v6  }
0xa7: {  	[tilespmem:s8+$0xFFFFFFD0] =	vst v4  }
0xa8: {  	v4 =	vld [tilespmem:s7+$0x1B320]  }
0xa9: {  	v5 =	vld [tilespmem:s7+$0x17F10]  }
0xaa: {  	v47 =	vld [tilespmem:s7+$0x17B10]  }
0xab: {  	v48 =	vld [tilespmem:s7+$0x1B710]  }
0xac: {  	v49 =	vld [tilespmem:s7+$0x1BB10]  }
0xad: {  	v50 =	vld [tilespmem:s7+$0x17720];
	_ =	sdelay $0x2  }
0xae: {  	v6 =	vmul.f32 v47, v48  }
0xaf: {  	v5 =	vmul.f32 v5, v49  }
0xb0: {  	v4 =	vmul.f32 v50, v4;
	[tilespmem:s7+$0x17B10] =	vst v6  }
0xb1: {  	[tilespmem:s7+$0x17F10] =	vst v5  }
0xb2: {  	[tilespmem:s8+$0xFFFFFFE0] =	vst v4  }
0xb3: {  	v4 =	vld [tilespmem:s7+$0x1B330]  }
0xb4: {  	v5 =	vld [tilespmem:s7+$0x17B20]  }
0xb5: {  	v51 =	vld [tilespmem:s7+$0x1B720]  }
0xb6: {  	v52 =	vld [tilespmem:s7+$0x17F20]  }
0xb7: {  	v53 =	vld [tilespmem:s7+$0x1BB20]  }
0xb8: {  	v54 =	vld [tilespmem:s7+$0x17730];
	_ =	sdelay $0x2  }
0xb9: {  	v5 =	vmul.f32 v5, v51  }
0xba: {  	v55 =	vmul.f32 v52, v53  }
0xbb: {  	v4 =	vmul.f32 v54, v4;
	[tilespmem:s7+$0x17B20] =	vst v5  }
0xbc: {  	[tilespmem:s7+$0x17F20] =	vst v55  }
0xbd: {  	[tilespmem:s8+$0xFFFFFFF0] =	vst v4  }
0xbe: {  	v4 =	vld [tilespmem:s7+$0x1B340]  }
0xbf: {  	v5 =	vld [tilespmem:s7+$0x17B30]  }
0xc0: {  	v56 =	vld [tilespmem:s7+$0x17F30]  }
0xc1: {  	v57 =	vld [tilespmem:s7+$0x1B730]  }
0xc2: {  	v58 =	vld [tilespmem:s7+$0x1BB30]  }
0xc3: {  	v59 =	vld [tilespmem:s7+$0x17740];
	_ =	sdelay $0x2  }
0xc4: {  	v5 =	vmul.f32 v5, v57  }
0xc5: {  	v6 =	vmul.f32 v56, v58  }
0xc6: {  	v4 =	vmul.f32 v59, v4;
	[tilespmem:s7+$0x17B30] =	vst v5  }
0xc7: {  	[tilespmem:s7+$0x17F30] =	vst v6  }
0xc8: {  	[tilespmem:s8+$0x0] =	vst v4  }
0xc9: {  	v4 =	vld [tilespmem:s7+$0x1B350]  }
0xca: {  	v5 =	vld [tilespmem:s7+$0x17B40]  }
0xcb: {  	v60 =	vld [tilespmem:s7+$0x1BB40]  }
0xcc: {  	v61 =	vld [tilespmem:s7+$0x1B740]  }
0xcd: {  	v62 =	vld [tilespmem:s7+$0x17F40]  }
0xce: {  	v63 =	vld [tilespmem:s7+$0x17750];
	_ =	sdelay $0x2  }
0xcf: {  	v5 =	vmul.f32 v5, v61  }
0xd0: {  	v6 =	vmul.f32 v62, v60  }
0xd1: {  	v4 =	vmul.f32 v63, v4;
	[tilespmem:s7+$0x17B40] =	vst v5  }
0xd2: {  	s29 =	smov.u32 s31;
	[tilespmem:s7+$0x17F40] =	vst v6  }
0xd3: {  	s31 =	simm.s32 $0x1;
	s18 =	simm.s32 $0x13AC0;
	s2 =	simm.s32 $0x0;
	[tilespmem:s8+$0x10] =	vst v4  }
.LBB2_7:
0xd4: {  	p1 =	sne.s32 s31, $0x27;
	s2 =	sadd.s32 $0x80, s2;
	s8 =	sadd.s32 $0x80, s8  }
0xd5: {  	s3 =	smov.u32 s31;
	s31 =	sadd.s32 $0x1, s31;
	_ =	sdelay $0x1  }
0xd6: {  	v4 =	vld [tilespmem:s7+$0x17760]  }
0xd7: {  	v5 =	vld [tilespmem:s7+$0x17F50]  }
0xd8: {  	v6 =	vld [tilespmem:s7+$0x1BB50]  }
0xd9: {  	v7 =	vld [tilespmem:s7+$0x17B50]  }
0xda: {  	v8 =	vld [tilespmem:s7+$0x1B750]  }
0xdb: {  	v9 =	vld [tilespmem:s7+$0x1B360];
	_ =	sdelay $0x1  }
0xdc: {  	v5 =	vmul.f32 v5, v6;
	_ =	sdelay $0x1  }
0xdd: {  	v6 =	vmul.f32 v7, v8;
	[tilespmem:s7+$0x17F50] =	vst v5  }
0xde: {  	v4 =	vmul.f32 v4, v9  }
0xdf: {  	[tilespmem:s7+$0x17B50] =	vst v6  }
0xe0: {  	[tilespmem:s18+$0x20] =	vst v4  }
0xe1: {  	v4 =	vld [tilespmem:s7+$0x1B370]  }
0xe2: {  	v5 =	vld [tilespmem:s7+$0x17770]  }
0xe3: {  	v6 =	vld [tilespmem:s7+$0x17F60]  }
0xe4: {  	v7 =	vld [tilespmem:s7+$0x1BB60]  }
0xe5: {  	v8 =	vld [tilespmem:s7+$0x1B760]  }
0xe6: {  	v9 =	vld [tilespmem:s7+$0x17B60];
	_ =	sdelay $0x2  }
0xe7: {  	v6 =	vmul.f32 v6, v7  }
0xe8: {  	v4 =	vmul.f32 v5, v4  }
0xe9: {  	v5 =	vmul.f32 v9, v8;
	[tilespmem:s7+$0x17F60] =	vst v6;
	_ =	sdelay $0x1  }
0xea: {  	[tilespmem:s7+$0x17B60] =	vst v5  }
0xeb: {  	[tilespmem:s18+$0x30] =	vst v4;
	s18 =	smov.u32 s8  }
0xec: {  	s3 =	sshrl.u32 s3, $0x3;
	v4 =	vld [tilespmem:s7+$0x1B770]  }
0xed: {  	s3 =	smul.u32 $0xC00, s3;
	v5 =	vld [tilespmem:s7+$0x17F70]  }
0xee: {  	s14 =	sand.u32 $0x380, s2;
	v6 =	vld [tilespmem:s7+$0x1BB70]  }
0xef: {  	s3 =	sor.u32 s14, s3;
	v7 =	vld [tilespmem:s7+$0x17B70]  }
0xf0: {  	v8 =	vld [tilespmem:s3+$0x1B300]  }
0xf1: {  	v9 =	vld [tilespmem:s3+$0x17700];
	_ =	sdelay $0x1  }
0xf2: {  	v5 =	vmul.f32 v5, v6  }
0xf3: {  	v4 =	vmul.f32 v7, v4  }
0xf4: {  	[tilespmem:s7+$0x17F70] =	vst v5  }
0xf5: {  	v5 =	vmul.f32 v9, v8;
	[tilespmem:s7+$0x17B70] =	vst v4;
	s7 =	smov.u32 s3;
	_ =	sdelay $0x1  }
0xf6: {  	[tilespmem:s8+$0xFFFFFFC0] =	vst v5  }
0xf7: {  	v4 =	vld [tilespmem:s7+$0x17710]  }
0xf8: {  	v5 =	vld [tilespmem:s7+$0x17F00]  }
0xf9: {  	v6 =	vld [tilespmem:s7+$0x1B700]  }
0xfa: {  	v7 =	vld [tilespmem:s7+$0x1BB00]  }
0xfb: {  	v8 =	vld [tilespmem:s7+$0x17B00]  }
0xfc: {  	v9 =	vld [tilespmem:s7+$0x1B310];
	_ =	sdelay $0x2  }
0xfd: {  	v5 =	vmul.f32 v5, v7  }
0xfe: {  	v6 =	vmul.f32 v8, v6  }
0xff: {  	[tilespmem:s7+$0x17F00] =	vst v5;
	v4 =	vmul.f32 v4, v9  }
0x100: {  	[tilespmem:s7+$0x17B00] =	vst v6  }
0x101: {  	[tilespmem:s8+$0xFFFFFFD0] =	vst v4  }
0x102: {  	v4 =	vld [tilespmem:s7+$0x1B320]  }
0x103: {  	v5 =	vld [tilespmem:s7+$0x17F10]  }
0x104: {  	v6 =	vld [tilespmem:s7+$0x17B10]  }
0x105: {  	v7 =	vld [tilespmem:s7+$0x17720]  }
0x106: {  	v8 =	vld [tilespmem:s7+$0x1B710]  }
0x107: {  	v9 =	vld [tilespmem:s7+$0x1BB10];
	_ =	sdelay $0x3  }
0x108: {  	v4 =	vmul.f32 v7, v4;
	v6 =	vmul.f32 v6, v8  }
0x109: {  	v5 =	vmul.f32 v5, v9  }
0x10a: {  	[tilespmem:s7+$0x17B10] =	vst v6  }
0x10b: {  	[tilespmem:s7+$0x17F10] =	vst v5  }
0x10c: {  	[tilespmem:s8+$0xFFFFFFE0] =	vst v4  }
0x10d: {  	v4 =	vld [tilespmem:s7+$0x1B330]  }
0x10e: {  	v5 =	vld [tilespmem:s7+$0x17730]  }
0x10f: {  	v6 =	vld [tilespmem:s7+$0x17B20]  }
0x110: {  	v7 =	vld [tilespmem:s7+$0x1B720]  }
0x111: {  	v8 =	vld [tilespmem:s7+$0x17F20]  }
0x112: {  	v9 =	vld [tilespmem:s7+$0x1BB20];
	_ =	sdelay $0x2  }
0x113: {  	v6 =	vmul.f32 v6, v7  }
0x114: {  	v4 =	vmul.f32 v5, v4  }
0x115: {  	[tilespmem:s7+$0x17B20] =	vst v6;
	v5 =	vmul.f32 v8, v9;
	_ =	sdelay $0x1  }
0x116: {  	[tilespmem:s7+$0x17F20] =	vst v5  }
0x117: {  	[tilespmem:s8+$0xFFFFFFF0] =	vst v4  }
0x118: {  	v4 =	vld [tilespmem:s7+$0x1B340]  }
0x119: {  	v5 =	vld [tilespmem:s7+$0x17740]  }
0x11a: {  	v6 =	vld [tilespmem:s7+$0x17B30]  }
0x11b: {  	v7 =	vld [tilespmem:s7+$0x17F30]  }
0x11c: {  	v8 =	vld [tilespmem:s7+$0x1B730]  }
0x11d: {  	v9 =	vld [tilespmem:s7+$0x1BB30];
	_ =	sdelay $0x3  }
0x11e: {  	v4 =	vmul.f32 v5, v4;
	v6 =	vmul.f32 v6, v8  }
0x11f: {  	v5 =	vmul.f32 v7, v9  }
0x120: {  	[tilespmem:s7+$0x17B30] =	vst v6  }
0x121: {  	[tilespmem:s7+$0x17F30] =	vst v5  }
0x122: {  	[tilespmem:s8+$0x0] =	vst v4  }
0x123: {  	v4 =	vld [tilespmem:s7+$0x1B350]  }
0x124: {  	v5 =	vld [tilespmem:s7+$0x17B40]  }
0x125: {  	v6 =	vld [tilespmem:s7+$0x17750]  }
0x126: {  	v7 =	vld [tilespmem:s7+$0x1BB40]  }
0x127: {  	v8 =	vld [tilespmem:s7+$0x1B740]  }
0x128: {  	v9 =	vld [tilespmem:s7+$0x17F40];
	_ =	sdelay $0x3  }
.Ltmp4:
0x129: {  	v4 =	vmul.f32 v6, v4;
	v5 =	vmul.f32 v5, v8;
	(pc) =	sbr.rel @p1 .LBB2_7-.Ltmp4, $4  }
0x12a: {  	v6 =	vmul.f32 v9, v7  }
0x12b: {  	[tilespmem:s7+$0x17B40] =	vst v5  }
0x12c: {  	[tilespmem:s7+$0x17F40] =	vst v6  }
0x12d: {  	[tilespmem:s8+$0x10] =	vst v4  }
0x12e: {  	v4 =	vld [tilespmem:s7+$0x17760]  }
0x12f: {  	v5 =	vld [tilespmem:s7+$0x17F50]  }
0x130: {  	v6 =	vld [tilespmem:s7+$0x1BB50]  }
0x131: {  	v7 =	vld [tilespmem:s7+$0x17B50]  }
0x132: {  	v8 =	vld [tilespmem:s7+$0x1B750]  }
0x133: {  	v9 =	vld [tilespmem:s7+$0x1B360];
	_ =	sdelay $0x2  }
0x134: {  	v5 =	vmul.f32 v5, v6  }
0x135: {  	v35 =	vmul.f32 v7, v8  }
0x136: {  	v4 =	vmul.f32 v4, v9;
	[tilespmem:s7+$0x17F50] =	vst v5  }
0x137: {  	[tilespmem:s7+$0x17B50] =	vst v35  }
0x138: {  	[tilespmem:s18+$0x20] =	vst v4  }
0x139: {  	v4 =	vld [tilespmem:s7+$0x1B370]  }
0x13a: {  	v5 =	vld [tilespmem:s7+$0x17F60]  }
0x13b: {  	v36 =	vld [tilespmem:s7+$0x1BB60]  }
0x13c: {  	v37 =	vld [tilespmem:s7+$0x1B760]  }
0x13d: {  	v38 =	vld [tilespmem:s7+$0x17B60]  }
0x13e: {  	v39 =	vld [tilespmem:s7+$0x17770];
	_ =	sdelay $0x2  }
0x13f: {  	v5 =	vmul.f32 v5, v36  }
0x140: {  	v40 =	vmul.f32 v38, v37  }
0x141: {  	v4 =	vmul.f32 v39, v4;
	[tilespmem:s7+$0x17F60] =	vst v5  }
0x142: {  	[tilespmem:s7+$0x17B60] =	vst v40  }
0x143: {  	[tilespmem:s18+$0x30] =	vst v4  }
0x144: {  	v4 =	vld [tilespmem:s7+$0x1B770]  }
0x145: {  	v5 =	vld [tilespmem:s7+$0x17F70]  }
0x146: {  	v41 =	vld [tilespmem:s7+$0x1BB70]  }
0x147: {  	v42 =	vld [tilespmem:s7+$0x17B70];
	_ =	sdelay $0x3  }
0x148: {  	v5 =	vmul.f32 v5, v41  }
0x149: {  	v4 =	vmul.f32 v42, v4  }
0x14a: {  	s2 =	sshll.u32 s26, $0x5;
	[tilespmem:s7+$0x17F70] =	vst v5  }
0x14b: {  	s1 =	simm.s32 $0x17B00;
	s3 =	sadd.s32 s15, s2;
	[tilespmem:s7+$0x17B70] =	vst v4;
	s7 =	simm.s32 $0x0  }
0x14c: {  	[hbm4b:s3+s7] =	stream.linear.scatter [tilespmem:s1], [sflag:$0x6], $0x400, $0x38;
	[tilespmem:$0x1EF00] =	vst v63  }
0x14d: {  	s21 =	simm.s32 $0x18700;
	s8 =	sadd.s32 $0x100, s3  }
0x14e: {  	[hbm4b:s8+s7] =	stream.linear.scatter [tilespmem:s21], [sflag:$0x6], $0x400, $0x38;
	[tilespmem:$0x1EF00] =	vst v63  }
0x14f: {  	s14 =	simm.s32 $0x19300;
	s1 =	sadd.s32 $0x200, s3  }
0x150: {  	[hbm4b:s1+s7] =	stream.linear.scatter [tilespmem:s14], [sflag:$0x6], $0x400, $0x38;
	[tilespmem:$0x1EF00] =	vst v63  }
0x151: {  	s18 =	sadd.s32 $0x300, s3;
	s21 =	simm.s32 $0x19F00  }
0x152: {  	[hbm4b:s18+s7] =	stream.linear.scatter [tilespmem:s21], [sflag:$0x6], $0x400, $0x38;
	[tilespmem:$0x1EF00] =	vst v63  }
0x153: {  	s3 =	sadd.s32 $0x400, s3;
	s8 =	simm.s32 $0x1AB00  }
0x154: {  	[hbm4b:s3+s7] =	stream.linear.scatter [tilespmem:s8], [sflag:$0x6], $0x400, $0x38;
	[tilespmem:$0x1EF00] =	vst v63  }
0x155: {  	s2 =	sadd.s32 s2, s16;
	s8 =	simm.s32 $0x17F00  }
0x156: {  	[hbm4b:s2+s7] =	stream.linear.scatter [tilespmem:s8], [sflag:$0x6], $0x400, $0x38;
	[tilespmem:$0x1EF00] =	vst v63  }
0x157: {  	s14 =	sadd.s32 $0x100, s2;
	s18 =	simm.s32 $0x18B00  }
0x158: {  	[hbm4b:s14+s7] =	stream.linear.scatter [tilespmem:s18], [sflag:$0x6], $0x400, $0x38;
	[tilespmem:$0x1EF00] =	vst v63  }
0x159: {  	s31 =	simm.s32 $0x19700;
	s21 =	sadd.s32 $0x200, s2  }
0x15a: {  	[hbm4b:s21+s7] =	stream.linear.scatter [tilespmem:s31], [sflag:$0x6], $0x400, $0x38;
	[tilespmem:$0x1EF00] =	vst v63  }
0x15b: {  	s1 =	sadd.s32 $0x300, s2;
	s21 =	simm.s32 $0x1A300  }
0x15c: {  	[hbm4b:s1+s7] =	stream.linear.scatter [tilespmem:s21], [sflag:$0x6], $0x400, $0x38;
	[tilespmem:$0x1EF00] =	vst v63  }
0x15d: {  	s2 =	sadd.s32 $0x400, s2;
	s1 =	simm.s32 $0x1AF00  }
0x15e: {  	[hbm4b:s2+s7] =	stream.linear.scatter [tilespmem:s1], [sflag:$0x6], $0x400, $0x38;
	[tilespmem:$0x1EF00] =	vst v63  }
0x15f: {  	s3 =	simm.s32 $0x13A80;
	s14 =	simm.s32 $0x13900  }
0x160: {  	[spmem:s19] =	stream.indirect.scatter.add.f32 [tilespmem:s3], [sflag:$0x7], $0x80, s14, s10, $0xb8;
	[tilespmem:$0x1EF00] =	vst v63  }
0x161: {  	_ =	swait.ge [sflag:s13], $0x1400  }
0x162: {  	[sflag:s13] =	ssyncset.done $0x0  }
0x163: {  	[sflag:s13] =	ssyncadd.s32 $0xFFFFEC00  }
0x164: {  	_ =	swait.ge [sflag:s28], $0x28  }
0x165: {  	[sflag:s28] =	ssyncset.done $0x0  }
0x166: {  	[sflag:s28] =	ssyncadd.s32 $0xFFFFFFD8  }
0x167: {  	_ =	swait.ge [sflag:s28], $0x28  }
0x168: {  	[sflag:s28] =	ssyncset.done $0x0  }
0x169: {  	[sflag:s28] =	ssyncadd.s32 $0xFFFFFFD8  }
0x16a: {  	_ =	swait.ge [sflag:s6], $0x1400  }
0x16b: {  	[sflag:s6] =	ssyncset.done $0x0  }
0x16c: {  	[sflag:s6] =	ssyncadd.s32 $0xFFFFEC00  }
0x16d: {  	_ =	swait.ge [sflag:s6], $0x1400  }
0x16e: {  	[sflag:s6] =	ssyncset.done $0x0  }
0x16f: {  	[sflag:s6] =	ssyncadd.s32 $0xFFFFEC00  }
0x170: {  	v4 =	vld [tilespmem:$0x13980];
	_ =	sdelay $0x4  }
0x171: {  	v5 =	vshrl.u32 v4, $0x3  }
0x172: {  	v5 =	vmul.u32 $0x18, v5  }
0x173: {  	v4 =	vand.u32 $0x7, v4  }
0x174: {  	v4 =	vor.u32 v4, v5  }
0x175: {  	v5 =	vperm.xlane v4, v1;
	_ =	sdelay $0x1  }
0x176: {  	v5 =	vadd.s32 v2, v5;
	_ =	sdelay $0x1  }
0x177: {  	v4 =	vperm.xlane v4, v3;
	_ =	sdelay $0x1  }
0x178: {  	s2 =	simm.s32 $0x17700;
	s3 =	rddreg [dreg:$0x0];
	v4 =	vadd.s32 v2, v4  }
0x179: {  	[tilespmem:s2], [sflag:$0x1] =	stream.indirect_vreg.gather [hbm4b:s3+s7], $0x80, v5, vm0, $0xb8;
	[tilespmem:$0x1EF00] =	vst v63  }
0x17a: {  	_ = 	snop  }
0x17b: {  	[tilespmem:s8], [sflag:$0x1] =	stream.indirect_vreg.gather [hbm4b:s20+s7], $0x80, v5, vm1, $0xb8;
	[tilespmem:$0x1EF00] =	vst v63  }
0x17c: {  	s8 =	simm.s32 $0x18300  }
0x17d: {  	[tilespmem:s8], [sflag:$0x1] =	stream.indirect_vreg.gather [hbm4b:s3+s7], $0x80, v4, vm0, $0xb8;
	[tilespmem:$0x1EF00] =	vst v63  }
0x17e: {  	_ = 	snop  }
0x17f: {  	[tilespmem:s18], [sflag:$0x1] =	stream.indirect_vreg.gather [hbm4b:s20+s7], $0x80, v4, vm1, $0xb8;
	[tilespmem:$0x1EF00] =	vst v63  }
0x180: {  	v4 =	vld [tilespmem:$0x13990];
	_ =	sdelay $0x4  }
0x181: {  	v5 =	vshrl.u32 v4, $0x3  }
0x182: {  	v5 =	vmul.u32 $0x18, v5  }
0x183: {  	v4 =	vand.u32 $0x7, v4  }
0x184: {  	v4 =	vor.u32 v4, v5  }
0x185: {  	v5 =	vperm.xlane v4, v1;
	_ =	sdelay $0x1  }
0x186: {  	v5 =	vadd.s32 v2, v5;
	_ =	sdelay $0x1  }
0x187: {  	v4 =	vperm.xlane v4, v3;
	_ =	sdelay $0x1  }
0x188: {  	s18 =	simm.s32 $0x18F00;
	v4 =	vadd.s32 v2, v4  }
0x189: {  	[tilespmem:s18], [sflag:$0x1] =	stream.indirect_vreg.gather [hbm4b:s3+s7], $0x80, v5, vm0, $0xb8;
	[tilespmem:$0x1EF00] =	vst v63  }
0x18a: {  	_ = 	snop  }
0x18b: {  	[tilespmem:s31], [sflag:$0x1] =	stream.indirect_vreg.gather [hbm4b:s20+s7], $0x80, v5, vm1, $0xb8;
	[tilespmem:$0x1EF00] =	vst v63  }
0x18c: {  	s8 =	simm.s32 $0x19B00  }
0x18d: {  	[tilespmem:s8], [sflag:$0x1] =	stream.indirect_vreg.gather [hbm4b:s3+s7], $0x80, v4, vm0, $0xb8;
	[tilespmem:$0x1EF00] =	vst v63  }
0x18e: {  	_ = 	snop  }
0x18f: {  	[tilespmem:s21], [sflag:$0x1] =	stream.indirect_vreg.gather [hbm4b:s20+s7], $0x80, v4, vm1, $0xb8;
	[tilespmem:$0x1EF00] =	vst v63  }
0x190: {  	v4 =	vld.msk [tilespmem:$0x139A0], $0xff;
	_ =	sdelay $0x4  }
0x191: {  	v5 =	vshrl.u32 v4, $0x3  }
0x192: {  	v5 =	vmul.u32 $0x18, v5  }
0x193: {  	v4 =	vand.u32 $0x7, v4  }
0x194: {  	v4 =	vor.u32 v4, v5  }
0x195: {  	v4 =	vperm.xlane v4, v1;
	_ =	sdelay $0x1  }
0x196: {  	v4 =	vadd.s32 v2, v4;
	_ =	sdelay $0x2  }
0x197: {  	s2 =	sadd.s32 $0x50, s26;
	s8 =	rddreg [dreg:$0x1c]  }
0x198: {  	p1 =	slt.s32 s2, s8;
	s21 =	simm.s32 $0x1A700  }
0x199: {  	[tilespmem:s21], [sflag:$0x1] =	stream.indirect_vreg.gather [hbm4b:s3+s7], $0x80, v4, vm0, $0xb8;
	[tilespmem:$0x1EF00] =	vst v63  }
0x19a: {  	s26 =	rddreg [dreg:$0x5];
	s18 =	smul.u32 $0x180, s11;
	s8 =	smov.u32 @p1 s2  }
0x19b: {  	[tilespmem:s1], [sflag:$0x1] =	stream.indirect_vreg.gather [hbm4b:s20+s7], $0x80, v4, vm1, $0xb8;
	[tilespmem:$0x1EF00] =	vst v63  }
0x19c: {  	s2 =	sadd.s32 s26, s18;
	s1 =	sshrl.u32 s8, $0x3  }
0x19d: {  	[tilespmem:s25], [sflag:$0x2] =	stream.linear.gather [hbm4b:s2+s7], $0x3C00, $0x38;
	[tilespmem:$0x1EF00] =	vst v63  }
0x19e: {  	s11 =	simm.s32 $0x13880;
	s8 =	sadd.s32 s29, s1  }
0x19f: {  	[tilespmem:s11], [sflag:$0x5] =	stream.linear.gather [hbm4b:s8+s7], $0x28, $0x38;
	[tilespmem:$0x1EF00] =	vst v63  }
0x1a0: {  	s2 =	sadd.s32 s9, s1  }
0x1a1: {  	[tilespmem:s14], [sflag:$0x5] =	stream.linear.gather [hbm4b:s2+s7], $0x28, $0x38;
	[tilespmem:$0x1EF00] =	vst v63  }
0x1a2: {  	_ =	swait.ge [sflag:s22], $0x3C00  }
0x1a3: {  	[sflag:s22] =	ssyncset.done $0x0  }
0x1a4: {  	s18 =	simm.s32 $0x0;
	[sflag:s22] =	ssyncadd.s32 $0xFFFFC400  }
0x1a5: {  	s2 =	smul.u32 $0xC00, s18;
	_ =	swait.ge [sflag:s24], $0x3C00  }
0x1a6: {  	s26 =	sand.u32 $0x380, s7;
	[sflag:s24] =	ssyncset.done $0x0  }
0x1a7: {  	s11 =	sor.u32 s26, s2;
	[sflag:s24] =	ssyncadd.s32 $0xFFFFC400  }
0x1a8: {  	v4 =	vld [tilespmem:s11+$0x1B300]  }
0x1a9: {  	v5 =	vld [tilespmem:s11+$0x17700];
	_ =	sdelay $0x4  }
0x1aa: {  	v4 =	vmul.f32 v5, v4  }
0x1ab: {  	s8 =	simm.s32 $0x13AC0  }
0x1ac: {  	[tilespmem:s8+$0xFFFFFFC0] =	vst v4  }
0x1ad: {  	v4 =	vld [tilespmem:s11+$0x17710]  }
0x1ae: {  	v5 =	vld [tilespmem:s11+$0x17F00]  }
0x1af: {  	v43 =	vld [tilespmem:s11+$0x1B700]  }
0x1b0: {  	v44 =	vld [tilespmem:s11+$0x1BB00]  }
0x1b1: {  	v45 =	vld [tilespmem:s11+$0x17B00]  }
0x1b2: {  	v46 =	vld [tilespmem:s11+$0x1B310];
	_ =	sdelay $0x2  }
0x1b3: {  	v5 =	vmul.f32 v5, v44  }
0x1b4: {  	v6 =	vmul.f32 v45, v43  }
0x1b5: {  	v4 =	vmul.f32 v4, v46;
	[tilespmem:s11+$0x17F00] =	vst v5  }
0x1b6: {  	[tilespmem:s11+$0x17B00] =	vst v6  }
0x1b7: {  	[tilespmem:s8+$0xFFFFFFD0] =	vst v4  }
0x1b8: {  	v4 =	vld [tilespmem:s11+$0x1B320]  }
0x1b9: {  	v5 =	vld [tilespmem:s11+$0x17F10]  }
0x1ba: {  	v47 =	vld [tilespmem:s11+$0x17B10]  }
0x1bb: {  	v48 =	vld [tilespmem:s11+$0x1B710]  }
0x1bc: {  	v49 =	vld [tilespmem:s11+$0x1BB10]  }
0x1bd: {  	v50 =	vld [tilespmem:s11+$0x17720];
	_ =	sdelay $0x2  }
0x1be: {  	v6 =	vmul.f32 v47, v48  }
0x1bf: {  	v5 =	vmul.f32 v5, v49  }
0x1c0: {  	v4 =	vmul.f32 v50, v4;
	[tilespmem:s11+$0x17B10] =	vst v6  }
0x1c1: {  	[tilespmem:s11+$0x17F10] =	vst v5  }
0x1c2: {  	[tilespmem:s8+$0xFFFFFFE0] =	vst v4  }
0x1c3: {  	v4 =	vld [tilespmem:s11+$0x1B330]  }
0x1c4: {  	v5 =	vld [tilespmem:s11+$0x17B20]  }
0x1c5: {  	v51 =	vld [tilespmem:s11+$0x1B720]  }
0x1c6: {  	v52 =	vld [tilespmem:s11+$0x17F20]  }
0x1c7: {  	v53 =	vld [tilespmem:s11+$0x1BB20]  }
0x1c8: {  	v54 =	vld [tilespmem:s11+$0x17730];
	_ =	sdelay $0x2  }
0x1c9: {  	v5 =	vmul.f32 v5, v51  }
0x1ca: {  	v55 =	vmul.f32 v52, v53  }
0x1cb: {  	v4 =	vmul.f32 v54, v4;
	[tilespmem:s11+$0x17B20] =	vst v5  }
0x1cc: {  	[tilespmem:s11+$0x17F20] =	vst v55  }
0x1cd: {  	[tilespmem:s8+$0xFFFFFFF0] =	vst v4  }
0x1ce: {  	v4 =	vld [tilespmem:s11+$0x1B340]  }
0x1cf: {  	v5 =	vld [tilespmem:s11+$0x17B30]  }
0x1d0: {  	v56 =	vld [tilespmem:s11+$0x17F30]  }
0x1d1: {  	v57 =	vld [tilespmem:s11+$0x1B730]  }
0x1d2: {  	v58 =	vld [tilespmem:s11+$0x1BB30]  }
0x1d3: {  	v59 =	vld [tilespmem:s11+$0x17740];
	_ =	sdelay $0x2  }
0x1d4: {  	v5 =	vmul.f32 v5, v57  }
0x1d5: {  	v6 =	vmul.f32 v56, v58  }
0x1d6: {  	v4 =	vmul.f32 v59, v4;
	[tilespmem:s11+$0x17B30] =	vst v5  }
0x1d7: {  	[tilespmem:s11+$0x17F30] =	vst v6  }
0x1d8: {  	[tilespmem:s8+$0x0] =	vst v4  }
0x1d9: {  	v4 =	vld [tilespmem:s11+$0x1B350]  }
0x1da: {  	v5 =	vld [tilespmem:s11+$0x17B40]  }
0x1db: {  	v60 =	vld [tilespmem:s11+$0x1BB40]  }
0x1dc: {  	v61 =	vld [tilespmem:s11+$0x1B740]  }
0x1dd: {  	v62 =	vld [tilespmem:s11+$0x17F40]  }
0x1de: {  	v63 =	vld [tilespmem:s11+$0x17750];
	_ =	sdelay $0x2  }
0x1df: {  	v5 =	vmul.f32 v5, v61  }
0x1e0: {  	v6 =	vmul.f32 v62, v60  }
0x1e1: {  	v4 =	vmul.f32 v63, v4;
	[tilespmem:s11+$0x17B40] =	vst v5  }
0x1e2: {  	s31 =	smov.u32 s29;
	[tilespmem:s11+$0x17F40] =	vst v6  }
0x1e3: {  	s29 =	simm.s32 $0x13900;
	s18 =	simm.s32 $0x13AC0;
	s26 =	simm.s32 $0x1;
	[tilespmem:s8+$0x10] =	vst v4  }
.LBB2_9:
0x1e4: {  	p1 =	sne.s32 s26, $0x27;
	s7 =	sadd.s32 $0x80, s7;
	s8 =	sadd.s32 $0x80, s8  }
0x1e5: {  	s2 =	smov.u32 s26;
	s26 =	sadd.s32 $0x1, s26;
	_ =	sdelay $0x1  }
0x1e6: {  	v4 =	vld [tilespmem:s11+$0x17760]  }
0x1e7: {  	v5 =	vld [tilespmem:s11+$0x17F50]  }
0x1e8: {  	v6 =	vld [tilespmem:s11+$0x1BB50]  }
0x1e9: {  	v7 =	vld [tilespmem:s11+$0x17B50]  }
0x1ea: {  	v8 =	vld [tilespmem:s11+$0x1B750]  }
0x1eb: {  	v9 =	vld [tilespmem:s11+$0x1B360];
	_ =	sdelay $0x1  }
0x1ec: {  	v5 =	vmul.f32 v5, v6;
	_ =	sdelay $0x1  }
0x1ed: {  	v6 =	vmul.f32 v7, v8;
	[tilespmem:s11+$0x17F50] =	vst v5  }
0x1ee: {  	v4 =	vmul.f32 v4, v9  }
0x1ef: {  	[tilespmem:s11+$0x17B50] =	vst v6  }
0x1f0: {  	[tilespmem:s18+$0x20] =	vst v4  }
0x1f1: {  	v4 =	vld [tilespmem:s11+$0x1B370]  }
0x1f2: {  	v5 =	vld [tilespmem:s11+$0x17770]  }
0x1f3: {  	v6 =	vld [tilespmem:s11+$0x17F60]  }
0x1f4: {  	v7 =	vld [tilespmem:s11+$0x1BB60]  }
0x1f5: {  	v8 =	vld [tilespmem:s11+$0x1B760]  }
0x1f6: {  	v9 =	vld [tilespmem:s11+$0x17B60];
	_ =	sdelay $0x2  }
0x1f7: {  	v6 =	vmul.f32 v6, v7  }
0x1f8: {  	v4 =	vmul.f32 v5, v4  }
0x1f9: {  	v5 =	vmul.f32 v9, v8;
	[tilespmem:s11+$0x17F60] =	vst v6;
	_ =	sdelay $0x1  }
0x1fa: {  	[tilespmem:s11+$0x17B60] =	vst v5  }
0x1fb: {  	[tilespmem:s18+$0x30] =	vst v4;
	s18 =	smov.u32 s8  }
0x1fc: {  	s2 =	sshrl.u32 s2, $0x3;
	v4 =	vld [tilespmem:s11+$0x1B770]  }
0x1fd: {  	s2 =	smul.u32 $0xC00, s2;
	v5 =	vld [tilespmem:s11+$0x17F70]  }
0x1fe: {  	s3 =	sand.u32 $0x380, s7;
	v6 =	vld [tilespmem:s11+$0x1BB70]  }
0x1ff: {  	s2 =	sor.u32 s3, s2;
	v7 =	vld [tilespmem:s11+$0x17B70]  }
0x200: {  	v8 =	vld [tilespmem:s2+$0x1B300]  }
0x201: {  	v9 =	vld [tilespmem:s2+$0x17700];
	_ =	sdelay $0x1  }
0x202: {  	v5 =	vmul.f32 v5, v6  }
0x203: {  	v4 =	vmul.f32 v7, v4  }
0x204: {  	[tilespmem:s11+$0x17F70] =	vst v5  }
0x205: {  	v5 =	vmul.f32 v9, v8;
	[tilespmem:s11+$0x17B70] =	vst v4;
	s11 =	smov.u32 s2;
	_ =	sdelay $0x1  }
0x206: {  	[tilespmem:s8+$0xFFFFFFC0] =	vst v5  }
0x207: {  	v4 =	vld [tilespmem:s11+$0x17710]  }
0x208: {  	v5 =	vld [tilespmem:s11+$0x17F00]  }
0x209: {  	v6 =	vld [tilespmem:s11+$0x1B700]  }
0x20a: {  	v7 =	vld [tilespmem:s11+$0x1BB00]  }
0x20b: {  	v8 =	vld [tilespmem:s11+$0x17B00]  }
0x20c: {  	v9 =	vld [tilespmem:s11+$0x1B310];
	_ =	sdelay $0x2  }
0x20d: {  	v5 =	vmul.f32 v5, v7  }
0x20e: {  	v6 =	vmul.f32 v8, v6  }
0x20f: {  	[tilespmem:s11+$0x17F00] =	vst v5;
	v4 =	vmul.f32 v4, v9  }
0x210: {  	[tilespmem:s11+$0x17B00] =	vst v6  }
0x211: {  	[tilespmem:s8+$0xFFFFFFD0] =	vst v4  }
0x212: {  	v4 =	vld [tilespmem:s11+$0x1B320]  }
0x213: {  	v5 =	vld [tilespmem:s11+$0x17F10]  }
0x214: {  	v6 =	vld [tilespmem:s11+$0x17B10]  }
0x215: {  	v7 =	vld [tilespmem:s11+$0x17720]  }
0x216: {  	v8 =	vld [tilespmem:s11+$0x1B710]  }
0x217: {  	v9 =	vld [tilespmem:s11+$0x1BB10];
	_ =	sdelay $0x3  }
0x218: {  	v4 =	vmul.f32 v7, v4;
	v6 =	vmul.f32 v6, v8  }
0x219: {  	v5 =	vmul.f32 v5, v9  }
0x21a: {  	[tilespmem:s11+$0x17B10] =	vst v6  }
0x21b: {  	[tilespmem:s11+$0x17F10] =	vst v5  }
0x21c: {  	[tilespmem:s8+$0xFFFFFFE0] =	vst v4  }
0x21d: {  	v4 =	vld [tilespmem:s11+$0x1B330]  }
0x21e: {  	v5 =	vld [tilespmem:s11+$0x17730]  }
0x21f: {  	v6 =	vld [tilespmem:s11+$0x17B20]  }
0x220: {  	v7 =	vld [tilespmem:s11+$0x1B720]  }
0x221: {  	v8 =	vld [tilespmem:s11+$0x17F20]  }
0x222: {  	v9 =	vld [tilespmem:s11+$0x1BB20];
	_ =	sdelay $0x2  }
0x223: {  	v6 =	vmul.f32 v6, v7  }
0x224: {  	v4 =	vmul.f32 v5, v4  }
0x225: {  	[tilespmem:s11+$0x17B20] =	vst v6;
	v5 =	vmul.f32 v8, v9;
	_ =	sdelay $0x1  }
0x226: {  	[tilespmem:s11+$0x17F20] =	vst v5  }
0x227: {  	[tilespmem:s8+$0xFFFFFFF0] =	vst v4  }
0x228: {  	v4 =	vld [tilespmem:s11+$0x1B340]  }
0x229: {  	v5 =	vld [tilespmem:s11+$0x17740]  }
0x22a: {  	v6 =	vld [tilespmem:s11+$0x17B30]  }
0x22b: {  	v7 =	vld [tilespmem:s11+$0x17F30]  }
0x22c: {  	v8 =	vld [tilespmem:s11+$0x1B730]  }
0x22d: {  	v9 =	vld [tilespmem:s11+$0x1BB30];
	_ =	sdelay $0x3  }
0x22e: {  	v4 =	vmul.f32 v5, v4;
	v6 =	vmul.f32 v6, v8  }
0x22f: {  	v5 =	vmul.f32 v7, v9  }
0x230: {  	[tilespmem:s11+$0x17B30] =	vst v6  }
0x231: {  	[tilespmem:s11+$0x17F30] =	vst v5  }
0x232: {  	[tilespmem:s8+$0x0] =	vst v4  }
0x233: {  	v4 =	vld [tilespmem:s11+$0x1B350]  }
0x234: {  	v5 =	vld [tilespmem:s11+$0x17B40]  }
0x235: {  	v6 =	vld [tilespmem:s11+$0x17750]  }
0x236: {  	v7 =	vld [tilespmem:s11+$0x1BB40]  }
0x237: {  	v8 =	vld [tilespmem:s11+$0x1B740]  }
0x238: {  	v9 =	vld [tilespmem:s11+$0x17F40];
	_ =	sdelay $0x3  }
.Ltmp5:
0x239: {  	v4 =	vmul.f32 v6, v4;
	v5 =	vmul.f32 v5, v8;
	(pc) =	sbr.rel @p1 .LBB2_9-.Ltmp5, $4  }
0x23a: {  	v6 =	vmul.f32 v9, v7  }
0x23b: {  	[tilespmem:s11+$0x17B40] =	vst v5  }
0x23c: {  	[tilespmem:s11+$0x17F40] =	vst v6  }
0x23d: {  	[tilespmem:s8+$0x10] =	vst v4  }
0x23e: {  	v4 =	vld [tilespmem:s11+$0x17760]  }
0x23f: {  	v5 =	vld [tilespmem:s11+$0x17F50]  }
0x240: {  	v6 =	vld [tilespmem:s11+$0x1BB50]  }
0x241: {  	v7 =	vld [tilespmem:s11+$0x17B50]  }
0x242: {  	v8 =	vld [tilespmem:s11+$0x1B750]  }
0x243: {  	v9 =	vld [tilespmem:s11+$0x1B360];
	_ =	sdelay $0x2  }
0x244: {  	v5 =	vmul.f32 v5, v6  }
0x245: {  	v56 =	vmul.f32 v7, v8  }
0x246: {  	v4 =	vmul.f32 v4, v9;
	[tilespmem:s11+$0x17F50] =	vst v5  }
0x247: {  	[tilespmem:s11+$0x17B50] =	vst v56  }
0x248: {  	[tilespmem:s18+$0x20] =	vst v4  }
0x249: {  	v4 =	vld [tilespmem:s11+$0x1B370]  }
0x24a: {  	v5 =	vld [tilespmem:s11+$0x17F60]  }
0x24b: {  	v57 =	vld [tilespmem:s11+$0x1BB60]  }
0x24c: {  	v58 =	vld [tilespmem:s11+$0x1B760]  }
0x24d: {  	v59 =	vld [tilespmem:s11+$0x17B60]  }
0x24e: {  	v60 =	vld [tilespmem:s11+$0x17770];
	_ =	sdelay $0x2  }
0x24f: {  	v5 =	vmul.f32 v5, v57  }
0x250: {  	v61 =	vmul.f32 v59, v58  }
0x251: {  	v4 =	vmul.f32 v60, v4;
	[tilespmem:s11+$0x17F60] =	vst v5  }
0x252: {  	[tilespmem:s11+$0x17B60] =	vst v61  }
0x253: {  	[tilespmem:s18+$0x30] =	vst v4  }
0x254: {  	v4 =	vld [tilespmem:s11+$0x1B770]  }
0x255: {  	v5 =	vld [tilespmem:s11+$0x17F70]  }
0x256: {  	v62 =	vld [tilespmem:s11+$0x1BB70]  }
0x257: {  	v63 =	vld [tilespmem:s11+$0x17B70];
	_ =	sdelay $0x3  }
0x258: {  	v5 =	vmul.f32 v5, v62  }
0x259: {  	v4 =	vmul.f32 v63, v4  }
0x25a: {  	s2 =	sshll.u32 s5, $0x5;
	[tilespmem:s11+$0x17F70] =	vst v5  }
0x25b: {  	s1 =	simm.s32 $0x17B00;
	s3 =	sadd.s32 s15, s2;
	[tilespmem:s11+$0x17B70] =	vst v4  }
0x25c: {  	[hbm4b:s3+s4] =	stream.linear.scatter [tilespmem:s1], [sflag:$0x6], $0x400, $0x38;
	[tilespmem:$0x1EF00] =	vst v63  }
0x25d: {  	s26 =	simm.s32 $0x18700;
	s18 =	sadd.s32 $0x100, s3  }
0x25e: {  	[hbm4b:s18+s4] =	stream.linear.scatter [tilespmem:s26], [sflag:$0x6], $0x400, $0x38;
	[tilespmem:$0x1EF00] =	vst v63  }
0x25f: {  	s7 =	simm.s32 $0x19300;
	s1 =	sadd.s32 $0x200, s3  }
0x260: {  	[hbm4b:s1+s4] =	stream.linear.scatter [tilespmem:s7], [sflag:$0x6], $0x400, $0x38;
	[tilespmem:$0x1EF00] =	vst v63  }
0x261: {  	s8 =	sadd.s32 $0x300, s3;
	s11 =	simm.s32 $0x19F00  }
0x262: {  	[hbm4b:s8+s4] =	stream.linear.scatter [tilespmem:s11], [sflag:$0x6], $0x400, $0x38;
	[tilespmem:$0x1EF00] =	vst v63  }
0x263: {  	s14 =	simm.s32 $0x1AB00;
	s3 =	sadd.s32 $0x400, s3  }
0x264: {  	[hbm4b:s3+s4] =	stream.linear.scatter [tilespmem:s14], [sflag:$0x6], $0x400, $0x38;
	[tilespmem:$0x1EF00] =	vst v63  }
0x265: {  	s2 =	sadd.s32 s2, s16;
	s11 =	simm.s32 $0x17F00  }
0x266: {  	[hbm4b:s2+s4] =	stream.linear.scatter [tilespmem:s11], [sflag:$0x6], $0x400, $0x38;
	[tilespmem:$0x1EF00] =	vst v63  }
0x267: {  	s18 =	sadd.s32 $0x100, s2;
	s14 =	simm.s32 $0x18B00  }
0x268: {  	[hbm4b:s18+s4] =	stream.linear.scatter [tilespmem:s14], [sflag:$0x6], $0x400, $0x38;
	[tilespmem:$0x1EF00] =	vst v63  }
0x269: {  	s5 =	simm.s32 $0x19700;
	s26 =	sadd.s32 $0x200, s2  }
0x26a: {  	[hbm4b:s26+s4] =	stream.linear.scatter [tilespmem:s5], [sflag:$0x6], $0x400, $0x38;
	[tilespmem:$0x1EF00] =	vst v63  }
0x26b: {  	s1 =	sadd.s32 $0x300, s2;
	s7 =	simm.s32 $0x1A300  }
0x26c: {  	[hbm4b:s1+s4] =	stream.linear.scatter [tilespmem:s7], [sflag:$0x6], $0x400, $0x38;
	[tilespmem:$0x1EF00] =	vst v63  }
0x26d: {  	s2 =	sadd.s32 $0x400, s2;
	s7 =	simm.s32 $0x1AF00  }
0x26e: {  	[hbm4b:s2+s4] =	stream.linear.scatter [tilespmem:s7], [sflag:$0x6], $0x400, $0x38;
	[tilespmem:$0x1EF00] =	vst v63  }
0x26f: {  	s8 =	simm.s32 $0x13A80;
	s18 =	simm.s32 $0x13A00  }
0x270: {  	[spmem:s19] =	stream.indirect.scatter.add.f32 [tilespmem:s8], [sflag:$0x7], $0x80, s18, s10, $0xb8;
	[tilespmem:$0x1EF00] =	vst v63  }
0x271: {  	_ =	swait.ge [sflag:s13], $0x1400  }
0x272: {  	[sflag:s13] =	ssyncset.done $0x0  }
0x273: {  	[sflag:s13] =	ssyncadd.s32 $0xFFFFEC00  }
0x274: {  	_ =	swait.ge [sflag:s28], $0x28  }
0x275: {  	[sflag:s28] =	ssyncset.done $0x0  }
0x276: {  	[sflag:s28] =	ssyncadd.s32 $0xFFFFFFD8  }
0x277: {  	_ =	swait.ge [sflag:s28], $0x28  }
0x278: {  	[sflag:s28] =	ssyncset.done $0x0  }
0x279: {  	s17 =	sadd.s32 $0x1, s17;
	[sflag:s28] =	ssyncadd.s32 $0xFFFFFFD8  }
0x27a: {  	p1 =	sne.s32 s17, $0x7D;
	_ =	swait.ge [sflag:s6], $0x1400  }
.Ltmp6:
0x27b: {  	[sflag:s6] =	ssyncset.done $0x0;
	(pc) =	sbr.rel @p1 .LBB2_6-.Ltmp6, $4  }
0x27c: {  	[sflag:s6] =	ssyncadd.s32 $0xFFFFEC00  }
0x27d: {  	_ =	swait.ge [sflag:s6], $0x1400  }
0x27e: {  	[sflag:s6] =	ssyncset.done $0x0  }
0x27f: {  	s3 =	simm.s32 $0x1A300;
	s26 =	smov.u32 s19;
	[sflag:s6] =	ssyncadd.s32 $0xFFFFEC00  }
0x280: {  	[bflag:$0x0] =	sbarrier.arrive $0xFFFF  }
0x281: {  	s1 =	sshrl.u32 @!p0 s26, $0x3;
	s2 =	rddreg [dreg:$0xd]  }
0x282: {  	s0 =	simm.s32 @!p0 $0x1C07;
	[dreg:$0x1e] =	wrdreg s1  }
0x283: {  	[hbm:s2], [sflag:s0] =	dma.local @!p0 [spmem:s1], $0x27100  }
0x284: {  	s0 =	simm.s32 @!p0 $0x7  }
0x285: {  	_ =	swait.ge @!p0 [sflag:s0], $0x27100  }
0x286: {  	[sflag:s0] =	ssyncset.done @!p0 $0x0  }
0x287: {  	[sflag:s0] =	ssyncadd.s32 @!p0 $0xFFFD8F00  }
0x288: {  	s2 =	simm.s32 $0x200;
	s0 =	simm.s32 $0x0;
	[bflag:$0x0] =	sbarrier.arrive $0xFFFF  }
.LBB2_12:
0x289: {  	p1 =	sne.s32 s2, $0x4E00;
	[tilespmem:s0+$0x13AF0] =	vst v0  }
0x28a: {  	[tilespmem:s0+$0x13A80] =	vst v0  }
0x28b: {  	[tilespmem:s0+$0x13A90] =	vst v0  }
.Ltmp7:
0x28c: {  	[tilespmem:s0+$0x13AA0] =	vst v0;
	(pc) =	sbr.rel @p1 .LBB2_12-.Ltmp7, $4  }
0x28d: {  	[tilespmem:s0+$0x13AB0] =	vst v0  }
0x28e: {  	[tilespmem:s0+$0x13AC0] =	vst v0  }
0x28f: {  	[tilespmem:s0+$0x13AD0] =	vst v0  }
0x290: {  	[tilespmem:s0+$0x13AE0] =	vst v0;
	s0 =	sshra.s32 s2, $0x2;
	s2 =	sadd.s32 $0x200, s2  }
0x291: {  	[tilespmem:s0+$0x13AF0] =	vst v0  }
0x292: {  	[tilespmem:s0+$0x13A80] =	vst v0  }
0x293: {  	[tilespmem:s0+$0x13A90] =	vst v0  }
0x294: {  	[tilespmem:s0+$0x13AA0] =	vst v0  }
0x295: {  	[tilespmem:s0+$0x13AB0] =	vst v0  }
0x296: {  	[tilespmem:s0+$0x13AC0] =	vst v0;
	s2 =	sadd.s32 $0x0, s12  }
0x297: {  	[tilespmem:s0+$0x13AD0] =	vst v0;
	p1 =	sgt.u32 s2, $0xF9  }
0x298: {  	[tilespmem:s0+$0x13AE0] =	vst v0;
	s3 =	rddreg [dreg:$0x1b];
	s0 =	simm.s32 @!p1 $0x13A80;
	s7 =	simm.s32 @!p1 $0x7  }
0x299: {  	[spmem:s3] =	stream.linear.scatter @!p1 [tilespmem:s0], [sflag:$0x7], $0x1400, $0x38;
	[tilespmem:$0x1EF00] =	vst v63  }
0x29a: {  	s5 =	simm.s32 $0x20;
	s1 =	simm.s32 $0x13980;
	_ =	swait.ge @!p1 [sflag:s7], $0x1400  }
0x29b: {  	s2 =	simm.s32 $0x10;
	s0 =	sadd.s32 $0x14000, s3;
	[sflag:s7] =	ssyncset.done @!p1 $0x0  }
.LBB2_14:
0x29c: {  	s3 =	sadd.s32 s2, s12;
	s2 =	smov.u32 s5;
	s5 =	sadd.s32 $0x10, s5  }
0x29d: {  	[sflag:s7] =	ssyncadd.s32 @!p1 $0xFFFFEC00;
	p2 =	sne.s32 s5, $0x100  }
.Ltmp8:
0x29e: {  	p1 =	sgt.u32 s3, $0xF9;
	(pc) =	sbr.rel @p2 .LBB2_14-.Ltmp8, $4  }
0x29f: {  	s3 =	simm.s32 @!p1 $0x13A80;
	s7 =	simm.s32 @!p1 $0x7  }
0x2a0: {  	[spmem:s0] =	stream.linear.scatter @!p1 [tilespmem:s3], [sflag:$0x7], $0x1400, $0x38;
	[tilespmem:$0x1EF00] =	vst v63  }
0x2a1: {  	_ =	swait.ge @!p1 [sflag:s7], $0x1400  }
0x2a2: {  	s0 =	sadd.s32 $0x14000, s0;
	[sflag:s7] =	ssyncset.done @!p1 $0x0  }
0x2a3: {  	s2 =	sadd.s32 s2, s12  }
0x2a4: {  	p2 =	sgt.u32 s2, $0xF9  }
0x2a5: {  	[sflag:s7] =	ssyncadd.s32 @!p1 $0xFFFFEC00;
	s2 =	simm.s32 @!p2 $0x13A80;
	s3 =	simm.s32 @!p2 $0x7  }
0x2a6: {  	[spmem:s0] =	stream.linear.scatter @!p2 [tilespmem:s2], [sflag:$0x7], $0x1400, $0x38;
	[tilespmem:$0x1EF00] =	vst v63  }
0x2a7: {  	_ =	swait.ge @!p2 [sflag:s3], $0x1400  }
0x2a8: {  	[sflag:s3] =	ssyncset.done @!p2 $0x0  }
0x2a9: {  	[sflag:s3] =	ssyncadd.s32 @!p2 $0xFFFFEC00  }
0x2aa: {  	[bflag:$0x0] =	sbarrier.arrive $0xFFFF  }
0x2ab: {  	s19 =	simm.s32 $0x13880;
	s0 =	simm.s32 $0x0;
	s17 =	rddreg [dreg:$0x13]  }
0x2ac: {  	[tilespmem:s19], [sflag:$0x7] =	stream.linear.gather [hbm4b:s17+s0], $0x28, $0x38;
	[tilespmem:$0x1EF00] =	vst v63  }
0x2ad: {  	_ =	swait.ge [sflag:s13], $0x28  }
0x2ae: {  	[sflag:s13] =	ssyncset.done $0x0  }
0x2af: {  	s5 =	rddreg [dreg:$0x14];
	[sflag:s13] =	ssyncadd.s32 $0xFFFFFFD8  }
0x2b0: {  	[tilespmem:s29], [sflag:$0x7] =	stream.linear.gather [hbm4b:s5+s0], $0x28, $0x38;
	[tilespmem:$0x1EF00] =	vst v63  }
0x2b1: {  	_ =	swait.ge [sflag:s13], $0x28  }
0x2b2: {  	s7 =	simm.s32 $0x16280;
	[sflag:s13] =	ssyncset.done $0x0  }
0x2b3: {  	s11 =	simm.s32 $0x400;
	s5 =	rddreg [dreg:$0x6];
	[sflag:s13] =	ssyncadd.s32 $0xFFFFFFD8  }
0x2b4: {  	[tilespmem:s7], [sflag:$0x1] =	stream.indirect.gather [hbm4b:s5+s10], $0x80, s19, s10, $0xb8;
	[tilespmem:$0x1EF00] =	vst v63  }
0x2b5: {  	s17 =	simm.s32 $0x800;
	s8 =	rddreg [dreg:$0xe];
	s19 =	simm.s32 $0x14E80  }
0x2b6: {  	[tilespmem:s19], [sflag:$0x2] =	stream.strided.gather [hbm4b:s8+s11], $0x1400, s17, s11, $0x38;
	[tilespmem:$0x1EF00] =	vst v63  }
0x2b7: {  	s3 =	rddreg [dreg:$0xf];
	s8 =	simm.s32 $0x13A80  }
0x2b8: {  	[tilespmem:s8], [sflag:$0x2] =	stream.strided.gather [hbm4b:s3+s11], $0x1400, s17, s11, $0x38;
	[tilespmem:$0x1EF00] =	vst v63  }
0x2b9: {  	s11 =	rddreg [dreg:$0x15]  }
0x2ba: {  	[tilespmem:s30], [sflag:$0x2] =	stream.linear.gather [hbm4b:s11+s0], $0x28, $0x38;
	[tilespmem:$0x1EF00] =	vst v63  }
0x2bb: {  	s17 =	rddreg [dreg:$0x11]  }
0x2bc: {  	[tilespmem:s1], [sflag:$0x7] =	stream.linear.gather [hbm4b:s17+s0], $0x28, $0x38;
	[tilespmem:$0x1EF00] =	vst v63  }
0x2bd: {  	_ =	swait.ge [sflag:s13], $0x28  }
0x2be: {  	[sflag:s13] =	ssyncset.done $0x0  }
0x2bf: {  	s19 =	rddreg [dreg:$0x12];
	[sflag:s13] =	ssyncadd.s32 $0xFFFFFFD8  }
0x2c0: {  	[tilespmem:s18], [sflag:$0x7] =	stream.linear.gather [hbm4b:s19+s0], $0x28, $0x38;
	[tilespmem:$0x1EF00] =	vst v63  }
0x2c1: {  	_ =	swait.ge [sflag:s13], $0x28  }
0x2c2: {  	[sflag:s13] =	ssyncset.done $0x0  }
0x2c3: {  	s5 =	simm.s32 $0x0;
	s19 =	rddreg [dreg:$0x7];
	[sflag:s13] =	ssyncadd.s32 $0xFFFFFFD8  }
.LBB2_16:
0x2c4: {  	p1 =	seq.s32 s5, $0x0  }
0x2c5: {  	s2 =	simm.s32 @!p1 $0x5  }
0x2c6: {  	_ =	swait.ge @!p1 [sflag:s2], $0x28  }
0x2c7: {  	[sflag:s2] =	ssyncset.done @!p1 $0x0  }
0x2c8: {  	[sflag:s2] =	ssyncadd.s32 @!p1 $0xFFFFFFD8  }
0x2c9: {  	s3 =	smul.u32 $0x50, s5;
	_ =	swait.ge @!p1 [sflag:s2], $0x28  }
0x2ca: {  	s7 =	rddreg [dreg:$0xc]  }
0x2cb: {  	s8 =	simm.s32 $0x19F00;
	[sflag:s2] =	ssyncset.done @!p1 $0x0;
	s17 =	sadd.s32 s7, s3  }
0x2cc: {  	s11 =	rddreg [dreg:$0x6];
	[sflag:s2] =	ssyncadd.s32 @!p1 $0xFFFFFFD8;
	s3 =	sadd.s32 $0x28, s17  }
0x2cd: {  	[tilespmem:s8], [sflag:$0x3] =	stream.indirect.gather [hbm4b:s11+s10], $0x80, s1, s10, $0xb8;
	[tilespmem:$0x1EF00] =	vst v63  }
0x2ce: {  	s2 =	sshll.u32 s3, $0x5  }
0x2cf: {  	s8 =	simm.s32 $0x400;
	s11 =	simm.s32 $0x800;
	s18 =	sadd.s32 s15, s2  }
0x2d0: {  	[tilespmem:s14], [sflag:$0x4] =	stream.strided.gather [hbm4b:s18+s8], $0x1400, s11, s8, $0x38;
	[tilespmem:$0x1EF00] =	vst v63  }
0x2d1: {  	s2 =	sadd.s32 s2, s16;
	s18 =	simm.s32 $0x17700  }
0x2d2: {  	[tilespmem:s18], [sflag:$0x4] =	stream.strided.gather [hbm4b:s2+s8], $0x1400, s11, s8, $0x38;
	[tilespmem:$0x1EF00] =	vst v63  }
0x2d3: {  	s14 =	sshrl.u32 s3, $0x3;
	s18 =	rddreg [dreg:$0x9]  }
0x2d4: {  	s2 =	sadd.s32 s18, s14  }
0x2d5: {  	[tilespmem:s25], [sflag:$0x4] =	stream.linear.gather [hbm4b:s2+s0], $0x28, $0x38;
	[tilespmem:$0x1EF00] =	vst v63  }
0x2d6: {  	_ =	swait.ge [sflag:s22], $0x1400  }
0x2d7: {  	[sflag:s22] =	ssyncset.done $0x0  }
0x2d8: {  	[sflag:s22] =	ssyncadd.s32 $0xFFFFEC00  }
0x2d9: {  	_ =	swait.ge [sflag:s24], $0x1400  }
0x2da: {  	[sflag:s24] =	ssyncset.done $0x0  }
0x2db: {  	[sflag:s24] =	ssyncadd.s32 $0xFFFFEC00  }
0x2dc: {  	_ =	swait.ge [sflag:s24], $0x1400  }
0x2dd: {  	[sflag:s24] =	ssyncset.done $0x0  }
0x2de: {  	[sflag:s24] =	ssyncadd.s32 $0xFFFFEC00  }
0x2df: {  	v4 =	vmov s0;
	_ =	swait.ge [sflag:s24], $0x28  }
0x2e0: {  	[sflag:s24] =	ssyncset.done $0x0  }
0x2e1: {  	s2 =	simm.s32 $0x13AC0;
	[sflag:s24] =	ssyncadd.s32 $0xFFFFFFD8  }
0x2e2: {  	s7 =	simm.s32 $0x162C0;
	v5 =	vld [tilespmem:s2+$0xFFFFFFC0]  }
0x2e3: {  	v6 =	vld [tilespmem:s7+$0xFFFFFFC0]  }
0x2e4: {  	s8 =	simm.s32 $0x14EC0;
	v4 =	vld.idx.msk [tilespmem:v4+s30+$0x0], $0xffff  }
0x2e5: {  	v7 =	vld [tilespmem:s8+$0xFFFFFFC0];
	_ =	sdelay $0x4  }
0x2e6: {  	v7 =	vmul.f32 v7, v4;
	v5 =	vmul.f32 v6, v5;
	_ =	sdelay $0x1  }
0x2e7: {  	v5 =	vadd.f32 v5, v7;
	_ =	sdelay $0x1  }
0x2e8: {  	[tilespmem:s2+$0xFFFFFFC0] =	vst v5;
	v5 =	vld [tilespmem:s2+$0xFFFFFFD0]  }
0x2e9: {  	v6 =	vld [tilespmem:s8+$0xFFFFFFD0]  }
0x2ea: {  	v7 =	vld [tilespmem:s7+$0xFFFFFFD0];
	_ =	sdelay $0x4  }
0x2eb: {  	v6 =	vmul.f32 v6, v4;
	v5 =	vmul.f32 v7, v5;
	_ =	sdelay $0x1  }
0x2ec: {  	v5 =	vadd.f32 v5, v6;
	_ =	sdelay $0x1  }
0x2ed: {  	[tilespmem:s2+$0xFFFFFFD0] =	vst v5;
	v5 =	vld [tilespmem:s2+$0xFFFFFFE0]  }
0x2ee: {  	v6 =	vld [tilespmem:s8+$0xFFFFFFE0]  }
0x2ef: {  	v7 =	vld [tilespmem:s7+$0xFFFFFFE0];
	_ =	sdelay $0x4  }
0x2f0: {  	v6 =	vmul.f32 v6, v4;
	v5 =	vmul.f32 v7, v5;
	_ =	sdelay $0x1  }
0x2f1: {  	v5 =	vadd.f32 v5, v6;
	_ =	sdelay $0x1  }
0x2f2: {  	v6 =	vld [tilespmem:s2+$0xFFFFFFF0];
	[tilespmem:s2+$0xFFFFFFE0] =	vst v5  }
0x2f3: {  	v5 =	vld [tilespmem:s8+$0xFFFFFFF0]  }
0x2f4: {  	v7 =	vld [tilespmem:s7+$0xFFFFFFF0];
	_ =	sdelay $0x4  }
0x2f5: {  	v5 =	vmul.f32 v5, v4;
	v6 =	vmul.f32 v7, v6;
	_ =	sdelay $0x1  }
0x2f6: {  	v5 =	vadd.f32 v6, v5;
	_ =	sdelay $0x1  }
0x2f7: {  	v6 =	vld [tilespmem:s2+$0x0];
	[tilespmem:s2+$0xFFFFFFF0] =	vst v5  }
0x2f8: {  	v5 =	vld [tilespmem:s8+$0x0]  }
0x2f9: {  	v7 =	vld [tilespmem:s7+$0x0];
	_ =	sdelay $0x4  }
0x2fa: {  	v5 =	vmul.f32 v5, v4;
	v6 =	vmul.f32 v7, v6;
	_ =	sdelay $0x1  }
0x2fb: {  	v5 =	vadd.f32 v6, v5;
	_ =	sdelay $0x1  }
0x2fc: {  	v6 =	vld [tilespmem:s2+$0x10];
	[tilespmem:s2+$0x0] =	vst v5  }
0x2fd: {  	v5 =	vld [tilespmem:s8+$0x10]  }
0x2fe: {  	v7 =	vld [tilespmem:s7+$0x10];
	_ =	sdelay $0x4  }
0x2ff: {  	v5 =	vmul.f32 v5, v4;
	v6 =	vmul.f32 v7, v6;
	_ =	sdelay $0x1  }
0x300: {  	v5 =	vadd.f32 v6, v5;
	_ =	sdelay $0x1  }
0x301: {  	v6 =	vld [tilespmem:s2+$0x20];
	[tilespmem:s2+$0x10] =	vst v5  }
0x302: {  	v5 =	vld [tilespmem:s8+$0x20]  }
0x303: {  	v7 =	vld [tilespmem:s7+$0x20];
	_ =	sdelay $0x4  }
0x304: {  	v5 =	vmul.f32 v5, v4;
	v6 =	vmul.f32 v7, v6;
	_ =	sdelay $0x1  }
0x305: {  	v6 =	vadd.f32 v6, v5;
	_ =	sdelay $0x1  }
0x306: {  	v5 =	vld [tilespmem:s2+$0x30];
	[tilespmem:s2+$0x20] =	vst v6  }
0x307: {  	v6 =	vld [tilespmem:s8+$0x30]  }
0x308: {  	s11 =	simm.s32 $0x13AC0;
	s18 =	simm.s32 $0x1;
	v7 =	vld [tilespmem:s7+$0x30]  }
.LBB2_17:
0x309: {  	_ = 	snop  }
0x30a: {  	s2 =	sadd.s32 $0x80, s2;
	s7 =	sadd.s32 $0x80, s7;
	s8 =	sadd.s32 $0x80, s8  }
0x30b: {  	p1 =	sne.s32 s18, $0x27;
	s3 =	smov.u32 s18;
	s18 =	sadd.s32 $0x1, s18  }
0x30c: {  	v4 =	vmul.f32 v6, v4  }
0x30d: {  	v5 =	vmul.f32 v7, v5  }
0x30e: {  	v6 =	vmov s3  }
0x30f: {  	v4 =	vadd.f32 v5, v4;
	_ =	sdelay $0x1  }
0x310: {  	v5 =	vld [tilespmem:s2+$0xFFFFFFC0];
	[tilespmem:s11+$0x30] =	vst v4;
	s11 =	smov.u32 s2  }
0x311: {  	v7 =	vld [tilespmem:s7+$0xFFFFFFC0]  }
0x312: {  	v4 =	vld.idx.msk [tilespmem:v6+s30+$0x0], $0xffff  }
0x313: {  	v6 =	vld [tilespmem:s8+$0xFFFFFFC0];
	_ =	sdelay $0x4  }
0x314: {  	v5 =	vmul.f32 v7, v5;
	v6 =	vmul.f32 v6, v4;
	_ =	sdelay $0x1  }
0x315: {  	v5 =	vadd.f32 v5, v6;
	_ =	sdelay $0x1  }
0x316: {  	[tilespmem:s2+$0xFFFFFFC0] =	vst v5;
	v5 =	vld [tilespmem:s2+$0xFFFFFFD0]  }
0x317: {  	v6 =	vld [tilespmem:s8+$0xFFFFFFD0]  }
0x318: {  	v7 =	vld [tilespmem:s7+$0xFFFFFFD0];
	_ =	sdelay $0x3  }
0x319: {  	v6 =	vmul.f32 v6, v4  }
0x31a: {  	v5 =	vmul.f32 v7, v5;
	_ =	sdelay $0x1  }
0x31b: {  	v5 =	vadd.f32 v5, v6;
	_ =	sdelay $0x1  }
0x31c: {  	[tilespmem:s2+$0xFFFFFFD0] =	vst v5;
	v5 =	vld [tilespmem:s2+$0xFFFFFFE0]  }
0x31d: {  	v6 =	vld [tilespmem:s8+$0xFFFFFFE0]  }
0x31e: {  	v7 =	vld [tilespmem:s7+$0xFFFFFFE0];
	_ =	sdelay $0x3  }
0x31f: {  	v6 =	vmul.f32 v6, v4  }
0x320: {  	v5 =	vmul.f32 v7, v5;
	_ =	sdelay $0x1  }
0x321: {  	v5 =	vadd.f32 v5, v6  }
0x322: {  	v6 =	vld [tilespmem:s2+$0xFFFFFFF0]  }
0x323: {  	[tilespmem:s2+$0xFFFFFFE0] =	vst v5  }
0x324: {  	v5 =	vld [tilespmem:s8+$0xFFFFFFF0]  }
0x325: {  	v7 =	vld [tilespmem:s7+$0xFFFFFFF0];
	_ =	sdelay $0x3  }
0x326: {  	v5 =	vmul.f32 v5, v4  }
0x327: {  	v6 =	vmul.f32 v7, v6;
	_ =	sdelay $0x1  }
0x328: {  	v5 =	vadd.f32 v6, v5;
	v6 =	vld [tilespmem:s2+$0x0];
	_ =	sdelay $0x1  }
0x329: {  	[tilespmem:s2+$0xFFFFFFF0] =	vst v5  }
0x32a: {  	v5 =	vld [tilespmem:s8+$0x0]  }
0x32b: {  	v7 =	vld [tilespmem:s7+$0x0];
	_ =	sdelay $0x3  }
0x32c: {  	v5 =	vmul.f32 v5, v4  }
0x32d: {  	v6 =	vmul.f32 v7, v6  }
0x32e: {  	v7 =	vld [tilespmem:s2+$0x10]  }
0x32f: {  	v5 =	vadd.f32 v6, v5;
	_ =	sdelay $0x1  }
0x330: {  	[tilespmem:s2+$0x0] =	vst v5  }
0x331: {  	v5 =	vld [tilespmem:s8+$0x10]  }
0x332: {  	v6 =	vld [tilespmem:s7+$0x10];
	_ =	sdelay $0x3  }
0x333: {  	v5 =	vmul.f32 v5, v4  }
0x334: {  	v6 =	vmul.f32 v6, v7;
	v7 =	vld [tilespmem:s2+$0x20];
	_ =	sdelay $0x1  }
0x335: {  	v5 =	vadd.f32 v6, v5;
	_ =	sdelay $0x1  }
0x336: {  	[tilespmem:s2+$0x10] =	vst v5  }
0x337: {  	v5 =	vld [tilespmem:s8+$0x20]  }
0x338: {  	v6 =	vld [tilespmem:s7+$0x20];
	_ =	sdelay $0x3  }
0x339: {  	v8 =	vmul.f32 v5, v4;
	v5 =	vld [tilespmem:s2+$0x30]  }
0x33a: {  	v6 =	vmul.f32 v6, v7;
	_ =	sdelay $0x1  }
.Ltmp9:
0x33b: {  	v6 =	vadd.f32 v6, v8;
	(pc) =	sbr.rel @p1 .LBB2_17-.Ltmp9, $4  }
0x33c: {  	_ = 	snop  }
0x33d: {  	[tilespmem:s2+$0x20] =	vst v6  }
0x33e: {  	v6 =	vld [tilespmem:s8+$0x30]  }
0x33f: {  	v7 =	vld [tilespmem:s7+$0x30]  }
0x340: {  	_ =	sdelay $0x3  }
0x341: {  	v4 =	vmul.f32 v6, v4;
	v5 =	vmul.f32 v7, v5;
	_ =	sdelay $0x1  }
0x342: {  	v4 =	vadd.f32 v5, v4;
	_ =	sdelay $0x1  }
0x343: {  	s2 =	simm.s32 $0x13A80;
	p1 =	seq.s32 s5, $0x7C;
	[tilespmem:s11+$0x30] =	vst v4  }
0x344: {  	[spmem:s26] =	stream.indirect.scatter.add.f32 [tilespmem:s2], [sflag:$0x7], $0x80, s29, s10, $0xb8;
	[tilespmem:$0x1EF00] =	vst v63  }
0x345: {  	s2 =	sadd.s32 @!p1 $0x50, s17;
	_ =	swait.ge [sflag:s13], $0x1400  }
0x346: {  	s8 =	simm.s32 @!p1 $0x0;
	s3 =	sshrl.u32 @!p1 s2, $0x3;
	[sflag:s13] =	ssyncset.done $0x0  }
0x347: {  	s11 =	simm.s32 @!p1 $0x13880;
	s7 =	sadd.s32 @!p1 s31, s3;
	[sflag:s13] =	ssyncadd.s32 $0xFFFFEC00  }
0x348: {  	[tilespmem:s11], [sflag:$0x5] =	stream.linear.gather @!p1 [hbm4b:s7+s8], $0x28, $0x38;
	[tilespmem:$0x1EF00] =	vst v63  }
0x349: {  	s14 =	simm.s32 @!p1 $0x13900;
	s7 =	sadd.s32 @!p1 s9, s3  }
0x34a: {  	[tilespmem:s14], [sflag:$0x5] =	stream.linear.gather @!p1 [hbm4b:s7+s8], $0x28, $0x38;
	[tilespmem:$0x1EF00] =	vst v63  }
0x34b: {  	s7 =	simm.s32 @!p1 $0x5  }
0x34c: {  	_ =	swait.ge @!p1 [sflag:s7], $0x28  }
0x34d: {  	[sflag:s7] =	ssyncset.done @!p1 $0x0  }
0x34e: {  	[sflag:s7] =	ssyncadd.s32 @!p1 $0xFFFFFFD8  }
0x34f: {  	_ =	swait.ge @!p1 [sflag:s7], $0x28  }
0x350: {  	s2 =	sshll.u32 @!p1 s2, $0x5;
	s14 =	simm.s32 @!p1 $0x16280;
	[sflag:s7] =	ssyncset.done @!p1 $0x0  }
0x351: {  	s18 =	rddreg [dreg:$0x6];
	[sflag:s7] =	ssyncadd.s32 @!p1 $0xFFFFFFD8;
	s7 =	simm.s32 @!p1 $0x28  }
0x352: {  	[tilespmem:s14], [sflag:$0x1] =	stream.indirect.gather @!p1 [hbm4b:s18+s7], $0x80, s11, s7, $0xb8;
	[tilespmem:$0x1EF00] =	vst v63  }
0x353: {  	s7 =	sadd.s32 @!p1 s15, s2  }
0x354: {  	s11 =	simm.s32 @!p1 $0x400;
	s14 =	simm.s32 @!p1 $0x800;
	s18 =	simm.s32 @!p1 $0x14E80  }
0x355: {  	[tilespmem:s18], [sflag:$0x2] =	stream.strided.gather @!p1 [hbm4b:s7+s11], $0x1400, s14, s11, $0x38;
	[tilespmem:$0x1EF00] =	vst v63  }
0x356: {  	s2 =	sadd.s32 @!p1 s2, s16;
	s7 =	simm.s32 @!p1 $0x13A80  }
0x357: {  	[tilespmem:s7], [sflag:$0x2] =	stream.strided.gather @!p1 [hbm4b:s2+s11], $0x1400, s14, s11, $0x38;
	[tilespmem:$0x1EF00] =	vst v63  }
0x358: {  	s2 =	rddreg [dreg:$0x9]  }
0x359: {  	s14 =	simm.s32 $0x3;
	s2 =	sadd.s32 @!p1 s2, s3;
	s3 =	simm.s32 @!p1 $0x17680  }
0x35a: {  	[tilespmem:s3], [sflag:$0x2] =	stream.linear.gather @!p1 [hbm4b:s2+s8], $0x28, $0x38;
	[tilespmem:$0x1EF00] =	vst v63  }
0x35b: {  	_ =	swait.ge [sflag:s14], $0x1400  }
0x35c: {  	[sflag:s14] =	ssyncset.done $0x0  }
0x35d: {  	[sflag:s14] =	ssyncadd.s32 $0xFFFFEC00  }
0x35e: {  	_ =	swait.ge [sflag:s23], $0x1400  }
0x35f: {  	[sflag:s23] =	ssyncset.done $0x0  }
0x360: {  	[sflag:s23] =	ssyncadd.s32 $0xFFFFEC00  }
0x361: {  	_ =	swait.ge [sflag:s23], $0x1400  }
0x362: {  	[sflag:s23] =	ssyncset.done $0x0  }
0x363: {  	[sflag:s23] =	ssyncadd.s32 $0xFFFFEC00  }
0x364: {  	_ =	swait.ge [sflag:s23], $0x28  }
0x365: {  	[sflag:s23] =	ssyncset.done $0x0  }
0x366: {  	s8 =	simm.s32 $0x18B40;
	[sflag:s23] =	ssyncadd.s32 $0xFFFFFFD8  }
0x367: {  	s7 =	simm.s32 $0x19F40;
	v4 =	vld [tilespmem:s8+$0xFFFFFFC0]  }
0x368: {  	v9 =	vld [tilespmem:s7+$0xFFFFFFC0]  }
0x369: {  	v12 =	vld [tilespmem:s8+$0xFFFFFFD0]  }
0x36a: {  	v17 =	vld [tilespmem:s7+$0xFFFFFFD0]  }
0x36b: {  	v14 =	vld [tilespmem:s8+$0xFFFFFFE0]  }
0x36c: {  	v18 =	vld [tilespmem:s7+$0xFFFFFFE0]  }
0x36d: {  	v13 =	vld [tilespmem:s8+$0x0]  }
0x36e: {  	v15 =	vld [tilespmem:s7+$0x0]  }
0x36f: {  	s18 =	simm.s32 $0x0;
	v11 =	vld [tilespmem:s8+$0x10]  }
0x370: {  	v6 =	vmov s18;
	v16 =	vld [tilespmem:s7+$0x10]  }
0x371: {  	v8 =	vld [tilespmem:s8+$0x20]  }
0x372: {  	v10 =	vld [tilespmem:s7+$0x20]  }
0x373: {  	v5 =	vld [tilespmem:s8+$0x30]  }
0x374: {  	v7 =	vld [tilespmem:s7+$0x30]  }
0x375: {  	s2 =	simm.s32 $0x17740;
	v6 =	vld.idx.msk [tilespmem:v6+s25+$0x0], $0xffff  }
0x376: {  	s11 =	simm.s32 $0x1;
	v19 =	vld [tilespmem:s2+$0xFFFFFFC0]  }
.LBB2_19:
0x377: {  	p2 =	sne.s32 s11, $0x27;
	v20 =	vld [tilespmem:s2+$0xFFFFFFD0]  }
0x378: {  	v21 =	vld [tilespmem:s2+$0xFFFFFFE0]  }
0x379: {  	v22 =	vld [tilespmem:s2+$0x0]  }
0x37a: {  	v23 =	vld [tilespmem:s2+$0x10]  }
0x37b: {  	v4 =	vmul.f32 v4, v6;
	v9 =	vmul.f32 v9, v19;
	v19 =	vld [tilespmem:s2+$0x20]  }
0x37c: {  	v12 =	vmul.f32 v12, v6;
	v17 =	vmul.f32 v17, v20;
	v20 =	vld [tilespmem:s2+$0x30]  }
0x37d: {  	v4 =	vadd.f32 v9, v4;
	v9 =	vmul.f32 v14, v6;
	v14 =	vmul.f32 v18, v21;
	v18 =	vld [tilespmem:s8+$0xFFFFFFF0]  }
0x37e: {  	v13 =	vmul.f32 v13, v6;
	v12 =	vadd.f32 v17, v12;
	v21 =	vld [tilespmem:s2+$0xFFFFFFF0];
	v15 =	vmul.f32 v15, v22  }
0x37f: {  	v11 =	vmul.f32 v11, v6;
	s8 =	sadd.s32 $0x80, s8;
	[tilespmem:s2+$0xFFFFFFC0] =	vst v4;
	v14 =	vadd.f32 v14, v9;
	v22 =	vld [tilespmem:s7+$0xFFFFFFF0];
	v16 =	vmul.f32 v16, v23  }
0x380: {  	v8 =	vmul.f32 v8, v6;
	s7 =	sadd.s32 $0x80, s7;
	v4 =	vld [tilespmem:s8+$0xFFFFFFC0];
	[tilespmem:s2+$0xFFFFFFD0] =	vst v12;
	v13 =	vadd.f32 v15, v13;
	v10 =	vmul.f32 v10, v19  }
0x381: {  	v5 =	vmul.f32 v5, v6;
	v9 =	vld [tilespmem:s7+$0xFFFFFFC0];
	[tilespmem:s2+$0xFFFFFFE0] =	vst v14;
	v11 =	vadd.f32 v16, v11;
	v7 =	vmul.f32 v7, v20  }
0x382: {  	v12 =	vld [tilespmem:s8+$0xFFFFFFD0];
	v6 =	vmul.f32 v18, v6;
	[tilespmem:s2+$0x0] =	vst v13;
	v8 =	vadd.f32 v10, v8  }
0x383: {  	v17 =	vld [tilespmem:s7+$0xFFFFFFD0];
	[tilespmem:s2+$0x10] =	vst v11;
	v5 =	vadd.f32 v7, v5  }
0x384: {  	v14 =	vld [tilespmem:s8+$0xFFFFFFE0];
	v7 =	vmul.f32 v22, v21;
	[tilespmem:s2+$0x20] =	vst v8  }
0x385: {  	v18 =	vld [tilespmem:s7+$0xFFFFFFE0];
	[tilespmem:s2+$0x30] =	vst v5  }
0x386: {  	v13 =	vld [tilespmem:s8+$0x0];
	v5 =	vadd.f32 v7, v6  }
0x387: {  	v15 =	vld [tilespmem:s7+$0x0]  }
0x388: {  	v11 =	vld [tilespmem:s8+$0x10];
	[tilespmem:s2+$0xFFFFFFF0] =	vst v5  }
0x389: {  	v6 =	vmov s11;
	v16 =	vld [tilespmem:s7+$0x10]  }
0x38a: {  	v8 =	vld [tilespmem:s8+$0x20]  }
.Ltmp10:
0x38b: {  	v10 =	vld [tilespmem:s7+$0x20];
	(pc) =	sbr.rel @p2 .LBB2_19-.Ltmp10, $4  }
0x38c: {  	v5 =	vld [tilespmem:s8+$0x30]  }
0x38d: {  	v7 =	vld [tilespmem:s7+$0x30]  }
0x38e: {  	s2 =	sadd.s32 $0x80, s2;
	v6 =	vld.idx.msk [tilespmem:v6+s25+$0x0], $0xffff  }
0x38f: {  	s11 =	sadd.s32 $0x1, s11;
	v19 =	vld [tilespmem:s2+$0xFFFFFFC0]  }
0x390: {  	v20 =	vld [tilespmem:s2+$0xFFFFFFD0]  }
0x391: {  	v21 =	vld [tilespmem:s2+$0xFFFFFFE0]  }
0x392: {  	v22 =	vld [tilespmem:s2+$0x0]  }
0x393: {  	v23 =	vld [tilespmem:s2+$0x10]  }
0x394: {  	v24 =	vld [tilespmem:s2+$0x20]  }
0x395: {  	v25 =	vld [tilespmem:s2+$0x30]  }
0x396: {  	v54 =	vld [tilespmem:s8+$0xFFFFFFF0];
	v4 =	vmul.f32 v4, v6;
	v9 =	vmul.f32 v9, v19  }
0x397: {  	v55 =	vld [tilespmem:s2+$0xFFFFFFF0];
	v12 =	vmul.f32 v12, v6;
	v17 =	vmul.f32 v17, v20  }
0x398: {  	v58 =	vld [tilespmem:s7+$0xFFFFFFF0];
	v56 =	vmul.f32 v14, v6;
	v57 =	vmul.f32 v18, v21;
	v4 =	vadd.f32 v9, v4  }
0x399: {  	v13 =	vmul.f32 v13, v6;
	v15 =	vmul.f32 v15, v22;
	v12 =	vadd.f32 v17, v12  }
0x39a: {  	v59 =	vmul.f32 v11, v6;
	v60 =	vmul.f32 v16, v23;
	[tilespmem:s2+$0xFFFFFFC0] =	vst v4;
	v4 =	vadd.f32 v57, v56  }
0x39b: {  	v8 =	vmul.f32 v8, v6;
	v10 =	vmul.f32 v10, v24;
	v61 =	vadd.f32 v15, v13;
	[tilespmem:s2+$0xFFFFFFD0] =	vst v12  }
0x39c: {  	v5 =	vmul.f32 v5, v6;
	v7 =	vmul.f32 v7, v25;
	[tilespmem:s2+$0xFFFFFFE0] =	vst v4;
	v4 =	vadd.f32 v60, v59  }
0x39d: {  	v62 =	vmul.f32 v54, v6;
	v63 =	vmul.f32 v58, v55;
	v8 =	vadd.f32 v10, v8;
	[tilespmem:s2+$0x0] =	vst v61  }
0x39e: {  	[tilespmem:s2+$0x10] =	vst v4;
	v4 =	vadd.f32 v7, v5  }
0x39f: {  	[tilespmem:s2+$0x20] =	vst v8;
	v5 =	vadd.f32 v63, v62  }
0x3a0: {  	[tilespmem:s2+$0x30] =	vst v4  }
.Ltmp11:
0x3a1: {  	s18 =	simm.s32 $0x17700;
	s8 =	simm.s32 $0x13A00;
	[tilespmem:s2+$0xFFFFFFF0] =	vst v5;
	(pc) =	sbr.rel @p1 .LBB2_22-.Ltmp11, $4  }
0x3a2: {  	[spmem:s26] =	stream.indirect.scatter.add.f32 [tilespmem:s18], [sflag:$0x7], $0x80, s8, s10, $0xb8;
	[tilespmem:$0x1EF00] =	vst v63  }
0x3a3: {  	_ =	swait.ge [sflag:s13], $0x1400  }
0x3a4: {  	[sflag:s13] =	ssyncset.done $0x0  }
0x3a5: {  	s14 =	simm.s32 $0x18B00;
	[sflag:s13] =	ssyncadd.s32 $0xFFFFEC00  }
0x3a6: {  	s2 =	sadd.s32 $0x78, s17  }
.Ltmp12:
0x3a7: {  	s2 =	sshrl.u32 s2, $0x3;
	(pc) =	sbr.rel .LBB2_16-.Ltmp12, $4  }
0x3a8: {  	s3 =	sadd.s32 s31, s2  }
0x3a9: {  	[tilespmem:s1], [sflag:$0x5] =	stream.linear.gather [hbm4b:s3+s4], $0x28, $0x38;
	[tilespmem:$0x1EF00] =	vst v63  }
0x3aa: {  	s5 =	sadd.s32 $0x1, s5;
	s2 =	sadd.s32 s9, s2  }
0x3ab: {  	[tilespmem:s8], [sflag:$0x5] =	stream.linear.gather [hbm4b:s2+s4], $0x28, $0x38;
	[tilespmem:$0x1EF00] =	vst v63  }
.LBB2_22:
0x3ac: {  	[bflag:$0x0] =	sbarrier.arrive $0xFFFF  }
0x3ad: {  	s2 =	rddreg [dreg:$0x10]  }
0x3ae: {  	s0 =	simm.s32 @!p0 $0x1C07;
	s3 =	rddreg [dreg:$0x1e]  }
0x3af: {  	[hbm:s2], [sflag:s0] =	dma.local @!p0 [spmem:s3], $0x27100  }
0x3b0: {  	s0 =	simm.s32 @!p0 $0x7  }
0x3b1: {  	_ =	swait.ge @!p0 [sflag:s0], $0x27100  }
0x3b2: {  	[sflag:s0] =	ssyncset.done @!p0 $0x0  }
0x3b3: {  	[sflag:s0] =	ssyncadd.s32 @!p0 $0xFFFD8F00  }
0x3b4: {  	s2 =	simm.s32 $0x200;
	s0 =	simm.s32 $0x0;
	[bflag:$0x0] =	sbarrier.arrive $0xFFFF  }
.LBB2_23:
0x3b5: {  	p1 =	sne.s32 s2, $0x4E00;
	[tilespmem:s0+$0x13AF0] =	vst v0  }
0x3b6: {  	[tilespmem:s0+$0x13A80] =	vst v0  }
0x3b7: {  	[tilespmem:s0+$0x13A90] =	vst v0  }
.Ltmp13:
0x3b8: {  	[tilespmem:s0+$0x13AA0] =	vst v0;
	(pc) =	sbr.rel @p1 .LBB2_23-.Ltmp13, $4  }
0x3b9: {  	[tilespmem:s0+$0x13AB0] =	vst v0  }
0x3ba: {  	[tilespmem:s0+$0x13AC0] =	vst v0  }
0x3bb: {  	[tilespmem:s0+$0x13AD0] =	vst v0  }
0x3bc: {  	[tilespmem:s0+$0x13AE0] =	vst v0;
	s0 =	sshra.s32 s2, $0x2;
	s2 =	sadd.s32 $0x200, s2  }
0x3bd: {  	[tilespmem:s0+$0x13AF0] =	vst v0  }
0x3be: {  	[tilespmem:s0+$0x13A80] =	vst v0  }
0x3bf: {  	[tilespmem:s0+$0x13A90] =	vst v0  }
0x3c0: {  	[tilespmem:s0+$0x13AA0] =	vst v0  }
0x3c1: {  	[tilespmem:s0+$0x13AB0] =	vst v0  }
0x3c2: {  	[tilespmem:s0+$0x13AC0] =	vst v0;
	s2 =	sadd.s32 $0x0, s12  }
0x3c3: {  	[tilespmem:s0+$0x13AD0] =	vst v0;
	p1 =	sgt.u32 s2, $0xF9  }
0x3c4: {  	[tilespmem:s0+$0x13AE0] =	vst v0;
	s3 =	rddreg [dreg:$0x1b];
	s0 =	simm.s32 @!p1 $0x13A80;
	s7 =	simm.s32 @!p1 $0x7  }
0x3c5: {  	[spmem:s3] =	stream.linear.scatter @!p1 [tilespmem:s0], [sflag:$0x7], $0x1400, $0x38;
	[tilespmem:$0x1EF00] =	vst v63  }
0x3c6: {  	s5 =	simm.s32 $0x20;
	_ =	swait.ge @!p1 [sflag:s7], $0x1400  }
0x3c7: {  	s2 =	simm.s32 $0x10;
	s0 =	sadd.s32 $0x14000, s3;
	[sflag:s7] =	ssyncset.done @!p1 $0x0  }
.LBB2_25:
0x3c8: {  	s3 =	sadd.s32 s2, s12;
	s2 =	smov.u32 s5;
	s5 =	sadd.s32 $0x10, s5  }
0x3c9: {  	[sflag:s7] =	ssyncadd.s32 @!p1 $0xFFFFEC00;
	p2 =	sne.s32 s5, $0x100  }
.Ltmp14:
0x3ca: {  	p1 =	sgt.u32 s3, $0xF9;
	(pc) =	sbr.rel @p2 .LBB2_25-.Ltmp14, $4  }
0x3cb: {  	s3 =	simm.s32 @!p1 $0x13A80;
	s7 =	simm.s32 @!p1 $0x7  }
0x3cc: {  	[spmem:s0] =	stream.linear.scatter @!p1 [tilespmem:s3], [sflag:$0x7], $0x1400, $0x38;
	[tilespmem:$0x1EF00] =	vst v63  }
0x3cd: {  	_ =	swait.ge @!p1 [sflag:s7], $0x1400  }
0x3ce: {  	s0 =	sadd.s32 $0x14000, s0;
	[sflag:s7] =	ssyncset.done @!p1 $0x0  }
0x3cf: {  	s2 =	sadd.s32 s2, s12  }
0x3d0: {  	p2 =	sgt.u32 s2, $0xF9  }
0x3d1: {  	[sflag:s7] =	ssyncadd.s32 @!p1 $0xFFFFEC00;
	s2 =	simm.s32 @!p2 $0x13A80;
	s3 =	simm.s32 @!p2 $0x7  }
0x3d2: {  	[spmem:s0] =	stream.linear.scatter @!p2 [tilespmem:s2], [sflag:$0x7], $0x1400, $0x38;
	[tilespmem:$0x1EF00] =	vst v63  }
0x3d3: {  	_ =	swait.ge @!p2 [sflag:s3], $0x1400  }
0x3d4: {  	[sflag:s3] =	ssyncset.done @!p2 $0x0  }
0x3d5: {  	[sflag:s3] =	ssyncadd.s32 @!p2 $0xFFFFEC00  }
0x3d6: {  	[bflag:$0x0] =	sbarrier.arrive $0xFFFF  }
0x3d7: {  	s11 =	simm.s32 $0x13880;
	s0 =	simm.s32 $0x0;
	s7 =	rddreg [dreg:$0x13]  }
0x3d8: {  	[tilespmem:s11], [sflag:$0x7] =	stream.linear.gather [hbm4b:s7+s0], $0x28, $0x38;
	[tilespmem:$0x1EF00] =	vst v63  }
0x3d9: {  	_ =	swait.ge [sflag:s13], $0x28  }
0x3da: {  	[sflag:s13] =	ssyncset.done $0x0  }
0x3db: {  	s17 =	rddreg [dreg:$0x14];
	[sflag:s13] =	ssyncadd.s32 $0xFFFFFFD8  }
0x3dc: {  	[tilespmem:s29], [sflag:$0x7] =	stream.linear.gather [hbm4b:s17+s0], $0x28, $0x38;
	[tilespmem:$0x1EF00] =	vst v63  }
0x3dd: {  	_ =	swait.ge [sflag:s13], $0x28  }
0x3de: {  	[sflag:s13] =	ssyncset.done $0x0  }
0x3df: {  	s18 =	simm.s32 $0x16280;
	s5 =	simm.s32 $0x400;
	[sflag:s13] =	ssyncadd.s32 $0xFFFFFFD8  }
0x3e0: {  	[tilespmem:s18], [sflag:$0x1] =	stream.indirect.gather [hbm4b:s19+s10], $0x80, s11, s10, $0xb8;
	[tilespmem:$0x1EF00] =	vst v63  }
0x3e1: {  	s7 =	simm.s32 $0x800;
	s3 =	rddreg [dreg:$0xe];
	s11 =	simm.s32 $0x14E80  }
0x3e2: {  	[tilespmem:s11], [sflag:$0x2] =	stream.strided.gather [hbm4b:s3+s5], $0x1400, s7, s5, $0x38;
	[tilespmem:$0x1EF00] =	vst v63  }
0x3e3: {  	s17 =	rddreg [dreg:$0xf];
	s18 =	simm.s32 $0x13A80  }
0x3e4: {  	[tilespmem:s18], [sflag:$0x2] =	stream.strided.gather [hbm4b:s17+s5], $0x1400, s7, s5, $0x38;
	[tilespmem:$0x1EF00] =	vst v63  }
0x3e5: {  	s11 =	rddreg [dreg:$0x16]  }
0x3e6: {  	[tilespmem:s30], [sflag:$0x2] =	stream.linear.gather [hbm4b:s11+s0], $0x28, $0x38;
	[tilespmem:$0x1EF00] =	vst v63  }
0x3e7: {  	s17 =	rddreg [dreg:$0x11]  }
0x3e8: {  	[tilespmem:s1], [sflag:$0x7] =	stream.linear.gather [hbm4b:s17+s0], $0x28, $0x38;
	[tilespmem:$0x1EF00] =	vst v63  }
0x3e9: {  	_ =	swait.ge [sflag:s13], $0x28  }
0x3ea: {  	[sflag:s13] =	ssyncset.done $0x0  }
0x3eb: {  	s18 =	rddreg [dreg:$0x12];
	[sflag:s13] =	ssyncadd.s32 $0xFFFFFFD8  }
0x3ec: {  	[tilespmem:s8], [sflag:$0x7] =	stream.linear.gather [hbm4b:s18+s0], $0x28, $0x38;
	[tilespmem:$0x1EF00] =	vst v63  }
0x3ed: {  	_ =	swait.ge [sflag:s13], $0x28  }
0x3ee: {  	[sflag:s13] =	ssyncset.done $0x0  }
0x3ef: {  	s5 =	simm.s32 $0x0;
	[sflag:s13] =	ssyncadd.s32 $0xFFFFFFD8  }
.LBB2_27:
0x3f0: {  	p1 =	seq.s32 s5, $0x0  }
0x3f1: {  	s2 =	simm.s32 @!p1 $0x5  }
0x3f2: {  	_ =	swait.ge @!p1 [sflag:s2], $0x28  }
0x3f3: {  	[sflag:s2] =	ssyncset.done @!p1 $0x0  }
0x3f4: {  	[sflag:s2] =	ssyncadd.s32 @!p1 $0xFFFFFFD8  }
0x3f5: {  	s3 =	smul.u32 $0x50, s5;
	_ =	swait.ge @!p1 [sflag:s2], $0x28  }
0x3f6: {  	s7 =	rddreg [dreg:$0xc]  }
0x3f7: {  	[sflag:s2] =	ssyncset.done @!p1 $0x0;
	s17 =	sadd.s32 s7, s3  }
0x3f8: {  	s11 =	simm.s32 $0x19F00;
	[sflag:s2] =	ssyncadd.s32 @!p1 $0xFFFFFFD8;
	s3 =	sadd.s32 $0x28, s17  }
0x3f9: {  	[tilespmem:s11], [sflag:$0x3] =	stream.indirect.gather [hbm4b:s19+s10], $0x80, s1, s10, $0xb8;
	[tilespmem:$0x1EF00] =	vst v63  }
0x3fa: {  	s2 =	sshll.u32 s3, $0x5  }
0x3fb: {  	s8 =	simm.s32 $0x400;
	s11 =	simm.s32 $0x800;
	s18 =	sadd.s32 s15, s2  }
0x3fc: {  	[tilespmem:s14], [sflag:$0x4] =	stream.strided.gather [hbm4b:s18+s8], $0x1400, s11, s8, $0x38;
	[tilespmem:$0x1EF00] =	vst v63  }
0x3fd: {  	s2 =	sadd.s32 s2, s16;
	s18 =	simm.s32 $0x17700  }
0x3fe: {  	[tilespmem:s18], [sflag:$0x4] =	stream.strided.gather [hbm4b:s2+s8], $0x1400, s11, s8, $0x38;
	[tilespmem:$0x1EF00] =	vst v63  }
0x3ff: {  	s14 =	sshrl.u32 s3, $0x3;
	s18 =	rddreg [dreg:$0xa]  }
0x400: {  	s2 =	sadd.s32 s18, s14  }
0x401: {  	[tilespmem:s25], [sflag:$0x4] =	stream.linear.gather [hbm4b:s2+s0], $0x28, $0x38;
	[tilespmem:$0x1EF00] =	vst v63  }
0x402: {  	_ =	swait.ge [sflag:s22], $0x1400  }
0x403: {  	[sflag:s22] =	ssyncset.done $0x0  }
0x404: {  	[sflag:s22] =	ssyncadd.s32 $0xFFFFEC00  }
0x405: {  	_ =	swait.ge [sflag:s24], $0x1400  }
0x406: {  	[sflag:s24] =	ssyncset.done $0x0  }
0x407: {  	[sflag:s24] =	ssyncadd.s32 $0xFFFFEC00  }
0x408: {  	_ =	swait.ge [sflag:s24], $0x1400  }
0x409: {  	[sflag:s24] =	ssyncset.done $0x0  }
0x40a: {  	[sflag:s24] =	ssyncadd.s32 $0xFFFFEC00  }
0x40b: {  	v4 =	vmov s0;
	_ =	swait.ge [sflag:s24], $0x28  }
0x40c: {  	[sflag:s24] =	ssyncset.done $0x0  }
0x40d: {  	s2 =	simm.s32 $0x13AC0;
	[sflag:s24] =	ssyncadd.s32 $0xFFFFFFD8  }
0x40e: {  	s7 =	simm.s32 $0x162C0;
	v5 =	vld [tilespmem:s2+$0xFFFFFFC0]  }
0x40f: {  	v6 =	vld [tilespmem:s7+$0xFFFFFFC0]  }
0x410: {  	s8 =	simm.s32 $0x14EC0;
	v4 =	vld.idx.msk [tilespmem:v4+s30+$0x0], $0xffff  }
0x411: {  	v7 =	vld [tilespmem:s8+$0xFFFFFFC0];
	_ =	sdelay $0x4  }
0x412: {  	v7 =	vmul.f32 v7, v4;
	v5 =	vmul.f32 v6, v5;
	_ =	sdelay $0x1  }
0x413: {  	v5 =	vadd.f32 v5, v7;
	_ =	sdelay $0x1  }
0x414: {  	[tilespmem:s2+$0xFFFFFFC0] =	vst v5;
	v5 =	vld [tilespmem:s2+$0xFFFFFFD0]  }
0x415: {  	v6 =	vld [tilespmem:s8+$0xFFFFFFD0]  }
0x416: {  	v7 =	vld [tilespmem:s7+$0xFFFFFFD0];
	_ =	sdelay $0x4  }
0x417: {  	v6 =	vmul.f32 v6, v4;
	v5 =	vmul.f32 v7, v5;
	_ =	sdelay $0x1  }
0x418: {  	v5 =	vadd.f32 v5, v6;
	_ =	sdelay $0x1  }
0x419: {  	[tilespmem:s2+$0xFFFFFFD0] =	vst v5;
	v5 =	vld [tilespmem:s2+$0xFFFFFFE0]  }
0x41a: {  	v6 =	vld [tilespmem:s8+$0xFFFFFFE0]  }
0x41b: {  	v7 =	vld [tilespmem:s7+$0xFFFFFFE0];
	_ =	sdelay $0x4  }
0x41c: {  	v6 =	vmul.f32 v6, v4;
	v5 =	vmul.f32 v7, v5;
	_ =	sdelay $0x1  }
0x41d: {  	v5 =	vadd.f32 v5, v6;
	_ =	sdelay $0x1  }
0x41e: {  	v6 =	vld [tilespmem:s2+$0xFFFFFFF0];
	[tilespmem:s2+$0xFFFFFFE0] =	vst v5  }
0x41f: {  	v5 =	vld [tilespmem:s8+$0xFFFFFFF0]  }
0x420: {  	v7 =	vld [tilespmem:s7+$0xFFFFFFF0];
	_ =	sdelay $0x4  }
0x421: {  	v5 =	vmul.f32 v5, v4;
	v6 =	vmul.f32 v7, v6;
	_ =	sdelay $0x1  }
0x422: {  	v5 =	vadd.f32 v6, v5;
	_ =	sdelay $0x1  }
0x423: {  	v6 =	vld [tilespmem:s2+$0x0];
	[tilespmem:s2+$0xFFFFFFF0] =	vst v5  }
0x424: {  	v5 =	vld [tilespmem:s8+$0x0]  }
0x425: {  	v7 =	vld [tilespmem:s7+$0x0];
	_ =	sdelay $0x4  }
0x426: {  	v5 =	vmul.f32 v5, v4;
	v6 =	vmul.f32 v7, v6;
	_ =	sdelay $0x1  }
0x427: {  	v5 =	vadd.f32 v6, v5;
	_ =	sdelay $0x1  }
0x428: {  	v6 =	vld [tilespmem:s2+$0x10];
	[tilespmem:s2+$0x0] =	vst v5  }
0x429: {  	v5 =	vld [tilespmem:s8+$0x10]  }
0x42a: {  	v7 =	vld [tilespmem:s7+$0x10];
	_ =	sdelay $0x4  }
0x42b: {  	v5 =	vmul.f32 v5, v4;
	v6 =	vmul.f32 v7, v6;
	_ =	sdelay $0x1  }
0x42c: {  	v5 =	vadd.f32 v6, v5;
	_ =	sdelay $0x1  }
0x42d: {  	v6 =	vld [tilespmem:s2+$0x20];
	[tilespmem:s2+$0x10] =	vst v5  }
0x42e: {  	v5 =	vld [tilespmem:s8+$0x20]  }
0x42f: {  	v7 =	vld [tilespmem:s7+$0x20];
	_ =	sdelay $0x4  }
0x430: {  	v5 =	vmul.f32 v5, v4;
	v6 =	vmul.f32 v7, v6;
	_ =	sdelay $0x1  }
0x431: {  	v6 =	vadd.f32 v6, v5;
	_ =	sdelay $0x1  }
0x432: {  	v5 =	vld [tilespmem:s2+$0x30];
	[tilespmem:s2+$0x20] =	vst v6  }
0x433: {  	v6 =	vld [tilespmem:s8+$0x30]  }
0x434: {  	s11 =	simm.s32 $0x13AC0;
	s18 =	simm.s32 $0x1;
	v7 =	vld [tilespmem:s7+$0x30]  }
.LBB2_28:
0x435: {  	_ = 	snop  }
0x436: {  	s2 =	sadd.s32 $0x80, s2;
	s7 =	sadd.s32 $0x80, s7;
	s8 =	sadd.s32 $0x80, s8  }
0x437: {  	p1 =	sne.s32 s18, $0x27;
	s3 =	smov.u32 s18;
	s18 =	sadd.s32 $0x1, s18  }
0x438: {  	v4 =	vmul.f32 v6, v4  }
0x439: {  	v5 =	vmul.f32 v7, v5  }
0x43a: {  	v6 =	vmov s3  }
0x43b: {  	v4 =	vadd.f32 v5, v4;
	_ =	sdelay $0x1  }
0x43c: {  	v5 =	vld [tilespmem:s2+$0xFFFFFFC0];
	[tilespmem:s11+$0x30] =	vst v4;
	s11 =	smov.u32 s2  }
0x43d: {  	v7 =	vld [tilespmem:s7+$0xFFFFFFC0]  }
0x43e: {  	v4 =	vld.idx.msk [tilespmem:v6+s30+$0x0], $0xffff  }
0x43f: {  	v6 =	vld [tilespmem:s8+$0xFFFFFFC0];
	_ =	sdelay $0x4  }
0x440: {  	v5 =	vmul.f32 v7, v5;
	v6 =	vmul.f32 v6, v4;
	_ =	sdelay $0x1  }
0x441: {  	v5 =	vadd.f32 v5, v6;
	_ =	sdelay $0x1  }
0x442: {  	[tilespmem:s2+$0xFFFFFFC0] =	vst v5;
	v5 =	vld [tilespmem:s2+$0xFFFFFFD0]  }
0x443: {  	v6 =	vld [tilespmem:s8+$0xFFFFFFD0]  }
0x444: {  	v7 =	vld [tilespmem:s7+$0xFFFFFFD0];
	_ =	sdelay $0x3  }
0x445: {  	v6 =	vmul.f32 v6, v4  }
0x446: {  	v5 =	vmul.f32 v7, v5;
	_ =	sdelay $0x1  }
0x447: {  	v5 =	vadd.f32 v5, v6;
	_ =	sdelay $0x1  }
0x448: {  	[tilespmem:s2+$0xFFFFFFD0] =	vst v5;
	v5 =	vld [tilespmem:s2+$0xFFFFFFE0]  }
0x449: {  	v6 =	vld [tilespmem:s8+$0xFFFFFFE0]  }
0x44a: {  	v7 =	vld [tilespmem:s7+$0xFFFFFFE0];
	_ =	sdelay $0x3  }
0x44b: {  	v6 =	vmul.f32 v6, v4  }
0x44c: {  	v5 =	vmul.f32 v7, v5;
	_ =	sdelay $0x1  }
0x44d: {  	v5 =	vadd.f32 v5, v6  }
0x44e: {  	v6 =	vld [tilespmem:s2+$0xFFFFFFF0]  }
0x44f: {  	[tilespmem:s2+$0xFFFFFFE0] =	vst v5  }
0x450: {  	v5 =	vld [tilespmem:s8+$0xFFFFFFF0]  }
0x451: {  	v7 =	vld [tilespmem:s7+$0xFFFFFFF0];
	_ =	sdelay $0x3  }
0x452: {  	v5 =	vmul.f32 v5, v4  }
0x453: {  	v6 =	vmul.f32 v7, v6;
	_ =	sdelay $0x1  }
0x454: {  	v5 =	vadd.f32 v6, v5;
	v6 =	vld [tilespmem:s2+$0x0];
	_ =	sdelay $0x1  }
0x455: {  	[tilespmem:s2+$0xFFFFFFF0] =	vst v5  }
0x456: {  	v5 =	vld [tilespmem:s8+$0x0]  }
0x457: {  	v7 =	vld [tilespmem:s7+$0x0];
	_ =	sdelay $0x3  }
0x458: {  	v5 =	vmul.f32 v5, v4  }
0x459: {  	v6 =	vmul.f32 v7, v6  }
0x45a: {  	v7 =	vld [tilespmem:s2+$0x10]  }
0x45b: {  	v5 =	vadd.f32 v6, v5;
	_ =	sdelay $0x1  }
0x45c: {  	[tilespmem:s2+$0x0] =	vst v5  }
0x45d: {  	v5 =	vld [tilespmem:s8+$0x10]  }
0x45e: {  	v6 =	vld [tilespmem:s7+$0x10];
	_ =	sdelay $0x3  }
0x45f: {  	v5 =	vmul.f32 v5, v4  }
0x460: {  	v6 =	vmul.f32 v6, v7;
	v7 =	vld [tilespmem:s2+$0x20];
	_ =	sdelay $0x1  }
0x461: {  	v5 =	vadd.f32 v6, v5;
	_ =	sdelay $0x1  }
0x462: {  	[tilespmem:s2+$0x10] =	vst v5  }
0x463: {  	v5 =	vld [tilespmem:s8+$0x20]  }
0x464: {  	v6 =	vld [tilespmem:s7+$0x20];
	_ =	sdelay $0x3  }
0x465: {  	v8 =	vmul.f32 v5, v4;
	v5 =	vld [tilespmem:s2+$0x30]  }
0x466: {  	v6 =	vmul.f32 v6, v7;
	_ =	sdelay $0x1  }
.Ltmp15:
0x467: {  	v6 =	vadd.f32 v6, v8;
	(pc) =	sbr.rel @p1 .LBB2_28-.Ltmp15, $4  }
0x468: {  	_ = 	snop  }
0x469: {  	[tilespmem:s2+$0x20] =	vst v6  }
0x46a: {  	v6 =	vld [tilespmem:s8+$0x30]  }
0x46b: {  	v7 =	vld [tilespmem:s7+$0x30]  }
0x46c: {  	_ =	sdelay $0x3  }
0x46d: {  	v4 =	vmul.f32 v6, v4;
	v5 =	vmul.f32 v7, v5;
	_ =	sdelay $0x1  }
0x46e: {  	v4 =	vadd.f32 v5, v4;
	_ =	sdelay $0x1  }
0x46f: {  	s2 =	simm.s32 $0x13A80;
	p1 =	seq.s32 s5, $0x7C;
	[tilespmem:s11+$0x30] =	vst v4  }
0x470: {  	[spmem:s26] =	stream.indirect.scatter.add.f32 [tilespmem:s2], [sflag:$0x7], $0x80, s29, s10, $0xb8;
	[tilespmem:$0x1EF00] =	vst v63  }
0x471: {  	s2 =	sadd.s32 @!p1 $0x50, s17;
	_ =	swait.ge [sflag:s13], $0x1400  }
0x472: {  	s8 =	simm.s32 @!p1 $0x0;
	s3 =	sshrl.u32 @!p1 s2, $0x3;
	[sflag:s13] =	ssyncset.done $0x0  }
0x473: {  	s11 =	simm.s32 @!p1 $0x13880;
	s7 =	sadd.s32 @!p1 s31, s3;
	[sflag:s13] =	ssyncadd.s32 $0xFFFFEC00  }
0x474: {  	[tilespmem:s11], [sflag:$0x5] =	stream.linear.gather @!p1 [hbm4b:s7+s8], $0x28, $0x38;
	[tilespmem:$0x1EF00] =	vst v63  }
0x475: {  	s14 =	simm.s32 @!p1 $0x13900;
	s7 =	sadd.s32 @!p1 s9, s3  }
0x476: {  	[tilespmem:s14], [sflag:$0x5] =	stream.linear.gather @!p1 [hbm4b:s7+s8], $0x28, $0x38;
	[tilespmem:$0x1EF00] =	vst v63  }
0x477: {  	s7 =	simm.s32 @!p1 $0x5  }
0x478: {  	_ =	swait.ge @!p1 [sflag:s7], $0x28  }
0x479: {  	[sflag:s7] =	ssyncset.done @!p1 $0x0  }
0x47a: {  	[sflag:s7] =	ssyncadd.s32 @!p1 $0xFFFFFFD8  }
0x47b: {  	_ =	swait.ge @!p1 [sflag:s7], $0x28  }
0x47c: {  	s18 =	simm.s32 @!p1 $0x14E80;
	s2 =	sshll.u32 @!p1 s2, $0x5;
	[sflag:s7] =	ssyncset.done @!p1 $0x0  }
0x47d: {  	s14 =	simm.s32 @!p1 $0x16280;
	[sflag:s7] =	ssyncadd.s32 @!p1 $0xFFFFFFD8;
	s7 =	simm.s32 @!p1 $0x28  }
0x47e: {  	[tilespmem:s14], [sflag:$0x1] =	stream.indirect.gather @!p1 [hbm4b:s19+s7], $0x80, s11, s7, $0xb8;
	[tilespmem:$0x1EF00] =	vst v63  }
0x47f: {  	s7 =	sadd.s32 @!p1 s15, s2;
	s11 =	simm.s32 @!p1 $0x400;
	s14 =	simm.s32 @!p1 $0x800  }
0x480: {  	[tilespmem:s18], [sflag:$0x2] =	stream.strided.gather @!p1 [hbm4b:s7+s11], $0x1400, s14, s11, $0x38;
	[tilespmem:$0x1EF00] =	vst v63  }
0x481: {  	s2 =	sadd.s32 @!p1 s2, s16;
	s7 =	simm.s32 @!p1 $0x13A80  }
0x482: {  	[tilespmem:s7], [sflag:$0x2] =	stream.strided.gather @!p1 [hbm4b:s2+s11], $0x1400, s14, s11, $0x38;
	[tilespmem:$0x1EF00] =	vst v63  }
0x483: {  	s2 =	rddreg [dreg:$0xa]  }
0x484: {  	s14 =	simm.s32 $0x3;
	s2 =	sadd.s32 @!p1 s2, s3;
	s3 =	simm.s32 @!p1 $0x17680  }
0x485: {  	[tilespmem:s3], [sflag:$0x2] =	stream.linear.gather @!p1 [hbm4b:s2+s8], $0x28, $0x38;
	[tilespmem:$0x1EF00] =	vst v63  }
0x486: {  	_ =	swait.ge [sflag:s14], $0x1400  }
0x487: {  	[sflag:s14] =	ssyncset.done $0x0  }
0x488: {  	[sflag:s14] =	ssyncadd.s32 $0xFFFFEC00  }
0x489: {  	_ =	swait.ge [sflag:s23], $0x1400  }
0x48a: {  	[sflag:s23] =	ssyncset.done $0x0  }
0x48b: {  	[sflag:s23] =	ssyncadd.s32 $0xFFFFEC00  }
0x48c: {  	_ =	swait.ge [sflag:s23], $0x1400  }
0x48d: {  	[sflag:s23] =	ssyncset.done $0x0  }
0x48e: {  	[sflag:s23] =	ssyncadd.s32 $0xFFFFEC00  }
0x48f: {  	_ =	swait.ge [sflag:s23], $0x28  }
0x490: {  	[sflag:s23] =	ssyncset.done $0x0  }
0x491: {  	s8 =	simm.s32 $0x18B40;
	[sflag:s23] =	ssyncadd.s32 $0xFFFFFFD8  }
0x492: {  	s7 =	simm.s32 $0x19F40;
	v4 =	vld [tilespmem:s8+$0xFFFFFFC0]  }
0x493: {  	v9 =	vld [tilespmem:s7+$0xFFFFFFC0]  }
0x494: {  	v12 =	vld [tilespmem:s8+$0xFFFFFFD0]  }
0x495: {  	v17 =	vld [tilespmem:s7+$0xFFFFFFD0]  }
0x496: {  	v14 =	vld [tilespmem:s8+$0xFFFFFFE0]  }
0x497: {  	v18 =	vld [tilespmem:s7+$0xFFFFFFE0]  }
0x498: {  	v13 =	vld [tilespmem:s8+$0x0]  }
0x499: {  	v15 =	vld [tilespmem:s7+$0x0]  }
0x49a: {  	s18 =	simm.s32 $0x0;
	v11 =	vld [tilespmem:s8+$0x10]  }
0x49b: {  	v6 =	vmov s18;
	v16 =	vld [tilespmem:s7+$0x10]  }
0x49c: {  	v8 =	vld [tilespmem:s8+$0x20]  }
0x49d: {  	v10 =	vld [tilespmem:s7+$0x20]  }
0x49e: {  	v5 =	vld [tilespmem:s8+$0x30]  }
0x49f: {  	v7 =	vld [tilespmem:s7+$0x30]  }
0x4a0: {  	s2 =	simm.s32 $0x17740;
	v6 =	vld.idx.msk [tilespmem:v6+s25+$0x0], $0xffff  }
0x4a1: {  	s11 =	simm.s32 $0x1;
	v19 =	vld [tilespmem:s2+$0xFFFFFFC0]  }
.LBB2_30:
0x4a2: {  	p2 =	sne.s32 s11, $0x27;
	v20 =	vld [tilespmem:s2+$0xFFFFFFD0]  }
0x4a3: {  	v21 =	vld [tilespmem:s2+$0xFFFFFFE0]  }
0x4a4: {  	v22 =	vld [tilespmem:s2+$0x0]  }
0x4a5: {  	v23 =	vld [tilespmem:s2+$0x10]  }
0x4a6: {  	v4 =	vmul.f32 v4, v6;
	v9 =	vmul.f32 v9, v19;
	v19 =	vld [tilespmem:s2+$0x20]  }
0x4a7: {  	v12 =	vmul.f32 v12, v6;
	v17 =	vmul.f32 v17, v20;
	v20 =	vld [tilespmem:s2+$0x30]  }
0x4a8: {  	v4 =	vadd.f32 v9, v4;
	v9 =	vmul.f32 v14, v6;
	v14 =	vmul.f32 v18, v21;
	v18 =	vld [tilespmem:s8+$0xFFFFFFF0]  }
0x4a9: {  	v13 =	vmul.f32 v13, v6;
	v12 =	vadd.f32 v17, v12;
	v21 =	vld [tilespmem:s2+$0xFFFFFFF0];
	v15 =	vmul.f32 v15, v22  }
0x4aa: {  	v11 =	vmul.f32 v11, v6;
	s8 =	sadd.s32 $0x80, s8;
	[tilespmem:s2+$0xFFFFFFC0] =	vst v4;
	v14 =	vadd.f32 v14, v9;
	v22 =	vld [tilespmem:s7+$0xFFFFFFF0];
	v16 =	vmul.f32 v16, v23  }
0x4ab: {  	v8 =	vmul.f32 v8, v6;
	s7 =	sadd.s32 $0x80, s7;
	v4 =	vld [tilespmem:s8+$0xFFFFFFC0];
	[tilespmem:s2+$0xFFFFFFD0] =	vst v12;
	v13 =	vadd.f32 v15, v13;
	v10 =	vmul.f32 v10, v19  }
0x4ac: {  	v5 =	vmul.f32 v5, v6;
	v9 =	vld [tilespmem:s7+$0xFFFFFFC0];
	[tilespmem:s2+$0xFFFFFFE0] =	vst v14;
	v11 =	vadd.f32 v16, v11;
	v7 =	vmul.f32 v7, v20  }
0x4ad: {  	v12 =	vld [tilespmem:s8+$0xFFFFFFD0];
	v6 =	vmul.f32 v18, v6;
	[tilespmem:s2+$0x0] =	vst v13;
	v8 =	vadd.f32 v10, v8  }
0x4ae: {  	v17 =	vld [tilespmem:s7+$0xFFFFFFD0];
	[tilespmem:s2+$0x10] =	vst v11;
	v5 =	vadd.f32 v7, v5  }
0x4af: {  	v14 =	vld [tilespmem:s8+$0xFFFFFFE0];
	v7 =	vmul.f32 v22, v21;
	[tilespmem:s2+$0x20] =	vst v8  }
0x4b0: {  	v18 =	vld [tilespmem:s7+$0xFFFFFFE0];
	[tilespmem:s2+$0x30] =	vst v5  }
0x4b1: {  	v13 =	vld [tilespmem:s8+$0x0];
	v5 =	vadd.f32 v7, v6  }
0x4b2: {  	v15 =	vld [tilespmem:s7+$0x0]  }
0x4b3: {  	v11 =	vld [tilespmem:s8+$0x10];
	[tilespmem:s2+$0xFFFFFFF0] =	vst v5  }
0x4b4: {  	v6 =	vmov s11;
	v16 =	vld [tilespmem:s7+$0x10]  }
0x4b5: {  	v8 =	vld [tilespmem:s8+$0x20]  }
.Ltmp16:
0x4b6: {  	v10 =	vld [tilespmem:s7+$0x20];
	(pc) =	sbr.rel @p2 .LBB2_30-.Ltmp16, $4  }
0x4b7: {  	v5 =	vld [tilespmem:s8+$0x30]  }
0x4b8: {  	v7 =	vld [tilespmem:s7+$0x30]  }
0x4b9: {  	s2 =	sadd.s32 $0x80, s2;
	v6 =	vld.idx.msk [tilespmem:v6+s25+$0x0], $0xffff  }
0x4ba: {  	s11 =	sadd.s32 $0x1, s11;
	v19 =	vld [tilespmem:s2+$0xFFFFFFC0]  }
0x4bb: {  	v20 =	vld [tilespmem:s2+$0xFFFFFFD0]  }
0x4bc: {  	v21 =	vld [tilespmem:s2+$0xFFFFFFE0]  }
0x4bd: {  	v22 =	vld [tilespmem:s2+$0x0]  }
0x4be: {  	v23 =	vld [tilespmem:s2+$0x10]  }
0x4bf: {  	v24 =	vld [tilespmem:s2+$0x20]  }
0x4c0: {  	v25 =	vld [tilespmem:s2+$0x30]  }
0x4c1: {  	v54 =	vld [tilespmem:s8+$0xFFFFFFF0];
	v4 =	vmul.f32 v4, v6;
	v9 =	vmul.f32 v9, v19  }
0x4c2: {  	v55 =	vld [tilespmem:s2+$0xFFFFFFF0];
	v12 =	vmul.f32 v12, v6;
	v17 =	vmul.f32 v17, v20  }
0x4c3: {  	v58 =	vld [tilespmem:s7+$0xFFFFFFF0];
	v56 =	vmul.f32 v14, v6;
	v57 =	vmul.f32 v18, v21;
	v4 =	vadd.f32 v9, v4  }
0x4c4: {  	v13 =	vmul.f32 v13, v6;
	v15 =	vmul.f32 v15, v22;
	v12 =	vadd.f32 v17, v12  }
0x4c5: {  	v59 =	vmul.f32 v11, v6;
	v60 =	vmul.f32 v16, v23;
	[tilespmem:s2+$0xFFFFFFC0] =	vst v4;
	v4 =	vadd.f32 v57, v56  }
0x4c6: {  	v8 =	vmul.f32 v8, v6;
	v10 =	vmul.f32 v10, v24;
	v61 =	vadd.f32 v15, v13;
	[tilespmem:s2+$0xFFFFFFD0] =	vst v12  }
0x4c7: {  	v5 =	vmul.f32 v5, v6;
	v7 =	vmul.f32 v7, v25;
	[tilespmem:s2+$0xFFFFFFE0] =	vst v4;
	v4 =	vadd.f32 v60, v59  }
0x4c8: {  	v62 =	vmul.f32 v54, v6;
	v63 =	vmul.f32 v58, v55;
	v8 =	vadd.f32 v10, v8;
	[tilespmem:s2+$0x0] =	vst v61  }
0x4c9: {  	[tilespmem:s2+$0x10] =	vst v4;
	v4 =	vadd.f32 v7, v5  }
0x4ca: {  	[tilespmem:s2+$0x20] =	vst v8;
	v5 =	vadd.f32 v63, v62  }
0x4cb: {  	[tilespmem:s2+$0x30] =	vst v4  }
.Ltmp17:
0x4cc: {  	s18 =	simm.s32 $0x17700;
	s8 =	simm.s32 $0x13A00;
	[tilespmem:s2+$0xFFFFFFF0] =	vst v5;
	(pc) =	sbr.rel @p1 .LBB2_33-.Ltmp17, $4  }
0x4cd: {  	[spmem:s26] =	stream.indirect.scatter.add.f32 [tilespmem:s18], [sflag:$0x7], $0x80, s8, s10, $0xb8;
	[tilespmem:$0x1EF00] =	vst v63  }
0x4ce: {  	_ =	swait.ge [sflag:s13], $0x1400  }
0x4cf: {  	[sflag:s13] =	ssyncset.done $0x0  }
0x4d0: {  	s14 =	simm.s32 $0x18B00;
	[sflag:s13] =	ssyncadd.s32 $0xFFFFEC00  }
0x4d1: {  	s2 =	sadd.s32 $0x78, s17  }
.Ltmp18:
0x4d2: {  	s2 =	sshrl.u32 s2, $0x3;
	(pc) =	sbr.rel .LBB2_27-.Ltmp18, $4  }
0x4d3: {  	s3 =	sadd.s32 s31, s2  }
0x4d4: {  	[tilespmem:s1], [sflag:$0x5] =	stream.linear.gather [hbm4b:s3+s4], $0x28, $0x38;
	[tilespmem:$0x1EF00] =	vst v63  }
0x4d5: {  	s5 =	sadd.s32 $0x1, s5;
	s2 =	sadd.s32 s9, s2  }
0x4d6: {  	[tilespmem:s8], [sflag:$0x5] =	stream.linear.gather [hbm4b:s2+s4], $0x28, $0x38;
	[tilespmem:$0x1EF00] =	vst v63  }
.LBB2_33:
0x4d7: {  	[bflag:$0x0] =	sbarrier.arrive $0xFFFF  }
0x4d8: {  	s2 =	rddreg [dreg:$0x18]  }
0x4d9: {  	s0 =	simm.s32 @!p0 $0x1C07;
	s3 =	rddreg [dreg:$0x1e]  }
0x4da: {  	[hbm:s2], [sflag:s0] =	dma.local @!p0 [spmem:s3], $0x27100  }
0x4db: {  	s0 =	simm.s32 @!p0 $0x7  }
0x4dc: {  	_ =	swait.ge @!p0 [sflag:s0], $0x27100  }
0x4dd: {  	[sflag:s0] =	ssyncset.done @!p0 $0x0  }
0x4de: {  	[sflag:s0] =	ssyncadd.s32 @!p0 $0xFFFD8F00  }
0x4df: {  	s2 =	simm.s32 $0x200;
	s0 =	simm.s32 $0x0;
	[bflag:$0x0] =	sbarrier.arrive $0xFFFF  }
.LBB2_34:
0x4e0: {  	p1 =	sne.s32 s2, $0x4E00;
	[tilespmem:s0+$0x13AF0] =	vst v0  }
0x4e1: {  	[tilespmem:s0+$0x13A80] =	vst v0  }
0x4e2: {  	[tilespmem:s0+$0x13A90] =	vst v0  }
.Ltmp19:
0x4e3: {  	[tilespmem:s0+$0x13AA0] =	vst v0;
	(pc) =	sbr.rel @p1 .LBB2_34-.Ltmp19, $4  }
0x4e4: {  	[tilespmem:s0+$0x13AB0] =	vst v0  }
0x4e5: {  	[tilespmem:s0+$0x13AC0] =	vst v0  }
0x4e6: {  	[tilespmem:s0+$0x13AD0] =	vst v0  }
0x4e7: {  	[tilespmem:s0+$0x13AE0] =	vst v0;
	s0 =	sshra.s32 s2, $0x2;
	s2 =	sadd.s32 $0x200, s2  }
0x4e8: {  	[tilespmem:s0+$0x13AF0] =	vst v0  }
0x4e9: {  	[tilespmem:s0+$0x13A80] =	vst v0  }
0x4ea: {  	[tilespmem:s0+$0x13A90] =	vst v0  }
0x4eb: {  	[tilespmem:s0+$0x13AA0] =	vst v0  }
0x4ec: {  	[tilespmem:s0+$0x13AB0] =	vst v0  }
0x4ed: {  	[tilespmem:s0+$0x13AC0] =	vst v0;
	s2 =	sadd.s32 $0x0, s12  }
0x4ee: {  	[tilespmem:s0+$0x13AD0] =	vst v0;
	p1 =	sgt.u32 s2, $0xF9  }
0x4ef: {  	[tilespmem:s0+$0x13AE0] =	vst v0;
	s3 =	rddreg [dreg:$0x1b];
	s0 =	simm.s32 @!p1 $0x13A80;
	s7 =	simm.s32 @!p1 $0x7  }
0x4f0: {  	[spmem:s3] =	stream.linear.scatter @!p1 [tilespmem:s0], [sflag:$0x7], $0x1400, $0x38;
	[tilespmem:$0x1EF00] =	vst v63  }
0x4f1: {  	s5 =	simm.s32 $0x20;
	_ =	swait.ge @!p1 [sflag:s7], $0x1400  }
0x4f2: {  	s2 =	simm.s32 $0x10;
	s0 =	sadd.s32 $0x14000, s3;
	[sflag:s7] =	ssyncset.done @!p1 $0x0  }
.LBB2_36:
0x4f3: {  	s3 =	sadd.s32 s2, s12;
	s2 =	smov.u32 s5;
	s5 =	sadd.s32 $0x10, s5  }
0x4f4: {  	[sflag:s7] =	ssyncadd.s32 @!p1 $0xFFFFEC00;
	p2 =	sne.s32 s5, $0x100  }
.Ltmp20:
0x4f5: {  	p1 =	sgt.u32 s3, $0xF9;
	(pc) =	sbr.rel @p2 .LBB2_36-.Ltmp20, $4  }
0x4f6: {  	s3 =	simm.s32 @!p1 $0x13A80;
	s7 =	simm.s32 @!p1 $0x7  }
0x4f7: {  	[spmem:s0] =	stream.linear.scatter @!p1 [tilespmem:s3], [sflag:$0x7], $0x1400, $0x38;
	[tilespmem:$0x1EF00] =	vst v63  }
0x4f8: {  	_ =	swait.ge @!p1 [sflag:s7], $0x1400  }
0x4f9: {  	s0 =	sadd.s32 $0x14000, s0;
	[sflag:s7] =	ssyncset.done @!p1 $0x0  }
0x4fa: {  	s2 =	sadd.s32 s2, s12  }
0x4fb: {  	p2 =	sgt.u32 s2, $0xF9  }
0x4fc: {  	[sflag:s7] =	ssyncadd.s32 @!p1 $0xFFFFEC00;
	s2 =	simm.s32 @!p2 $0x13A80;
	s3 =	simm.s32 @!p2 $0x7  }
0x4fd: {  	[spmem:s0] =	stream.linear.scatter @!p2 [tilespmem:s2], [sflag:$0x7], $0x1400, $0x38;
	[tilespmem:$0x1EF00] =	vst v63  }
0x4fe: {  	_ =	swait.ge @!p2 [sflag:s3], $0x1400  }
0x4ff: {  	[sflag:s3] =	ssyncset.done @!p2 $0x0  }
0x500: {  	[sflag:s3] =	ssyncadd.s32 @!p2 $0xFFFFEC00  }
0x501: {  	[bflag:$0x0] =	sbarrier.arrive $0xFFFF  }
0x502: {  	s19 =	simm.s32 $0x13880;
	s0 =	simm.s32 $0x0;
	s18 =	rddreg [dreg:$0x13]  }
0x503: {  	[tilespmem:s19], [sflag:$0x7] =	stream.linear.gather [hbm4b:s18+s0], $0x28, $0x38;
	[tilespmem:$0x1EF00] =	vst v63  }
0x504: {  	_ =	swait.ge [sflag:s13], $0x28  }
0x505: {  	[sflag:s13] =	ssyncset.done $0x0  }
0x506: {  	s5 =	rddreg [dreg:$0x14];
	[sflag:s13] =	ssyncadd.s32 $0xFFFFFFD8  }
0x507: {  	[tilespmem:s29], [sflag:$0x7] =	stream.linear.gather [hbm4b:s5+s0], $0x28, $0x38;
	[tilespmem:$0x1EF00] =	vst v63  }
0x508: {  	_ =	swait.ge [sflag:s13], $0x28  }
0x509: {  	s17 =	simm.s32 $0x400;
	[sflag:s13] =	ssyncset.done $0x0  }
0x50a: {  	s5 =	simm.s32 $0x16280;
	s7 =	rddreg [dreg:$0x8];
	[sflag:s13] =	ssyncadd.s32 $0xFFFFFFD8  }
0x50b: {  	[tilespmem:s5], [sflag:$0x1] =	stream.indirect.gather [hbm4b:s7+s10], $0x80, s19, s10, $0xb8;
	[tilespmem:$0x1EF00] =	vst v63  }
0x50c: {  	s18 =	simm.s32 $0x800;
	s11 =	rddreg [dreg:$0xe];
	s19 =	simm.s32 $0x14E80  }
0x50d: {  	[tilespmem:s19], [sflag:$0x2] =	stream.strided.gather [hbm4b:s11+s17], $0x1400, s18, s17, $0x38;
	[tilespmem:$0x1EF00] =	vst v63  }
0x50e: {  	s3 =	rddreg [dreg:$0xf];
	s11 =	simm.s32 $0x13A80  }
0x50f: {  	[tilespmem:s11], [sflag:$0x2] =	stream.strided.gather [hbm4b:s3+s17], $0x1400, s18, s17, $0x38;
	[tilespmem:$0x1EF00] =	vst v63  }
0x510: {  	s17 =	rddreg [dreg:$0x17]  }
0x511: {  	[tilespmem:s30], [sflag:$0x2] =	stream.linear.gather [hbm4b:s17+s0], $0x28, $0x38;
	[tilespmem:$0x1EF00] =	vst v63  }
0x512: {  	s18 =	rddreg [dreg:$0x11]  }
0x513: {  	[tilespmem:s1], [sflag:$0x7] =	stream.linear.gather [hbm4b:s18+s0], $0x28, $0x38;
	[tilespmem:$0x1EF00] =	vst v63  }
0x514: {  	_ =	swait.ge [sflag:s13], $0x28  }
0x515: {  	[sflag:s13] =	ssyncset.done $0x0  }
0x516: {  	s19 =	rddreg [dreg:$0x12];
	[sflag:s13] =	ssyncadd.s32 $0xFFFFFFD8  }
0x517: {  	[tilespmem:s8], [sflag:$0x7] =	stream.linear.gather [hbm4b:s19+s0], $0x28, $0x38;
	[tilespmem:$0x1EF00] =	vst v63  }
0x518: {  	_ =	swait.ge [sflag:s13], $0x28  }
0x519: {  	[sflag:s13] =	ssyncset.done $0x0  }
0x51a: {  	s5 =	simm.s32 $0x0;
	[sflag:s13] =	ssyncadd.s32 $0xFFFFFFD8  }
.LBB2_38:
0x51b: {  	p1 =	seq.s32 s5, $0x0  }
0x51c: {  	s2 =	simm.s32 @!p1 $0x5  }
0x51d: {  	_ =	swait.ge @!p1 [sflag:s2], $0x28  }
0x51e: {  	[sflag:s2] =	ssyncset.done @!p1 $0x0  }
0x51f: {  	[sflag:s2] =	ssyncadd.s32 @!p1 $0xFFFFFFD8  }
0x520: {  	s3 =	smul.u32 $0x50, s5;
	_ =	swait.ge @!p1 [sflag:s2], $0x28  }
0x521: {  	s7 =	rddreg [dreg:$0xc]  }
0x522: {  	s11 =	simm.s32 $0x19F00;
	[sflag:s2] =	ssyncset.done @!p1 $0x0;
	s17 =	sadd.s32 s7, s3  }
0x523: {  	s8 =	rddreg [dreg:$0x8];
	[sflag:s2] =	ssyncadd.s32 @!p1 $0xFFFFFFD8;
	s3 =	sadd.s32 $0x28, s17  }
0x524: {  	[tilespmem:s11], [sflag:$0x3] =	stream.indirect.gather [hbm4b:s8+s10], $0x80, s1, s10, $0xb8;
	[tilespmem:$0x1EF00] =	vst v63  }
0x525: {  	s8 =	simm.s32 $0x400;
	s18 =	sshll.u32 s3, $0x5  }
0x526: {  	s11 =	simm.s32 $0x800;
	s19 =	sadd.s32 s15, s18;
	s2 =	sadd.s32 s18, s16  }
0x527: {  	[tilespmem:s14], [sflag:$0x4] =	stream.strided.gather [hbm4b:s19+s8], $0x1400, s11, s8, $0x38;
	[tilespmem:$0x1EF00] =	vst v63  }
0x528: {  	s18 =	sshrl.u32 s3, $0x3;
	s14 =	simm.s32 $0x17700;
	s19 =	rddreg [dreg:$0xb]  }
0x529: {  	[tilespmem:s14], [sflag:$0x4] =	stream.strided.gather [hbm4b:s2+s8], $0x1400, s11, s8, $0x38;
	[tilespmem:$0x1EF00] =	vst v63  }
0x52a: {  	s2 =	sadd.s32 s19, s18  }
0x52b: {  	[tilespmem:s25], [sflag:$0x4] =	stream.linear.gather [hbm4b:s2+s0], $0x28, $0x38;
	[tilespmem:$0x1EF00] =	vst v63  }
0x52c: {  	_ =	swait.ge [sflag:s22], $0x1400  }
0x52d: {  	[sflag:s22] =	ssyncset.done $0x0  }
0x52e: {  	[sflag:s22] =	ssyncadd.s32 $0xFFFFEC00  }
0x52f: {  	_ =	swait.ge [sflag:s24], $0x1400  }
0x530: {  	[sflag:s24] =	ssyncset.done $0x0  }
0x531: {  	[sflag:s24] =	ssyncadd.s32 $0xFFFFEC00  }
0x532: {  	_ =	swait.ge [sflag:s24], $0x1400  }
0x533: {  	[sflag:s24] =	ssyncset.done $0x0  }
0x534: {  	[sflag:s24] =	ssyncadd.s32 $0xFFFFEC00  }
0x535: {  	v4 =	vmov s0;
	_ =	swait.ge [sflag:s24], $0x28  }
0x536: {  	[sflag:s24] =	ssyncset.done $0x0  }
0x537: {  	s2 =	simm.s32 $0x13AC0;
	[sflag:s24] =	ssyncadd.s32 $0xFFFFFFD8  }
0x538: {  	s7 =	simm.s32 $0x162C0;
	v5 =	vld [tilespmem:s2+$0xFFFFFFC0]  }
0x539: {  	v6 =	vld [tilespmem:s7+$0xFFFFFFC0]  }
0x53a: {  	s8 =	simm.s32 $0x14EC0;
	v4 =	vld.idx.msk [tilespmem:v4+s30+$0x0], $0xffff  }
0x53b: {  	v7 =	vld [tilespmem:s8+$0xFFFFFFC0];
	_ =	sdelay $0x4  }
0x53c: {  	v7 =	vmul.f32 v7, v4;
	v5 =	vmul.f32 v6, v5;
	_ =	sdelay $0x1  }
0x53d: {  	v5 =	vadd.f32 v5, v7;
	_ =	sdelay $0x1  }
0x53e: {  	[tilespmem:s2+$0xFFFFFFC0] =	vst v5;
	v5 =	vld [tilespmem:s2+$0xFFFFFFD0]  }
0x53f: {  	v6 =	vld [tilespmem:s8+$0xFFFFFFD0]  }
0x540: {  	v7 =	vld [tilespmem:s7+$0xFFFFFFD0];
	_ =	sdelay $0x4  }
0x541: {  	v6 =	vmul.f32 v6, v4;
	v5 =	vmul.f32 v7, v5;
	_ =	sdelay $0x1  }
0x542: {  	v5 =	vadd.f32 v5, v6;
	_ =	sdelay $0x1  }
0x543: {  	[tilespmem:s2+$0xFFFFFFD0] =	vst v5;
	v5 =	vld [tilespmem:s2+$0xFFFFFFE0]  }
0x544: {  	v6 =	vld [tilespmem:s8+$0xFFFFFFE0]  }
0x545: {  	v7 =	vld [tilespmem:s7+$0xFFFFFFE0];
	_ =	sdelay $0x4  }
0x546: {  	v6 =	vmul.f32 v6, v4;
	v5 =	vmul.f32 v7, v5;
	_ =	sdelay $0x1  }
0x547: {  	v5 =	vadd.f32 v5, v6;
	_ =	sdelay $0x1  }
0x548: {  	v6 =	vld [tilespmem:s2+$0xFFFFFFF0];
	[tilespmem:s2+$0xFFFFFFE0] =	vst v5  }
0x549: {  	v5 =	vld [tilespmem:s8+$0xFFFFFFF0]  }
0x54a: {  	v7 =	vld [tilespmem:s7+$0xFFFFFFF0];
	_ =	sdelay $0x4  }
0x54b: {  	v5 =	vmul.f32 v5, v4;
	v6 =	vmul.f32 v7, v6;
	_ =	sdelay $0x1  }
0x54c: {  	v5 =	vadd.f32 v6, v5;
	_ =	sdelay $0x1  }
0x54d: {  	v6 =	vld [tilespmem:s2+$0x0];
	[tilespmem:s2+$0xFFFFFFF0] =	vst v5  }
0x54e: {  	v5 =	vld [tilespmem:s8+$0x0]  }
0x54f: {  	v7 =	vld [tilespmem:s7+$0x0];
	_ =	sdelay $0x4  }
0x550: {  	v5 =	vmul.f32 v5, v4;
	v6 =	vmul.f32 v7, v6;
	_ =	sdelay $0x1  }
0x551: {  	v5 =	vadd.f32 v6, v5;
	_ =	sdelay $0x1  }
0x552: {  	v6 =	vld [tilespmem:s2+$0x10];
	[tilespmem:s2+$0x0] =	vst v5  }
0x553: {  	v5 =	vld [tilespmem:s8+$0x10]  }
0x554: {  	v7 =	vld [tilespmem:s7+$0x10];
	_ =	sdelay $0x4  }
0x555: {  	v5 =	vmul.f32 v5, v4;
	v6 =	vmul.f32 v7, v6;
	_ =	sdelay $0x1  }
0x556: {  	v5 =	vadd.f32 v6, v5;
	_ =	sdelay $0x1  }
0x557: {  	v6 =	vld [tilespmem:s2+$0x20];
	[tilespmem:s2+$0x10] =	vst v5  }
0x558: {  	v5 =	vld [tilespmem:s8+$0x20]  }
0x559: {  	v7 =	vld [tilespmem:s7+$0x20];
	_ =	sdelay $0x4  }
0x55a: {  	v5 =	vmul.f32 v5, v4;
	v6 =	vmul.f32 v7, v6;
	_ =	sdelay $0x1  }
0x55b: {  	v6 =	vadd.f32 v6, v5;
	_ =	sdelay $0x1  }
0x55c: {  	v5 =	vld [tilespmem:s2+$0x30];
	[tilespmem:s2+$0x20] =	vst v6  }
0x55d: {  	v6 =	vld [tilespmem:s8+$0x30]  }
0x55e: {  	s18 =	simm.s32 $0x1;
	s11 =	simm.s32 $0x13AC0;
	v7 =	vld [tilespmem:s7+$0x30]  }
.LBB2_39:
0x55f: {  	_ = 	snop  }
0x560: {  	s2 =	sadd.s32 $0x80, s2;
	s7 =	sadd.s32 $0x80, s7;
	s8 =	sadd.s32 $0x80, s8  }
0x561: {  	p1 =	sne.s32 s18, $0x27;
	s3 =	smov.u32 s18;
	s18 =	sadd.s32 $0x1, s18  }
0x562: {  	v4 =	vmul.f32 v6, v4  }
0x563: {  	v5 =	vmul.f32 v7, v5  }
0x564: {  	v6 =	vmov s3  }
0x565: {  	v4 =	vadd.f32 v5, v4;
	_ =	sdelay $0x1  }
0x566: {  	v5 =	vld [tilespmem:s2+$0xFFFFFFC0];
	[tilespmem:s11+$0x30] =	vst v4;
	s11 =	smov.u32 s2  }
0x567: {  	v7 =	vld [tilespmem:s7+$0xFFFFFFC0]  }
0x568: {  	v4 =	vld.idx.msk [tilespmem:v6+s30+$0x0], $0xffff  }
0x569: {  	v6 =	vld [tilespmem:s8+$0xFFFFFFC0];
	_ =	sdelay $0x4  }
0x56a: {  	v5 =	vmul.f32 v7, v5;
	v6 =	vmul.f32 v6, v4;
	_ =	sdelay $0x1  }
0x56b: {  	v5 =	vadd.f32 v5, v6;
	_ =	sdelay $0x1  }
0x56c: {  	[tilespmem:s2+$0xFFFFFFC0] =	vst v5;
	v5 =	vld [tilespmem:s2+$0xFFFFFFD0]  }
0x56d: {  	v6 =	vld [tilespmem:s8+$0xFFFFFFD0]  }
0x56e: {  	v7 =	vld [tilespmem:s7+$0xFFFFFFD0];
	_ =	sdelay $0x3  }
0x56f: {  	v6 =	vmul.f32 v6, v4  }
0x570: {  	v5 =	vmul.f32 v7, v5;
	_ =	sdelay $0x1  }
0x571: {  	v5 =	vadd.f32 v5, v6;
	_ =	sdelay $0x1  }
0x572: {  	[tilespmem:s2+$0xFFFFFFD0] =	vst v5;
	v5 =	vld [tilespmem:s2+$0xFFFFFFE0]  }
0x573: {  	v6 =	vld [tilespmem:s8+$0xFFFFFFE0]  }
0x574: {  	v7 =	vld [tilespmem:s7+$0xFFFFFFE0];
	_ =	sdelay $0x3  }
0x575: {  	v6 =	vmul.f32 v6, v4  }
0x576: {  	v5 =	vmul.f32 v7, v5;
	_ =	sdelay $0x1  }
0x577: {  	v5 =	vadd.f32 v5, v6  }
0x578: {  	v6 =	vld [tilespmem:s2+$0xFFFFFFF0]  }
0x579: {  	[tilespmem:s2+$0xFFFFFFE0] =	vst v5  }
0x57a: {  	v5 =	vld [tilespmem:s8+$0xFFFFFFF0]  }
0x57b: {  	v7 =	vld [tilespmem:s7+$0xFFFFFFF0];
	_ =	sdelay $0x3  }
0x57c: {  	v5 =	vmul.f32 v5, v4  }
0x57d: {  	v6 =	vmul.f32 v7, v6;
	_ =	sdelay $0x1  }
0x57e: {  	v5 =	vadd.f32 v6, v5;
	v6 =	vld [tilespmem:s2+$0x0];
	_ =	sdelay $0x1  }
0x57f: {  	[tilespmem:s2+$0xFFFFFFF0] =	vst v5  }
0x580: {  	v5 =	vld [tilespmem:s8+$0x0]  }
0x581: {  	v7 =	vld [tilespmem:s7+$0x0];
	_ =	sdelay $0x3  }
0x582: {  	v5 =	vmul.f32 v5, v4  }
0x583: {  	v6 =	vmul.f32 v7, v6  }
0x584: {  	v7 =	vld [tilespmem:s2+$0x10]  }
0x585: {  	v5 =	vadd.f32 v6, v5;
	_ =	sdelay $0x1  }
0x586: {  	[tilespmem:s2+$0x0] =	vst v5  }
0x587: {  	v5 =	vld [tilespmem:s8+$0x10]  }
0x588: {  	v6 =	vld [tilespmem:s7+$0x10];
	_ =	sdelay $0x3  }
0x589: {  	v5 =	vmul.f32 v5, v4  }
0x58a: {  	v6 =	vmul.f32 v6, v7;
	v7 =	vld [tilespmem:s2+$0x20];
	_ =	sdelay $0x1  }
0x58b: {  	v5 =	vadd.f32 v6, v5;
	_ =	sdelay $0x1  }
0x58c: {  	[tilespmem:s2+$0x10] =	vst v5  }
0x58d: {  	v5 =	vld [tilespmem:s8+$0x20]  }
0x58e: {  	v6 =	vld [tilespmem:s7+$0x20];
	_ =	sdelay $0x3  }
0x58f: {  	v8 =	vmul.f32 v5, v4;
	v5 =	vld [tilespmem:s2+$0x30]  }
0x590: {  	v6 =	vmul.f32 v6, v7;
	_ =	sdelay $0x1  }
.Ltmp21:
0x591: {  	v6 =	vadd.f32 v6, v8;
	(pc) =	sbr.rel @p1 .LBB2_39-.Ltmp21, $4  }
0x592: {  	_ = 	snop  }
0x593: {  	[tilespmem:s2+$0x20] =	vst v6  }
0x594: {  	v6 =	vld [tilespmem:s8+$0x30]  }
0x595: {  	v7 =	vld [tilespmem:s7+$0x30]  }
0x596: {  	_ =	sdelay $0x3  }
0x597: {  	v4 =	vmul.f32 v6, v4;
	v5 =	vmul.f32 v7, v5;
	_ =	sdelay $0x1  }
0x598: {  	v4 =	vadd.f32 v5, v4;
	_ =	sdelay $0x1  }
0x599: {  	s2 =	simm.s32 $0x13A80;
	p1 =	seq.s32 s5, $0x7C;
	[tilespmem:s11+$0x30] =	vst v4  }
0x59a: {  	[spmem:s26] =	stream.indirect.scatter.add.f32 [tilespmem:s2], [sflag:$0x7], $0x80, s29, s10, $0xb8;
	[tilespmem:$0x1EF00] =	vst v63  }
0x59b: {  	s2 =	sadd.s32 @!p1 $0x50, s17;
	_ =	swait.ge [sflag:s13], $0x1400  }
0x59c: {  	s8 =	simm.s32 @!p1 $0x0;
	s3 =	sshrl.u32 @!p1 s2, $0x3;
	[sflag:s13] =	ssyncset.done $0x0  }
0x59d: {  	s11 =	simm.s32 @!p1 $0x13880;
	s7 =	sadd.s32 @!p1 s31, s3;
	[sflag:s13] =	ssyncadd.s32 $0xFFFFEC00  }
0x59e: {  	[tilespmem:s11], [sflag:$0x5] =	stream.linear.gather @!p1 [hbm4b:s7+s8], $0x28, $0x38;
	[tilespmem:$0x1EF00] =	vst v63  }
0x59f: {  	s14 =	simm.s32 @!p1 $0x13900;
	s7 =	sadd.s32 @!p1 s9, s3  }
0x5a0: {  	[tilespmem:s14], [sflag:$0x5] =	stream.linear.gather @!p1 [hbm4b:s7+s8], $0x28, $0x38;
	[tilespmem:$0x1EF00] =	vst v63  }
0x5a1: {  	s7 =	simm.s32 @!p1 $0x5  }
0x5a2: {  	_ =	swait.ge @!p1 [sflag:s7], $0x28  }
0x5a3: {  	[sflag:s7] =	ssyncset.done @!p1 $0x0  }
0x5a4: {  	[sflag:s7] =	ssyncadd.s32 @!p1 $0xFFFFFFD8  }
0x5a5: {  	_ =	swait.ge @!p1 [sflag:s7], $0x28  }
0x5a6: {  	s2 =	sshll.u32 @!p1 s2, $0x5;
	s14 =	simm.s32 @!p1 $0x16280;
	[sflag:s7] =	ssyncset.done @!p1 $0x0  }
0x5a7: {  	s18 =	rddreg [dreg:$0x8];
	[sflag:s7] =	ssyncadd.s32 @!p1 $0xFFFFFFD8;
	s7 =	simm.s32 @!p1 $0x28  }
0x5a8: {  	[tilespmem:s14], [sflag:$0x1] =	stream.indirect.gather @!p1 [hbm4b:s18+s7], $0x80, s11, s7, $0xb8;
	[tilespmem:$0x1EF00] =	vst v63  }
0x5a9: {  	s7 =	sadd.s32 @!p1 s15, s2  }
0x5aa: {  	s11 =	simm.s32 @!p1 $0x400;
	s14 =	simm.s32 @!p1 $0x800;
	s18 =	simm.s32 @!p1 $0x14E80  }
0x5ab: {  	[tilespmem:s18], [sflag:$0x2] =	stream.strided.gather @!p1 [hbm4b:s7+s11], $0x1400, s14, s11, $0x38;
	[tilespmem:$0x1EF00] =	vst v63  }
0x5ac: {  	s2 =	sadd.s32 @!p1 s2, s16;
	s7 =	simm.s32 @!p1 $0x13A80  }
0x5ad: {  	[tilespmem:s7], [sflag:$0x2] =	stream.strided.gather @!p1 [hbm4b:s2+s11], $0x1400, s14, s11, $0x38;
	[tilespmem:$0x1EF00] =	vst v63  }
0x5ae: {  	s2 =	rddreg [dreg:$0xb]  }
0x5af: {  	s18 =	simm.s32 $0x3;
	s2 =	sadd.s32 @!p1 s2, s3;
	s3 =	simm.s32 @!p1 $0x17680  }
0x5b0: {  	[tilespmem:s3], [sflag:$0x2] =	stream.linear.gather @!p1 [hbm4b:s2+s8], $0x28, $0x38;
	[tilespmem:$0x1EF00] =	vst v63  }
0x5b1: {  	_ =	swait.ge [sflag:s18], $0x1400  }
0x5b2: {  	[sflag:s18] =	ssyncset.done $0x0  }
0x5b3: {  	[sflag:s18] =	ssyncadd.s32 $0xFFFFEC00  }
0x5b4: {  	_ =	swait.ge [sflag:s23], $0x1400  }
0x5b5: {  	[sflag:s23] =	ssyncset.done $0x0  }
0x5b6: {  	[sflag:s23] =	ssyncadd.s32 $0xFFFFEC00  }
0x5b7: {  	_ =	swait.ge [sflag:s23], $0x1400  }
0x5b8: {  	[sflag:s23] =	ssyncset.done $0x0  }
0x5b9: {  	[sflag:s23] =	ssyncadd.s32 $0xFFFFEC00  }
0x5ba: {  	_ =	swait.ge [sflag:s23], $0x28  }
0x5bb: {  	[sflag:s23] =	ssyncset.done $0x0  }
0x5bc: {  	s8 =	simm.s32 $0x18B40;
	[sflag:s23] =	ssyncadd.s32 $0xFFFFFFD8  }
0x5bd: {  	s7 =	simm.s32 $0x19F40;
	v4 =	vld [tilespmem:s8+$0xFFFFFFC0]  }
0x5be: {  	v9 =	vld [tilespmem:s7+$0xFFFFFFC0]  }
0x5bf: {  	v12 =	vld [tilespmem:s8+$0xFFFFFFD0]  }
0x5c0: {  	v17 =	vld [tilespmem:s7+$0xFFFFFFD0]  }
0x5c1: {  	v14 =	vld [tilespmem:s8+$0xFFFFFFE0]  }
0x5c2: {  	v18 =	vld [tilespmem:s7+$0xFFFFFFE0]  }
0x5c3: {  	v13 =	vld [tilespmem:s8+$0x0]  }
0x5c4: {  	v15 =	vld [tilespmem:s7+$0x0]  }
0x5c5: {  	s19 =	simm.s32 $0x0;
	v11 =	vld [tilespmem:s8+$0x10]  }
0x5c6: {  	v6 =	vmov s19;
	v16 =	vld [tilespmem:s7+$0x10]  }
0x5c7: {  	v8 =	vld [tilespmem:s8+$0x20]  }
0x5c8: {  	v10 =	vld [tilespmem:s7+$0x20]  }
0x5c9: {  	v5 =	vld [tilespmem:s8+$0x30]  }
0x5ca: {  	v7 =	vld [tilespmem:s7+$0x30]  }
0x5cb: {  	s2 =	simm.s32 $0x17740;
	v6 =	vld.idx.msk [tilespmem:v6+s25+$0x0], $0xffff  }
0x5cc: {  	s11 =	simm.s32 $0x1;
	v19 =	vld [tilespmem:s2+$0xFFFFFFC0]  }
.LBB2_41:
0x5cd: {  	p2 =	sne.s32 s11, $0x27;
	v20 =	vld [tilespmem:s2+$0xFFFFFFD0]  }
0x5ce: {  	v21 =	vld [tilespmem:s2+$0xFFFFFFE0]  }
0x5cf: {  	v22 =	vld [tilespmem:s2+$0x0]  }
0x5d0: {  	v23 =	vld [tilespmem:s2+$0x10]  }
0x5d1: {  	v4 =	vmul.f32 v4, v6;
	v9 =	vmul.f32 v9, v19;
	v19 =	vld [tilespmem:s2+$0x20]  }
0x5d2: {  	v12 =	vmul.f32 v12, v6;
	v17 =	vmul.f32 v17, v20;
	v20 =	vld [tilespmem:s2+$0x30]  }
0x5d3: {  	v4 =	vadd.f32 v9, v4;
	v9 =	vmul.f32 v14, v6;
	v14 =	vmul.f32 v18, v21;
	v18 =	vld [tilespmem:s8+$0xFFFFFFF0]  }
0x5d4: {  	v13 =	vmul.f32 v13, v6;
	v12 =	vadd.f32 v17, v12;
	v21 =	vld [tilespmem:s2+$0xFFFFFFF0];
	v15 =	vmul.f32 v15, v22  }
0x5d5: {  	v11 =	vmul.f32 v11, v6;
	s8 =	sadd.s32 $0x80, s8;
	[tilespmem:s2+$0xFFFFFFC0] =	vst v4;
	v14 =	vadd.f32 v14, v9;
	v22 =	vld [tilespmem:s7+$0xFFFFFFF0];
	v16 =	vmul.f32 v16, v23  }
0x5d6: {  	v8 =	vmul.f32 v8, v6;
	s7 =	sadd.s32 $0x80, s7;
	v4 =	vld [tilespmem:s8+$0xFFFFFFC0];
	[tilespmem:s2+$0xFFFFFFD0] =	vst v12;
	v13 =	vadd.f32 v15, v13;
	v10 =	vmul.f32 v10, v19  }
0x5d7: {  	v5 =	vmul.f32 v5, v6;
	v9 =	vld [tilespmem:s7+$0xFFFFFFC0];
	[tilespmem:s2+$0xFFFFFFE0] =	vst v14;
	v11 =	vadd.f32 v16, v11;
	v7 =	vmul.f32 v7, v20  }
0x5d8: {  	v12 =	vld [tilespmem:s8+$0xFFFFFFD0];
	v6 =	vmul.f32 v18, v6;
	[tilespmem:s2+$0x0] =	vst v13;
	v8 =	vadd.f32 v10, v8  }
0x5d9: {  	v17 =	vld [tilespmem:s7+$0xFFFFFFD0];
	[tilespmem:s2+$0x10] =	vst v11;
	v5 =	vadd.f32 v7, v5  }
0x5da: {  	v14 =	vld [tilespmem:s8+$0xFFFFFFE0];
	v7 =	vmul.f32 v22, v21;
	[tilespmem:s2+$0x20] =	vst v8  }
0x5db: {  	v18 =	vld [tilespmem:s7+$0xFFFFFFE0];
	[tilespmem:s2+$0x30] =	vst v5  }
0x5dc: {  	v13 =	vld [tilespmem:s8+$0x0];
	v5 =	vadd.f32 v7, v6  }
0x5dd: {  	v15 =	vld [tilespmem:s7+$0x0]  }
0x5de: {  	v11 =	vld [tilespmem:s8+$0x10];
	[tilespmem:s2+$0xFFFFFFF0] =	vst v5  }
0x5df: {  	v6 =	vmov s11;
	v16 =	vld [tilespmem:s7+$0x10]  }
0x5e0: {  	v8 =	vld [tilespmem:s8+$0x20]  }
.Ltmp22:
0x5e1: {  	v10 =	vld [tilespmem:s7+$0x20];
	(pc) =	sbr.rel @p2 .LBB2_41-.Ltmp22, $4  }
0x5e2: {  	v5 =	vld [tilespmem:s8+$0x30]  }
0x5e3: {  	v7 =	vld [tilespmem:s7+$0x30]  }
0x5e4: {  	s2 =	sadd.s32 $0x80, s2;
	v6 =	vld.idx.msk [tilespmem:v6+s25+$0x0], $0xffff  }
0x5e5: {  	s11 =	sadd.s32 $0x1, s11;
	v19 =	vld [tilespmem:s2+$0xFFFFFFC0]  }
0x5e6: {  	v20 =	vld [tilespmem:s2+$0xFFFFFFD0]  }
0x5e7: {  	v21 =	vld [tilespmem:s2+$0xFFFFFFE0]  }
0x5e8: {  	v22 =	vld [tilespmem:s2+$0x0]  }
0x5e9: {  	v23 =	vld [tilespmem:s2+$0x10]  }
0x5ea: {  	v24 =	vld [tilespmem:s2+$0x20]  }
0x5eb: {  	v25 =	vld [tilespmem:s2+$0x30]  }
0x5ec: {  	v54 =	vld [tilespmem:s8+$0xFFFFFFF0];
	v4 =	vmul.f32 v4, v6;
	v9 =	vmul.f32 v9, v19  }
0x5ed: {  	v55 =	vld [tilespmem:s2+$0xFFFFFFF0];
	v12 =	vmul.f32 v12, v6;
	v17 =	vmul.f32 v17, v20  }
0x5ee: {  	v58 =	vld [tilespmem:s7+$0xFFFFFFF0];
	v56 =	vmul.f32 v14, v6;
	v57 =	vmul.f32 v18, v21;
	v4 =	vadd.f32 v9, v4  }
0x5ef: {  	v13 =	vmul.f32 v13, v6;
	v15 =	vmul.f32 v15, v22;
	v12 =	vadd.f32 v17, v12  }
0x5f0: {  	v59 =	vmul.f32 v11, v6;
	v60 =	vmul.f32 v16, v23;
	[tilespmem:s2+$0xFFFFFFC0] =	vst v4;
	v4 =	vadd.f32 v57, v56  }
0x5f1: {  	v8 =	vmul.f32 v8, v6;
	v10 =	vmul.f32 v10, v24;
	v61 =	vadd.f32 v15, v13;
	[tilespmem:s2+$0xFFFFFFD0] =	vst v12  }
0x5f2: {  	v5 =	vmul.f32 v5, v6;
	v7 =	vmul.f32 v7, v25;
	[tilespmem:s2+$0xFFFFFFE0] =	vst v4;
	v4 =	vadd.f32 v60, v59  }
0x5f3: {  	v62 =	vmul.f32 v54, v6;
	v63 =	vmul.f32 v58, v55;
	v8 =	vadd.f32 v10, v8;
	[tilespmem:s2+$0x0] =	vst v61  }
0x5f4: {  	[tilespmem:s2+$0x10] =	vst v4;
	v4 =	vadd.f32 v7, v5  }
0x5f5: {  	[tilespmem:s2+$0x20] =	vst v8;
	v5 =	vadd.f32 v63, v62  }
0x5f6: {  	[tilespmem:s2+$0x30] =	vst v4  }
.Ltmp23:
0x5f7: {  	s19 =	simm.s32 $0x17700;
	s18 =	simm.s32 $0x13A00;
	[tilespmem:s2+$0xFFFFFFF0] =	vst v5;
	(pc) =	sbr.rel @p1 .LBB2_44-.Ltmp23, $4  }
0x5f8: {  	[spmem:s26] =	stream.indirect.scatter.add.f32 [tilespmem:s19], [sflag:$0x7], $0x80, s18, s10, $0xb8;
	[tilespmem:$0x1EF00] =	vst v63  }
0x5f9: {  	_ =	swait.ge [sflag:s13], $0x1400  }
0x5fa: {  	[sflag:s13] =	ssyncset.done $0x0  }
0x5fb: {  	s14 =	simm.s32 $0x18B00;
	[sflag:s13] =	ssyncadd.s32 $0xFFFFEC00  }
0x5fc: {  	s2 =	sadd.s32 $0x78, s17  }
.Ltmp24:
0x5fd: {  	s2 =	sshrl.u32 s2, $0x3;
	(pc) =	sbr.rel .LBB2_38-.Ltmp24, $4  }
0x5fe: {  	s3 =	sadd.s32 s31, s2  }
0x5ff: {  	[tilespmem:s1], [sflag:$0x5] =	stream.linear.gather [hbm4b:s3+s4], $0x28, $0x38;
	[tilespmem:$0x1EF00] =	vst v63  }
0x600: {  	s5 =	sadd.s32 $0x1, s5;
	s2 =	sadd.s32 s9, s2  }
0x601: {  	[tilespmem:s18], [sflag:$0x5] =	stream.linear.gather [hbm4b:s2+s4], $0x28, $0x38;
	[tilespmem:$0x1EF00] =	vst v63  }
.LBB2_45:
0x602: {  	_ =	sfence.sel $0x180000  }
0x603: {  	[bflag:$0x0] =	sbarrier.arrive $0xFFFF  }
0x604: {  	_ =	strace $0x90000047  }
0x605: {  	[bflag:$0x2] =	sbarrier.arrive $0xFFFF  }
0x606: {  	s0 =	rddreg [dreg:$0x4]  }
0x607: {  	s0 =	sadd.s32 @!p0 $0x100000, s0  }
0x608: {  	[sflag:s0] =	ssyncadd.tile.s32 @!p0 $0x1;
	_ =	shalt  }
.Lfunc_end2:
_tile_overlayer_lowered:
.L_overlay_start_2:
0x609: {  	(tag) =	ssettag $0x2  }
0x60a: {  	s0 =	rddreg [dreg:$0x0];
	s2 =	stileid.u32  }
0x60b: {  	s1 =	rddreg [dreg:$0x1];
	p0 =	sne.s32 s2, $0x0  }
0x60c: {  	s3 =	rddreg [dreg:$0x2];
	[bflag:$0x3] =	sbarrier.arrive $0xFFFF;
	s2 =	simm.s32 @!p0 $0x1C07  }
0x60d: {  	[timem:s3], [sflag:s2] =	dma.local @!p0 [hbm:s0], s1  }
0x60e: {  	s0 =	simm.s32 @!p0 $0x7  }
0x60f: {  	_ =	swait.ge @!p0 [sflag:s0], s1  }
0x610: {  	s1 =	ssub.s32 @!p0 $0x0, s1;
	[sflag:s0] =	ssyncset.done @!p0 $0x0  }
0x611: {  	[sflag:s0] =	ssyncadd.s32 @!p0 s1  }
0x612: {  	[bflag:$0x3] =	sbarrier.arrive $0xFFFF  }
0x613: {  	_ =	shalt  }

</sc_bundles>
